<compile_context>
chip_gen: v7x
topology: tpu7x:2x2x1
jax: 0.10.2.dev20260603
libtpu: 0.0.44.dev20260713+nightly
codegen_flags: <defaults>
</compile_context>

<pallas_src>
import jax
import jax.numpy as jnp
from jax import lax
from jax.experimental import pallas as pl
from jax.experimental.pallas import tpu as pltpu, tpu_sc as plsc

BN_EPS = 1e-5

NC = 2
NS = 16
NW = NC * NS
C = 80

_SC_PARAMS = pltpu.CompilerParams(use_tc_tiling_on_sc=False)


def _pad_nodes(n):
    per = -(-n // NS)
    per = -(-per // 16) * 16
    return per * NS


def _identity_fill(idx_v, base, nck):
    lanes = lax.iota(jnp.int32, 16)

    def irow(i, carry):
        idx_v[i // 5, pl.ds((i % 5) * 16, 16)] = base + i * 16 + lanes
        return carry
    lax.fori_loop(0, nck * 5, irow, 0)


def _make_agg(N, E, D):
    EPW = E // NW
    CH = EPW // C
    assert CH * C == EPW and E % NW == 0
    NP_ = _pad_nodes(N)
    RPS = NP_ // NS
    NCK = RPS // C
    assert NCK * C == RPS
    mesh = plsc.VectorSubcoreMesh(core_axis_name="c", subcore_axis_name="s")

    W = 5
    NWIN = CH // W
    assert NWIN * W == CH and NWIN % 2 == 1

    def body(u_hbm, edge_hbm, out_hbm, row_v, col_v, idx_v, *rest):
        bufs = rest[:2 * W]
        gsem, ssem, acc_sh_ref = rest[2 * W:]
        A, B = bufs[:W], bufs[W:]
        cid = lax.axis_index("c")
        sid = lax.axis_index("s")
        wid = sid * NC + cid

        pltpu.async_copy(edge_hbm.at[0].at[wid], row_v, gsem)
        pltpu.async_copy(edge_hbm.at[1].at[wid], col_v, gsem)

        def zrow(i, carry):
            for j in range(D // 16):
                A[0][i, pl.ds(j * 16, 16)] = jnp.zeros((16,), jnp.float32)
            return carry
        lax.fori_loop(0, C, zrow, 0)
        _identity_fill(idx_v, sid * RPS, NCK)
        for k in range(NCK):
            pltpu.async_copy(A[0], acc_sh_ref.at[idx_v.at[k]], ssem)
        for k in range(NCK):
            pltpu.make_async_copy(A[0], acc_sh_ref.at[idx_v.at[0]],
                                  ssem).wait()
        plsc.subcore_barrier()
        pltpu.make_async_copy(edge_hbm.at[0].at[wid], row_v, gsem).wait()
        pltpu.make_async_copy(edge_hbm.at[1].at[wid], col_v, gsem).wait()

        def fire_g(bset, w):
            for b in range(W):
                pltpu.async_copy(u_hbm.at[row_v.at[w * W + b]], bset[b], gsem)

        def drain_g(bset):
            for b in range(W):
                pltpu.make_async_copy(
                    u_hbm.at[row_v.at[0]], bset[b], gsem).wait()

        def fire_s(bset, w):
            for b in range(W):
                pltpu.async_copy(bset[b], acc_sh_ref.at[col_v.at[w * W + b]],
                                 ssem, add=True)

        def drain_s(bset):
            for b in range(W):
                pltpu.make_async_copy(
                    bset[b], acc_sh_ref.at[col_v.at[0]], ssem).wait()

        fire_g(A, 0)

        def step(t, carry):
            wA = 2 * t
            drain_g(A)
            fire_g(B, wA + 1)
            fire_s(A, wA)
            drain_s(A)
            drain_g(B)
            fire_g(A, wA + 2)
            fire_s(B, wA + 1)
            drain_s(B)
            return carry
        lax.fori_loop(0, (NWIN - 1) // 2, step, 0)
        drain_g(A)
        fire_s(A, NWIN - 1)
        drain_s(A)
        plsc.subcore_barrier()

        for k in range(NCK):
            pltpu.async_copy(acc_sh_ref.at[pl.ds(sid * RPS + k * C, C)],
                             bufs[k], gsem)
        for k in range(NCK):
            pltpu.make_async_copy(acc_sh_ref.at[pl.ds(sid * RPS, C)],
                                  bufs[k], gsem).wait()
        for k in range(NCK):
            pltpu.async_copy(bufs[k], out_hbm.at[cid].at[sid].at[
                pl.ds(k * C, C)], ssem)
        for k in range(NCK):
            pltpu.make_async_copy(bufs[k], out_hbm.at[cid].at[sid].at[
                pl.ds(0, C)], ssem).wait()

    return pl.kernel(
        body,
        out_type=jax.ShapeDtypeStruct((NC, NS, RPS, D), jnp.float32),
        mesh=mesh,
        compiler_params=_SC_PARAMS,
        scratch_types=[
            pltpu.VMEM((CH, C), jnp.int32),
            pltpu.VMEM((CH, C), jnp.int32),
            pltpu.VMEM((NCK, C), jnp.int32),
            *[pltpu.VMEM((C, D), jnp.float32) for _ in range(2 * W)],
            pltpu.SemaphoreType.DMA,
            pltpu.SemaphoreType.DMA,
            pltpu.VMEM_SHARED((NP_, D), jnp.float32),
        ],
    ), NP_


def _make_deg(N, E):
    DW = 16
    EPW = E // NW
    CH = EPW // C
    NP_ = _pad_nodes(N)
    RPS = NP_ // NS
    NCK = RPS // C
    mesh = plsc.VectorSubcoreMesh(core_axis_name="c", subcore_axis_name="s")

    def body(edge_hbm, out_hbm, col_v, ones_v, zbuf, obuf, idx_v, acc_sh,
             ssem):
        cid = lax.axis_index("c")
        sid = lax.axis_index("s")
        wid = sid * NC + cid

        def fill(i, carry):
            ones_v[i, pl.ds(0, 16)] = jnp.ones((16,), jnp.float32)
            zbuf[i, pl.ds(0, 16)] = jnp.zeros((16,), jnp.float32)
            return carry
        pltpu.async_copy(edge_hbm.at[1].at[wid], col_v, ssem)
        lax.fori_loop(0, C, fill, 0)
        _identity_fill(idx_v, sid * RPS, NCK)
        for k in range(NCK):
            pltpu.async_copy(zbuf, acc_sh.at[idx_v.at[k]], ssem)
        for k in range(NCK):
            pltpu.make_async_copy(zbuf, acc_sh.at[idx_v.at[0]], ssem).wait()
        pltpu.make_async_copy(edge_hbm.at[1].at[wid], col_v, ssem).wait()
        plsc.subcore_barrier()

        def step(t, carry):
            for b in range(5):
                pltpu.async_copy(ones_v, acc_sh.at[col_v.at[t * 5 + b]],
                                 ssem, add=True)
            for b in range(5):
                pltpu.make_async_copy(ones_v, acc_sh.at[col_v.at[0]],
                                      ssem).wait()
            return carry
        lax.fori_loop(0, CH // 5, step, 0)
        plsc.subcore_barrier()

        pltpu.sync_copy(acc_sh.at[pl.ds(sid * RPS, RPS)], obuf)
        pltpu.sync_copy(obuf, out_hbm.at[cid].at[sid])

    return pl.kernel(
        body,
        out_type=jax.ShapeDtypeStruct((NC, NS, RPS, DW), jnp.float32),
        mesh=mesh,
        compiler_params=_SC_PARAMS,
        scratch_types=[
            pltpu.VMEM((CH, C), jnp.int32),
            pltpu.VMEM((C, DW), jnp.float32),
            pltpu.VMEM((C, DW), jnp.float32),
            pltpu.VMEM((RPS, DW), jnp.float32),
            pltpu.VMEM((NCK, C), jnp.int32),
            pltpu.VMEM_SHARED((NP_, DW), jnp.float32),
            pltpu.SemaphoreType.DMA,
        ],
    ), NP_



BLK = 1000


def _tc1_body(x_ref, w_ref, g_ref, deg_ref, u_ref):
    s = g_ref[...] * jax.lax.rsqrt(jnp.float32(1.0 + BN_EPS))
    d = deg_ref[0, :, :1] + deg_ref[1, :, :1] + 1.0
    dinv = jax.lax.rsqrt(d)
    h = jnp.dot(x_ref[...], w_ref[...] * s,
                preferred_element_type=jnp.float32)
    u_ref[...] = h * dinv


def _tc2_body(agg_ref, u1_ref, deg_ref, g_ref, b1_ref, be1_ref, w2_ref,
              u2_ref):
    s = g_ref[...] * jax.lax.rsqrt(jnp.float32(1.0 + BN_EPS))
    b1p = b1_ref[...] * s + be1_ref[...]
    d = deg_ref[0, :, :1] + deg_ref[1, :, :1] + 1.0
    dinv = jax.lax.rsqrt(d)
    t = (agg_ref[0] + agg_ref[1] + u1_ref[...]) * dinv + b1p
    t = jnp.maximum(t, 0.0)
    h2 = jnp.dot(t, w2_ref[...], preferred_element_type=jnp.float32)
    u2_ref[...] = h2 * dinv


def _tc3_body(agg_ref, u2_ref, deg_ref, b2_ref, out_ref):
    d = deg_ref[0, :, :1] + deg_ref[1, :, :1] + 1.0
    dinv = jax.lax.rsqrt(d)
    out_ref[...] = (agg_ref[0] + agg_ref[1] + u2_ref[...]) * dinv \
        + b2_ref[...]


def _row_block(i):
    return (i, 0)



@jax.jit
def _run(x, edge_index, W1, b1, g1, be1, W2, b2):
    N, IN_DIM = x.shape
    HID = W1.shape[1]
    OUT = W2.shape[1]
    E = edge_index.shape[1]

    edge3d = edge_index.reshape(2, NW, E // (NW * C), C)

    deg_k, NP_ = _make_deg(N, E)
    deg = deg_k(edge3d).reshape(NC, NP_, 16)

    grid = N // BLK
    u1 = pl.pallas_call(
        _tc1_body,
        grid=(grid,),
        in_specs=[
            pl.BlockSpec((BLK, IN_DIM), _row_block),
            pl.BlockSpec((IN_DIM, HID), lambda i: (0, 0)),
            pl.BlockSpec((1, HID), lambda i: (0, 0)),
            pl.BlockSpec((2, BLK, 16), lambda i: (0, i, 0)),
        ],
        out_specs=pl.BlockSpec((BLK, HID), _row_block),
        out_shape=jax.ShapeDtypeStruct((N, HID), jnp.float32),
    )(x, W1, g1.reshape(1, HID), deg)

    agg1_k, _ = _make_agg(N, E, HID)
    agg1 = agg1_k(u1, edge3d).reshape(NC, NP_, HID)

    u2 = pl.pallas_call(
        _tc2_body,
        grid=(grid,),
        in_specs=[
            pl.BlockSpec((2, BLK, HID), lambda i: (0, i, 0)),
            pl.BlockSpec((BLK, HID), _row_block),
            pl.BlockSpec((2, BLK, 16), lambda i: (0, i, 0)),
            pl.BlockSpec((1, HID), lambda i: (0, 0)),
            pl.BlockSpec((1, HID), lambda i: (0, 0)),
            pl.BlockSpec((1, HID), lambda i: (0, 0)),
            pl.BlockSpec((HID, OUT), lambda i: (0, 0)),
        ],
        out_specs=pl.BlockSpec((BLK, OUT), _row_block),
        out_shape=jax.ShapeDtypeStruct((N, OUT), jnp.float32),
    )(agg1, u1, deg, g1.reshape(1, HID), b1.reshape(1, HID),
      be1.reshape(1, HID), W2)

    agg2_k, _ = _make_agg(N, E, OUT)
    agg2 = agg2_k(u2, edge3d).reshape(NC, NP_, OUT)

    out = pl.pallas_call(
        _tc3_body,
        grid=(grid,),
        in_specs=[
            pl.BlockSpec((2, BLK, OUT), lambda i: (0, i, 0)),
            pl.BlockSpec((BLK, OUT), _row_block),
            pl.BlockSpec((2, BLK, 16), lambda i: (0, i, 0)),
            pl.BlockSpec((1, OUT), lambda i: (0, 0)),
        ],
        out_specs=pl.BlockSpec((BLK, OUT), _row_block),
        out_shape=jax.ShapeDtypeStruct((N, OUT), jnp.float32),
    )(agg2, u2, deg, b2.reshape(1, OUT))

    return out


def kernel(x, edge_index, W1, b1, g1, be1, W2, b2):
    return _run(x, edge_index, W1, b1, g1, be1, W2, b2)

# --- scband reference (transcript-rebuilt; emitter-appended) ---
"""Pipeline reference for scband-gnnmodel-55714315763894 (READ-ONLY COPY).

The authoritative reference and input builder live on the scoring server;
editing this copy changes nothing except your own understanding.
"""

import jax, jax.numpy as jnp
import numpy as np

N_NODES = 10000
N_EDGES = 320000
IN_DIM = 128
HID_DIM = 64
OUT_DIM = 32
BN_EPS = 1e-5


def setup_inputs(seed: int = 0) -> dict:
    key = jax.random.key(seed)
    k1, k2, k3, k4 = jax.random.split(key, 4)
    x = jax.random.normal(k1, (N_NODES, IN_DIM), dtype=jnp.float32)
    edge_index = jax.random.randint(k2, (2, N_EDGES), 0, N_NODES, dtype=jnp.int32)
    # Xavier-uniform style init for linear weights of the two GCN layers
    lim1 = float(np.sqrt(6.0 / (IN_DIM + HID_DIM)))
    W1 = jax.random.uniform(k3, (IN_DIM, HID_DIM), minval=-lim1, maxval=lim1, dtype=jnp.float32)
    b1 = jnp.zeros((HID_DIM,), dtype=jnp.float32)
    lim2 = float(np.sqrt(6.0 / (HID_DIM + OUT_DIM)))
    W2 = jax.random.uniform(k4, (HID_DIM, OUT_DIM), minval=-lim2, maxval=lim2, dtype=jnp.float32)
    b2 = jnp.zeros((OUT_DIM,), dtype=jnp.float32)
    # BatchNorm1d params (eval mode: running_mean=0, running_var=1)
    g1 = jnp.ones((HID_DIM,), dtype=jnp.float32)
    be1 = jnp.zeros((HID_DIM,), dtype=jnp.float32)
    return {"x": x, "edge_index": edge_index, "W1": W1, "b1": b1, "g1": g1, "be1": be1, "W2": W2, "b2": b2}


def _gcn_conv(x, edge_index, W, b, num_nodes):
    # x' = x @ W, then symmetric-normalized scatter-add aggregation with self-loops (PyG GCNConv semantics)
    h = x @ W
    row = edge_index[0]
    col = edge_index[1]
    loop = jnp.arange(num_nodes, dtype=row.dtype)
    row = jnp.concatenate([row, loop])
    col = jnp.concatenate([col, loop])
    deg = jnp.zeros((num_nodes,), dtype=h.dtype).at[col].add(1.0)
    deg_inv_sqrt = jnp.where(deg > 0, deg ** -0.5, 0.0)
    norm = deg_inv_sqrt[row] * deg_inv_sqrt[col]
    msg = h[row] * norm[:, None]
    out = jnp.zeros((num_nodes, h.shape[1]), dtype=h.dtype).at[col].add(msg)
    return out + b


def _batch_norm_eval(x, gamma, beta):
    # eval-mode BatchNorm1d with running_mean=0, running_var=1
    return x * (gamma / jnp.sqrt(1.0 + BN_EPS)) + beta


def reference(x, edge_index, W1, b1, g1, be1, W2, b2):
    n = x.shape[0]
    h = _gcn_conv(x, edge_index, W1, b1, n)
    h = _batch_norm_eval(h, g1, be1)
    h = jax.nn.relu(h)
    # dropout: identity in eval mode
    h = _gcn_conv(h, edge_index, W2, b2, n)
    return h

if __name__ == "__main__":
    import jax
    _d = setup_inputs()
    print(jax.jit(kernel)(*tuple(_d.values())))

</pallas_src>

<mosaic_0001>
#map = affine_map<(d0, d1) -> (0, 0)>
#map1 = affine_map<(d0, d1) -> (0, 0, 0, 0)>
module attributes {stable_mosaic.version = 14 : i64} {
  func.func @body(%arg0: i32, %arg1: i32, %arg2: memref<10000x64xf32, #tpu.memory_space<hbm>>, %arg3: memref<2x32x125x80xi32, #tpu.memory_space<hbm>>, %arg4: memref<2x16x640x64xf32, #tpu.memory_space<hbm>>, %arg5: memref<125x80xi32, #tpu.memory_space<vmem>>, %arg6: memref<125x80xi32, #tpu.memory_space<vmem>>, %arg7: memref<8x80xi32, #tpu.memory_space<vmem>>, %arg8: memref<80x64xf32, #tpu.memory_space<vmem>>, %arg9: memref<80x64xf32, #tpu.memory_space<vmem>>, %arg10: memref<80x64xf32, #tpu.memory_space<vmem>>, %arg11: memref<80x64xf32, #tpu.memory_space<vmem>>, %arg12: memref<80x64xf32, #tpu.memory_space<vmem>>, %arg13: memref<80x64xf32, #tpu.memory_space<vmem>>, %arg14: memref<80x64xf32, #tpu.memory_space<vmem>>, %arg15: memref<80x64xf32, #tpu.memory_space<vmem>>, %arg16: memref<80x64xf32, #tpu.memory_space<vmem>>, %arg17: memref<80x64xf32, #tpu.memory_space<vmem>>, %arg18: memref<!tpu.dma_semaphore, #tpu.memory_space<semaphore_mem>>, %arg19: memref<!tpu.dma_semaphore, #tpu.memory_space<semaphore_mem>>, %arg20: memref<10240x64xf32, #tpu.memory_space<vmem_shared>>) attributes {dimension_semantics = [#tpu.dimension_semantics<core_parallel>, #tpu.dimension_semantics<subcore_parallel>], iteration_bounds = array<i64: 2, 16>, scalar_prefetch = 0 : i64, scratch_operands = 16 : i64, tpu.core_type = #tpu.core_type<sc_vector_subcore>, window_params = [{transform_indices = #map}, {transform_indices = #map1}, {transform_indices = #map1}]} {
    %mul3A = arith.constant 2 : i32
    %mul3A_0 = arith.muli %arg1, %mul3A : i32
    %add3A = arith.addi %mul3A_0, %arg0 : i32
    %dma_start3A = arith.constant 0 : i32
    %dma_start3A_1 = arith.constant 0 : i32
    %dma_start3A_2 = arith.constant 0 : i32
    %dma_start3A_3 = arith.constant 0 : i32
    %dma_start3A_4 = tpu.memref_slice %arg3[%dma_start3A, %dma_start3A_1, %dma_start3A_2, %dma_start3A_3] : memref<2x32x125x80xi32, #tpu.memory_space<hbm>> -> memref<1x32x125x80xi32, #tpu.memory_space<hbm>>
    %dma_start3A_5 = tpu.memref_squeeze %dma_start3A_4 : memref<1x32x125x80xi32, #tpu.memory_space<hbm>> -> memref<32x125x80xi32, #tpu.memory_space<hbm>>
    %dma_start3A_6 = arith.constant 0 : i32
    %dma_start3A_7 = arith.constant 0 : i32
    %dma_start3A_8 = tpu.memref_slice %dma_start3A_5[%add3A, %dma_start3A_6, %dma_start3A_7] : memref<32x125x80xi32, #tpu.memory_space<hbm>> -> memref<1x125x80xi32, #tpu.memory_space<hbm>>
    %dma_start3A_9 = tpu.memref_squeeze %dma_start3A_8 : memref<1x125x80xi32, #tpu.memory_space<hbm>> -> memref<125x80xi32, #tpu.memory_space<hbm>>
    %dma_start3A_10 = arith.constant 0 : i32
    %dma_start3A_11 = arith.constant 0 : i32
    %dma_start3A_12 = arith.constant 0 : i32
    %dma_start3A_13 = tpu.memref_slice %arg3[%dma_start3A, %dma_start3A_10, %dma_start3A_11, %dma_start3A_12] : memref<2x32x125x80xi32, #tpu.memory_space<hbm>> -> memref<1x32x125x80xi32, #tpu.memory_space<hbm>>
    %dma_start3A_14 = tpu.memref_squeeze %dma_start3A_13 : memref<1x32x125x80xi32, #tpu.memory_space<hbm>> -> memref<32x125x80xi32, #tpu.memory_space<hbm>>
    %dma_start3A_15 = arith.constant 0 : i32
    %dma_start3A_16 = arith.constant 0 : i32
    %dma_start3A_17 = tpu.memref_slice %dma_start3A_14[%add3A, %dma_start3A_15, %dma_start3A_16] : memref<32x125x80xi32, #tpu.memory_space<hbm>> -> memref<1x125x80xi32, #tpu.memory_space<hbm>>
    %dma_start3A_18 = tpu.memref_squeeze %dma_start3A_17 : memref<1x125x80xi32, #tpu.memory_space<hbm>> -> memref<125x80xi32, #tpu.memory_space<hbm>>
    tpu.enqueue_dma source(%dma_start3A_18 : memref<125x80xi32, #tpu.memory_space<hbm>>) target(%arg5 : memref<125x80xi32, #tpu.memory_space<vmem>>) target_semaphore(%arg18 : memref<!tpu.dma_semaphore, #tpu.memory_space<semaphore_mem>>)
    %dma_start3A_19 = arith.constant 1 : i32
    %dma_start3A_20 = arith.constant 0 : i32
    %dma_start3A_21 = arith.constant 0 : i32
    %dma_start3A_22 = arith.constant 0 : i32
    %dma_start3A_23 = tpu.memref_slice %arg3[%dma_start3A_19, %dma_start3A_20, %dma_start3A_21, %dma_start3A_22] : memref<2x32x125x80xi32, #tpu.memory_space<hbm>> -> memref<1x32x125x80xi32, #tpu.memory_space<hbm>>
    %dma_start3A_24 = tpu.memref_squeeze %dma_start3A_23 : memref<1x32x125x80xi32, #tpu.memory_space<hbm>> -> memref<32x125x80xi32, #tpu.memory_space<hbm>>
    %dma_start3A_25 = arith.constant 0 : i32
    %dma_start3A_26 = arith.constant 0 : i32
    %dma_start3A_27 = tpu.memref_slice %dma_start3A_24[%add3A, %dma_start3A_25, %dma_start3A_26] : memref<32x125x80xi32, #tpu.memory_space<hbm>> -> memref<1x125x80xi32, #tpu.memory_space<hbm>>
    %dma_start3A_28 = tpu.memref_squeeze %dma_start3A_27 : memref<1x125x80xi32, #tpu.memory_space<hbm>> -> memref<125x80xi32, #tpu.memory_space<hbm>>
    %dma_start3A_29 = arith.constant 0 : i32
    %dma_start3A_30 = arith.constant 0 : i32
    %dma_start3A_31 = arith.constant 0 : i32
    %dma_start3A_32 = tpu.memref_slice %arg3[%dma_start3A_19, %dma_start3A_29, %dma_start3A_30, %dma_start3A_31] : memref<2x32x125x80xi32, #tpu.memory_space<hbm>> -> memref<1x32x125x80xi32, #tpu.memory_space<hbm>>
    %dma_start3A_33 = tpu.memref_squeeze %dma_start3A_32 : memref<1x32x125x80xi32, #tpu.memory_space<hbm>> -> memref<32x125x80xi32, #tpu.memory_space<hbm>>
    %dma_start3A_34 = arith.constant 0 : i32
    %dma_start3A_35 = arith.constant 0 : i32
    %dma_start3A_36 = tpu.memref_slice %dma_start3A_33[%add3A, %dma_start3A_34, %dma_start3A_35] : memref<32x125x80xi32, #tpu.memory_space<hbm>> -> memref<1x125x80xi32, #tpu.memory_space<hbm>>
    %dma_start3A_37 = tpu.memref_squeeze %dma_start3A_36 : memref<1x125x80xi32, #tpu.memory_space<hbm>> -> memref<125x80xi32, #tpu.memory_space<hbm>>
    tpu.enqueue_dma source(%dma_start3A_37 : memref<125x80xi32, #tpu.memory_space<hbm>>) target(%arg6 : memref<125x80xi32, #tpu.memory_space<vmem>>) target_semaphore(%arg18 : memref<!tpu.dma_semaphore, #tpu.memory_space<semaphore_mem>>)
    %scan3A = arith.constant 0 : i32
    %scan3A_38 = arith.constant 0 : i32
    %scan3A_39 = arith.constant 80 : i32
    %scan3A_40 = arith.addi %scan3A_38, %scan3A_39 : i32
    %scan3A_41 = arith.constant 1 : i32
    scf.for %scan3A_843 = %scan3A_38 to %scan3A_40 step %scan3A_41  : i32 {
      %broadcast_in_dim3A = arith.constant 0.000000e+00 : f32
      %broadcast_in_dim3A_844 = vector.broadcast %broadcast_in_dim3A : f32 to vector<16xf32>
      %swap3A = arith.index_cast %scan3A_843 : i32 to index
      %swap3A_845 = arith.constant 0 : index
      %swap3A_846 = tpu.vector_load %arg8[%swap3A, %swap3A_845] {strides = array<i32>} : memref<80x64xf32, #tpu.memory_space<vmem>>, vector<1x16xf32>,
      %swap3A_847 = vector.shape_cast %swap3A_846 : vector<1x16xf32> to vector<16xf32>
      %swap3A_848 = vector.shape_cast %broadcast_in_dim3A_844 : vector<16xf32> to vector<1x16xf32>
      tpu.vector_store %arg8[%swap3A, %swap3A_845], %swap3A_848 {strides = array<i32>} : memref<80x64xf32, #tpu.memory_space<vmem>>, vector<1x16xf32>,
      %broadcast_in_dim3A_849 = arith.constant 0.000000e+00 : f32
      %broadcast_in_dim3A_850 = vector.broadcast %broadcast_in_dim3A_849 : f32 to vector<16xf32>
      %swap3A_851 = arith.index_cast %scan3A_843 : i32 to index
      %swap3A_852 = arith.constant 16 : index
      %swap3A_853 = tpu.vector_load %arg8[%swap3A_851, %swap3A_852] {strides = array<i32>} : memref<80x64xf32, #tpu.memory_space<vmem>>, vector<1x16xf32>,
      %swap3A_854 = vector.shape_cast %swap3A_853 : vector<1x16xf32> to vector<16xf32>
      %swap3A_855 = vector.shape_cast %broadcast_in_dim3A_850 : vector<16xf32> to vector<1x16xf32>
      tpu.vector_store %arg8[%swap3A_851, %swap3A_852], %swap3A_855 {strides = array<i32>} : memref<80x64xf32, #tpu.memory_space<vmem>>, vector<1x16xf32>,
      %broadcast_in_dim3A_856 = arith.constant 0.000000e+00 : f32
      %broadcast_in_dim3A_857 = vector.broadcast %broadcast_in_dim3A_856 : f32 to vector<16xf32>
      %swap3A_858 = arith.index_cast %scan3A_843 : i32 to index
      %swap3A_859 = arith.constant 32 : index
      %swap3A_860 = tpu.vector_load %arg8[%swap3A_858, %swap3A_859] {strides = array<i32>} : memref<80x64xf32, #tpu.memory_space<vmem>>, vector<1x16xf32>,
      %swap3A_861 = vector.shape_cast %swap3A_860 : vector<1x16xf32> to vector<16xf32>
      %swap3A_862 = vector.shape_cast %broadcast_in_dim3A_857 : vector<16xf32> to vector<1x16xf32>
      tpu.vector_store %arg8[%swap3A_858, %swap3A_859], %swap3A_862 {strides = array<i32>} : memref<80x64xf32, #tpu.memory_space<vmem>>, vector<1x16xf32>,
      %broadcast_in_dim3A_863 = arith.constant 0.000000e+00 : f32
      %broadcast_in_dim3A_864 = vector.broadcast %broadcast_in_dim3A_863 : f32 to vector<16xf32>
      %swap3A_865 = arith.index_cast %scan3A_843 : i32 to index
      %swap3A_866 = arith.constant 48 : index
      %swap3A_867 = tpu.vector_load %arg8[%swap3A_865, %swap3A_866] {strides = array<i32>} : memref<80x64xf32, #tpu.memory_space<vmem>>, vector<1x16xf32>,
      %swap3A_868 = vector.shape_cast %swap3A_867 : vector<1x16xf32> to vector<16xf32>
      %swap3A_869 = vector.shape_cast %broadcast_in_dim3A_864 : vector<16xf32> to vector<1x16xf32>
      tpu.vector_store %arg8[%swap3A_865, %swap3A_866], %swap3A_869 {strides = array<i32>} : memref<80x64xf32, #tpu.memory_space<vmem>>, vector<1x16xf32>,
    }
    %scan3A_42 = arith.constant 80 : i32
    %mul3A_43 = arith.constant 640 : i32
    %mul3A_44 = arith.muli %arg1, %mul3A_43 : i32
    %iota3A = tpu.iota {dimensions = array<i32: 0>} : vector<16xi32>
    %scan3A_45 = arith.constant 0 : i32
    %scan3A_46 = arith.constant 0 : i32
    %scan3A_47 = arith.constant 40 : i32
    %scan3A_48 = arith.addi %scan3A_46, %scan3A_47 : i32
    %scan3A_49 = arith.constant 1 : i32
    scf.for %scan3A_843 = %scan3A_46 to %scan3A_48 step %scan3A_49  : i32 {
      %mul3A_844 = arith.constant 16 : i32
      %mul3A_845 = arith.muli %scan3A_843, %mul3A_844 : i32
      %add3A_846 = arith.addi %mul3A_44, %mul3A_845 : i32
      %add3A_847 = vector.broadcast %add3A_846 : i32 to vector<16xi32>
      %add3A_848 = arith.addi %add3A_847, %iota3A : vector<16xi32>
      %jit3A = arith.constant 5 : i32
      %div3A = arith.divsi %scan3A_843, %jit3A : i32
      %sign3A = arith.constant 0 : i32
      %sign3A_849 = arith.cmpi sgt, %scan3A_843, %sign3A : i32
      %sign3A_850 = arith.extui %sign3A_849 : i1 to i32
      %sign3A_851 = arith.constant 0 : i32
      %sign3A_852 = arith.cmpi slt, %scan3A_843, %sign3A_851 : i32
      %sign3A_853 = arith.extui %sign3A_852 : i1 to i32
      %sign3A_854 = arith.subi %sign3A_850, %sign3A_853 : i32
      %sign3A_855 = arith.constant 0 : i32
      %sign3A_856 = arith.cmpi sgt, %jit3A, %sign3A_855 : i32
      %sign3A_857 = arith.extui %sign3A_856 : i1 to i32
      %sign3A_858 = arith.constant 0 : i32
      %sign3A_859 = arith.cmpi slt, %jit3A, %sign3A_858 : i32
      %sign3A_860 = arith.extui %sign3A_859 : i1 to i32
      %sign3A_861 = arith.subi %sign3A_857, %sign3A_860 : i32
      %ne3A = arith.cmpi ne, %sign3A_854, %sign3A_861 : i32
      %rem3A = arith.remsi %scan3A_843, %jit3A : i32
      %ne3A_862 = arith.constant 0 : i32
      %ne3A_863 = arith.cmpi ne, %rem3A, %ne3A_862 : i32
      %and3A = arith.andi %ne3A, %ne3A_863 : i1
      %sub3A = arith.constant 1 : i32
      %sub3A_864 = arith.subi %div3A, %sub3A : i32
      %select_n3A = arith.select %and3A, %sub3A_864, %div3A : i32
      %jit3A_865 = arith.constant 5 : i32
      %eq3A = arith.constant 0 : i32
      %eq3A_866 = arith.cmpi eq, %jit3A_865, %eq3A : i32
      %jit3A_867 = arith.constant 1 : i32
      %select_n3A_868 = arith.select %eq3A_866, %jit3A_867, %jit3A_865 : i32
      %rem3A_869 = arith.remsi %scan3A_843, %select_n3A_868 : i32
      %ne3A_870 = arith.constant 0 : i32
      %ne3A_871 = arith.cmpi ne, %rem3A_869, %ne3A_870 : i32
      %lt3A = arith.constant 0 : i32
      %lt3A_872 = arith.cmpi slt, %rem3A_869, %lt3A : i32
      %lt3A_873 = arith.constant 0 : i32
      %lt3A_874 = arith.cmpi slt, %select_n3A_868, %lt3A_873 : i32
      %ne3A_875 = arith.xori %lt3A_872, %lt3A_874 : i1
      %and3A_876 = arith.andi %ne3A_875, %ne3A_871 : i1
      %add3A_877 = arith.addi %rem3A_869, %select_n3A_868 : i32
      %select_n3A_878 = arith.select %and3A_876, %add3A_877, %rem3A_869 : i32
      %mul3A_879 = arith.constant 16 : i32
      %mul3A_880 = arith.muli %select_n3A_878, %mul3A_879 : i32
      %swap3A = arith.index_cast %select_n3A : i32 to index
      %swap3A_881 = arith.index_cast %mul3A_880 : i32 to index
      %swap3A_882 = tpu.vector_load %arg7[%swap3A, %swap3A_881] {strides = array<i32>} : memref<8x80xi32, #tpu.memory_space<vmem>>, vector<1x16xi32>,
      %swap3A_883 = vector.shape_cast %swap3A_882 : vector<1x16xi32> to vector<16xi32>
      %swap3A_884 = vector.shape_cast %add3A_848 : vector<16xi32> to vector<1x16xi32>
      tpu.vector_store %arg7[%swap3A, %swap3A_881], %swap3A_884 {strides = array<i32>} : memref<8x80xi32, #tpu.memory_space<vmem>>, vector<1x16xi32>,
    }
    %scan3A_50 = arith.constant 40 : i32
    %dma_start3A_51 = arith.constant 0 : i32
    %dma_start3A_52 = arith.constant 0 : i32
    %dma_start3A_53 = tpu.memref_slice %arg7[%dma_start3A_51, %dma_start3A_52] : memref<8x80xi32, #tpu.memory_space<vmem>> -> memref<1x80xi32, #tpu.memory_space<vmem>>
    %dma_start3A_54 = tpu.memref_squeeze %dma_start3A_53 : memref<1x80xi32, #tpu.memory_space<vmem>> -> memref<80xi32, #tpu.memory_space<vmem>>
    %dma_start3A_55 = arith.constant 0 : i32
    %dma_start3A_56 = arith.constant 0 : i32
    %dma_start3A_57 = tpu.memref_slice %arg20[%dma_start3A_55, %dma_start3A_56] : memref<10240x64xf32, #tpu.memory_space<vmem_shared>> -> memref<10240x64xf32, #tpu.memory_space<vmem_shared>>
    tpu.enqueue_indirect_dma source(%arg8 : memref<80x64xf32, #tpu.memory_space<vmem>>) target(%dma_start3A_57 : memref<10240x64xf32, #tpu.memory_space<vmem_shared>>) offsets(%dma_start3A_54 : memref<80xi32, #tpu.memory_space<vmem>>) semaphore(%arg19 : memref<!tpu.dma_semaphore, #tpu.memory_space<semaphore_mem>>)
    %dma_start3A_58 = arith.constant 1 : i32
    %dma_start3A_59 = arith.constant 0 : i32
    %dma_start3A_60 = tpu.memref_slice %arg7[%dma_start3A_58, %dma_start3A_59] : memref<8x80xi32, #tpu.memory_space<vmem>> -> memref<1x80xi32, #tpu.memory_space<vmem>>
    %dma_start3A_61 = tpu.memref_squeeze %dma_start3A_60 : memref<1x80xi32, #tpu.memory_space<vmem>> -> memref<80xi32, #tpu.memory_space<vmem>>
    %dma_start3A_62 = arith.constant 0 : i32
    %dma_start3A_63 = arith.constant 0 : i32
    %dma_start3A_64 = tpu.memref_slice %arg20[%dma_start3A_62, %dma_start3A_63] : memref<10240x64xf32, #tpu.memory_space<vmem_shared>> -> memref<10240x64xf32, #tpu.memory_space<vmem_shared>>
    tpu.enqueue_indirect_dma source(%arg8 : memref<80x64xf32, #tpu.memory_space<vmem>>) target(%dma_start3A_64 : memref<10240x64xf32, #tpu.memory_space<vmem_shared>>) offsets(%dma_start3A_61 : memref<80xi32, #tpu.memory_space<vmem>>) semaphore(%arg19 : memref<!tpu.dma_semaphore, #tpu.memory_space<semaphore_mem>>)
    %dma_start3A_65 = arith.constant 2 : i32
    %dma_start3A_66 = arith.constant 0 : i32
    %dma_start3A_67 = tpu.memref_slice %arg7[%dma_start3A_65, %dma_start3A_66] : memref<8x80xi32, #tpu.memory_space<vmem>> -> memref<1x80xi32, #tpu.memory_space<vmem>>
    %dma_start3A_68 = tpu.memref_squeeze %dma_start3A_67 : memref<1x80xi32, #tpu.memory_space<vmem>> -> memref<80xi32, #tpu.memory_space<vmem>>
    %dma_start3A_69 = arith.constant 0 : i32
    %dma_start3A_70 = arith.constant 0 : i32
    %dma_start3A_71 = tpu.memref_slice %arg20[%dma_start3A_69, %dma_start3A_70] : memref<10240x64xf32, #tpu.memory_space<vmem_shared>> -> memref<10240x64xf32, #tpu.memory_space<vmem_shared>>
    tpu.enqueue_indirect_dma source(%arg8 : memref<80x64xf32, #tpu.memory_space<vmem>>) target(%dma_start3A_71 : memref<10240x64xf32, #tpu.memory_space<vmem_shared>>) offsets(%dma_start3A_68 : memref<80xi32, #tpu.memory_space<vmem>>) semaphore(%arg19 : memref<!tpu.dma_semaphore, #tpu.memory_space<semaphore_mem>>)
    %dma_start3A_72 = arith.constant 3 : i32
    %dma_start3A_73 = arith.constant 0 : i32
    %dma_start3A_74 = tpu.memref_slice %arg7[%dma_start3A_72, %dma_start3A_73] : memref<8x80xi32, #tpu.memory_space<vmem>> -> memref<1x80xi32, #tpu.memory_space<vmem>>
    %dma_start3A_75 = tpu.memref_squeeze %dma_start3A_74 : memref<1x80xi32, #tpu.memory_space<vmem>> -> memref<80xi32, #tpu.memory_space<vmem>>
    %dma_start3A_76 = arith.constant 0 : i32
    %dma_start3A_77 = arith.constant 0 : i32
    %dma_start3A_78 = tpu.memref_slice %arg20[%dma_start3A_76, %dma_start3A_77] : memref<10240x64xf32, #tpu.memory_space<vmem_shared>> -> memref<10240x64xf32, #tpu.memory_space<vmem_shared>>
    tpu.enqueue_indirect_dma source(%arg8 : memref<80x64xf32, #tpu.memory_space<vmem>>) target(%dma_start3A_78 : memref<10240x64xf32, #tpu.memory_space<vmem_shared>>) offsets(%dma_start3A_75 : memref<80xi32, #tpu.memory_space<vmem>>) semaphore(%arg19 : memref<!tpu.dma_semaphore, #tpu.memory_space<semaphore_mem>>)
    %dma_start3A_79 = arith.constant 4 : i32
    %dma_start3A_80 = arith.constant 0 : i32
    %dma_start3A_81 = tpu.memref_slice %arg7[%dma_start3A_79, %dma_start3A_80] : memref<8x80xi32, #tpu.memory_space<vmem>> -> memref<1x80xi32, #tpu.memory_space<vmem>>
    %dma_start3A_82 = tpu.memref_squeeze %dma_start3A_81 : memref<1x80xi32, #tpu.memory_space<vmem>> -> memref<80xi32, #tpu.memory_space<vmem>>
    %dma_start3A_83 = arith.constant 0 : i32
    %dma_start3A_84 = arith.constant 0 : i32
    %dma_start3A_85 = tpu.memref_slice %arg20[%dma_start3A_83, %dma_start3A_84] : memref<10240x64xf32, #tpu.memory_space<vmem_shared>> -> memref<10240x64xf32, #tpu.memory_space<vmem_shared>>
    tpu.enqueue_indirect_dma source(%arg8 : memref<80x64xf32, #tpu.memory_space<vmem>>) target(%dma_start3A_85 : memref<10240x64xf32, #tpu.memory_space<vmem_shared>>) offsets(%dma_start3A_82 : memref<80xi32, #tpu.memory_space<vmem>>) semaphore(%arg19 : memref<!tpu.dma_semaphore, #tpu.memory_space<semaphore_mem>>)
    %dma_start3A_86 = arith.constant 5 : i32
    %dma_start3A_87 = arith.constant 0 : i32
    %dma_start3A_88 = tpu.memref_slice %arg7[%dma_start3A_86, %dma_start3A_87] : memref<8x80xi32, #tpu.memory_space<vmem>> -> memref<1x80xi32, #tpu.memory_space<vmem>>
    %dma_start3A_89 = tpu.memref_squeeze %dma_start3A_88 : memref<1x80xi32, #tpu.memory_space<vmem>> -> memref<80xi32, #tpu.memory_space<vmem>>
    %dma_start3A_90 = arith.constant 0 : i32
    %dma_start3A_91 = arith.constant 0 : i32
    %dma_start3A_92 = tpu.memref_slice %arg20[%dma_start3A_90, %dma_start3A_91] : memref<10240x64xf32, #tpu.memory_space<vmem_shared>> -> memref<10240x64xf32, #tpu.memory_space<vmem_shared>>
    tpu.enqueue_indirect_dma source(%arg8 : memref<80x64xf32, #tpu.memory_space<vmem>>) target(%dma_start3A_92 : memref<10240x64xf32, #tpu.memory_space<vmem_shared>>) offsets(%dma_start3A_89 : memref<80xi32, #tpu.memory_space<vmem>>) semaphore(%arg19 : memref<!tpu.dma_semaphore, #tpu.memory_space<semaphore_mem>>)
    %dma_start3A_93 = arith.constant 6 : i32
    %dma_start3A_94 = arith.constant 0 : i32
    %dma_start3A_95 = tpu.memref_slice %arg7[%dma_start3A_93, %dma_start3A_94] : memref<8x80xi32, #tpu.memory_space<vmem>> -> memref<1x80xi32, #tpu.memory_space<vmem>>
    %dma_start3A_96 = tpu.memref_squeeze %dma_start3A_95 : memref<1x80xi32, #tpu.memory_space<vmem>> -> memref<80xi32, #tpu.memory_space<vmem>>
    %dma_start3A_97 = arith.constant 0 : i32
    %dma_start3A_98 = arith.constant 0 : i32
    %dma_start3A_99 = tpu.memref_slice %arg20[%dma_start3A_97, %dma_start3A_98] : memref<10240x64xf32, #tpu.memory_space<vmem_shared>> -> memref<10240x64xf32, #tpu.memory_space<vmem_shared>>
    tpu.enqueue_indirect_dma source(%arg8 : memref<80x64xf32, #tpu.memory_space<vmem>>) target(%dma_start3A_99 : memref<10240x64xf32, #tpu.memory_space<vmem_shared>>) offsets(%dma_start3A_96 : memref<80xi32, #tpu.memory_space<vmem>>) semaphore(%arg19 : memref<!tpu.dma_semaphore, #tpu.memory_space<semaphore_mem>>)
    %dma_start3A_100 = arith.constant 7 : i32
    %dma_start3A_101 = arith.constant 0 : i32
    %dma_start3A_102 = tpu.memref_slice %arg7[%dma_start3A_100, %dma_start3A_101] : memref<8x80xi32, #tpu.memory_space<vmem>> -> memref<1x80xi32, #tpu.memory_space<vmem>>
    %dma_start3A_103 = tpu.memref_squeeze %dma_start3A_102 : memref<1x80xi32, #tpu.memory_space<vmem>> -> memref<80xi32, #tpu.memory_space<vmem>>
    %dma_start3A_104 = arith.constant 0 : i32
    %dma_start3A_105 = arith.constant 0 : i32
    %dma_start3A_106 = tpu.memref_slice %arg20[%dma_start3A_104, %dma_start3A_105] : memref<10240x64xf32, #tpu.memory_space<vmem_shared>> -> memref<10240x64xf32, #tpu.memory_space<vmem_shared>>
    tpu.enqueue_indirect_dma source(%arg8 : memref<80x64xf32, #tpu.memory_space<vmem>>) target(%dma_start3A_106 : memref<10240x64xf32, #tpu.memory_space<vmem_shared>>) offsets(%dma_start3A_103 : memref<80xi32, #tpu.memory_space<vmem>>) semaphore(%arg19 : memref<!tpu.dma_semaphore, #tpu.memory_space<semaphore_mem>>)
    %dma_wait3A = arith.constant 0 : i32
    %dma_wait3A_107 = arith.constant 0 : i32
    %dma_wait3A_108 = tpu.memref_slice %arg7[%dma_wait3A, %dma_wait3A_107] : memref<8x80xi32, #tpu.memory_space<vmem>> -> memref<1x80xi32, #tpu.memory_space<vmem>>
    %dma_wait3A_109 = tpu.memref_squeeze %dma_wait3A_108 : memref<1x80xi32, #tpu.memory_space<vmem>> -> memref<80xi32, #tpu.memory_space<vmem>>
    %dma_wait3A_110 = arith.constant 0 : i32
    %dma_wait3A_111 = arith.constant 0 : i32
    %dma_wait3A_112 = tpu.memref_slice %arg20[%dma_wait3A_110, %dma_wait3A_111] : memref<10240x64xf32, #tpu.memory_space<vmem_shared>> -> memref<10240x64xf32, #tpu.memory_space<vmem_shared>>
    tpu.wait_indirect_dma semaphore(%arg19 : memref<!tpu.dma_semaphore, #tpu.memory_space<semaphore_mem>>) src(%arg8 : memref<80x64xf32, #tpu.memory_space<vmem>>) dst(%dma_wait3A_112 : memref<10240x64xf32, #tpu.memory_space<vmem_shared>>)
    %dma_wait3A_113 = arith.constant 0 : i32
    %dma_wait3A_114 = arith.constant 0 : i32
    %dma_wait3A_115 = tpu.memref_slice %arg7[%dma_wait3A_113, %dma_wait3A_114] : memref<8x80xi32, #tpu.memory_space<vmem>> -> memref<1x80xi32, #tpu.memory_space<vmem>>
    %dma_wait3A_116 = tpu.memref_squeeze %dma_wait3A_115 : memref<1x80xi32, #tpu.memory_space<vmem>> -> memref<80xi32, #tpu.memory_space<vmem>>
    %dma_wait3A_117 = arith.constant 0 : i32
    %dma_wait3A_118 = arith.constant 0 : i32
    %dma_wait3A_119 = tpu.memref_slice %arg20[%dma_wait3A_117, %dma_wait3A_118] : memref<10240x64xf32, #tpu.memory_space<vmem_shared>> -> memref<10240x64xf32, #tpu.memory_space<vmem_shared>>
    tpu.wait_indirect_dma semaphore(%arg19 : memref<!tpu.dma_semaphore, #tpu.memory_space<semaphore_mem>>) src(%arg8 : memref<80x64xf32, #tpu.memory_space<vmem>>) dst(%dma_wait3A_119 : memref<10240x64xf32, #tpu.memory_space<vmem_shared>>)
    %dma_wait3A_120 = arith.constant 0 : i32
    %dma_wait3A_121 = arith.constant 0 : i32
    %dma_wait3A_122 = tpu.memref_slice %arg7[%dma_wait3A_120, %dma_wait3A_121] : memref<8x80xi32, #tpu.memory_space<vmem>> -> memref<1x80xi32, #tpu.memory_space<vmem>>
    %dma_wait3A_123 = tpu.memref_squeeze %dma_wait3A_122 : memref<1x80xi32, #tpu.memory_space<vmem>> -> memref<80xi32, #tpu.memory_space<vmem>>
    %dma_wait3A_124 = arith.constant 0 : i32
    %dma_wait3A_125 = arith.constant 0 : i32
    %dma_wait3A_126 = tpu.memref_slice %arg20[%dma_wait3A_124, %dma_wait3A_125] : memref<10240x64xf32, #tpu.memory_space<vmem_shared>> -> memref<10240x64xf32, #tpu.memory_space<vmem_shared>>
    tpu.wait_indirect_dma semaphore(%arg19 : memref<!tpu.dma_semaphore, #tpu.memory_space<semaphore_mem>>) src(%arg8 : memref<80x64xf32, #tpu.memory_space<vmem>>) dst(%dma_wait3A_126 : memref<10240x64xf32, #tpu.memory_space<vmem_shared>>)
    %dma_wait3A_127 = arith.constant 0 : i32
    %dma_wait3A_128 = arith.constant 0 : i32
    %dma_wait3A_129 = tpu.memref_slice %arg7[%dma_wait3A_127, %dma_wait3A_128] : memref<8x80xi32, #tpu.memory_space<vmem>> -> memref<1x80xi32, #tpu.memory_space<vmem>>
    %dma_wait3A_130 = tpu.memref_squeeze %dma_wait3A_129 : memref<1x80xi32, #tpu.memory_space<vmem>> -> memref<80xi32, #tpu.memory_space<vmem>>
    %dma_wait3A_131 = arith.constant 0 : i32
    %dma_wait3A_132 = arith.constant 0 : i32
    %dma_wait3A_133 = tpu.memref_slice %arg20[%dma_wait3A_131, %dma_wait3A_132] : memref<10240x64xf32, #tpu.memory_space<vmem_shared>> -> memref<10240x64xf32, #tpu.memory_space<vmem_shared>>
    tpu.wait_indirect_dma semaphore(%arg19 : memref<!tpu.dma_semaphore, #tpu.memory_space<semaphore_mem>>) src(%arg8 : memref<80x64xf32, #tpu.memory_space<vmem>>) dst(%dma_wait3A_133 : memref<10240x64xf32, #tpu.memory_space<vmem_shared>>)
    %dma_wait3A_134 = arith.constant 0 : i32
    %dma_wait3A_135 = arith.constant 0 : i32
    %dma_wait3A_136 = tpu.memref_slice %arg7[%dma_wait3A_134, %dma_wait3A_135] : memref<8x80xi32, #tpu.memory_space<vmem>> -> memref<1x80xi32, #tpu.memory_space<vmem>>
    %dma_wait3A_137 = tpu.memref_squeeze %dma_wait3A_136 : memref<1x80xi32, #tpu.memory_space<vmem>> -> memref<80xi32, #tpu.memory_space<vmem>>
    %dma_wait3A_138 = arith.constant 0 : i32
    %dma_wait3A_139 = arith.constant 0 : i32
    %dma_wait3A_140 = tpu.memref_slice %arg20[%dma_wait3A_138, %dma_wait3A_139] : memref<10240x64xf32, #tpu.memory_space<vmem_shared>> -> memref<10240x64xf32, #tpu.memory_space<vmem_shared>>
    tpu.wait_indirect_dma semaphore(%arg19 : memref<!tpu.dma_semaphore, #tpu.memory_space<semaphore_mem>>) src(%arg8 : memref<80x64xf32, #tpu.memory_space<vmem>>) dst(%dma_wait3A_140 : memref<10240x64xf32, #tpu.memory_space<vmem_shared>>)
    %dma_wait3A_141 = arith.constant 0 : i32
    %dma_wait3A_142 = arith.constant 0 : i32
    %dma_wait3A_143 = tpu.memref_slice %arg7[%dma_wait3A_141, %dma_wait3A_142] : memref<8x80xi32, #tpu.memory_space<vmem>> -> memref<1x80xi32, #tpu.memory_space<vmem>>
    %dma_wait3A_144 = tpu.memref_squeeze %dma_wait3A_143 : memref<1x80xi32, #tpu.memory_space<vmem>> -> memref<80xi32, #tpu.memory_space<vmem>>
    %dma_wait3A_145 = arith.constant 0 : i32
    %dma_wait3A_146 = arith.constant 0 : i32
    %dma_wait3A_147 = tpu.memref_slice %arg20[%dma_wait3A_145, %dma_wait3A_146] : memref<10240x64xf32, #tpu.memory_space<vmem_shared>> -> memref<10240x64xf32, #tpu.memory_space<vmem_shared>>
    tpu.wait_indirect_dma semaphore(%arg19 : memref<!tpu.dma_semaphore, #tpu.memory_space<semaphore_mem>>) src(%arg8 : memref<80x64xf32, #tpu.memory_space<vmem>>) dst(%dma_wait3A_147 : memref<10240x64xf32, #tpu.memory_space<vmem_shared>>)
    %dma_wait3A_148 = arith.constant 0 : i32
    %dma_wait3A_149 = arith.constant 0 : i32
    %dma_wait3A_150 = tpu.memref_slice %arg7[%dma_wait3A_148, %dma_wait3A_149] : memref<8x80xi32, #tpu.memory_space<vmem>> -> memref<1x80xi32, #tpu.memory_space<vmem>>
    %dma_wait3A_151 = tpu.memref_squeeze %dma_wait3A_150 : memref<1x80xi32, #tpu.memory_space<vmem>> -> memref<80xi32, #tpu.memory_space<vmem>>
    %dma_wait3A_152 = arith.constant 0 : i32
    %dma_wait3A_153 = arith.constant 0 : i32
    %dma_wait3A_154 = tpu.memref_slice %arg20[%dma_wait3A_152, %dma_wait3A_153] : memref<10240x64xf32, #tpu.memory_space<vmem_shared>> -> memref<10240x64xf32, #tpu.memory_space<vmem_shared>>
    tpu.wait_indirect_dma semaphore(%arg19 : memref<!tpu.dma_semaphore, #tpu.memory_space<semaphore_mem>>) src(%arg8 : memref<80x64xf32, #tpu.memory_space<vmem>>) dst(%dma_wait3A_154 : memref<10240x64xf32, #tpu.memory_space<vmem_shared>>)
    %dma_wait3A_155 = arith.constant 0 : i32
    %dma_wait3A_156 = arith.constant 0 : i32
    %dma_wait3A_157 = tpu.memref_slice %arg7[%dma_wait3A_155, %dma_wait3A_156] : memref<8x80xi32, #tpu.memory_space<vmem>> -> memref<1x80xi32, #tpu.memory_space<vmem>>
    %dma_wait3A_158 = tpu.memref_squeeze %dma_wait3A_157 : memref<1x80xi32, #tpu.memory_space<vmem>> -> memref<80xi32, #tpu.memory_space<vmem>>
    %dma_wait3A_159 = arith.constant 0 : i32
    %dma_wait3A_160 = arith.constant 0 : i32
    %dma_wait3A_161 = tpu.memref_slice %arg20[%dma_wait3A_159, %dma_wait3A_160] : memref<10240x64xf32, #tpu.memory_space<vmem_shared>> -> memref<10240x64xf32, #tpu.memory_space<vmem_shared>>
    tpu.wait_indirect_dma semaphore(%arg19 : memref<!tpu.dma_semaphore, #tpu.memory_space<semaphore_mem>>) src(%arg8 : memref<80x64xf32, #tpu.memory_space<vmem>>) dst(%dma_wait3A_161 : memref<10240x64xf32, #tpu.memory_space<vmem_shared>>)
    %barrier3A = arith.constant 0 : index
    tpu.barrier barrier_id(%barrier3A)
    %dma_wait3A_162 = arith.constant 0 : i32
    %dma_wait3A_163 = arith.constant 0 : i32
    %dma_wait3A_164 = arith.constant 0 : i32
    %dma_wait3A_165 = arith.constant 0 : i32
    %dma_wait3A_166 = tpu.memref_slice %arg3[%dma_wait3A_162, %dma_wait3A_163, %dma_wait3A_164, %dma_wait3A_165] : memref<2x32x125x80xi32, #tpu.memory_space<hbm>> -> memref<1x32x125x80xi32, #tpu.memory_space<hbm>>
    %dma_wait3A_167 = tpu.memref_squeeze %dma_wait3A_166 : memref<1x32x125x80xi32, #tpu.memory_space<hbm>> -> memref<32x125x80xi32, #tpu.memory_space<hbm>>
    %dma_wait3A_168 = arith.constant 0 : i32
    %dma_wait3A_169 = arith.constant 0 : i32
    %dma_wait3A_170 = tpu.memref_slice %dma_wait3A_167[%add3A, %dma_wait3A_168, %dma_wait3A_169] : memref<32x125x80xi32, #tpu.memory_space<hbm>> -> memref<1x125x80xi32, #tpu.memory_space<hbm>>
    %dma_wait3A_171 = tpu.memref_squeeze %dma_wait3A_170 : memref<1x125x80xi32, #tpu.memory_space<hbm>> -> memref<125x80xi32, #tpu.memory_space<hbm>>
    %dma_wait3A_172 = arith.constant 0 : i32
    %dma_wait3A_173 = arith.constant 0 : i32
    %dma_wait3A_174 = arith.constant 0 : i32
    %dma_wait3A_175 = tpu.memref_slice %arg3[%dma_wait3A_162, %dma_wait3A_172, %dma_wait3A_173, %dma_wait3A_174] : memref<2x32x125x80xi32, #tpu.memory_space<hbm>> -> memref<1x32x125x80xi32, #tpu.memory_space<hbm>>
    %dma_wait3A_176 = tpu.memref_squeeze %dma_wait3A_175 : memref<1x32x125x80xi32, #tpu.memory_space<hbm>> -> memref<32x125x80xi32, #tpu.memory_space<hbm>>
    %dma_wait3A_177 = arith.constant 0 : i32
    %dma_wait3A_178 = arith.constant 0 : i32
    %dma_wait3A_179 = tpu.memref_slice %dma_wait3A_176[%add3A, %dma_wait3A_177, %dma_wait3A_178] : memref<32x125x80xi32, #tpu.memory_space<hbm>> -> memref<1x125x80xi32, #tpu.memory_space<hbm>>
    %dma_wait3A_180 = tpu.memref_squeeze %dma_wait3A_179 : memref<1x125x80xi32, #tpu.memory_space<hbm>> -> memref<125x80xi32, #tpu.memory_space<hbm>>
    tpu.wait_dma2 semaphore(%arg18 : memref<!tpu.dma_semaphore, #tpu.memory_space<semaphore_mem>>) src(%dma_wait3A_180 : memref<125x80xi32, #tpu.memory_space<hbm>>) dst(%arg5 : memref<125x80xi32, #tpu.memory_space<vmem>>)
    %dma_wait3A_181 = arith.constant 1 : i32
    %dma_wait3A_182 = arith.constant 0 : i32
    %dma_wait3A_183 = arith.constant 0 : i32
    %dma_wait3A_184 = arith.constant 0 : i32
    %dma_wait3A_185 = tpu.memref_slice %arg3[%dma_wait3A_181, %dma_wait3A_182, %dma_wait3A_183, %dma_wait3A_184] : memref<2x32x125x80xi32, #tpu.memory_space<hbm>> -> memref<1x32x125x80xi32, #tpu.memory_space<hbm>>
    %dma_wait3A_186 = tpu.memref_squeeze %dma_wait3A_185 : memref<1x32x125x80xi32, #tpu.memory_space<hbm>> -> memref<32x125x80xi32, #tpu.memory_space<hbm>>
    %dma_wait3A_187 = arith.constant 0 : i32
    %dma_wait3A_188 = arith.constant 0 : i32
    %dma_wait3A_189 = tpu.memref_slice %dma_wait3A_186[%add3A, %dma_wait3A_187, %dma_wait3A_188] : memref<32x125x80xi32, #tpu.memory_space<hbm>> -> memref<1x125x80xi32, #tpu.memory_space<hbm>>
    %dma_wait3A_190 = tpu.memref_squeeze %dma_wait3A_189 : memref<1x125x80xi32, #tpu.memory_space<hbm>> -> memref<125x80xi32, #tpu.memory_space<hbm>>
    %dma_wait3A_191 = arith.constant 0 : i32
    %dma_wait3A_192 = arith.constant 0 : i32
    %dma_wait3A_193 = arith.constant 0 : i32
    %dma_wait3A_194 = tpu.memref_slice %arg3[%dma_wait3A_181, %dma_wait3A_191, %dma_wait3A_192, %dma_wait3A_193] : memref<2x32x125x80xi32, #tpu.memory_space<hbm>> -> memref<1x32x125x80xi32, #tpu.memory_space<hbm>>
    %dma_wait3A_195 = tpu.memref_squeeze %dma_wait3A_194 : memref<1x32x125x80xi32, #tpu.memory_space<hbm>> -> memref<32x125x80xi32, #tpu.memory_space<hbm>>
    %dma_wait3A_196 = arith.constant 0 : i32
    %dma_wait3A_197 = arith.constant 0 : i32
    %dma_wait3A_198 = tpu.memref_slice %dma_wait3A_195[%add3A, %dma_wait3A_196, %dma_wait3A_197] : memref<32x125x80xi32, #tpu.memory_space<hbm>> -> memref<1x125x80xi32, #tpu.memory_space<hbm>>
    %dma_wait3A_199 = tpu.memref_squeeze %dma_wait3A_198 : memref<1x125x80xi32, #tpu.memory_space<hbm>> -> memref<125x80xi32, #tpu.memory_space<hbm>>
    tpu.wait_dma2 semaphore(%arg18 : memref<!tpu.dma_semaphore, #tpu.memory_space<semaphore_mem>>) src(%dma_wait3A_199 : memref<125x80xi32, #tpu.memory_space<hbm>>) dst(%arg6 : memref<125x80xi32, #tpu.memory_space<vmem>>)
    %dma_start3A_200 = arith.constant 0 : i32
    %dma_start3A_201 = arith.constant 0 : i32
    %dma_start3A_202 = tpu.memref_slice %arg5[%dma_start3A_200, %dma_start3A_201] : memref<125x80xi32, #tpu.memory_space<vmem>> -> memref<1x80xi32, #tpu.memory_space<vmem>>
    %dma_start3A_203 = tpu.memref_squeeze %dma_start3A_202 : memref<1x80xi32, #tpu.memory_space<vmem>> -> memref<80xi32, #tpu.memory_space<vmem>>
    %dma_start3A_204 = arith.constant 0 : i32
    %dma_start3A_205 = arith.constant 0 : i32
    %dma_start3A_206 = tpu.memref_slice %arg2[%dma_start3A_204, %dma_start3A_205] : memref<10000x64xf32, #tpu.memory_space<hbm>> -> memref<10000x64xf32, #tpu.memory_space<hbm>>
    tpu.enqueue_indirect_dma source(%dma_start3A_206 : memref<10000x64xf32, #tpu.memory_space<hbm>>) target(%arg8 : memref<80x64xf32, #tpu.memory_space<vmem>>) offsets(%dma_start3A_203 : memref<80xi32, #tpu.memory_space<vmem>>) semaphore(%arg18 : memref<!tpu.dma_semaphore, #tpu.memory_space<semaphore_mem>>)
    %dma_start3A_207 = arith.constant 1 : i32
    %dma_start3A_208 = arith.constant 0 : i32
    %dma_start3A_209 = tpu.memref_slice %arg5[%dma_start3A_207, %dma_start3A_208] : memref<125x80xi32, #tpu.memory_space<vmem>> -> memref<1x80xi32, #tpu.memory_space<vmem>>
    %dma_start3A_210 = tpu.memref_squeeze %dma_start3A_209 : memref<1x80xi32, #tpu.memory_space<vmem>> -> memref<80xi32, #tpu.memory_space<vmem>>
    %dma_start3A_211 = arith.constant 0 : i32
    %dma_start3A_212 = arith.constant 0 : i32
    %dma_start3A_213 = tpu.memref_slice %arg2[%dma_start3A_211, %dma_start3A_212] : memref<10000x64xf32, #tpu.memory_space<hbm>> -> memref<10000x64xf32, #tpu.memory_space<hbm>>
    tpu.enqueue_indirect_dma source(%dma_start3A_213 : memref<10000x64xf32, #tpu.memory_space<hbm>>) target(%arg9 : memref<80x64xf32, #tpu.memory_space<vmem>>) offsets(%dma_start3A_210 : memref<80xi32, #tpu.memory_space<vmem>>) semaphore(%arg18 : memref<!tpu.dma_semaphore, #tpu.memory_space<semaphore_mem>>)
    %dma_start3A_214 = arith.constant 2 : i32
    %dma_start3A_215 = arith.constant 0 : i32
    %dma_start3A_216 = tpu.memref_slice %arg5[%dma_start3A_214, %dma_start3A_215] : memref<125x80xi32, #tpu.memory_space<vmem>> -> memref<1x80xi32, #tpu.memory_space<vmem>>
    %dma_start3A_217 = tpu.memref_squeeze %dma_start3A_216 : memref<1x80xi32, #tpu.memory_space<vmem>> -> memref<80xi32, #tpu.memory_space<vmem>>
    %dma_start3A_218 = arith.constant 0 : i32
    %dma_start3A_219 = arith.constant 0 : i32
    %dma_start3A_220 = tpu.memref_slice %arg2[%dma_start3A_218, %dma_start3A_219] : memref<10000x64xf32, #tpu.memory_space<hbm>> -> memref<10000x64xf32, #tpu.memory_space<hbm>>
    tpu.enqueue_indirect_dma source(%dma_start3A_220 : memref<10000x64xf32, #tpu.memory_space<hbm>>) target(%arg10 : memref<80x64xf32, #tpu.memory_space<vmem>>) offsets(%dma_start3A_217 : memref<80xi32, #tpu.memory_space<vmem>>) semaphore(%arg18 : memref<!tpu.dma_semaphore, #tpu.memory_space<semaphore_mem>>)
    %dma_start3A_221 = arith.constant 3 : i32
    %dma_start3A_222 = arith.constant 0 : i32
    %dma_start3A_223 = tpu.memref_slice %arg5[%dma_start3A_221, %dma_start3A_222] : memref<125x80xi32, #tpu.memory_space<vmem>> -> memref<1x80xi32, #tpu.memory_space<vmem>>
    %dma_start3A_224 = tpu.memref_squeeze %dma_start3A_223 : memref<1x80xi32, #tpu.memory_space<vmem>> -> memref<80xi32, #tpu.memory_space<vmem>>
    %dma_start3A_225 = arith.constant 0 : i32
    %dma_start3A_226 = arith.constant 0 : i32
    %dma_start3A_227 = tpu.memref_slice %arg2[%dma_start3A_225, %dma_start3A_226] : memref<10000x64xf32, #tpu.memory_space<hbm>> -> memref<10000x64xf32, #tpu.memory_space<hbm>>
    tpu.enqueue_indirect_dma source(%dma_start3A_227 : memref<10000x64xf32, #tpu.memory_space<hbm>>) target(%arg11 : memref<80x64xf32, #tpu.memory_space<vmem>>) offsets(%dma_start3A_224 : memref<80xi32, #tpu.memory_space<vmem>>) semaphore(%arg18 : memref<!tpu.dma_semaphore, #tpu.memory_space<semaphore_mem>>)
    %dma_start3A_228 = arith.constant 4 : i32
    %dma_start3A_229 = arith.constant 0 : i32
    %dma_start3A_230 = tpu.memref_slice %arg5[%dma_start3A_228, %dma_start3A_229] : memref<125x80xi32, #tpu.memory_space<vmem>> -> memref<1x80xi32, #tpu.memory_space<vmem>>
    %dma_start3A_231 = tpu.memref_squeeze %dma_start3A_230 : memref<1x80xi32, #tpu.memory_space<vmem>> -> memref<80xi32, #tpu.memory_space<vmem>>
    %dma_start3A_232 = arith.constant 0 : i32
    %dma_start3A_233 = arith.constant 0 : i32
    %dma_start3A_234 = tpu.memref_slice %arg2[%dma_start3A_232, %dma_start3A_233] : memref<10000x64xf32, #tpu.memory_space<hbm>> -> memref<10000x64xf32, #tpu.memory_space<hbm>>
    tpu.enqueue_indirect_dma source(%dma_start3A_234 : memref<10000x64xf32, #tpu.memory_space<hbm>>) target(%arg12 : memref<80x64xf32, #tpu.memory_space<vmem>>) offsets(%dma_start3A_231 : memref<80xi32, #tpu.memory_space<vmem>>) semaphore(%arg18 : memref<!tpu.dma_semaphore, #tpu.memory_space<semaphore_mem>>)
    %scan3A_235 = arith.constant 0 : i32
    %scan3A_236 = arith.constant 0 : i32
    %scan3A_237 = arith.constant 12 : i32
    %scan3A_238 = arith.addi %scan3A_236, %scan3A_237 : i32
    %scan3A_239 = arith.constant 1 : i32
    scf.for %scan3A_843 = %scan3A_236 to %scan3A_238 step %scan3A_239  : i32 {
      %mul3A_844 = arith.constant 2 : i32
      %mul3A_845 = arith.muli %mul3A_844, %scan3A_843 : i32
      %dma_wait3A_846 = arith.constant 0 : i32
      %dma_wait3A_847 = arith.constant 0 : i32
      %dma_wait3A_848 = tpu.memref_slice %arg5[%dma_wait3A_846, %dma_wait3A_847] : memref<125x80xi32, #tpu.memory_space<vmem>> -> memref<1x80xi32, #tpu.memory_space<vmem>>
      %dma_wait3A_849 = tpu.memref_squeeze %dma_wait3A_848 : memref<1x80xi32, #tpu.memory_space<vmem>> -> memref<80xi32, #tpu.memory_space<vmem>>
      %dma_wait3A_850 = arith.constant 0 : i32
      %dma_wait3A_851 = arith.constant 0 : i32
      %dma_wait3A_852 = tpu.memref_slice %arg2[%dma_wait3A_850, %dma_wait3A_851] : memref<10000x64xf32, #tpu.memory_space<hbm>> -> memref<10000x64xf32, #tpu.memory_space<hbm>>
      tpu.wait_indirect_dma semaphore(%arg18 : memref<!tpu.dma_semaphore, #tpu.memory_space<semaphore_mem>>) src(%dma_wait3A_852 : memref<10000x64xf32, #tpu.memory_space<hbm>>) dst(%arg8 : memref<80x64xf32, #tpu.memory_space<vmem>>)
      %dma_wait3A_853 = arith.constant 0 : i32
      %dma_wait3A_854 = arith.constant 0 : i32
      %dma_wait3A_855 = tpu.memref_slice %arg5[%dma_wait3A_853, %dma_wait3A_854] : memref<125x80xi32, #tpu.memory_space<vmem>> -> memref<1x80xi32, #tpu.memory_space<vmem>>
      %dma_wait3A_856 = tpu.memref_squeeze %dma_wait3A_855 : memref<1x80xi32, #tpu.memory_space<vmem>> -> memref<80xi32, #tpu.memory_space<vmem>>
      %dma_wait3A_857 = arith.constant 0 : i32
      %dma_wait3A_858 = arith.constant 0 : i32
      %dma_wait3A_859 = tpu.memref_slice %arg2[%dma_wait3A_857, %dma_wait3A_858] : memref<10000x64xf32, #tpu.memory_space<hbm>> -> memref<10000x64xf32, #tpu.memory_space<hbm>>
      tpu.wait_indirect_dma semaphore(%arg18 : memref<!tpu.dma_semaphore, #tpu.memory_space<semaphore_mem>>) src(%dma_wait3A_859 : memref<10000x64xf32, #tpu.memory_space<hbm>>) dst(%arg9 : memref<80x64xf32, #tpu.memory_space<vmem>>)
      %dma_wait3A_860 = arith.constant 0 : i32
      %dma_wait3A_861 = arith.constant 0 : i32
      %dma_wait3A_862 = tpu.memref_slice %arg5[%dma_wait3A_860, %dma_wait3A_861] : memref<125x80xi32, #tpu.memory_space<vmem>> -> memref<1x80xi32, #tpu.memory_space<vmem>>
      %dma_wait3A_863 = tpu.memref_squeeze %dma_wait3A_862 : memref<1x80xi32, #tpu.memory_space<vmem>> -> memref<80xi32, #tpu.memory_space<vmem>>
      %dma_wait3A_864 = arith.constant 0 : i32
      %dma_wait3A_865 = arith.constant 0 : i32
      %dma_wait3A_866 = tpu.memref_slice %arg2[%dma_wait3A_864, %dma_wait3A_865] : memref<10000x64xf32, #tpu.memory_space<hbm>> -> memref<10000x64xf32, #tpu.memory_space<hbm>>
      tpu.wait_indirect_dma semaphore(%arg18 : memref<!tpu.dma_semaphore, #tpu.memory_space<semaphore_mem>>) src(%dma_wait3A_866 : memref<10000x64xf32, #tpu.memory_space<hbm>>) dst(%arg10 : memref<80x64xf32, #tpu.memory_space<vmem>>)
      %dma_wait3A_867 = arith.constant 0 : i32
      %dma_wait3A_868 = arith.constant 0 : i32
      %dma_wait3A_869 = tpu.memref_slice %arg5[%dma_wait3A_867, %dma_wait3A_868] : memref<125x80xi32, #tpu.memory_space<vmem>> -> memref<1x80xi32, #tpu.memory_space<vmem>>
      %dma_wait3A_870 = tpu.memref_squeeze %dma_wait3A_869 : memref<1x80xi32, #tpu.memory_space<vmem>> -> memref<80xi32, #tpu.memory_space<vmem>>
      %dma_wait3A_871 = arith.constant 0 : i32
      %dma_wait3A_872 = arith.constant 0 : i32
      %dma_wait3A_873 = tpu.memref_slice %arg2[%dma_wait3A_871, %dma_wait3A_872] : memref<10000x64xf32, #tpu.memory_space<hbm>> -> memref<10000x64xf32, #tpu.memory_space<hbm>>
      tpu.wait_indirect_dma semaphore(%arg18 : memref<!tpu.dma_semaphore, #tpu.memory_space<semaphore_mem>>) src(%dma_wait3A_873 : memref<10000x64xf32, #tpu.memory_space<hbm>>) dst(%arg11 : memref<80x64xf32, #tpu.memory_space<vmem>>)
      %dma_wait3A_874 = arith.constant 0 : i32
      %dma_wait3A_875 = arith.constant 0 : i32
      %dma_wait3A_876 = tpu.memref_slice %arg5[%dma_wait3A_874, %dma_wait3A_875] : memref<125x80xi32, #tpu.memory_space<vmem>> -> memref<1x80xi32, #tpu.memory_space<vmem>>
      %dma_wait3A_877 = tpu.memref_squeeze %dma_wait3A_876 : memref<1x80xi32, #tpu.memory_space<vmem>> -> memref<80xi32, #tpu.memory_space<vmem>>
      %dma_wait3A_878 = arith.constant 0 : i32
      %dma_wait3A_879 = arith.constant 0 : i32
      %dma_wait3A_880 = tpu.memref_slice %arg2[%dma_wait3A_878, %dma_wait3A_879] : memref<10000x64xf32, #tpu.memory_space<hbm>> -> memref<10000x64xf32, #tpu.memory_space<hbm>>
      tpu.wait_indirect_dma semaphore(%arg18 : memref<!tpu.dma_semaphore, #tpu.memory_space<semaphore_mem>>) src(%dma_wait3A_880 : memref<10000x64xf32, #tpu.memory_space<hbm>>) dst(%arg12 : memref<80x64xf32, #tpu.memory_space<vmem>>)
      %add3A_881 = arith.constant 1 : i32
      %add3A_882 = arith.addi %mul3A_845, %add3A_881 : i32
      %mul3A_883 = arith.constant 5 : i32
      %mul3A_884 = arith.muli %add3A_882, %mul3A_883 : i32
      %add3A_885 = arith.constant 0 : i32
      %add3A_886 = arith.addi %mul3A_884, %add3A_885 : i32
      %dma_start3A_887 = arith.constant 0 : i32
      %dma_start3A_888 = tpu.memref_slice %arg5[%add3A_886, %dma_start3A_887] : memref<125x80xi32, #tpu.memory_space<vmem>> -> memref<1x80xi32, #tpu.memory_space<vmem>>
      %dma_start3A_889 = tpu.memref_squeeze %dma_start3A_888 : memref<1x80xi32, #tpu.memory_space<vmem>> -> memref<80xi32, #tpu.memory_space<vmem>>
      %dma_start3A_890 = arith.constant 0 : i32
      %dma_start3A_891 = arith.constant 0 : i32
      %dma_start3A_892 = tpu.memref_slice %arg2[%dma_start3A_890, %dma_start3A_891] : memref<10000x64xf32, #tpu.memory_space<hbm>> -> memref<10000x64xf32, #tpu.memory_space<hbm>>
      tpu.enqueue_indirect_dma source(%dma_start3A_892 : memref<10000x64xf32, #tpu.memory_space<hbm>>) target(%arg13 : memref<80x64xf32, #tpu.memory_space<vmem>>) offsets(%dma_start3A_889 : memref<80xi32, #tpu.memory_space<vmem>>) semaphore(%arg18 : memref<!tpu.dma_semaphore, #tpu.memory_space<semaphore_mem>>)
      %mul3A_893 = arith.constant 5 : i32
      %mul3A_894 = arith.muli %add3A_882, %mul3A_893 : i32
      %add3A_895 = arith.constant 1 : i32
      %add3A_896 = arith.addi %mul3A_894, %add3A_895 : i32
      %dma_start3A_897 = arith.constant 0 : i32
      %dma_start3A_898 = tpu.memref_slice %arg5[%add3A_896, %dma_start3A_897] : memref<125x80xi32, #tpu.memory_space<vmem>> -> memref<1x80xi32, #tpu.memory_space<vmem>>
      %dma_start3A_899 = tpu.memref_squeeze %dma_start3A_898 : memref<1x80xi32, #tpu.memory_space<vmem>> -> memref<80xi32, #tpu.memory_space<vmem>>
      %dma_start3A_900 = arith.constant 0 : i32
      %dma_start3A_901 = arith.constant 0 : i32
      %dma_start3A_902 = tpu.memref_slice %arg2[%dma_start3A_900, %dma_start3A_901] : memref<10000x64xf32, #tpu.memory_space<hbm>> -> memref<10000x64xf32, #tpu.memory_space<hbm>>
      tpu.enqueue_indirect_dma source(%dma_start3A_902 : memref<10000x64xf32, #tpu.memory_space<hbm>>) target(%arg14 : memref<80x64xf32, #tpu.memory_space<vmem>>) offsets(%dma_start3A_899 : memref<80xi32, #tpu.memory_space<vmem>>) semaphore(%arg18 : memref<!tpu.dma_semaphore, #tpu.memory_space<semaphore_mem>>)
      %mul3A_903 = arith.constant 5 : i32
      %mul3A_904 = arith.muli %add3A_882, %mul3A_903 : i32
      %add3A_905 = arith.constant 2 : i32
      %add3A_906 = arith.addi %mul3A_904, %add3A_905 : i32
      %dma_start3A_907 = arith.constant 0 : i32
      %dma_start3A_908 = tpu.memref_slice %arg5[%add3A_906, %dma_start3A_907] : memref<125x80xi32, #tpu.memory_space<vmem>> -> memref<1x80xi32, #tpu.memory_space<vmem>>
      %dma_start3A_909 = tpu.memref_squeeze %dma_start3A_908 : memref<1x80xi32, #tpu.memory_space<vmem>> -> memref<80xi32, #tpu.memory_space<vmem>>
      %dma_start3A_910 = arith.constant 0 : i32
      %dma_start3A_911 = arith.constant 0 : i32
      %dma_start3A_912 = tpu.memref_slice %arg2[%dma_start3A_910, %dma_start3A_911] : memref<10000x64xf32, #tpu.memory_space<hbm>> -> memref<10000x64xf32, #tpu.memory_space<hbm>>
      tpu.enqueue_indirect_dma source(%dma_start3A_912 : memref<10000x64xf32, #tpu.memory_space<hbm>>) target(%arg15 : memref<80x64xf32, #tpu.memory_space<vmem>>) offsets(%dma_start3A_909 : memref<80xi32, #tpu.memory_space<vmem>>) semaphore(%arg18 : memref<!tpu.dma_semaphore, #tpu.memory_space<semaphore_mem>>)
      %mul3A_913 = arith.constant 5 : i32
      %mul3A_914 = arith.muli %add3A_882, %mul3A_913 : i32
      %add3A_915 = arith.constant 3 : i32
      %add3A_916 = arith.addi %mul3A_914, %add3A_915 : i32
      %dma_start3A_917 = arith.constant 0 : i32
      %dma_start3A_918 = tpu.memref_slice %arg5[%add3A_916, %dma_start3A_917] : memref<125x80xi32, #tpu.memory_space<vmem>> -> memref<1x80xi32, #tpu.memory_space<vmem>>
      %dma_start3A_919 = tpu.memref_squeeze %dma_start3A_918 : memref<1x80xi32, #tpu.memory_space<vmem>> -> memref<80xi32, #tpu.memory_space<vmem>>
      %dma_start3A_920 = arith.constant 0 : i32
      %dma_start3A_921 = arith.constant 0 : i32
      %dma_start3A_922 = tpu.memref_slice %arg2[%dma_start3A_920, %dma_start3A_921] : memref<10000x64xf32, #tpu.memory_space<hbm>> -> memref<10000x64xf32, #tpu.memory_space<hbm>>
      tpu.enqueue_indirect_dma source(%dma_start3A_922 : memref<10000x64xf32, #tpu.memory_space<hbm>>) target(%arg16 : memref<80x64xf32, #tpu.memory_space<vmem>>) offsets(%dma_start3A_919 : memref<80xi32, #tpu.memory_space<vmem>>) semaphore(%arg18 : memref<!tpu.dma_semaphore, #tpu.memory_space<semaphore_mem>>)
      %mul3A_923 = arith.constant 5 : i32
      %mul3A_924 = arith.muli %add3A_882, %mul3A_923 : i32
      %add3A_925 = arith.constant 4 : i32
      %add3A_926 = arith.addi %mul3A_924, %add3A_925 : i32
      %dma_start3A_927 = arith.constant 0 : i32
      %dma_start3A_928 = tpu.memref_slice %arg5[%add3A_926, %dma_start3A_927] : memref<125x80xi32, #tpu.memory_space<vmem>> -> memref<1x80xi32, #tpu.memory_space<vmem>>
      %dma_start3A_929 = tpu.memref_squeeze %dma_start3A_928 : memref<1x80xi32, #tpu.memory_space<vmem>> -> memref<80xi32, #tpu.memory_space<vmem>>
      %dma_start3A_930 = arith.constant 0 : i32
      %dma_start3A_931 = arith.constant 0 : i32
      %dma_start3A_932 = tpu.memref_slice %arg2[%dma_start3A_930, %dma_start3A_931] : memref<10000x64xf32, #tpu.memory_space<hbm>> -> memref<10000x64xf32, #tpu.memory_space<hbm>>
      tpu.enqueue_indirect_dma source(%dma_start3A_932 : memref<10000x64xf32, #tpu.memory_space<hbm>>) target(%arg17 : memref<80x64xf32, #tpu.memory_space<vmem>>) offsets(%dma_start3A_929 : memref<80xi32, #tpu.memory_space<vmem>>) semaphore(%arg18 : memref<!tpu.dma_semaphore, #tpu.memory_space<semaphore_mem>>)
      %mul3A_933 = arith.constant 5 : i32
      %mul3A_934 = arith.muli %mul3A_845, %mul3A_933 : i32
      %add3A_935 = arith.constant 0 : i32
      %add3A_936 = arith.addi %mul3A_934, %add3A_935 : i32
      %dma_start3A_937 = arith.constant 0 : i32
      %dma_start3A_938 = tpu.memref_slice %arg6[%add3A_936, %dma_start3A_937] : memref<125x80xi32, #tpu.memory_space<vmem>> -> memref<1x80xi32, #tpu.memory_space<vmem>>
      %dma_start3A_939 = tpu.memref_squeeze %dma_start3A_938 : memref<1x80xi32, #tpu.memory_space<vmem>> -> memref<80xi32, #tpu.memory_space<vmem>>
      %dma_start3A_940 = arith.constant 0 : i32
      %dma_start3A_941 = arith.constant 0 : i32
      %dma_start3A_942 = tpu.memref_slice %arg20[%dma_start3A_940, %dma_start3A_941] : memref<10240x64xf32, #tpu.memory_space<vmem_shared>> -> memref<10240x64xf32, #tpu.memory_space<vmem_shared>>
      tpu.enqueue_indirect_dma source(%arg8 : memref<80x64xf32, #tpu.memory_space<vmem>>) target(%dma_start3A_942 : memref<10240x64xf32, #tpu.memory_space<vmem_shared>>) offsets(%dma_start3A_939 : memref<80xi32, #tpu.memory_space<vmem>>) semaphore(%arg19 : memref<!tpu.dma_semaphore, #tpu.memory_space<semaphore_mem>>) {add = true}
      %mul3A_943 = arith.constant 5 : i32
      %mul3A_944 = arith.muli %mul3A_845, %mul3A_943 : i32
      %add3A_945 = arith.constant 1 : i32
      %add3A_946 = arith.addi %mul3A_944, %add3A_945 : i32
      %dma_start3A_947 = arith.constant 0 : i32
      %dma_start3A_948 = tpu.memref_slice %arg6[%add3A_946, %dma_start3A_947] : memref<125x80xi32, #tpu.memory_space<vmem>> -> memref<1x80xi32, #tpu.memory_space<vmem>>
      %dma_start3A_949 = tpu.memref_squeeze %dma_start3A_948 : memref<1x80xi32, #tpu.memory_space<vmem>> -> memref<80xi32, #tpu.memory_space<vmem>>
      %dma_start3A_950 = arith.constant 0 : i32
      %dma_start3A_951 = arith.constant 0 : i32
      %dma_start3A_952 = tpu.memref_slice %arg20[%dma_start3A_950, %dma_start3A_951] : memref<10240x64xf32, #tpu.memory_space<vmem_shared>> -> memref<10240x64xf32, #tpu.memory_space<vmem_shared>>
      tpu.enqueue_indirect_dma source(%arg9 : memref<80x64xf32, #tpu.memory_space<vmem>>) target(%dma_start3A_952 : memref<10240x64xf32, #tpu.memory_space<vmem_shared>>) offsets(%dma_start3A_949 : memref<80xi32, #tpu.memory_space<vmem>>) semaphore(%arg19 : memref<!tpu.dma_semaphore, #tpu.memory_space<semaphore_mem>>) {add = true}
      %mul3A_953 = arith.constant 5 : i32
      %mul3A_954 = arith.muli %mul3A_845, %mul3A_953 : i32
      %add3A_955 = arith.constant 2 : i32
      %add3A_956 = arith.addi %mul3A_954, %add3A_955 : i32
      %dma_start3A_957 = arith.constant 0 : i32
      %dma_start3A_958 = tpu.memref_slice %arg6[%add3A_956, %dma_start3A_957] : memref<125x80xi32, #tpu.memory_space<vmem>> -> memref<1x80xi32, #tpu.memory_space<vmem>>
      %dma_start3A_959 = tpu.memref_squeeze %dma_start3A_958 : memref<1x80xi32, #tpu.memory_space<vmem>> -> memref<80xi32, #tpu.memory_space<vmem>>
      %dma_start3A_960 = arith.constant 0 : i32
      %dma_start3A_961 = arith.constant 0 : i32
      %dma_start3A_962 = tpu.memref_slice %arg20[%dma_start3A_960, %dma_start3A_961] : memref<10240x64xf32, #tpu.memory_space<vmem_shared>> -> memref<10240x64xf32, #tpu.memory_space<vmem_shared>>
      tpu.enqueue_indirect_dma source(%arg10 : memref<80x64xf32, #tpu.memory_space<vmem>>) target(%dma_start3A_962 : memref<10240x64xf32, #tpu.memory_space<vmem_shared>>) offsets(%dma_start3A_959 : memref<80xi32, #tpu.memory_space<vmem>>) semaphore(%arg19 : memref<!tpu.dma_semaphore, #tpu.memory_space<semaphore_mem>>) {add = true}
      %mul3A_963 = arith.constant 5 : i32
      %mul3A_964 = arith.muli %mul3A_845, %mul3A_963 : i32
      %add3A_965 = arith.constant 3 : i32
      %add3A_966 = arith.addi %mul3A_964, %add3A_965 : i32
      %dma_start3A_967 = arith.constant 0 : i32
      %dma_start3A_968 = tpu.memref_slice %arg6[%add3A_966, %dma_start3A_967] : memref<125x80xi32, #tpu.memory_space<vmem>> -> memref<1x80xi32, #tpu.memory_space<vmem>>
      %dma_start3A_969 = tpu.memref_squeeze %dma_start3A_968 : memref<1x80xi32, #tpu.memory_space<vmem>> -> memref<80xi32, #tpu.memory_space<vmem>>
      %dma_start3A_970 = arith.constant 0 : i32
      %dma_start3A_971 = arith.constant 0 : i32
      %dma_start3A_972 = tpu.memref_slice %arg20[%dma_start3A_970, %dma_start3A_971] : memref<10240x64xf32, #tpu.memory_space<vmem_shared>> -> memref<10240x64xf32, #tpu.memory_space<vmem_shared>>
      tpu.enqueue_indirect_dma source(%arg11 : memref<80x64xf32, #tpu.memory_space<vmem>>) target(%dma_start3A_972 : memref<10240x64xf32, #tpu.memory_space<vmem_shared>>) offsets(%dma_start3A_969 : memref<80xi32, #tpu.memory_space<vmem>>) semaphore(%arg19 : memref<!tpu.dma_semaphore, #tpu.memory_space<semaphore_mem>>) {add = true}
      %mul3A_973 = arith.constant 5 : i32
      %mul3A_974 = arith.muli %mul3A_845, %mul3A_973 : i32
      %add3A_975 = arith.constant 4 : i32
      %add3A_976 = arith.addi %mul3A_974, %add3A_975 : i32
      %dma_start3A_977 = arith.constant 0 : i32
      %dma_start3A_978 = tpu.memref_slice %arg6[%add3A_976, %dma_start3A_977] : memref<125x80xi32, #tpu.memory_space<vmem>> -> memref<1x80xi32, #tpu.memory_space<vmem>>
      %dma_start3A_979 = tpu.memref_squeeze %dma_start3A_978 : memref<1x80xi32, #tpu.memory_space<vmem>> -> memref<80xi32, #tpu.memory_space<vmem>>
      %dma_start3A_980 = arith.constant 0 : i32
      %dma_start3A_981 = arith.constant 0 : i32
      %dma_start3A_982 = tpu.memref_slice %arg20[%dma_start3A_980, %dma_start3A_981] : memref<10240x64xf32, #tpu.memory_space<vmem_shared>> -> memref<10240x64xf32, #tpu.memory_space<vmem_shared>>
      tpu.enqueue_indirect_dma source(%arg12 : memref<80x64xf32, #tpu.memory_space<vmem>>) target(%dma_start3A_982 : memref<10240x64xf32, #tpu.memory_space<vmem_shared>>) offsets(%dma_start3A_979 : memref<80xi32, #tpu.memory_space<vmem>>) semaphore(%arg19 : memref<!tpu.dma_semaphore, #tpu.memory_space<semaphore_mem>>) {add = true}
      %dma_wait3A_983 = arith.constant 0 : i32
      %dma_wait3A_984 = arith.constant 0 : i32
      %dma_wait3A_985 = tpu.memref_slice %arg6[%dma_wait3A_983, %dma_wait3A_984] : memref<125x80xi32, #tpu.memory_space<vmem>> -> memref<1x80xi32, #tpu.memory_space<vmem>>
      %dma_wait3A_986 = tpu.memref_squeeze %dma_wait3A_985 : memref<1x80xi32, #tpu.memory_space<vmem>> -> memref<80xi32, #tpu.memory_space<vmem>>
      %dma_wait3A_987 = arith.constant 0 : i32
      %dma_wait3A_988 = arith.constant 0 : i32
      %dma_wait3A_989 = tpu.memref_slice %arg20[%dma_wait3A_987, %dma_wait3A_988] : memref<10240x64xf32, #tpu.memory_space<vmem_shared>> -> memref<10240x64xf32, #tpu.memory_space<vmem_shared>>
      tpu.wait_indirect_dma semaphore(%arg19 : memref<!tpu.dma_semaphore, #tpu.memory_space<semaphore_mem>>) src(%arg8 : memref<80x64xf32, #tpu.memory_space<vmem>>) dst(%dma_wait3A_989 : memref<10240x64xf32, #tpu.memory_space<vmem_shared>>)
      %dma_wait3A_990 = arith.constant 0 : i32
      %dma_wait3A_991 = arith.constant 0 : i32
      %dma_wait3A_992 = tpu.memref_slice %arg6[%dma_wait3A_990, %dma_wait3A_991] : memref<125x80xi32, #tpu.memory_space<vmem>> -> memref<1x80xi32, #tpu.memory_space<vmem>>
      %dma_wait3A_993 = tpu.memref_squeeze %dma_wait3A_992 : memref<1x80xi32, #tpu.memory_space<vmem>> -> memref<80xi32, #tpu.memory_space<vmem>>
      %dma_wait3A_994 = arith.constant 0 : i32
      %dma_wait3A_995 = arith.constant 0 : i32
      %dma_wait3A_996 = tpu.memref_slice %arg20[%dma_wait3A_994, %dma_wait3A_995] : memref<10240x64xf32, #tpu.memory_space<vmem_shared>> -> memref<10240x64xf32, #tpu.memory_space<vmem_shared>>
      tpu.wait_indirect_dma semaphore(%arg19 : memref<!tpu.dma_semaphore, #tpu.memory_space<semaphore_mem>>) src(%arg9 : memref<80x64xf32, #tpu.memory_space<vmem>>) dst(%dma_wait3A_996 : memref<10240x64xf32, #tpu.memory_space<vmem_shared>>)
      %dma_wait3A_997 = arith.constant 0 : i32
      %dma_wait3A_998 = arith.constant 0 : i32
      %dma_wait3A_999 = tpu.memref_slice %arg6[%dma_wait3A_997, %dma_wait3A_998] : memref<125x80xi32, #tpu.memory_space<vmem>> -> memref<1x80xi32, #tpu.memory_space<vmem>>
      %dma_wait3A_1000 = tpu.memref_squeeze %dma_wait3A_999 : memref<1x80xi32, #tpu.memory_space<vmem>> -> memref<80xi32, #tpu.memory_space<vmem>>
      %dma_wait3A_1001 = arith.constant 0 : i32
      %dma_wait3A_1002 = arith.constant 0 : i32
      %dma_wait3A_1003 = tpu.memref_slice %arg20[%dma_wait3A_1001, %dma_wait3A_1002] : memref<10240x64xf32, #tpu.memory_space<vmem_shared>> -> memref<10240x64xf32, #tpu.memory_space<vmem_shared>>
      tpu.wait_indirect_dma semaphore(%arg19 : memref<!tpu.dma_semaphore, #tpu.memory_space<semaphore_mem>>) src(%arg10 : memref<80x64xf32, #tpu.memory_space<vmem>>) dst(%dma_wait3A_1003 : memref<10240x64xf32, #tpu.memory_space<vmem_shared>>)
      %dma_wait3A_1004 = arith.constant 0 : i32
      %dma_wait3A_1005 = arith.constant 0 : i32
      %dma_wait3A_1006 = tpu.memref_slice %arg6[%dma_wait3A_1004, %dma_wait3A_1005] : memref<125x80xi32, #tpu.memory_space<vmem>> -> memref<1x80xi32, #tpu.memory_space<vmem>>
      %dma_wait3A_1007 = tpu.memref_squeeze %dma_wait3A_1006 : memref<1x80xi32, #tpu.memory_space<vmem>> -> memref<80xi32, #tpu.memory_space<vmem>>
      %dma_wait3A_1008 = arith.constant 0 : i32
      %dma_wait3A_1009 = arith.constant 0 : i32
      %dma_wait3A_1010 = tpu.memref_slice %arg20[%dma_wait3A_1008, %dma_wait3A_1009] : memref<10240x64xf32, #tpu.memory_space<vmem_shared>> -> memref<10240x64xf32, #tpu.memory_space<vmem_shared>>
      tpu.wait_indirect_dma semaphore(%arg19 : memref<!tpu.dma_semaphore, #tpu.memory_space<semaphore_mem>>) src(%arg11 : memref<80x64xf32, #tpu.memory_space<vmem>>) dst(%dma_wait3A_1010 : memref<10240x64xf32, #tpu.memory_space<vmem_shared>>)
      %dma_wait3A_1011 = arith.constant 0 : i32
      %dma_wait3A_1012 = arith.constant 0 : i32
      %dma_wait3A_1013 = tpu.memref_slice %arg6[%dma_wait3A_1011, %dma_wait3A_1012] : memref<125x80xi32, #tpu.memory_space<vmem>> -> memref<1x80xi32, #tpu.memory_space<vmem>>
      %dma_wait3A_1014 = tpu.memref_squeeze %dma_wait3A_1013 : memref<1x80xi32, #tpu.memory_space<vmem>> -> memref<80xi32, #tpu.memory_space<vmem>>
      %dma_wait3A_1015 = arith.constant 0 : i32
      %dma_wait3A_1016 = arith.constant 0 : i32
      %dma_wait3A_1017 = tpu.memref_slice %arg20[%dma_wait3A_1015, %dma_wait3A_1016] : memref<10240x64xf32, #tpu.memory_space<vmem_shared>> -> memref<10240x64xf32, #tpu.memory_space<vmem_shared>>
      tpu.wait_indirect_dma semaphore(%arg19 : memref<!tpu.dma_semaphore, #tpu.memory_space<semaphore_mem>>) src(%arg12 : memref<80x64xf32, #tpu.memory_space<vmem>>) dst(%dma_wait3A_1017 : memref<10240x64xf32, #tpu.memory_space<vmem_shared>>)
      %dma_wait3A_1018 = arith.constant 0 : i32
      %dma_wait3A_1019 = arith.constant 0 : i32
      %dma_wait3A_1020 = tpu.memref_slice %arg5[%dma_wait3A_1018, %dma_wait3A_1019] : memref<125x80xi32, #tpu.memory_space<vmem>> -> memref<1x80xi32, #tpu.memory_space<vmem>>
      %dma_wait3A_1021 = tpu.memref_squeeze %dma_wait3A_1020 : memref<1x80xi32, #tpu.memory_space<vmem>> -> memref<80xi32, #tpu.memory_space<vmem>>
      %dma_wait3A_1022 = arith.constant 0 : i32
      %dma_wait3A_1023 = arith.constant 0 : i32
      %dma_wait3A_1024 = tpu.memref_slice %arg2[%dma_wait3A_1022, %dma_wait3A_1023] : memref<10000x64xf32, #tpu.memory_space<hbm>> -> memref<10000x64xf32, #tpu.memory_space<hbm>>
      tpu.wait_indirect_dma semaphore(%arg18 : memref<!tpu.dma_semaphore, #tpu.memory_space<semaphore_mem>>) src(%dma_wait3A_1024 : memref<10000x64xf32, #tpu.memory_space<hbm>>) dst(%arg13 : memref<80x64xf32, #tpu.memory_space<vmem>>)
      %dma_wait3A_1025 = arith.constant 0 : i32
      %dma_wait3A_1026 = arith.constant 0 : i32
      %dma_wait3A_1027 = tpu.memref_slice %arg5[%dma_wait3A_1025, %dma_wait3A_1026] : memref<125x80xi32, #tpu.memory_space<vmem>> -> memref<1x80xi32, #tpu.memory_space<vmem>>
      %dma_wait3A_1028 = tpu.memref_squeeze %dma_wait3A_1027 : memref<1x80xi32, #tpu.memory_space<vmem>> -> memref<80xi32, #tpu.memory_space<vmem>>
      %dma_wait3A_1029 = arith.constant 0 : i32
      %dma_wait3A_1030 = arith.constant 0 : i32
      %dma_wait3A_1031 = tpu.memref_slice %arg2[%dma_wait3A_1029, %dma_wait3A_1030] : memref<10000x64xf32, #tpu.memory_space<hbm>> -> memref<10000x64xf32, #tpu.memory_space<hbm>>
      tpu.wait_indirect_dma semaphore(%arg18 : memref<!tpu.dma_semaphore, #tpu.memory_space<semaphore_mem>>) src(%dma_wait3A_1031 : memref<10000x64xf32, #tpu.memory_space<hbm>>) dst(%arg14 : memref<80x64xf32, #tpu.memory_space<vmem>>)
      %dma_wait3A_1032 = arith.constant 0 : i32
      %dma_wait3A_1033 = arith.constant 0 : i32
      %dma_wait3A_1034 = tpu.memref_slice %arg5[%dma_wait3A_1032, %dma_wait3A_1033] : memref<125x80xi32, #tpu.memory_space<vmem>> -> memref<1x80xi32, #tpu.memory_space<vmem>>
      %dma_wait3A_1035 = tpu.memref_squeeze %dma_wait3A_1034 : memref<1x80xi32, #tpu.memory_space<vmem>> -> memref<80xi32, #tpu.memory_space<vmem>>
      %dma_wait3A_1036 = arith.constant 0 : i32
      %dma_wait3A_1037 = arith.constant 0 : i32
      %dma_wait3A_1038 = tpu.memref_slice %arg2[%dma_wait3A_1036, %dma_wait3A_1037] : memref<10000x64xf32, #tpu.memory_space<hbm>> -> memref<10000x64xf32, #tpu.memory_space<hbm>>
      tpu.wait_indirect_dma semaphore(%arg18 : memref<!tpu.dma_semaphore, #tpu.memory_space<semaphore_mem>>) src(%dma_wait3A_1038 : memref<10000x64xf32, #tpu.memory_space<hbm>>) dst(%arg15 : memref<80x64xf32, #tpu.memory_space<vmem>>)
      %dma_wait3A_1039 = arith.constant 0 : i32
      %dma_wait3A_1040 = arith.constant 0 : i32
      %dma_wait3A_1041 = tpu.memref_slice %arg5[%dma_wait3A_1039, %dma_wait3A_1040] : memref<125x80xi32, #tpu.memory_space<vmem>> -> memref<1x80xi32, #tpu.memory_space<vmem>>
      %dma_wait3A_1042 = tpu.memref_squeeze %dma_wait3A_1041 : memref<1x80xi32, #tpu.memory_space<vmem>> -> memref<80xi32, #tpu.memory_space<vmem>>
      %dma_wait3A_1043 = arith.constant 0 : i32
      %dma_wait3A_1044 = arith.constant 0 : i32
      %dma_wait3A_1045 = tpu.memref_slice %arg2[%dma_wait3A_1043, %dma_wait3A_1044] : memref<10000x64xf32, #tpu.memory_space<hbm>> -> memref<10000x64xf32, #tpu.memory_space<hbm>>
      tpu.wait_indirect_dma semaphore(%arg18 : memref<!tpu.dma_semaphore, #tpu.memory_space<semaphore_mem>>) src(%dma_wait3A_1045 : memref<10000x64xf32, #tpu.memory_space<hbm>>) dst(%arg16 : memref<80x64xf32, #tpu.memory_space<vmem>>)
      %dma_wait3A_1046 = arith.constant 0 : i32
      %dma_wait3A_1047 = arith.constant 0 : i32
      %dma_wait3A_1048 = tpu.memref_slice %arg5[%dma_wait3A_1046, %dma_wait3A_1047] : memref<125x80xi32, #tpu.memory_space<vmem>> -> memref<1x80xi32, #tpu.memory_space<vmem>>
      %dma_wait3A_1049 = tpu.memref_squeeze %dma_wait3A_1048 : memref<1x80xi32, #tpu.memory_space<vmem>> -> memref<80xi32, #tpu.memory_space<vmem>>
      %dma_wait3A_1050 = arith.constant 0 : i32
      %dma_wait3A_1051 = arith.constant 0 : i32
      %dma_wait3A_1052 = tpu.memref_slice %arg2[%dma_wait3A_1050, %dma_wait3A_1051] : memref<10000x64xf32, #tpu.memory_space<hbm>> -> memref<10000x64xf32, #tpu.memory_space<hbm>>
      tpu.wait_indirect_dma semaphore(%arg18 : memref<!tpu.dma_semaphore, #tpu.memory_space<semaphore_mem>>) src(%dma_wait3A_1052 : memref<10000x64xf32, #tpu.memory_space<hbm>>) dst(%arg17 : memref<80x64xf32, #tpu.memory_space<vmem>>)
      %add3A_1053 = arith.constant 2 : i32
      %add3A_1054 = arith.addi %mul3A_845, %add3A_1053 : i32
      %mul3A_1055 = arith.constant 5 : i32
      %mul3A_1056 = arith.muli %add3A_1054, %mul3A_1055 : i32
      %add3A_1057 = arith.constant 0 : i32
      %add3A_1058 = arith.addi %mul3A_1056, %add3A_1057 : i32
      %dma_start3A_1059 = arith.constant 0 : i32
      %dma_start3A_1060 = tpu.memref_slice %arg5[%add3A_1058, %dma_start3A_1059] : memref<125x80xi32, #tpu.memory_space<vmem>> -> memref<1x80xi32, #tpu.memory_space<vmem>>
      %dma_start3A_1061 = tpu.memref_squeeze %dma_start3A_1060 : memref<1x80xi32, #tpu.memory_space<vmem>> -> memref<80xi32, #tpu.memory_space<vmem>>
      %dma_start3A_1062 = arith.constant 0 : i32
      %dma_start3A_1063 = arith.constant 0 : i32
      %dma_start3A_1064 = tpu.memref_slice %arg2[%dma_start3A_1062, %dma_start3A_1063] : memref<10000x64xf32, #tpu.memory_space<hbm>> -> memref<10000x64xf32, #tpu.memory_space<hbm>>
      tpu.enqueue_indirect_dma source(%dma_start3A_1064 : memref<10000x64xf32, #tpu.memory_space<hbm>>) target(%arg8 : memref<80x64xf32, #tpu.memory_space<vmem>>) offsets(%dma_start3A_1061 : memref<80xi32, #tpu.memory_space<vmem>>) semaphore(%arg18 : memref<!tpu.dma_semaphore, #tpu.memory_space<semaphore_mem>>)
      %mul3A_1065 = arith.constant 5 : i32
      %mul3A_1066 = arith.muli %add3A_1054, %mul3A_1065 : i32
      %add3A_1067 = arith.constant 1 : i32
      %add3A_1068 = arith.addi %mul3A_1066, %add3A_1067 : i32
      %dma_start3A_1069 = arith.constant 0 : i32
      %dma_start3A_1070 = tpu.memref_slice %arg5[%add3A_1068, %dma_start3A_1069] : memref<125x80xi32, #tpu.memory_space<vmem>> -> memref<1x80xi32, #tpu.memory_space<vmem>>
      %dma_start3A_1071 = tpu.memref_squeeze %dma_start3A_1070 : memref<1x80xi32, #tpu.memory_space<vmem>> -> memref<80xi32, #tpu.memory_space<vmem>>
      %dma_start3A_1072 = arith.constant 0 : i32
      %dma_start3A_1073 = arith.constant 0 : i32
      %dma_start3A_1074 = tpu.memref_slice %arg2[%dma_start3A_1072, %dma_start3A_1073] : memref<10000x64xf32, #tpu.memory_space<hbm>> -> memref<10000x64xf32, #tpu.memory_space<hbm>>
      tpu.enqueue_indirect_dma source(%dma_start3A_1074 : memref<10000x64xf32, #tpu.memory_space<hbm>>) target(%arg9 : memref<80x64xf32, #tpu.memory_space<vmem>>) offsets(%dma_start3A_1071 : memref<80xi32, #tpu.memory_space<vmem>>) semaphore(%arg18 : memref<!tpu.dma_semaphore, #tpu.memory_space<semaphore_mem>>)
      %mul3A_1075 = arith.constant 5 : i32
      %mul3A_1076 = arith.muli %add3A_1054, %mul3A_1075 : i32
      %add3A_1077 = arith.constant 2 : i32
      %add3A_1078 = arith.addi %mul3A_1076, %add3A_1077 : i32
      %dma_start3A_1079 = arith.constant 0 : i32
      %dma_start3A_1080 = tpu.memref_slice %arg5[%add3A_1078, %dma_start3A_1079] : memref<125x80xi32, #tpu.memory_space<vmem>> -> memref<1x80xi32, #tpu.memory_space<vmem>>
      %dma_start3A_1081 = tpu.memref_squeeze %dma_start3A_1080 : memref<1x80xi32, #tpu.memory_space<vmem>> -> memref<80xi32, #tpu.memory_space<vmem>>
      %dma_start3A_1082 = arith.constant 0 : i32
      %dma_start3A_1083 = arith.constant 0 : i32
      %dma_start3A_1084 = tpu.memref_slice %arg2[%dma_start3A_1082, %dma_start3A_1083] : memref<10000x64xf32, #tpu.memory_space<hbm>> -> memref<10000x64xf32, #tpu.memory_space<hbm>>
      tpu.enqueue_indirect_dma source(%dma_start3A_1084 : memref<10000x64xf32, #tpu.memory_space<hbm>>) target(%arg10 : memref<80x64xf32, #tpu.memory_space<vmem>>) offsets(%dma_start3A_1081 : memref<80xi32, #tpu.memory_space<vmem>>) semaphore(%arg18 : memref<!tpu.dma_semaphore, #tpu.memory_space<semaphore_mem>>)
      %mul3A_1085 = arith.constant 5 : i32
      %mul3A_1086 = arith.muli %add3A_1054, %mul3A_1085 : i32
      %add3A_1087 = arith.constant 3 : i32
      %add3A_1088 = arith.addi %mul3A_1086, %add3A_1087 : i32
      %dma_start3A_1089 = arith.constant 0 : i32
      %dma_start3A_1090 = tpu.memref_slice %arg5[%add3A_1088, %dma_start3A_1089] : memref<125x80xi32, #tpu.memory_space<vmem>> -> memref<1x80xi32, #tpu.memory_space<vmem>>
      %dma_start3A_1091 = tpu.memref_squeeze %dma_start3A_1090 : memref<1x80xi32, #tpu.memory_space<vmem>> -> memref<80xi32, #tpu.memory_space<vmem>>
      %dma_start3A_1092 = arith.constant 0 : i32
      %dma_start3A_1093 = arith.constant 0 : i32
      %dma_start3A_1094 = tpu.memref_slice %arg2[%dma_start3A_1092, %dma_start3A_1093] : memref<10000x64xf32, #tpu.memory_space<hbm>> -> memref<10000x64xf32, #tpu.memory_space<hbm>>
      tpu.enqueue_indirect_dma source(%dma_start3A_1094 : memref<10000x64xf32, #tpu.memory_space<hbm>>) target(%arg11 : memref<80x64xf32, #tpu.memory_space<vmem>>) offsets(%dma_start3A_1091 : memref<80xi32, #tpu.memory_space<vmem>>) semaphore(%arg18 : memref<!tpu.dma_semaphore, #tpu.memory_space<semaphore_mem>>)
      %mul3A_1095 = arith.constant 5 : i32
      %mul3A_1096 = arith.muli %add3A_1054, %mul3A_1095 : i32
      %add3A_1097 = arith.constant 4 : i32
      %add3A_1098 = arith.addi %mul3A_1096, %add3A_1097 : i32
      %dma_start3A_1099 = arith.constant 0 : i32
      %dma_start3A_1100 = tpu.memref_slice %arg5[%add3A_1098, %dma_start3A_1099] : memref<125x80xi32, #tpu.memory_space<vmem>> -> memref<1x80xi32, #tpu.memory_space<vmem>>
      %dma_start3A_1101 = tpu.memref_squeeze %dma_start3A_1100 : memref<1x80xi32, #tpu.memory_space<vmem>> -> memref<80xi32, #tpu.memory_space<vmem>>
      %dma_start3A_1102 = arith.constant 0 : i32
      %dma_start3A_1103 = arith.constant 0 : i32
      %dma_start3A_1104 = tpu.memref_slice %arg2[%dma_start3A_1102, %dma_start3A_1103] : memref<10000x64xf32, #tpu.memory_space<hbm>> -> memref<10000x64xf32, #tpu.memory_space<hbm>>
      tpu.enqueue_indirect_dma source(%dma_start3A_1104 : memref<10000x64xf32, #tpu.memory_space<hbm>>) target(%arg12 : memref<80x64xf32, #tpu.memory_space<vmem>>) offsets(%dma_start3A_1101 : memref<80xi32, #tpu.memory_space<vmem>>) semaphore(%arg18 : memref<!tpu.dma_semaphore, #tpu.memory_space<semaphore_mem>>)
      %add3A_1105 = arith.constant 1 : i32
      %add3A_1106 = arith.addi %mul3A_845, %add3A_1105 : i32
      %mul3A_1107 = arith.constant 5 : i32
      %mul3A_1108 = arith.muli %add3A_1106, %mul3A_1107 : i32
      %add3A_1109 = arith.constant 0 : i32
      %add3A_1110 = arith.addi %mul3A_1108, %add3A_1109 : i32
      %dma_start3A_1111 = arith.constant 0 : i32
      %dma_start3A_1112 = tpu.memref_slice %arg6[%add3A_1110, %dma_start3A_1111] : memref<125x80xi32, #tpu.memory_space<vmem>> -> memref<1x80xi32, #tpu.memory_space<vmem>>
      %dma_start3A_1113 = tpu.memref_squeeze %dma_start3A_1112 : memref<1x80xi32, #tpu.memory_space<vmem>> -> memref<80xi32, #tpu.memory_space<vmem>>
      %dma_start3A_1114 = arith.constant 0 : i32
      %dma_start3A_1115 = arith.constant 0 : i32
      %dma_start3A_1116 = tpu.memref_slice %arg20[%dma_start3A_1114, %dma_start3A_1115] : memref<10240x64xf32, #tpu.memory_space<vmem_shared>> -> memref<10240x64xf32, #tpu.memory_space<vmem_shared>>
      tpu.enqueue_indirect_dma source(%arg13 : memref<80x64xf32, #tpu.memory_space<vmem>>) target(%dma_start3A_1116 : memref<10240x64xf32, #tpu.memory_space<vmem_shared>>) offsets(%dma_start3A_1113 : memref<80xi32, #tpu.memory_space<vmem>>) semaphore(%arg19 : memref<!tpu.dma_semaphore, #tpu.memory_space<semaphore_mem>>) {add = true}
      %mul3A_1117 = arith.constant 5 : i32
      %mul3A_1118 = arith.muli %add3A_1106, %mul3A_1117 : i32
      %add3A_1119 = arith.constant 1 : i32
      %add3A_1120 = arith.addi %mul3A_1118, %add3A_1119 : i32
      %dma_start3A_1121 = arith.constant 0 : i32
      %dma_start3A_1122 = tpu.memref_slice %arg6[%add3A_1120, %dma_start3A_1121] : memref<125x80xi32, #tpu.memory_space<vmem>> -> memref<1x80xi32, #tpu.memory_space<vmem>>
      %dma_start3A_1123 = tpu.memref_squeeze %dma_start3A_1122 : memref<1x80xi32, #tpu.memory_space<vmem>> -> memref<80xi32, #tpu.memory_space<vmem>>
      %dma_start3A_1124 = arith.constant 0 : i32
      %dma_start3A_1125 = arith.constant 0 : i32
      %dma_start3A_1126 = tpu.memref_slice %arg20[%dma_start3A_1124, %dma_start3A_1125] : memref<10240x64xf32, #tpu.memory_space<vmem_shared>> -> memref<10240x64xf32, #tpu.memory_space<vmem_shared>>
      tpu.enqueue_indirect_dma source(%arg14 : memref<80x64xf32, #tpu.memory_space<vmem>>) target(%dma_start3A_1126 : memref<10240x64xf32, #tpu.memory_space<vmem_shared>>) offsets(%dma_start3A_1123 : memref<80xi32, #tpu.memory_space<vmem>>) semaphore(%arg19 : memref<!tpu.dma_semaphore, #tpu.memory_space<semaphore_mem>>) {add = true}
      %mul3A_1127 = arith.constant 5 : i32
      %mul3A_1128 = arith.muli %add3A_1106, %mul3A_1127 : i32
      %add3A_1129 = arith.constant 2 : i32
      %add3A_1130 = arith.addi %mul3A_1128, %add3A_1129 : i32
      %dma_start3A_1131 = arith.constant 0 : i32
      %dma_start3A_1132 = tpu.memref_slice %arg6[%add3A_1130, %dma_start3A_1131] : memref<125x80xi32, #tpu.memory_space<vmem>> -> memref<1x80xi32, #tpu.memory_space<vmem>>
      %dma_start3A_1133 = tpu.memref_squeeze %dma_start3A_1132 : memref<1x80xi32, #tpu.memory_space<vmem>> -> memref<80xi32, #tpu.memory_space<vmem>>
      %dma_start3A_1134 = arith.constant 0 : i32
      %dma_start3A_1135 = arith.constant 0 : i32
      %dma_start3A_1136 = tpu.memref_slice %arg20[%dma_start3A_1134, %dma_start3A_1135] : memref<10240x64xf32, #tpu.memory_space<vmem_shared>> -> memref<10240x64xf32, #tpu.memory_space<vmem_shared>>
      tpu.enqueue_indirect_dma source(%arg15 : memref<80x64xf32, #tpu.memory_space<vmem>>) target(%dma_start3A_1136 : memref<10240x64xf32, #tpu.memory_space<vmem_shared>>) offsets(%dma_start3A_1133 : memref<80xi32, #tpu.memory_space<vmem>>) semaphore(%arg19 : memref<!tpu.dma_semaphore, #tpu.memory_space<semaphore_mem>>) {add = true}
      %mul3A_1137 = arith.constant 5 : i32
      %mul3A_1138 = arith.muli %add3A_1106, %mul3A_1137 : i32
      %add3A_1139 = arith.constant 3 : i32
      %add3A_1140 = arith.addi %mul3A_1138, %add3A_1139 : i32
      %dma_start3A_1141 = arith.constant 0 : i32
      %dma_start3A_1142 = tpu.memref_slice %arg6[%add3A_1140, %dma_start3A_1141] : memref<125x80xi32, #tpu.memory_space<vmem>> -> memref<1x80xi32, #tpu.memory_space<vmem>>
      %dma_start3A_1143 = tpu.memref_squeeze %dma_start3A_1142 : memref<1x80xi32, #tpu.memory_space<vmem>> -> memref<80xi32, #tpu.memory_space<vmem>>
      %dma_start3A_1144 = arith.constant 0 : i32
      %dma_start3A_1145 = arith.constant 0 : i32
      %dma_start3A_1146 = tpu.memref_slice %arg20[%dma_start3A_1144, %dma_start3A_1145] : memref<10240x64xf32, #tpu.memory_space<vmem_shared>> -> memref<10240x64xf32, #tpu.memory_space<vmem_shared>>
      tpu.enqueue_indirect_dma source(%arg16 : memref<80x64xf32, #tpu.memory_space<vmem>>) target(%dma_start3A_1146 : memref<10240x64xf32, #tpu.memory_space<vmem_shared>>) offsets(%dma_start3A_1143 : memref<80xi32, #tpu.memory_space<vmem>>) semaphore(%arg19 : memref<!tpu.dma_semaphore, #tpu.memory_space<semaphore_mem>>) {add = true}
      %mul3A_1147 = arith.constant 5 : i32
      %mul3A_1148 = arith.muli %add3A_1106, %mul3A_1147 : i32
      %add3A_1149 = arith.constant 4 : i32
      %add3A_1150 = arith.addi %mul3A_1148, %add3A_1149 : i32
      %dma_start3A_1151 = arith.constant 0 : i32
      %dma_start3A_1152 = tpu.memref_slice %arg6[%add3A_1150, %dma_start3A_1151] : memref<125x80xi32, #tpu.memory_space<vmem>> -> memref<1x80xi32, #tpu.memory_space<vmem>>
      %dma_start3A_1153 = tpu.memref_squeeze %dma_start3A_1152 : memref<1x80xi32, #tpu.memory_space<vmem>> -> memref<80xi32, #tpu.memory_space<vmem>>
      %dma_start3A_1154 = arith.constant 0 : i32
      %dma_start3A_1155 = arith.constant 0 : i32
      %dma_start3A_1156 = tpu.memref_slice %arg20[%dma_start3A_1154, %dma_start3A_1155] : memref<10240x64xf32, #tpu.memory_space<vmem_shared>> -> memref<10240x64xf32, #tpu.memory_space<vmem_shared>>
      tpu.enqueue_indirect_dma source(%arg17 : memref<80x64xf32, #tpu.memory_space<vmem>>) target(%dma_start3A_1156 : memref<10240x64xf32, #tpu.memory_space<vmem_shared>>) offsets(%dma_start3A_1153 : memref<80xi32, #tpu.memory_space<vmem>>) semaphore(%arg19 : memref<!tpu.dma_semaphore, #tpu.memory_space<semaphore_mem>>) {add = true}
      %dma_wait3A_1157 = arith.constant 0 : i32
      %dma_wait3A_1158 = arith.constant 0 : i32
      %dma_wait3A_1159 = tpu.memref_slice %arg6[%dma_wait3A_1157, %dma_wait3A_1158] : memref<125x80xi32, #tpu.memory_space<vmem>> -> memref<1x80xi32, #tpu.memory_space<vmem>>
      %dma_wait3A_1160 = tpu.memref_squeeze %dma_wait3A_1159 : memref<1x80xi32, #tpu.memory_space<vmem>> -> memref<80xi32, #tpu.memory_space<vmem>>
      %dma_wait3A_1161 = arith.constant 0 : i32
      %dma_wait3A_1162 = arith.constant 0 : i32
      %dma_wait3A_1163 = tpu.memref_slice %arg20[%dma_wait3A_1161, %dma_wait3A_1162] : memref<10240x64xf32, #tpu.memory_space<vmem_shared>> -> memref<10240x64xf32, #tpu.memory_space<vmem_shared>>
      tpu.wait_indirect_dma semaphore(%arg19 : memref<!tpu.dma_semaphore, #tpu.memory_space<semaphore_mem>>) src(%arg13 : memref<80x64xf32, #tpu.memory_space<vmem>>) dst(%dma_wait3A_1163 : memref<10240x64xf32, #tpu.memory_space<vmem_shared>>)
      %dma_wait3A_1164 = arith.constant 0 : i32
      %dma_wait3A_1165 = arith.constant 0 : i32
      %dma_wait3A_1166 = tpu.memref_slice %arg6[%dma_wait3A_1164, %dma_wait3A_1165] : memref<125x80xi32, #tpu.memory_space<vmem>> -> memref<1x80xi32, #tpu.memory_space<vmem>>
      %dma_wait3A_1167 = tpu.memref_squeeze %dma_wait3A_1166 : memref<1x80xi32, #tpu.memory_space<vmem>> -> memref<80xi32, #tpu.memory_space<vmem>>
      %dma_wait3A_1168 = arith.constant 0 : i32
      %dma_wait3A_1169 = arith.constant 0 : i32
      %dma_wait3A_1170 = tpu.memref_slice %arg20[%dma_wait3A_1168, %dma_wait3A_1169] : memref<10240x64xf32, #tpu.memory_space<vmem_shared>> -> memref<10240x64xf32, #tpu.memory_space<vmem_shared>>
      tpu.wait_indirect_dma semaphore(%arg19 : memref<!tpu.dma_semaphore, #tpu.memory_space<semaphore_mem>>) src(%arg14 : memref<80x64xf32, #tpu.memory_space<vmem>>) dst(%dma_wait3A_1170 : memref<10240x64xf32, #tpu.memory_space<vmem_shared>>)
      %dma_wait3A_1171 = arith.constant 0 : i32
      %dma_wait3A_1172 = arith.constant 0 : i32
      %dma_wait3A_1173 = tpu.memref_slice %arg6[%dma_wait3A_1171, %dma_wait3A_1172] : memref<125x80xi32, #tpu.memory_space<vmem>> -> memref<1x80xi32, #tpu.memory_space<vmem>>
      %dma_wait3A_1174 = tpu.memref_squeeze %dma_wait3A_1173 : memref<1x80xi32, #tpu.memory_space<vmem>> -> memref<80xi32, #tpu.memory_space<vmem>>
      %dma_wait3A_1175 = arith.constant 0 : i32
      %dma_wait3A_1176 = arith.constant 0 : i32
      %dma_wait3A_1177 = tpu.memref_slice %arg20[%dma_wait3A_1175, %dma_wait3A_1176] : memref<10240x64xf32, #tpu.memory_space<vmem_shared>> -> memref<10240x64xf32, #tpu.memory_space<vmem_shared>>
      tpu.wait_indirect_dma semaphore(%arg19 : memref<!tpu.dma_semaphore, #tpu.memory_space<semaphore_mem>>) src(%arg15 : memref<80x64xf32, #tpu.memory_space<vmem>>) dst(%dma_wait3A_1177 : memref<10240x64xf32, #tpu.memory_space<vmem_shared>>)
      %dma_wait3A_1178 = arith.constant 0 : i32
      %dma_wait3A_1179 = arith.constant 0 : i32
      %dma_wait3A_1180 = tpu.memref_slice %arg6[%dma_wait3A_1178, %dma_wait3A_1179] : memref<125x80xi32, #tpu.memory_space<vmem>> -> memref<1x80xi32, #tpu.memory_space<vmem>>
      %dma_wait3A_1181 = tpu.memref_squeeze %dma_wait3A_1180 : memref<1x80xi32, #tpu.memory_space<vmem>> -> memref<80xi32, #tpu.memory_space<vmem>>
      %dma_wait3A_1182 = arith.constant 0 : i32
      %dma_wait3A_1183 = arith.constant 0 : i32
      %dma_wait3A_1184 = tpu.memref_slice %arg20[%dma_wait3A_1182, %dma_wait3A_1183] : memref<10240x64xf32, #tpu.memory_space<vmem_shared>> -> memref<10240x64xf32, #tpu.memory_space<vmem_shared>>
      tpu.wait_indirect_dma semaphore(%arg19 : memref<!tpu.dma_semaphore, #tpu.memory_space<semaphore_mem>>) src(%arg16 : memref<80x64xf32, #tpu.memory_space<vmem>>) dst(%dma_wait3A_1184 : memref<10240x64xf32, #tpu.memory_space<vmem_shared>>)
      %dma_wait3A_1185 = arith.constant 0 : i32
      %dma_wait3A_1186 = arith.constant 0 : i32
      %dma_wait3A_1187 = tpu.memref_slice %arg6[%dma_wait3A_1185, %dma_wait3A_1186] : memref<125x80xi32, #tpu.memory_space<vmem>> -> memref<1x80xi32, #tpu.memory_space<vmem>>
      %dma_wait3A_1188 = tpu.memref_squeeze %dma_wait3A_1187 : memref<1x80xi32, #tpu.memory_space<vmem>> -> memref<80xi32, #tpu.memory_space<vmem>>
      %dma_wait3A_1189 = arith.constant 0 : i32
      %dma_wait3A_1190 = arith.constant 0 : i32
      %dma_wait3A_1191 = tpu.memref_slice %arg20[%dma_wait3A_1189, %dma_wait3A_1190] : memref<10240x64xf32, #tpu.memory_space<vmem_shared>> -> memref<10240x64xf32, #tpu.memory_space<vmem_shared>>
      tpu.wait_indirect_dma semaphore(%arg19 : memref<!tpu.dma_semaphore, #tpu.memory_space<semaphore_mem>>) src(%arg17 : memref<80x64xf32, #tpu.memory_space<vmem>>) dst(%dma_wait3A_1191 : memref<10240x64xf32, #tpu.memory_space<vmem_shared>>)
    }
    %scan3A_240 = arith.constant 12 : i32
    %dma_wait3A_241 = arith.constant 0 : i32
    %dma_wait3A_242 = arith.constant 0 : i32
    %dma_wait3A_243 = tpu.memref_slice %arg5[%dma_wait3A_241, %dma_wait3A_242] : memref<125x80xi32, #tpu.memory_space<vmem>> -> memref<1x80xi32, #tpu.memory_space<vmem>>
    %dma_wait3A_244 = tpu.memref_squeeze %dma_wait3A_243 : memref<1x80xi32, #tpu.memory_space<vmem>> -> memref<80xi32, #tpu.memory_space<vmem>>
    %dma_wait3A_245 = arith.constant 0 : i32
    %dma_wait3A_246 = arith.constant 0 : i32
    %dma_wait3A_247 = tpu.memref_slice %arg2[%dma_wait3A_245, %dma_wait3A_246] : memref<10000x64xf32, #tpu.memory_space<hbm>> -> memref<10000x64xf32, #tpu.memory_space<hbm>>
    tpu.wait_indirect_dma semaphore(%arg18 : memref<!tpu.dma_semaphore, #tpu.memory_space<semaphore_mem>>) src(%dma_wait3A_247 : memref<10000x64xf32, #tpu.memory_space<hbm>>) dst(%arg8 : memref<80x64xf32, #tpu.memory_space<vmem>>)
    %dma_wait3A_248 = arith.constant 0 : i32
    %dma_wait3A_249 = arith.constant 0 : i32
    %dma_wait3A_250 = tpu.memref_slice %arg5[%dma_wait3A_248, %dma_wait3A_249] : memref<125x80xi32, #tpu.memory_space<vmem>> -> memref<1x80xi32, #tpu.memory_space<vmem>>
    %dma_wait3A_251 = tpu.memref_squeeze %dma_wait3A_250 : memref<1x80xi32, #tpu.memory_space<vmem>> -> memref<80xi32, #tpu.memory_space<vmem>>
    %dma_wait3A_252 = arith.constant 0 : i32
    %dma_wait3A_253 = arith.constant 0 : i32
    %dma_wait3A_254 = tpu.memref_slice %arg2[%dma_wait3A_252, %dma_wait3A_253] : memref<10000x64xf32, #tpu.memory_space<hbm>> -> memref<10000x64xf32, #tpu.memory_space<hbm>>
    tpu.wait_indirect_dma semaphore(%arg18 : memref<!tpu.dma_semaphore, #tpu.memory_space<semaphore_mem>>) src(%dma_wait3A_254 : memref<10000x64xf32, #tpu.memory_space<hbm>>) dst(%arg9 : memref<80x64xf32, #tpu.memory_space<vmem>>)
    %dma_wait3A_255 = arith.constant 0 : i32
    %dma_wait3A_256 = arith.constant 0 : i32
    %dma_wait3A_257 = tpu.memref_slice %arg5[%dma_wait3A_255, %dma_wait3A_256] : memref<125x80xi32, #tpu.memory_space<vmem>> -> memref<1x80xi32, #tpu.memory_space<vmem>>
    %dma_wait3A_258 = tpu.memref_squeeze %dma_wait3A_257 : memref<1x80xi32, #tpu.memory_space<vmem>> -> memref<80xi32, #tpu.memory_space<vmem>>
    %dma_wait3A_259 = arith.constant 0 : i32
    %dma_wait3A_260 = arith.constant 0 : i32
    %dma_wait3A_261 = tpu.memref_slice %arg2[%dma_wait3A_259, %dma_wait3A_260] : memref<10000x64xf32, #tpu.memory_space<hbm>> -> memref<10000x64xf32, #tpu.memory_space<hbm>>
    tpu.wait_indirect_dma semaphore(%arg18 : memref<!tpu.dma_semaphore, #tpu.memory_space<semaphore_mem>>) src(%dma_wait3A_261 : memref<10000x64xf32, #tpu.memory_space<hbm>>) dst(%arg10 : memref<80x64xf32, #tpu.memory_space<vmem>>)
    %dma_wait3A_262 = arith.constant 0 : i32
    %dma_wait3A_263 = arith.constant 0 : i32
    %dma_wait3A_264 = tpu.memref_slice %arg5[%dma_wait3A_262, %dma_wait3A_263] : memref<125x80xi32, #tpu.memory_space<vmem>> -> memref<1x80xi32, #tpu.memory_space<vmem>>
    %dma_wait3A_265 = tpu.memref_squeeze %dma_wait3A_264 : memref<1x80xi32, #tpu.memory_space<vmem>> -> memref<80xi32, #tpu.memory_space<vmem>>
    %dma_wait3A_266 = arith.constant 0 : i32
    %dma_wait3A_267 = arith.constant 0 : i32
    %dma_wait3A_268 = tpu.memref_slice %arg2[%dma_wait3A_266, %dma_wait3A_267] : memref<10000x64xf32, #tpu.memory_space<hbm>> -> memref<10000x64xf32, #tpu.memory_space<hbm>>
    tpu.wait_indirect_dma semaphore(%arg18 : memref<!tpu.dma_semaphore, #tpu.memory_space<semaphore_mem>>) src(%dma_wait3A_268 : memref<10000x64xf32, #tpu.memory_space<hbm>>) dst(%arg11 : memref<80x64xf32, #tpu.memory_space<vmem>>)
    %dma_wait3A_269 = arith.constant 0 : i32
    %dma_wait3A_270 = arith.constant 0 : i32
    %dma_wait3A_271 = tpu.memref_slice %arg5[%dma_wait3A_269, %dma_wait3A_270] : memref<125x80xi32, #tpu.memory_space<vmem>> -> memref<1x80xi32, #tpu.memory_space<vmem>>
    %dma_wait3A_272 = tpu.memref_squeeze %dma_wait3A_271 : memref<1x80xi32, #tpu.memory_space<vmem>> -> memref<80xi32, #tpu.memory_space<vmem>>
    %dma_wait3A_273 = arith.constant 0 : i32
    %dma_wait3A_274 = arith.constant 0 : i32
    %dma_wait3A_275 = tpu.memref_slice %arg2[%dma_wait3A_273, %dma_wait3A_274] : memref<10000x64xf32, #tpu.memory_space<hbm>> -> memref<10000x64xf32, #tpu.memory_space<hbm>>
    tpu.wait_indirect_dma semaphore(%arg18 : memref<!tpu.dma_semaphore, #tpu.memory_space<semaphore_mem>>) src(%dma_wait3A_275 : memref<10000x64xf32, #tpu.memory_space<hbm>>) dst(%arg12 : memref<80x64xf32, #tpu.memory_space<vmem>>)
    %dma_start3A_276 = arith.constant 120 : i32
    %dma_start3A_277 = arith.constant 0 : i32
    %dma_start3A_278 = tpu.memref_slice %arg6[%dma_start3A_276, %dma_start3A_277] : memref<125x80xi32, #tpu.memory_space<vmem>> -> memref<1x80xi32, #tpu.memory_space<vmem>>
    %dma_start3A_279 = tpu.memref_squeeze %dma_start3A_278 : memref<1x80xi32, #tpu.memory_space<vmem>> -> memref<80xi32, #tpu.memory_space<vmem>>
    %dma_start3A_280 = arith.constant 0 : i32
    %dma_start3A_281 = arith.constant 0 : i32
    %dma_start3A_282 = tpu.memref_slice %arg20[%dma_start3A_280, %dma_start3A_281] : memref<10240x64xf32, #tpu.memory_space<vmem_shared>> -> memref<10240x64xf32, #tpu.memory_space<vmem_shared>>
    tpu.enqueue_indirect_dma source(%arg8 : memref<80x64xf32, #tpu.memory_space<vmem>>) target(%dma_start3A_282 : memref<10240x64xf32, #tpu.memory_space<vmem_shared>>) offsets(%dma_start3A_279 : memref<80xi32, #tpu.memory_space<vmem>>) semaphore(%arg19 : memref<!tpu.dma_semaphore, #tpu.memory_space<semaphore_mem>>) {add = true}
    %dma_start3A_283 = arith.constant 121 : i32
    %dma_start3A_284 = arith.constant 0 : i32
    %dma_start3A_285 = tpu.memref_slice %arg6[%dma_start3A_283, %dma_start3A_284] : memref<125x80xi32, #tpu.memory_space<vmem>> -> memref<1x80xi32, #tpu.memory_space<vmem>>
    %dma_start3A_286 = tpu.memref_squeeze %dma_start3A_285 : memref<1x80xi32, #tpu.memory_space<vmem>> -> memref<80xi32, #tpu.memory_space<vmem>>
    %dma_start3A_287 = arith.constant 0 : i32
    %dma_start3A_288 = arith.constant 0 : i32
    %dma_start3A_289 = tpu.memref_slice %arg20[%dma_start3A_287, %dma_start3A_288] : memref<10240x64xf32, #tpu.memory_space<vmem_shared>> -> memref<10240x64xf32, #tpu.memory_space<vmem_shared>>
    tpu.enqueue_indirect_dma source(%arg9 : memref<80x64xf32, #tpu.memory_space<vmem>>) target(%dma_start3A_289 : memref<10240x64xf32, #tpu.memory_space<vmem_shared>>) offsets(%dma_start3A_286 : memref<80xi32, #tpu.memory_space<vmem>>) semaphore(%arg19 : memref<!tpu.dma_semaphore, #tpu.memory_space<semaphore_mem>>) {add = true}
    %dma_start3A_290 = arith.constant 122 : i32
    %dma_start3A_291 = arith.constant 0 : i32
    %dma_start3A_292 = tpu.memref_slice %arg6[%dma_start3A_290, %dma_start3A_291] : memref<125x80xi32, #tpu.memory_space<vmem>> -> memref<1x80xi32, #tpu.memory_space<vmem>>
    %dma_start3A_293 = tpu.memref_squeeze %dma_start3A_292 : memref<1x80xi32, #tpu.memory_space<vmem>> -> memref<80xi32, #tpu.memory_space<vmem>>
    %dma_start3A_294 = arith.constant 0 : i32
    %dma_start3A_295 = arith.constant 0 : i32
    %dma_start3A_296 = tpu.memref_slice %arg20[%dma_start3A_294, %dma_start3A_295] : memref<10240x64xf32, #tpu.memory_space<vmem_shared>> -> memref<10240x64xf32, #tpu.memory_space<vmem_shared>>
    tpu.enqueue_indirect_dma source(%arg10 : memref<80x64xf32, #tpu.memory_space<vmem>>) target(%dma_start3A_296 : memref<10240x64xf32, #tpu.memory_space<vmem_shared>>) offsets(%dma_start3A_293 : memref<80xi32, #tpu.memory_space<vmem>>) semaphore(%arg19 : memref<!tpu.dma_semaphore, #tpu.memory_space<semaphore_mem>>) {add = true}
    %dma_start3A_297 = arith.constant 123 : i32
    %dma_start3A_298 = arith.constant 0 : i32
    %dma_start3A_299 = tpu.memref_slice %arg6[%dma_start3A_297, %dma_start3A_298] : memref<125x80xi32, #tpu.memory_space<vmem>> -> memref<1x80xi32, #tpu.memory_space<vmem>>
    %dma_start3A_300 = tpu.memref_squeeze %dma_start3A_299 : memref<1x80xi32, #tpu.memory_space<vmem>> -> memref<80xi32, #tpu.memory_space<vmem>>
    %dma_start3A_301 = arith.constant 0 : i32
    %dma_start3A_302 = arith.constant 0 : i32
    %dma_start3A_303 = tpu.memref_slice %arg20[%dma_start3A_301, %dma_start3A_302] : memref<10240x64xf32, #tpu.memory_space<vmem_shared>> -> memref<10240x64xf32, #tpu.memory_space<vmem_shared>>
    tpu.enqueue_indirect_dma source(%arg11 : memref<80x64xf32, #tpu.memory_space<vmem>>) target(%dma_start3A_303 : memref<10240x64xf32, #tpu.memory_space<vmem_shared>>) offsets(%dma_start3A_300 : memref<80xi32, #tpu.memory_space<vmem>>) semaphore(%arg19 : memref<!tpu.dma_semaphore, #tpu.memory_space<semaphore_mem>>) {add = true}
    %dma_start3A_304 = arith.constant 124 : i32
    %dma_start3A_305 = arith.constant 0 : i32
    %dma_start3A_306 = tpu.memref_slice %arg6[%dma_start3A_304, %dma_start3A_305] : memref<125x80xi32, #tpu.memory_space<vmem>> -> memref<1x80xi32, #tpu.memory_space<vmem>>
    %dma_start3A_307 = tpu.memref_squeeze %dma_start3A_306 : memref<1x80xi32, #tpu.memory_space<vmem>> -> memref<80xi32, #tpu.memory_space<vmem>>
    %dma_start3A_308 = arith.constant 0 : i32
    %dma_start3A_309 = arith.constant 0 : i32
    %dma_start3A_310 = tpu.memref_slice %arg20[%dma_start3A_308, %dma_start3A_309] : memref<10240x64xf32, #tpu.memory_space<vmem_shared>> -> memref<10240x64xf32, #tpu.memory_space<vmem_shared>>
    tpu.enqueue_indirect_dma source(%arg12 : memref<80x64xf32, #tpu.memory_space<vmem>>) target(%dma_start3A_310 : memref<10240x64xf32, #tpu.memory_space<vmem_shared>>) offsets(%dma_start3A_307 : memref<80xi32, #tpu.memory_space<vmem>>) semaphore(%arg19 : memref<!tpu.dma_semaphore, #tpu.memory_space<semaphore_mem>>) {add = true}
    %dma_wait3A_311 = arith.constant 0 : i32
    %dma_wait3A_312 = arith.constant 0 : i32
    %dma_wait3A_313 = tpu.memref_slice %arg6[%dma_wait3A_311, %dma_wait3A_312] : memref<125x80xi32, #tpu.memory_space<vmem>> -> memref<1x80xi32, #tpu.memory_space<vmem>>
    %dma_wait3A_314 = tpu.memref_squeeze %dma_wait3A_313 : memref<1x80xi32, #tpu.memory_space<vmem>> -> memref<80xi32, #tpu.memory_space<vmem>>
    %dma_wait3A_315 = arith.constant 0 : i32
    %dma_wait3A_316 = arith.constant 0 : i32
    %dma_wait3A_317 = tpu.memref_slice %arg20[%dma_wait3A_315, %dma_wait3A_316] : memref<10240x64xf32, #tpu.memory_space<vmem_shared>> -> memref<10240x64xf32, #tpu.memory_space<vmem_shared>>
    tpu.wait_indirect_dma semaphore(%arg19 : memref<!tpu.dma_semaphore, #tpu.memory_space<semaphore_mem>>) src(%arg8 : memref<80x64xf32, #tpu.memory_space<vmem>>) dst(%dma_wait3A_317 : memref<10240x64xf32, #tpu.memory_space<vmem_shared>>)
    %dma_wait3A_318 = arith.constant 0 : i32
    %dma_wait3A_319 = arith.constant 0 : i32
    %dma_wait3A_320 = tpu.memref_slice %arg6[%dma_wait3A_318, %dma_wait3A_319] : memref<125x80xi32, #tpu.memory_space<vmem>> -> memref<1x80xi32, #tpu.memory_space<vmem>>
    %dma_wait3A_321 = tpu.memref_squeeze %dma_wait3A_320 : memref<1x80xi32, #tpu.memory_space<vmem>> -> memref<80xi32, #tpu.memory_space<vmem>>
    %dma_wait3A_322 = arith.constant 0 : i32
    %dma_wait3A_323 = arith.constant 0 : i32
    %dma_wait3A_324 = tpu.memref_slice %arg20[%dma_wait3A_322, %dma_wait3A_323] : memref<10240x64xf32, #tpu.memory_space<vmem_shared>> -> memref<10240x64xf32, #tpu.memory_space<vmem_shared>>
    tpu.wait_indirect_dma semaphore(%arg19 : memref<!tpu.dma_semaphore, #tpu.memory_space<semaphore_mem>>) src(%arg9 : memref<80x64xf32, #tpu.memory_space<vmem>>) dst(%dma_wait3A_324 : memref<10240x64xf32, #tpu.memory_space<vmem_shared>>)
    %dma_wait3A_325 = arith.constant 0 : i32
    %dma_wait3A_326 = arith.constant 0 : i32
    %dma_wait3A_327 = tpu.memref_slice %arg6[%dma_wait3A_325, %dma_wait3A_326] : memref<125x80xi32, #tpu.memory_space<vmem>> -> memref<1x80xi32, #tpu.memory_space<vmem>>
    %dma_wait3A_328 = tpu.memref_squeeze %dma_wait3A_327 : memref<1x80xi32, #tpu.memory_space<vmem>> -> memref<80xi32, #tpu.memory_space<vmem>>
    %dma_wait3A_329 = arith.constant 0 : i32
    %dma_wait3A_330 = arith.constant 0 : i32
    %dma_wait3A_331 = tpu.memref_slice %arg20[%dma_wait3A_329, %dma_wait3A_330] : memref<10240x64xf32, #tpu.memory_space<vmem_shared>> -> memref<10240x64xf32, #tpu.memory_space<vmem_shared>>
    tpu.wait_indirect_dma semaphore(%arg19 : memref<!tpu.dma_semaphore, #tpu.memory_space<semaphore_mem>>) src(%arg10 : memref<80x64xf32, #tpu.memory_space<vmem>>) dst(%dma_wait3A_331 : memref<10240x64xf32, #tpu.memory_space<vmem_shared>>)
    %dma_wait3A_332 = arith.constant 0 : i32
    %dma_wait3A_333 = arith.constant 0 : i32
    %dma_wait3A_334 = tpu.memref_slice %arg6[%dma_wait3A_332, %dma_wait3A_333] : memref<125x80xi32, #tpu.memory_space<vmem>> -> memref<1x80xi32, #tpu.memory_space<vmem>>
    %dma_wait3A_335 = tpu.memref_squeeze %dma_wait3A_334 : memref<1x80xi32, #tpu.memory_space<vmem>> -> memref<80xi32, #tpu.memory_space<vmem>>
    %dma_wait3A_336 = arith.constant 0 : i32
    %dma_wait3A_337 = arith.constant 0 : i32
    %dma_wait3A_338 = tpu.memref_slice %arg20[%dma_wait3A_336, %dma_wait3A_337] : memref<10240x64xf32, #tpu.memory_space<vmem_shared>> -> memref<10240x64xf32, #tpu.memory_space<vmem_shared>>
    tpu.wait_indirect_dma semaphore(%arg19 : memref<!tpu.dma_semaphore, #tpu.memory_space<semaphore_mem>>) src(%arg11 : memref<80x64xf32, #tpu.memory_space<vmem>>) dst(%dma_wait3A_338 : memref<10240x64xf32, #tpu.memory_space<vmem_shared>>)
    %dma_wait3A_339 = arith.constant 0 : i32
    %dma_wait3A_340 = arith.constant 0 : i32
    %dma_wait3A_341 = tpu.memref_slice %arg6[%dma_wait3A_339, %dma_wait3A_340] : memref<125x80xi32, #tpu.memory_space<vmem>> -> memref<1x80xi32, #tpu.memory_space<vmem>>
    %dma_wait3A_342 = tpu.memref_squeeze %dma_wait3A_341 : memref<1x80xi32, #tpu.memory_space<vmem>> -> memref<80xi32, #tpu.memory_space<vmem>>
    %dma_wait3A_343 = arith.constant 0 : i32
    %dma_wait3A_344 = arith.constant 0 : i32
    %dma_wait3A_345 = tpu.memref_slice %arg20[%dma_wait3A_343, %dma_wait3A_344] : memref<10240x64xf32, #tpu.memory_space<vmem_shared>> -> memref<10240x64xf32, #tpu.memory_space<vmem_shared>>
    tpu.wait_indirect_dma semaphore(%arg19 : memref<!tpu.dma_semaphore, #tpu.memory_space<semaphore_mem>>) src(%arg12 : memref<80x64xf32, #tpu.memory_space<vmem>>) dst(%dma_wait3A_345 : memref<10240x64xf32, #tpu.memory_space<vmem_shared>>)
    %barrier3A_346 = arith.constant 0 : index
    tpu.barrier barrier_id(%barrier3A_346)
    %mul3A_347 = arith.constant 640 : i32
    %mul3A_348 = arith.muli %arg1, %mul3A_347 : i32
    %add3A_349 = arith.constant 0 : i32
    %add3A_350 = arith.addi %mul3A_348, %add3A_349 : i32
    %dma_start3A_351 = arith.constant 0 : i32
    %dma_start3A_352 = tpu.memref_slice %arg20[%add3A_350, %dma_start3A_351] : memref<10240x64xf32, #tpu.memory_space<vmem_shared>> -> memref<80x64xf32, #tpu.memory_space<vmem_shared>>
    %dma_start3A_353 = arith.constant 0 : i32
    %dma_start3A_354 = tpu.memref_slice %arg20[%add3A_350, %dma_start3A_353] : memref<10240x64xf32, #tpu.memory_space<vmem_shared>> -> memref<80x64xf32, #tpu.memory_space<vmem_shared>>
    tpu.enqueue_dma source(%dma_start3A_354 : memref<80x64xf32, #tpu.memory_space<vmem_shared>>) target(%arg8 : memref<80x64xf32, #tpu.memory_space<vmem>>) target_semaphore(%arg18 : memref<!tpu.dma_semaphore, #tpu.memory_space<semaphore_mem>>)
    %mul3A_355 = arith.constant 640 : i32
    %mul3A_356 = arith.muli %arg1, %mul3A_355 : i32
    %add3A_357 = arith.constant 80 : i32
    %add3A_358 = arith.addi %mul3A_356, %add3A_357 : i32
    %dma_start3A_359 = arith.constant 0 : i32
    %dma_start3A_360 = tpu.memref_slice %arg20[%add3A_358, %dma_start3A_359] : memref<10240x64xf32, #tpu.memory_space<vmem_shared>> -> memref<80x64xf32, #tpu.memory_space<vmem_shared>>
    %dma_start3A_361 = arith.constant 0 : i32
    %dma_start3A_362 = tpu.memref_slice %arg20[%add3A_358, %dma_start3A_361] : memref<10240x64xf32, #tpu.memory_space<vmem_shared>> -> memref<80x64xf32, #tpu.memory_space<vmem_shared>>
    tpu.enqueue_dma source(%dma_start3A_362 : memref<80x64xf32, #tpu.memory_space<vmem_shared>>) target(%arg9 : memref<80x64xf32, #tpu.memory_space<vmem>>) target_semaphore(%arg18 : memref<!tpu.dma_semaphore, #tpu.memory_space<semaphore_mem>>)
    %mul3A_363 = arith.constant 640 : i32
    %mul3A_364 = arith.muli %arg1, %mul3A_363 : i32
    %add3A_365 = arith.constant 160 : i32
    %add3A_366 = arith.addi %mul3A_364, %add3A_365 : i32
    %dma_start3A_367 = arith.constant 0 : i32
    %dma_start3A_368 = tpu.memref_slice %arg20[%add3A_366, %dma_start3A_367] : memref<10240x64xf32, #tpu.memory_space<vmem_shared>> -> memref<80x64xf32, #tpu.memory_space<vmem_shared>>
    %dma_start3A_369 = arith.constant 0 : i32
    %dma_start3A_370 = tpu.memref_slice %arg20[%add3A_366, %dma_start3A_369] : memref<10240x64xf32, #tpu.memory_space<vmem_shared>> -> memref<80x64xf32, #tpu.memory_space<vmem_shared>>
    tpu.enqueue_dma source(%dma_start3A_370 : memref<80x64xf32, #tpu.memory_space<vmem_shared>>) target(%arg10 : memref<80x64xf32, #tpu.memory_space<vmem>>) target_semaphore(%arg18 : memref<!tpu.dma_semaphore, #tpu.memory_space<semaphore_mem>>)
    %mul3A_371 = arith.constant 640 : i32
    %mul3A_372 = arith.muli %arg1, %mul3A_371 : i32
    %add3A_373 = arith.constant 240 : i32
    %add3A_374 = arith.addi %mul3A_372, %add3A_373 : i32
    %dma_start3A_375 = arith.constant 0 : i32
    %dma_start3A_376 = tpu.memref_slice %arg20[%add3A_374, %dma_start3A_375] : memref<10240x64xf32, #tpu.memory_space<vmem_shared>> -> memref<80x64xf32, #tpu.memory_space<vmem_shared>>
    %dma_start3A_377 = arith.constant 0 : i32
    %dma_start3A_378 = tpu.memref_slice %arg20[%add3A_374, %dma_start3A_377] : memref<10240x64xf32, #tpu.memory_space<vmem_shared>> -> memref<80x64xf32, #tpu.memory_space<vmem_shared>>
    tpu.enqueue_dma source(%dma_start3A_378 : memref<80x64xf32, #tpu.memory_space<vmem_shared>>) target(%arg11 : memref<80x64xf32, #tpu.memory_space<vmem>>) target_semaphore(%arg18 : memref<!tpu.dma_semaphore, #tpu.memory_space<semaphore_mem>>)
    %mul3A_379 = arith.constant 640 : i32
    %mul3A_380 = arith.muli %arg1, %mul3A_379 : i32
    %add3A_381 = arith.constant 320 : i32
    %add3A_382 = arith.addi %mul3A_380, %add3A_381 : i32
    %dma_start3A_383 = arith.constant 0 : i32
    %dma_start3A_384 = tpu.memref_slice %arg20[%add3A_382, %dma_start3A_383] : memref<10240x64xf32, #tpu.memory_space<vmem_shared>> -> memref<80x64xf32, #tpu.memory_space<vmem_shared>>
    %dma_start3A_385 = arith.constant 0 : i32
    %dma_start3A_386 = tpu.memref_slice %arg20[%add3A_382, %dma_start3A_385] : memref<10240x64xf32, #tpu.memory_space<vmem_shared>> -> memref<80x64xf32, #tpu.memory_space<vmem_shared>>
    tpu.enqueue_dma source(%dma_start3A_386 : memref<80x64xf32, #tpu.memory_space<vmem_shared>>) target(%arg12 : memref<80x64xf32, #tpu.memory_space<vmem>>) target_semaphore(%arg18 : memref<!tpu.dma_semaphore, #tpu.memory_space<semaphore_mem>>)
    %mul3A_387 = arith.constant 640 : i32
    %mul3A_388 = arith.muli %arg1, %mul3A_387 : i32
    %add3A_389 = arith.constant 400 : i32
    %add3A_390 = arith.addi %mul3A_388, %add3A_389 : i32
    %dma_start3A_391 = arith.constant 0 : i32
    %dma_start3A_392 = tpu.memref_slice %arg20[%add3A_390, %dma_start3A_391] : memref<10240x64xf32, #tpu.memory_space<vmem_shared>> -> memref<80x64xf32, #tpu.memory_space<vmem_shared>>
    %dma_start3A_393 = arith.constant 0 : i32
    %dma_start3A_394 = tpu.memref_slice %arg20[%add3A_390, %dma_start3A_393] : memref<10240x64xf32, #tpu.memory_space<vmem_shared>> -> memref<80x64xf32, #tpu.memory_space<vmem_shared>>
    tpu.enqueue_dma source(%dma_start3A_394 : memref<80x64xf32, #tpu.memory_space<vmem_shared>>) target(%arg13 : memref<80x64xf32, #tpu.memory_space<vmem>>) target_semaphore(%arg18 : memref<!tpu.dma_semaphore, #tpu.memory_space<semaphore_mem>>)
    %mul3A_395 = arith.constant 640 : i32
    %mul3A_396 = arith.muli %arg1, %mul3A_395 : i32
    %add3A_397 = arith.constant 480 : i32
    %add3A_398 = arith.addi %mul3A_396, %add3A_397 : i32
    %dma_start3A_399 = arith.constant 0 : i32
    %dma_start3A_400 = tpu.memref_slice %arg20[%add3A_398, %dma_start3A_399] : memref<10240x64xf32, #tpu.memory_space<vmem_shared>> -> memref<80x64xf32, #tpu.memory_space<vmem_shared>>
    %dma_start3A_401 = arith.constant 0 : i32
    %dma_start3A_402 = tpu.memref_slice %arg20[%add3A_398, %dma_start3A_401] : memref<10240x64xf32, #tpu.memory_space<vmem_shared>> -> memref<80x64xf32, #tpu.memory_space<vmem_shared>>
    tpu.enqueue_dma source(%dma_start3A_402 : memref<80x64xf32, #tpu.memory_space<vmem_shared>>) target(%arg14 : memref<80x64xf32, #tpu.memory_space<vmem>>) target_semaphore(%arg18 : memref<!tpu.dma_semaphore, #tpu.memory_space<semaphore_mem>>)
    %mul3A_403 = arith.constant 640 : i32
    %mul3A_404 = arith.muli %arg1, %mul3A_403 : i32
    %add3A_405 = arith.constant 560 : i32
    %add3A_406 = arith.addi %mul3A_404, %add3A_405 : i32
    %dma_start3A_407 = arith.constant 0 : i32
    %dma_start3A_408 = tpu.memref_slice %arg20[%add3A_406, %dma_start3A_407] : memref<10240x64xf32, #tpu.memory_space<vmem_shared>> -> memref<80x64xf32, #tpu.memory_space<vmem_shared>>
    %dma_start3A_409 = arith.constant 0 : i32
    %dma_start3A_410 = tpu.memref_slice %arg20[%add3A_406, %dma_start3A_409] : memref<10240x64xf32, #tpu.memory_space<vmem_shared>> -> memref<80x64xf32, #tpu.memory_space<vmem_shared>>
    tpu.enqueue_dma source(%dma_start3A_410 : memref<80x64xf32, #tpu.memory_space<vmem_shared>>) target(%arg15 : memref<80x64xf32, #tpu.memory_space<vmem>>) target_semaphore(%arg18 : memref<!tpu.dma_semaphore, #tpu.memory_space<semaphore_mem>>)
    %mul3A_411 = arith.constant 640 : i32
    %mul3A_412 = arith.muli %arg1, %mul3A_411 : i32
    %dma_wait3A_413 = arith.constant 0 : i32
    %dma_wait3A_414 = tpu.memref_slice %arg20[%mul3A_412, %dma_wait3A_413] : memref<10240x64xf32, #tpu.memory_space<vmem_shared>> -> memref<80x64xf32, #tpu.memory_space<vmem_shared>>
    %dma_wait3A_415 = arith.constant 0 : i32
    %dma_wait3A_416 = tpu.memref_slice %arg20[%mul3A_412, %dma_wait3A_415] : memref<10240x64xf32, #tpu.memory_space<vmem_shared>> -> memref<80x64xf32, #tpu.memory_space<vmem_shared>>
    tpu.wait_dma2 semaphore(%arg18 : memref<!tpu.dma_semaphore, #tpu.memory_space<semaphore_mem>>) src(%dma_wait3A_416 : memref<80x64xf32, #tpu.memory_space<vmem_shared>>) dst(%arg8 : memref<80x64xf32, #tpu.memory_space<vmem>>)
    %mul3A_417 = arith.constant 640 : i32
    %mul3A_418 = arith.muli %arg1, %mul3A_417 : i32
    %dma_wait3A_419 = arith.constant 0 : i32
    %dma_wait3A_420 = tpu.memref_slice %arg20[%mul3A_418, %dma_wait3A_419] : memref<10240x64xf32, #tpu.memory_space<vmem_shared>> -> memref<80x64xf32, #tpu.memory_space<vmem_shared>>
    %dma_wait3A_421 = arith.constant 0 : i32
    %dma_wait3A_422 = tpu.memref_slice %arg20[%mul3A_418, %dma_wait3A_421] : memref<10240x64xf32, #tpu.memory_space<vmem_shared>> -> memref<80x64xf32, #tpu.memory_space<vmem_shared>>
    tpu.wait_dma2 semaphore(%arg18 : memref<!tpu.dma_semaphore, #tpu.memory_space<semaphore_mem>>) src(%dma_wait3A_422 : memref<80x64xf32, #tpu.memory_space<vmem_shared>>) dst(%arg9 : memref<80x64xf32, #tpu.memory_space<vmem>>)
    %mul3A_423 = arith.constant 640 : i32
    %mul3A_424 = arith.muli %arg1, %mul3A_423 : i32
    %dma_wait3A_425 = arith.constant 0 : i32
    %dma_wait3A_426 = tpu.memref_slice %arg20[%mul3A_424, %dma_wait3A_425] : memref<10240x64xf32, #tpu.memory_space<vmem_shared>> -> memref<80x64xf32, #tpu.memory_space<vmem_shared>>
    %dma_wait3A_427 = arith.constant 0 : i32
    %dma_wait3A_428 = tpu.memref_slice %arg20[%mul3A_424, %dma_wait3A_427] : memref<10240x64xf32, #tpu.memory_space<vmem_shared>> -> memref<80x64xf32, #tpu.memory_space<vmem_shared>>
    tpu.wait_dma2 semaphore(%arg18 : memref<!tpu.dma_semaphore, #tpu.memory_space<semaphore_mem>>) src(%dma_wait3A_428 : memref<80x64xf32, #tpu.memory_space<vmem_shared>>) dst(%arg10 : memref<80x64xf32, #tpu.memory_space<vmem>>)
    %mul3A_429 = arith.constant 640 : i32
    %mul3A_430 = arith.muli %arg1, %mul3A_429 : i32
    %dma_wait3A_431 = arith.constant 0 : i32
    %dma_wait3A_432 = tpu.memref_slice %arg20[%mul3A_430, %dma_wait3A_431] : memref<10240x64xf32, #tpu.memory_space<vmem_shared>> -> memref<80x64xf32, #tpu.memory_space<vmem_shared>>
    %dma_wait3A_433 = arith.constant 0 : i32
    %dma_wait3A_434 = tpu.memref_slice %arg20[%mul3A_430, %dma_wait3A_433] : memref<10240x64xf32, #tpu.memory_space<vmem_shared>> -> memref<80x64xf32, #tpu.memory_space<vmem_shared>>
    tpu.wait_dma2 semaphore(%arg18 : memref<!tpu.dma_semaphore, #tpu.memory_space<semaphore_mem>>) src(%dma_wait3A_434 : memref<80x64xf32, #tpu.memory_space<vmem_shared>>) dst(%arg11 : memref<80x64xf32, #tpu.memory_space<vmem>>)
    %mul3A_435 = arith.constant 640 : i32
    %mul3A_436 = arith.muli %arg1, %mul3A_435 : i32
    %dma_wait3A_437 = arith.constant 0 : i32
    %dma_wait3A_438 = tpu.memref_slice %arg20[%mul3A_436, %dma_wait3A_437] : memref<10240x64xf32, #tpu.memory_space<vmem_shared>> -> memref<80x64xf32, #tpu.memory_space<vmem_shared>>
    %dma_wait3A_439 = arith.constant 0 : i32
    %dma_wait3A_440 = tpu.memref_slice %arg20[%mul3A_436, %dma_wait3A_439] : memref<10240x64xf32, #tpu.memory_space<vmem_shared>> -> memref<80x64xf32, #tpu.memory_space<vmem_shared>>
    tpu.wait_dma2 semaphore(%arg18 : memref<!tpu.dma_semaphore, #tpu.memory_space<semaphore_mem>>) src(%dma_wait3A_440 : memref<80x64xf32, #tpu.memory_space<vmem_shared>>) dst(%arg12 : memref<80x64xf32, #tpu.memory_space<vmem>>)
    %mul3A_441 = arith.constant 640 : i32
    %mul3A_442 = arith.muli %arg1, %mul3A_441 : i32
    %dma_wait3A_443 = arith.constant 0 : i32
    %dma_wait3A_444 = tpu.memref_slice %arg20[%mul3A_442, %dma_wait3A_443] : memref<10240x64xf32, #tpu.memory_space<vmem_shared>> -> memref<80x64xf32, #tpu.memory_space<vmem_shared>>
    %dma_wait3A_445 = arith.constant 0 : i32
    %dma_wait3A_446 = tpu.memref_slice %arg20[%mul3A_442, %dma_wait3A_445] : memref<10240x64xf32, #tpu.memory_space<vmem_shared>> -> memref<80x64xf32, #tpu.memory_space<vmem_shared>>
    tpu.wait_dma2 semaphore(%arg18 : memref<!tpu.dma_semaphore, #tpu.memory_space<semaphore_mem>>) src(%dma_wait3A_446 : memref<80x64xf32, #tpu.memory_space<vmem_shared>>) dst(%arg13 : memref<80x64xf32, #tpu.memory_space<vmem>>)
    %mul3A_447 = arith.constant 640 : i32
    %mul3A_448 = arith.muli %arg1, %mul3A_447 : i32
    %dma_wait3A_449 = arith.constant 0 : i32
    %dma_wait3A_450 = tpu.memref_slice %arg20[%mul3A_448, %dma_wait3A_449] : memref<10240x64xf32, #tpu.memory_space<vmem_shared>> -> memref<80x64xf32, #tpu.memory_space<vmem_shared>>
    %dma_wait3A_451 = arith.constant 0 : i32
    %dma_wait3A_452 = tpu.memref_slice %arg20[%mul3A_448, %dma_wait3A_451] : memref<10240x64xf32, #tpu.memory_space<vmem_shared>> -> memref<80x64xf32, #tpu.memory_space<vmem_shared>>
    tpu.wait_dma2 semaphore(%arg18 : memref<!tpu.dma_semaphore, #tpu.memory_space<semaphore_mem>>) src(%dma_wait3A_452 : memref<80x64xf32, #tpu.memory_space<vmem_shared>>) dst(%arg14 : memref<80x64xf32, #tpu.memory_space<vmem>>)
    %mul3A_453 = arith.constant 640 : i32
    %mul3A_454 = arith.muli %arg1, %mul3A_453 : i32
    %dma_wait3A_455 = arith.constant 0 : i32
    %dma_wait3A_456 = tpu.memref_slice %arg20[%mul3A_454, %dma_wait3A_455] : memref<10240x64xf32, #tpu.memory_space<vmem_shared>> -> memref<80x64xf32, #tpu.memory_space<vmem_shared>>
    %dma_wait3A_457 = arith.constant 0 : i32
    %dma_wait3A_458 = tpu.memref_slice %arg20[%mul3A_454, %dma_wait3A_457] : memref<10240x64xf32, #tpu.memory_space<vmem_shared>> -> memref<80x64xf32, #tpu.memory_space<vmem_shared>>
    tpu.wait_dma2 semaphore(%arg18 : memref<!tpu.dma_semaphore, #tpu.memory_space<semaphore_mem>>) src(%dma_wait3A_458 : memref<80x64xf32, #tpu.memory_space<vmem_shared>>) dst(%arg15 : memref<80x64xf32, #tpu.memory_space<vmem>>)
    %dma_start3A_459 = arith.constant 0 : i32
    %dma_start3A_460 = arith.constant 0 : i32
    %dma_start3A_461 = arith.constant 0 : i32
    %dma_start3A_462 = tpu.memref_slice %arg4[%arg0, %dma_start3A_459, %dma_start3A_460, %dma_start3A_461] : memref<2x16x640x64xf32, #tpu.memory_space<hbm>> -> memref<1x16x640x64xf32, #tpu.memory_space<hbm>>
    %dma_start3A_463 = tpu.memref_squeeze %dma_start3A_462 : memref<1x16x640x64xf32, #tpu.memory_space<hbm>> -> memref<16x640x64xf32, #tpu.memory_space<hbm>>
    %dma_start3A_464 = arith.constant 0 : i32
    %dma_start3A_465 = arith.constant 0 : i32
    %dma_start3A_466 = tpu.memref_slice %dma_start3A_463[%arg1, %dma_start3A_464, %dma_start3A_465] : memref<16x640x64xf32, #tpu.memory_space<hbm>> -> memref<1x640x64xf32, #tpu.memory_space<hbm>>
    %dma_start3A_467 = tpu.memref_squeeze %dma_start3A_466 : memref<1x640x64xf32, #tpu.memory_space<hbm>> -> memref<640x64xf32, #tpu.memory_space<hbm>>
    %dma_start3A_468 = arith.constant 0 : i32
    %dma_start3A_469 = arith.constant 0 : i32
    %dma_start3A_470 = tpu.memref_slice %dma_start3A_467[%dma_start3A_468, %dma_start3A_469] : memref<640x64xf32, #tpu.memory_space<hbm>> -> memref<80x64xf32, #tpu.memory_space<hbm>>
    %dma_start3A_471 = arith.constant 0 : i32
    %dma_start3A_472 = arith.constant 0 : i32
    %dma_start3A_473 = arith.constant 0 : i32
    %dma_start3A_474 = tpu.memref_slice %arg4[%arg0, %dma_start3A_471, %dma_start3A_472, %dma_start3A_473] : memref<2x16x640x64xf32, #tpu.memory_space<hbm>> -> memref<1x16x640x64xf32, #tpu.memory_space<hbm>>
    %dma_start3A_475 = tpu.memref_squeeze %dma_start3A_474 : memref<1x16x640x64xf32, #tpu.memory_space<hbm>> -> memref<16x640x64xf32, #tpu.memory_space<hbm>>
    %dma_start3A_476 = arith.constant 0 : i32
    %dma_start3A_477 = arith.constant 0 : i32
    %dma_start3A_478 = tpu.memref_slice %dma_start3A_475[%arg1, %dma_start3A_476, %dma_start3A_477] : memref<16x640x64xf32, #tpu.memory_space<hbm>> -> memref<1x640x64xf32, #tpu.memory_space<hbm>>
    %dma_start3A_479 = tpu.memref_squeeze %dma_start3A_478 : memref<1x640x64xf32, #tpu.memory_space<hbm>> -> memref<640x64xf32, #tpu.memory_space<hbm>>
    %dma_start3A_480 = arith.constant 0 : i32
    %dma_start3A_481 = arith.constant 0 : i32
    %dma_start3A_482 = tpu.memref_slice %dma_start3A_479[%dma_start3A_480, %dma_start3A_481] : memref<640x64xf32, #tpu.memory_space<hbm>> -> memref<80x64xf32, #tpu.memory_space<hbm>>
    tpu.enqueue_dma source(%arg8 : memref<80x64xf32, #tpu.memory_space<vmem>>) target(%dma_start3A_482 : memref<80x64xf32, #tpu.memory_space<hbm>>) target_semaphore(%arg19 : memref<!tpu.dma_semaphore, #tpu.memory_space<semaphore_mem>>)
    %dma_start3A_483 = arith.constant 0 : i32
    %dma_start3A_484 = arith.constant 0 : i32
    %dma_start3A_485 = arith.constant 0 : i32
    %dma_start3A_486 = tpu.memref_slice %arg4[%arg0, %dma_start3A_483, %dma_start3A_484, %dma_start3A_485] : memref<2x16x640x64xf32, #tpu.memory_space<hbm>> -> memref<1x16x640x64xf32, #tpu.memory_space<hbm>>
    %dma_start3A_487 = tpu.memref_squeeze %dma_start3A_486 : memref<1x16x640x64xf32, #tpu.memory_space<hbm>> -> memref<16x640x64xf32, #tpu.memory_space<hbm>>
    %dma_start3A_488 = arith.constant 0 : i32
    %dma_start3A_489 = arith.constant 0 : i32
    %dma_start3A_490 = tpu.memref_slice %dma_start3A_487[%arg1, %dma_start3A_488, %dma_start3A_489] : memref<16x640x64xf32, #tpu.memory_space<hbm>> -> memref<1x640x64xf32, #tpu.memory_space<hbm>>
    %dma_start3A_491 = tpu.memref_squeeze %dma_start3A_490 : memref<1x640x64xf32, #tpu.memory_space<hbm>> -> memref<640x64xf32, #tpu.memory_space<hbm>>
    %dma_start3A_492 = arith.constant 80 : i32
    %dma_start3A_493 = arith.constant 0 : i32
    %dma_start3A_494 = tpu.memref_slice %dma_start3A_491[%dma_start3A_492, %dma_start3A_493] : memref<640x64xf32, #tpu.memory_space<hbm>> -> memref<80x64xf32, #tpu.memory_space<hbm>>
    %dma_start3A_495 = arith.constant 0 : i32
    %dma_start3A_496 = arith.constant 0 : i32
    %dma_start3A_497 = arith.constant 0 : i32
    %dma_start3A_498 = tpu.memref_slice %arg4[%arg0, %dma_start3A_495, %dma_start3A_496, %dma_start3A_497] : memref<2x16x640x64xf32, #tpu.memory_space<hbm>> -> memref<1x16x640x64xf32, #tpu.memory_space<hbm>>
    %dma_start3A_499 = tpu.memref_squeeze %dma_start3A_498 : memref<1x16x640x64xf32, #tpu.memory_space<hbm>> -> memref<16x640x64xf32, #tpu.memory_space<hbm>>
    %dma_start3A_500 = arith.constant 0 : i32
    %dma_start3A_501 = arith.constant 0 : i32
    %dma_start3A_502 = tpu.memref_slice %dma_start3A_499[%arg1, %dma_start3A_500, %dma_start3A_501] : memref<16x640x64xf32, #tpu.memory_space<hbm>> -> memref<1x640x64xf32, #tpu.memory_space<hbm>>
    %dma_start3A_503 = tpu.memref_squeeze %dma_start3A_502 : memref<1x640x64xf32, #tpu.memory_space<hbm>> -> memref<640x64xf32, #tpu.memory_space<hbm>>
    %dma_start3A_504 = arith.constant 80 : i32
    %dma_start3A_505 = arith.constant 0 : i32
    %dma_start3A_506 = tpu.memref_slice %dma_start3A_503[%dma_start3A_504, %dma_start3A_505] : memref<640x64xf32, #tpu.memory_space<hbm>> -> memref<80x64xf32, #tpu.memory_space<hbm>>
    tpu.enqueue_dma source(%arg9 : memref<80x64xf32, #tpu.memory_space<vmem>>) target(%dma_start3A_506 : memref<80x64xf32, #tpu.memory_space<hbm>>) target_semaphore(%arg19 : memref<!tpu.dma_semaphore, #tpu.memory_space<semaphore_mem>>)
    %dma_start3A_507 = arith.constant 0 : i32
    %dma_start3A_508 = arith.constant 0 : i32
    %dma_start3A_509 = arith.constant 0 : i32
    %dma_start3A_510 = tpu.memref_slice %arg4[%arg0, %dma_start3A_507, %dma_start3A_508, %dma_start3A_509] : memref<2x16x640x64xf32, #tpu.memory_space<hbm>> -> memref<1x16x640x64xf32, #tpu.memory_space<hbm>>
    %dma_start3A_511 = tpu.memref_squeeze %dma_start3A_510 : memref<1x16x640x64xf32, #tpu.memory_space<hbm>> -> memref<16x640x64xf32, #tpu.memory_space<hbm>>
    %dma_start3A_512 = arith.constant 0 : i32
    %dma_start3A_513 = arith.constant 0 : i32
    %dma_start3A_514 = tpu.memref_slice %dma_start3A_511[%arg1, %dma_start3A_512, %dma_start3A_513] : memref<16x640x64xf32, #tpu.memory_space<hbm>> -> memref<1x640x64xf32, #tpu.memory_space<hbm>>
    %dma_start3A_515 = tpu.memref_squeeze %dma_start3A_514 : memref<1x640x64xf32, #tpu.memory_space<hbm>> -> memref<640x64xf32, #tpu.memory_space<hbm>>
    %dma_start3A_516 = arith.constant 160 : i32
    %dma_start3A_517 = arith.constant 0 : i32
    %dma_start3A_518 = tpu.memref_slice %dma_start3A_515[%dma_start3A_516, %dma_start3A_517] : memref<640x64xf32, #tpu.memory_space<hbm>> -> memref<80x64xf32, #tpu.memory_space<hbm>>
    %dma_start3A_519 = arith.constant 0 : i32
    %dma_start3A_520 = arith.constant 0 : i32
    %dma_start3A_521 = arith.constant 0 : i32
    %dma_start3A_522 = tpu.memref_slice %arg4[%arg0, %dma_start3A_519, %dma_start3A_520, %dma_start3A_521] : memref<2x16x640x64xf32, #tpu.memory_space<hbm>> -> memref<1x16x640x64xf32, #tpu.memory_space<hbm>>
    %dma_start3A_523 = tpu.memref_squeeze %dma_start3A_522 : memref<1x16x640x64xf32, #tpu.memory_space<hbm>> -> memref<16x640x64xf32, #tpu.memory_space<hbm>>
    %dma_start3A_524 = arith.constant 0 : i32
    %dma_start3A_525 = arith.constant 0 : i32
    %dma_start3A_526 = tpu.memref_slice %dma_start3A_523[%arg1, %dma_start3A_524, %dma_start3A_525] : memref<16x640x64xf32, #tpu.memory_space<hbm>> -> memref<1x640x64xf32, #tpu.memory_space<hbm>>
    %dma_start3A_527 = tpu.memref_squeeze %dma_start3A_526 : memref<1x640x64xf32, #tpu.memory_space<hbm>> -> memref<640x64xf32, #tpu.memory_space<hbm>>
    %dma_start3A_528 = arith.constant 160 : i32
    %dma_start3A_529 = arith.constant 0 : i32
    %dma_start3A_530 = tpu.memref_slice %dma_start3A_527[%dma_start3A_528, %dma_start3A_529] : memref<640x64xf32, #tpu.memory_space<hbm>> -> memref<80x64xf32, #tpu.memory_space<hbm>>
    tpu.enqueue_dma source(%arg10 : memref<80x64xf32, #tpu.memory_space<vmem>>) target(%dma_start3A_530 : memref<80x64xf32, #tpu.memory_space<hbm>>) target_semaphore(%arg19 : memref<!tpu.dma_semaphore, #tpu.memory_space<semaphore_mem>>)
    %dma_start3A_531 = arith.constant 0 : i32
    %dma_start3A_532 = arith.constant 0 : i32
    %dma_start3A_533 = arith.constant 0 : i32
    %dma_start3A_534 = tpu.memref_slice %arg4[%arg0, %dma_start3A_531, %dma_start3A_532, %dma_start3A_533] : memref<2x16x640x64xf32, #tpu.memory_space<hbm>> -> memref<1x16x640x64xf32, #tpu.memory_space<hbm>>
    %dma_start3A_535 = tpu.memref_squeeze %dma_start3A_534 : memref<1x16x640x64xf32, #tpu.memory_space<hbm>> -> memref<16x640x64xf32, #tpu.memory_space<hbm>>
    %dma_start3A_536 = arith.constant 0 : i32
    %dma_start3A_537 = arith.constant 0 : i32
    %dma_start3A_538 = tpu.memref_slice %dma_start3A_535[%arg1, %dma_start3A_536, %dma_start3A_537] : memref<16x640x64xf32, #tpu.memory_space<hbm>> -> memref<1x640x64xf32, #tpu.memory_space<hbm>>
    %dma_start3A_539 = tpu.memref_squeeze %dma_start3A_538 : memref<1x640x64xf32, #tpu.memory_space<hbm>> -> memref<640x64xf32, #tpu.memory_space<hbm>>
    %dma_start3A_540 = arith.constant 240 : i32
    %dma_start3A_541 = arith.constant 0 : i32
    %dma_start3A_542 = tpu.memref_slice %dma_start3A_539[%dma_start3A_540, %dma_start3A_541] : memref<640x64xf32, #tpu.memory_space<hbm>> -> memref<80x64xf32, #tpu.memory_space<hbm>>
    %dma_start3A_543 = arith.constant 0 : i32
    %dma_start3A_544 = arith.constant 0 : i32
    %dma_start3A_545 = arith.constant 0 : i32
    %dma_start3A_546 = tpu.memref_slice %arg4[%arg0, %dma_start3A_543, %dma_start3A_544, %dma_start3A_545] : memref<2x16x640x64xf32, #tpu.memory_space<hbm>> -> memref<1x16x640x64xf32, #tpu.memory_space<hbm>>
    %dma_start3A_547 = tpu.memref_squeeze %dma_start3A_546 : memref<1x16x640x64xf32, #tpu.memory_space<hbm>> -> memref<16x640x64xf32, #tpu.memory_space<hbm>>
    %dma_start3A_548 = arith.constant 0 : i32
    %dma_start3A_549 = arith.constant 0 : i32
    %dma_start3A_550 = tpu.memref_slice %dma_start3A_547[%arg1, %dma_start3A_548, %dma_start3A_549] : memref<16x640x64xf32, #tpu.memory_space<hbm>> -> memref<1x640x64xf32, #tpu.memory_space<hbm>>
    %dma_start3A_551 = tpu.memref_squeeze %dma_start3A_550 : memref<1x640x64xf32, #tpu.memory_space<hbm>> -> memref<640x64xf32, #tpu.memory_space<hbm>>
    %dma_start3A_552 = arith.constant 240 : i32
    %dma_start3A_553 = arith.constant 0 : i32
    %dma_start3A_554 = tpu.memref_slice %dma_start3A_551[%dma_start3A_552, %dma_start3A_553] : memref<640x64xf32, #tpu.memory_space<hbm>> -> memref<80x64xf32, #tpu.memory_space<hbm>>
    tpu.enqueue_dma source(%arg11 : memref<80x64xf32, #tpu.memory_space<vmem>>) target(%dma_start3A_554 : memref<80x64xf32, #tpu.memory_space<hbm>>) target_semaphore(%arg19 : memref<!tpu.dma_semaphore, #tpu.memory_space<semaphore_mem>>)
    %dma_start3A_555 = arith.constant 0 : i32
    %dma_start3A_556 = arith.constant 0 : i32
    %dma_start3A_557 = arith.constant 0 : i32
    %dma_start3A_558 = tpu.memref_slice %arg4[%arg0, %dma_start3A_555, %dma_start3A_556, %dma_start3A_557] : memref<2x16x640x64xf32, #tpu.memory_space<hbm>> -> memref<1x16x640x64xf32, #tpu.memory_space<hbm>>
    %dma_start3A_559 = tpu.memref_squeeze %dma_start3A_558 : memref<1x16x640x64xf32, #tpu.memory_space<hbm>> -> memref<16x640x64xf32, #tpu.memory_space<hbm>>
    %dma_start3A_560 = arith.constant 0 : i32
    %dma_start3A_561 = arith.constant 0 : i32
    %dma_start3A_562 = tpu.memref_slice %dma_start3A_559[%arg1, %dma_start3A_560, %dma_start3A_561] : memref<16x640x64xf32, #tpu.memory_space<hbm>> -> memref<1x640x64xf32, #tpu.memory_space<hbm>>
    %dma_start3A_563 = tpu.memref_squeeze %dma_start3A_562 : memref<1x640x64xf32, #tpu.memory_space<hbm>> -> memref<640x64xf32, #tpu.memory_space<hbm>>
    %dma_start3A_564 = arith.constant 320 : i32
    %dma_start3A_565 = arith.constant 0 : i32
    %dma_start3A_566 = tpu.memref_slice %dma_start3A_563[%dma_start3A_564, %dma_start3A_565] : memref<640x64xf32, #tpu.memory_space<hbm>> -> memref<80x64xf32, #tpu.memory_space<hbm>>
    %dma_start3A_567 = arith.constant 0 : i32
    %dma_start3A_568 = arith.constant 0 : i32
    %dma_start3A_569 = arith.constant 0 : i32
    %dma_start3A_570 = tpu.memref_slice %arg4[%arg0, %dma_start3A_567, %dma_start3A_568, %dma_start3A_569] : memref<2x16x640x64xf32, #tpu.memory_space<hbm>> -> memref<1x16x640x64xf32, #tpu.memory_space<hbm>>
    %dma_start3A_571 = tpu.memref_squeeze %dma_start3A_570 : memref<1x16x640x64xf32, #tpu.memory_space<hbm>> -> memref<16x640x64xf32, #tpu.memory_space<hbm>>
    %dma_start3A_572 = arith.constant 0 : i32
    %dma_start3A_573 = arith.constant 0 : i32
    %dma_start3A_574 = tpu.memref_slice %dma_start3A_571[%arg1, %dma_start3A_572, %dma_start3A_573] : memref<16x640x64xf32, #tpu.memory_space<hbm>> -> memref<1x640x64xf32, #tpu.memory_space<hbm>>
    %dma_start3A_575 = tpu.memref_squeeze %dma_start3A_574 : memref<1x640x64xf32, #tpu.memory_space<hbm>> -> memref<640x64xf32, #tpu.memory_space<hbm>>
    %dma_start3A_576 = arith.constant 320 : i32
    %dma_start3A_577 = arith.constant 0 : i32
    %dma_start3A_578 = tpu.memref_slice %dma_start3A_575[%dma_start3A_576, %dma_start3A_577] : memref<640x64xf32, #tpu.memory_space<hbm>> -> memref<80x64xf32, #tpu.memory_space<hbm>>
    tpu.enqueue_dma source(%arg12 : memref<80x64xf32, #tpu.memory_space<vmem>>) target(%dma_start3A_578 : memref<80x64xf32, #tpu.memory_space<hbm>>) target_semaphore(%arg19 : memref<!tpu.dma_semaphore, #tpu.memory_space<semaphore_mem>>)
    %dma_start3A_579 = arith.constant 0 : i32
    %dma_start3A_580 = arith.constant 0 : i32
    %dma_start3A_581 = arith.constant 0 : i32
    %dma_start3A_582 = tpu.memref_slice %arg4[%arg0, %dma_start3A_579, %dma_start3A_580, %dma_start3A_581] : memref<2x16x640x64xf32, #tpu.memory_space<hbm>> -> memref<1x16x640x64xf32, #tpu.memory_space<hbm>>
    %dma_start3A_583 = tpu.memref_squeeze %dma_start3A_582 : memref<1x16x640x64xf32, #tpu.memory_space<hbm>> -> memref<16x640x64xf32, #tpu.memory_space<hbm>>
    %dma_start3A_584 = arith.constant 0 : i32
    %dma_start3A_585 = arith.constant 0 : i32
    %dma_start3A_586 = tpu.memref_slice %dma_start3A_583[%arg1, %dma_start3A_584, %dma_start3A_585] : memref<16x640x64xf32, #tpu.memory_space<hbm>> -> memref<1x640x64xf32, #tpu.memory_space<hbm>>
    %dma_start3A_587 = tpu.memref_squeeze %dma_start3A_586 : memref<1x640x64xf32, #tpu.memory_space<hbm>> -> memref<640x64xf32, #tpu.memory_space<hbm>>
    %dma_start3A_588 = arith.constant 400 : i32
    %dma_start3A_589 = arith.constant 0 : i32
    %dma_start3A_590 = tpu.memref_slice %dma_start3A_587[%dma_start3A_588, %dma_start3A_589] : memref<640x64xf32, #tpu.memory_space<hbm>> -> memref<80x64xf32, #tpu.memory_space<hbm>>
    %dma_start3A_591 = arith.constant 0 : i32
    %dma_start3A_592 = arith.constant 0 : i32
    %dma_start3A_593 = arith.constant 0 : i32
    %dma_start3A_594 = tpu.memref_slice %arg4[%arg0, %dma_start3A_591, %dma_start3A_592, %dma_start3A_593] : memref<2x16x640x64xf32, #tpu.memory_space<hbm>> -> memref<1x16x640x64xf32, #tpu.memory_space<hbm>>
    %dma_start3A_595 = tpu.memref_squeeze %dma_start3A_594 : memref<1x16x640x64xf32, #tpu.memory_space<hbm>> -> memref<16x640x64xf32, #tpu.memory_space<hbm>>
    %dma_start3A_596 = arith.constant 0 : i32
    %dma_start3A_597 = arith.constant 0 : i32
    %dma_start3A_598 = tpu.memref_slice %dma_start3A_595[%arg1, %dma_start3A_596, %dma_start3A_597] : memref<16x640x64xf32, #tpu.memory_space<hbm>> -> memref<1x640x64xf32, #tpu.memory_space<hbm>>
    %dma_start3A_599 = tpu.memref_squeeze %dma_start3A_598 : memref<1x640x64xf32, #tpu.memory_space<hbm>> -> memref<640x64xf32, #tpu.memory_space<hbm>>
    %dma_start3A_600 = arith.constant 400 : i32
    %dma_start3A_601 = arith.constant 0 : i32
    %dma_start3A_602 = tpu.memref_slice %dma_start3A_599[%dma_start3A_600, %dma_start3A_601] : memref<640x64xf32, #tpu.memory_space<hbm>> -> memref<80x64xf32, #tpu.memory_space<hbm>>
    tpu.enqueue_dma source(%arg13 : memref<80x64xf32, #tpu.memory_space<vmem>>) target(%dma_start3A_602 : memref<80x64xf32, #tpu.memory_space<hbm>>) target_semaphore(%arg19 : memref<!tpu.dma_semaphore, #tpu.memory_space<semaphore_mem>>)
    %dma_start3A_603 = arith.constant 0 : i32
    %dma_start3A_604 = arith.constant 0 : i32
    %dma_start3A_605 = arith.constant 0 : i32
    %dma_start3A_606 = tpu.memref_slice %arg4[%arg0, %dma_start3A_603, %dma_start3A_604, %dma_start3A_605] : memref<2x16x640x64xf32, #tpu.memory_space<hbm>> -> memref<1x16x640x64xf32, #tpu.memory_space<hbm>>
    %dma_start3A_607 = tpu.memref_squeeze %dma_start3A_606 : memref<1x16x640x64xf32, #tpu.memory_space<hbm>> -> memref<16x640x64xf32, #tpu.memory_space<hbm>>
    %dma_start3A_608 = arith.constant 0 : i32
    %dma_start3A_609 = arith.constant 0 : i32
    %dma_start3A_610 = tpu.memref_slice %dma_start3A_607[%arg1, %dma_start3A_608, %dma_start3A_609] : memref<16x640x64xf32, #tpu.memory_space<hbm>> -> memref<1x640x64xf32, #tpu.memory_space<hbm>>
    %dma_start3A_611 = tpu.memref_squeeze %dma_start3A_610 : memref<1x640x64xf32, #tpu.memory_space<hbm>> -> memref<640x64xf32, #tpu.memory_space<hbm>>
    %dma_start3A_612 = arith.constant 480 : i32
    %dma_start3A_613 = arith.constant 0 : i32
    %dma_start3A_614 = tpu.memref_slice %dma_start3A_611[%dma_start3A_612, %dma_start3A_613] : memref<640x64xf32, #tpu.memory_space<hbm>> -> memref<80x64xf32, #tpu.memory_space<hbm>>
    %dma_start3A_615 = arith.constant 0 : i32
    %dma_start3A_616 = arith.constant 0 : i32
    %dma_start3A_617 = arith.constant 0 : i32
    %dma_start3A_618 = tpu.memref_slice %arg4[%arg0, %dma_start3A_615, %dma_start3A_616, %dma_start3A_617] : memref<2x16x640x64xf32, #tpu.memory_space<hbm>> -> memref<1x16x640x64xf32, #tpu.memory_space<hbm>>
    %dma_start3A_619 = tpu.memref_squeeze %dma_start3A_618 : memref<1x16x640x64xf32, #tpu.memory_space<hbm>> -> memref<16x640x64xf32, #tpu.memory_space<hbm>>
    %dma_start3A_620 = arith.constant 0 : i32
    %dma_start3A_621 = arith.constant 0 : i32
    %dma_start3A_622 = tpu.memref_slice %dma_start3A_619[%arg1, %dma_start3A_620, %dma_start3A_621] : memref<16x640x64xf32, #tpu.memory_space<hbm>> -> memref<1x640x64xf32, #tpu.memory_space<hbm>>
    %dma_start3A_623 = tpu.memref_squeeze %dma_start3A_622 : memref<1x640x64xf32, #tpu.memory_space<hbm>> -> memref<640x64xf32, #tpu.memory_space<hbm>>
    %dma_start3A_624 = arith.constant 480 : i32
    %dma_start3A_625 = arith.constant 0 : i32
    %dma_start3A_626 = tpu.memref_slice %dma_start3A_623[%dma_start3A_624, %dma_start3A_625] : memref<640x64xf32, #tpu.memory_space<hbm>> -> memref<80x64xf32, #tpu.memory_space<hbm>>
    tpu.enqueue_dma source(%arg14 : memref<80x64xf32, #tpu.memory_space<vmem>>) target(%dma_start3A_626 : memref<80x64xf32, #tpu.memory_space<hbm>>) target_semaphore(%arg19 : memref<!tpu.dma_semaphore, #tpu.memory_space<semaphore_mem>>)
    %dma_start3A_627 = arith.constant 0 : i32
    %dma_start3A_628 = arith.constant 0 : i32
    %dma_start3A_629 = arith.constant 0 : i32
    %dma_start3A_630 = tpu.memref_slice %arg4[%arg0, %dma_start3A_627, %dma_start3A_628, %dma_start3A_629] : memref<2x16x640x64xf32, #tpu.memory_space<hbm>> -> memref<1x16x640x64xf32, #tpu.memory_space<hbm>>
    %dma_start3A_631 = tpu.memref_squeeze %dma_start3A_630 : memref<1x16x640x64xf32, #tpu.memory_space<hbm>> -> memref<16x640x64xf32, #tpu.memory_space<hbm>>
    %dma_start3A_632 = arith.constant 0 : i32
    %dma_start3A_633 = arith.constant 0 : i32
    %dma_start3A_634 = tpu.memref_slice %dma_start3A_631[%arg1, %dma_start3A_632, %dma_start3A_633] : memref<16x640x64xf32, #tpu.memory_space<hbm>> -> memref<1x640x64xf32, #tpu.memory_space<hbm>>
    %dma_start3A_635 = tpu.memref_squeeze %dma_start3A_634 : memref<1x640x64xf32, #tpu.memory_space<hbm>> -> memref<640x64xf32, #tpu.memory_space<hbm>>
    %dma_start3A_636 = arith.constant 560 : i32
    %dma_start3A_637 = arith.constant 0 : i32
    %dma_start3A_638 = tpu.memref_slice %dma_start3A_635[%dma_start3A_636, %dma_start3A_637] : memref<640x64xf32, #tpu.memory_space<hbm>> -> memref<80x64xf32, #tpu.memory_space<hbm>>
    %dma_start3A_639 = arith.constant 0 : i32
    %dma_start3A_640 = arith.constant 0 : i32
    %dma_start3A_641 = arith.constant 0 : i32
    %dma_start3A_642 = tpu.memref_slice %arg4[%arg0, %dma_start3A_639, %dma_start3A_640, %dma_start3A_641] : memref<2x16x640x64xf32, #tpu.memory_space<hbm>> -> memref<1x16x640x64xf32, #tpu.memory_space<hbm>>
    %dma_start3A_643 = tpu.memref_squeeze %dma_start3A_642 : memref<1x16x640x64xf32, #tpu.memory_space<hbm>> -> memref<16x640x64xf32, #tpu.memory_space<hbm>>
    %dma_start3A_644 = arith.constant 0 : i32
    %dma_start3A_645 = arith.constant 0 : i32
    %dma_start3A_646 = tpu.memref_slice %dma_start3A_643[%arg1, %dma_start3A_644, %dma_start3A_645] : memref<16x640x64xf32, #tpu.memory_space<hbm>> -> memref<1x640x64xf32, #tpu.memory_space<hbm>>
    %dma_start3A_647 = tpu.memref_squeeze %dma_start3A_646 : memref<1x640x64xf32, #tpu.memory_space<hbm>> -> memref<640x64xf32, #tpu.memory_space<hbm>>
    %dma_start3A_648 = arith.constant 560 : i32
    %dma_start3A_649 = arith.constant 0 : i32
    %dma_start3A_650 = tpu.memref_slice %dma_start3A_647[%dma_start3A_648, %dma_start3A_649] : memref<640x64xf32, #tpu.memory_space<hbm>> -> memref<80x64xf32, #tpu.memory_space<hbm>>
    tpu.enqueue_dma source(%arg15 : memref<80x64xf32, #tpu.memory_space<vmem>>) target(%dma_start3A_650 : memref<80x64xf32, #tpu.memory_space<hbm>>) target_semaphore(%arg19 : memref<!tpu.dma_semaphore, #tpu.memory_space<semaphore_mem>>)
    %dma_wait3A_651 = arith.constant 0 : i32
    %dma_wait3A_652 = arith.constant 0 : i32
    %dma_wait3A_653 = arith.constant 0 : i32
    %dma_wait3A_654 = tpu.memref_slice %arg4[%arg0, %dma_wait3A_651, %dma_wait3A_652, %dma_wait3A_653] : memref<2x16x640x64xf32, #tpu.memory_space<hbm>> -> memref<1x16x640x64xf32, #tpu.memory_space<hbm>>
    %dma_wait3A_655 = tpu.memref_squeeze %dma_wait3A_654 : memref<1x16x640x64xf32, #tpu.memory_space<hbm>> -> memref<16x640x64xf32, #tpu.memory_space<hbm>>
    %dma_wait3A_656 = arith.constant 0 : i32
    %dma_wait3A_657 = arith.constant 0 : i32
    %dma_wait3A_658 = tpu.memref_slice %dma_wait3A_655[%arg1, %dma_wait3A_656, %dma_wait3A_657] : memref<16x640x64xf32, #tpu.memory_space<hbm>> -> memref<1x640x64xf32, #tpu.memory_space<hbm>>
    %dma_wait3A_659 = tpu.memref_squeeze %dma_wait3A_658 : memref<1x640x64xf32, #tpu.memory_space<hbm>> -> memref<640x64xf32, #tpu.memory_space<hbm>>
    %dma_wait3A_660 = arith.constant 0 : i32
    %dma_wait3A_661 = arith.constant 0 : i32
    %dma_wait3A_662 = tpu.memref_slice %dma_wait3A_659[%dma_wait3A_660, %dma_wait3A_661] : memref<640x64xf32, #tpu.memory_space<hbm>> -> memref<80x64xf32, #tpu.memory_space<hbm>>
    %dma_wait3A_663 = arith.constant 0 : i32
    %dma_wait3A_664 = arith.constant 0 : i32
    %dma_wait3A_665 = arith.constant 0 : i32
    %dma_wait3A_666 = tpu.memref_slice %arg4[%arg0, %dma_wait3A_663, %dma_wait3A_664, %dma_wait3A_665] : memref<2x16x640x64xf32, #tpu.memory_space<hbm>> -> memref<1x16x640x64xf32, #tpu.memory_space<hbm>>
    %dma_wait3A_667 = tpu.memref_squeeze %dma_wait3A_666 : memref<1x16x640x64xf32, #tpu.memory_space<hbm>> -> memref<16x640x64xf32, #tpu.memory_space<hbm>>
    %dma_wait3A_668 = arith.constant 0 : i32
    %dma_wait3A_669 = arith.constant 0 : i32
    %dma_wait3A_670 = tpu.memref_slice %dma_wait3A_667[%arg1, %dma_wait3A_668, %dma_wait3A_669] : memref<16x640x64xf32, #tpu.memory_space<hbm>> -> memref<1x640x64xf32, #tpu.memory_space<hbm>>
    %dma_wait3A_671 = tpu.memref_squeeze %dma_wait3A_670 : memref<1x640x64xf32, #tpu.memory_space<hbm>> -> memref<640x64xf32, #tpu.memory_space<hbm>>
    %dma_wait3A_672 = arith.constant 0 : i32
    %dma_wait3A_673 = arith.constant 0 : i32
    %dma_wait3A_674 = tpu.memref_slice %dma_wait3A_671[%dma_wait3A_672, %dma_wait3A_673] : memref<640x64xf32, #tpu.memory_space<hbm>> -> memref<80x64xf32, #tpu.memory_space<hbm>>
    tpu.wait_dma2 semaphore(%arg19 : memref<!tpu.dma_semaphore, #tpu.memory_space<semaphore_mem>>) src(%arg8 : memref<80x64xf32, #tpu.memory_space<vmem>>) dst(%dma_wait3A_674 : memref<80x64xf32, #tpu.memory_space<hbm>>)
    %dma_wait3A_675 = arith.constant 0 : i32
    %dma_wait3A_676 = arith.constant 0 : i32
    %dma_wait3A_677 = arith.constant 0 : i32
    %dma_wait3A_678 = tpu.memref_slice %arg4[%arg0, %dma_wait3A_675, %dma_wait3A_676, %dma_wait3A_677] : memref<2x16x640x64xf32, #tpu.memory_space<hbm>> -> memref<1x16x640x64xf32, #tpu.memory_space<hbm>>
    %dma_wait3A_679 = tpu.memref_squeeze %dma_wait3A_678 : memref<1x16x640x64xf32, #tpu.memory_space<hbm>> -> memref<16x640x64xf32, #tpu.memory_space<hbm>>
    %dma_wait3A_680 = arith.constant 0 : i32
    %dma_wait3A_681 = arith.constant 0 : i32
    %dma_wait3A_682 = tpu.memref_slice %dma_wait3A_679[%arg1, %dma_wait3A_680, %dma_wait3A_681] : memref<16x640x64xf32, #tpu.memory_space<hbm>> -> memref<1x640x64xf32, #tpu.memory_space<hbm>>
    %dma_wait3A_683 = tpu.memref_squeeze %dma_wait3A_682 : memref<1x640x64xf32, #tpu.memory_space<hbm>> -> memref<640x64xf32, #tpu.memory_space<hbm>>
    %dma_wait3A_684 = arith.constant 0 : i32
    %dma_wait3A_685 = arith.constant 0 : i32
    %dma_wait3A_686 = tpu.memref_slice %dma_wait3A_683[%dma_wait3A_684, %dma_wait3A_685] : memref<640x64xf32, #tpu.memory_space<hbm>> -> memref<80x64xf32, #tpu.memory_space<hbm>>
    %dma_wait3A_687 = arith.constant 0 : i32
    %dma_wait3A_688 = arith.constant 0 : i32
    %dma_wait3A_689 = arith.constant 0 : i32
    %dma_wait3A_690 = tpu.memref_slice %arg4[%arg0, %dma_wait3A_687, %dma_wait3A_688, %dma_wait3A_689] : memref<2x16x640x64xf32, #tpu.memory_space<hbm>> -> memref<1x16x640x64xf32, #tpu.memory_space<hbm>>
    %dma_wait3A_691 = tpu.memref_squeeze %dma_wait3A_690 : memref<1x16x640x64xf32, #tpu.memory_space<hbm>> -> memref<16x640x64xf32, #tpu.memory_space<hbm>>
    %dma_wait3A_692 = arith.constant 0 : i32
    %dma_wait3A_693 = arith.constant 0 : i32
    %dma_wait3A_694 = tpu.memref_slice %dma_wait3A_691[%arg1, %dma_wait3A_692, %dma_wait3A_693] : memref<16x640x64xf32, #tpu.memory_space<hbm>> -> memref<1x640x64xf32, #tpu.memory_space<hbm>>
    %dma_wait3A_695 = tpu.memref_squeeze %dma_wait3A_694 : memref<1x640x64xf32, #tpu.memory_space<hbm>> -> memref<640x64xf32, #tpu.memory_space<hbm>>
    %dma_wait3A_696 = arith.constant 0 : i32
    %dma_wait3A_697 = arith.constant 0 : i32
    %dma_wait3A_698 = tpu.memref_slice %dma_wait3A_695[%dma_wait3A_696, %dma_wait3A_697] : memref<640x64xf32, #tpu.memory_space<hbm>> -> memref<80x64xf32, #tpu.memory_space<hbm>>
    tpu.wait_dma2 semaphore(%arg19 : memref<!tpu.dma_semaphore, #tpu.memory_space<semaphore_mem>>) src(%arg9 : memref<80x64xf32, #tpu.memory_space<vmem>>) dst(%dma_wait3A_698 : memref<80x64xf32, #tpu.memory_space<hbm>>)
    %dma_wait3A_699 = arith.constant 0 : i32
    %dma_wait3A_700 = arith.constant 0 : i32
    %dma_wait3A_701 = arith.constant 0 : i32
    %dma_wait3A_702 = tpu.memref_slice %arg4[%arg0, %dma_wait3A_699, %dma_wait3A_700, %dma_wait3A_701] : memref<2x16x640x64xf32, #tpu.memory_space<hbm>> -> memref<1x16x640x64xf32, #tpu.memory_space<hbm>>
    %dma_wait3A_703 = tpu.memref_squeeze %dma_wait3A_702 : memref<1x16x640x64xf32, #tpu.memory_space<hbm>> -> memref<16x640x64xf32, #tpu.memory_space<hbm>>
    %dma_wait3A_704 = arith.constant 0 : i32
    %dma_wait3A_705 = arith.constant 0 : i32
    %dma_wait3A_706 = tpu.memref_slice %dma_wait3A_703[%arg1, %dma_wait3A_704, %dma_wait3A_705] : memref<16x640x64xf32, #tpu.memory_space<hbm>> -> memref<1x640x64xf32, #tpu.memory_space<hbm>>
    %dma_wait3A_707 = tpu.memref_squeeze %dma_wait3A_706 : memref<1x640x64xf32, #tpu.memory_space<hbm>> -> memref<640x64xf32, #tpu.memory_space<hbm>>
    %dma_wait3A_708 = arith.constant 0 : i32
    %dma_wait3A_709 = arith.constant 0 : i32
    %dma_wait3A_710 = tpu.memref_slice %dma_wait3A_707[%dma_wait3A_708, %dma_wait3A_709] : memref<640x64xf32, #tpu.memory_space<hbm>> -> memref<80x64xf32, #tpu.memory_space<hbm>>
    %dma_wait3A_711 = arith.constant 0 : i32
    %dma_wait3A_712 = arith.constant 0 : i32
    %dma_wait3A_713 = arith.constant 0 : i32
    %dma_wait3A_714 = tpu.memref_slice %arg4[%arg0, %dma_wait3A_711, %dma_wait3A_712, %dma_wait3A_713] : memref<2x16x640x64xf32, #tpu.memory_space<hbm>> -> memref<1x16x640x64xf32, #tpu.memory_space<hbm>>
    %dma_wait3A_715 = tpu.memref_squeeze %dma_wait3A_714 : memref<1x16x640x64xf32, #tpu.memory_space<hbm>> -> memref<16x640x64xf32, #tpu.memory_space<hbm>>
    %dma_wait3A_716 = arith.constant 0 : i32
    %dma_wait3A_717 = arith.constant 0 : i32
    %dma_wait3A_718 = tpu.memref_slice %dma_wait3A_715[%arg1, %dma_wait3A_716, %dma_wait3A_717] : memref<16x640x64xf32, #tpu.memory_space<hbm>> -> memref<1x640x64xf32, #tpu.memory_space<hbm>>
    %dma_wait3A_719 = tpu.memref_squeeze %dma_wait3A_718 : memref<1x640x64xf32, #tpu.memory_space<hbm>> -> memref<640x64xf32, #tpu.memory_space<hbm>>
    %dma_wait3A_720 = arith.constant 0 : i32
    %dma_wait3A_721 = arith.constant 0 : i32
    %dma_wait3A_722 = tpu.memref_slice %dma_wait3A_719[%dma_wait3A_720, %dma_wait3A_721] : memref<640x64xf32, #tpu.memory_space<hbm>> -> memref<80x64xf32, #tpu.memory_space<hbm>>
    tpu.wait_dma2 semaphore(%arg19 : memref<!tpu.dma_semaphore, #tpu.memory_space<semaphore_mem>>) src(%arg10 : memref<80x64xf32, #tpu.memory_space<vmem>>) dst(%dma_wait3A_722 : memref<80x64xf32, #tpu.memory_space<hbm>>)
    %dma_wait3A_723 = arith.constant 0 : i32
    %dma_wait3A_724 = arith.constant 0 : i32
    %dma_wait3A_725 = arith.constant 0 : i32
    %dma_wait3A_726 = tpu.memref_slice %arg4[%arg0, %dma_wait3A_723, %dma_wait3A_724, %dma_wait3A_725] : memref<2x16x640x64xf32, #tpu.memory_space<hbm>> -> memref<1x16x640x64xf32, #tpu.memory_space<hbm>>
    %dma_wait3A_727 = tpu.memref_squeeze %dma_wait3A_726 : memref<1x16x640x64xf32, #tpu.memory_space<hbm>> -> memref<16x640x64xf32, #tpu.memory_space<hbm>>
    %dma_wait3A_728 = arith.constant 0 : i32
    %dma_wait3A_729 = arith.constant 0 : i32
    %dma_wait3A_730 = tpu.memref_slice %dma_wait3A_727[%arg1, %dma_wait3A_728, %dma_wait3A_729] : memref<16x640x64xf32, #tpu.memory_space<hbm>> -> memref<1x640x64xf32, #tpu.memory_space<hbm>>
    %dma_wait3A_731 = tpu.memref_squeeze %dma_wait3A_730 : memref<1x640x64xf32, #tpu.memory_space<hbm>> -> memref<640x64xf32, #tpu.memory_space<hbm>>
    %dma_wait3A_732 = arith.constant 0 : i32
    %dma_wait3A_733 = arith.constant 0 : i32
    %dma_wait3A_734 = tpu.memref_slice %dma_wait3A_731[%dma_wait3A_732, %dma_wait3A_733] : memref<640x64xf32, #tpu.memory_space<hbm>> -> memref<80x64xf32, #tpu.memory_space<hbm>>
    %dma_wait3A_735 = arith.constant 0 : i32
    %dma_wait3A_736 = arith.constant 0 : i32
    %dma_wait3A_737 = arith.constant 0 : i32
    %dma_wait3A_738 = tpu.memref_slice %arg4[%arg0, %dma_wait3A_735, %dma_wait3A_736, %dma_wait3A_737] : memref<2x16x640x64xf32, #tpu.memory_space<hbm>> -> memref<1x16x640x64xf32, #tpu.memory_space<hbm>>
    %dma_wait3A_739 = tpu.memref_squeeze %dma_wait3A_738 : memref<1x16x640x64xf32, #tpu.memory_space<hbm>> -> memref<16x640x64xf32, #tpu.memory_space<hbm>>
    %dma_wait3A_740 = arith.constant 0 : i32
    %dma_wait3A_741 = arith.constant 0 : i32
    %dma_wait3A_742 = tpu.memref_slice %dma_wait3A_739[%arg1, %dma_wait3A_740, %dma_wait3A_741] : memref<16x640x64xf32, #tpu.memory_space<hbm>> -> memref<1x640x64xf32, #tpu.memory_space<hbm>>
    %dma_wait3A_743 = tpu.memref_squeeze %dma_wait3A_742 : memref<1x640x64xf32, #tpu.memory_space<hbm>> -> memref<640x64xf32, #tpu.memory_space<hbm>>
    %dma_wait3A_744 = arith.constant 0 : i32
    %dma_wait3A_745 = arith.constant 0 : i32
    %dma_wait3A_746 = tpu.memref_slice %dma_wait3A_743[%dma_wait3A_744, %dma_wait3A_745] : memref<640x64xf32, #tpu.memory_space<hbm>> -> memref<80x64xf32, #tpu.memory_space<hbm>>
    tpu.wait_dma2 semaphore(%arg19 : memref<!tpu.dma_semaphore, #tpu.memory_space<semaphore_mem>>) src(%arg11 : memref<80x64xf32, #tpu.memory_space<vmem>>) dst(%dma_wait3A_746 : memref<80x64xf32, #tpu.memory_space<hbm>>)
    %dma_wait3A_747 = arith.constant 0 : i32
    %dma_wait3A_748 = arith.constant 0 : i32
    %dma_wait3A_749 = arith.constant 0 : i32
    %dma_wait3A_750 = tpu.memref_slice %arg4[%arg0, %dma_wait3A_747, %dma_wait3A_748, %dma_wait3A_749] : memref<2x16x640x64xf32, #tpu.memory_space<hbm>> -> memref<1x16x640x64xf32, #tpu.memory_space<hbm>>
    %dma_wait3A_751 = tpu.memref_squeeze %dma_wait3A_750 : memref<1x16x640x64xf32, #tpu.memory_space<hbm>> -> memref<16x640x64xf32, #tpu.memory_space<hbm>>
    %dma_wait3A_752 = arith.constant 0 : i32
    %dma_wait3A_753 = arith.constant 0 : i32
    %dma_wait3A_754 = tpu.memref_slice %dma_wait3A_751[%arg1, %dma_wait3A_752, %dma_wait3A_753] : memref<16x640x64xf32, #tpu.memory_space<hbm>> -> memref<1x640x64xf32, #tpu.memory_space<hbm>>
    %dma_wait3A_755 = tpu.memref_squeeze %dma_wait3A_754 : memref<1x640x64xf32, #tpu.memory_space<hbm>> -> memref<640x64xf32, #tpu.memory_space<hbm>>
    %dma_wait3A_756 = arith.constant 0 : i32
    %dma_wait3A_757 = arith.constant 0 : i32
    %dma_wait3A_758 = tpu.memref_slice %dma_wait3A_755[%dma_wait3A_756, %dma_wait3A_757] : memref<640x64xf32, #tpu.memory_space<hbm>> -> memref<80x64xf32, #tpu.memory_space<hbm>>
    %dma_wait3A_759 = arith.constant 0 : i32
    %dma_wait3A_760 = arith.constant 0 : i32
    %dma_wait3A_761 = arith.constant 0 : i32
    %dma_wait3A_762 = tpu.memref_slice %arg4[%arg0, %dma_wait3A_759, %dma_wait3A_760, %dma_wait3A_761] : memref<2x16x640x64xf32, #tpu.memory_space<hbm>> -> memref<1x16x640x64xf32, #tpu.memory_space<hbm>>
    %dma_wait3A_763 = tpu.memref_squeeze %dma_wait3A_762 : memref<1x16x640x64xf32, #tpu.memory_space<hbm>> -> memref<16x640x64xf32, #tpu.memory_space<hbm>>
    %dma_wait3A_764 = arith.constant 0 : i32
    %dma_wait3A_765 = arith.constant 0 : i32
    %dma_wait3A_766 = tpu.memref_slice %dma_wait3A_763[%arg1, %dma_wait3A_764, %dma_wait3A_765] : memref<16x640x64xf32, #tpu.memory_space<hbm>> -> memref<1x640x64xf32, #tpu.memory_space<hbm>>
    %dma_wait3A_767 = tpu.memref_squeeze %dma_wait3A_766 : memref<1x640x64xf32, #tpu.memory_space<hbm>> -> memref<640x64xf32, #tpu.memory_space<hbm>>
    %dma_wait3A_768 = arith.constant 0 : i32
    %dma_wait3A_769 = arith.constant 0 : i32
    %dma_wait3A_770 = tpu.memref_slice %dma_wait3A_767[%dma_wait3A_768, %dma_wait3A_769] : memref<640x64xf32, #tpu.memory_space<hbm>> -> memref<80x64xf32, #tpu.memory_space<hbm>>
    tpu.wait_dma2 semaphore(%arg19 : memref<!tpu.dma_semaphore, #tpu.memory_space<semaphore_mem>>) src(%arg12 : memref<80x64xf32, #tpu.memory_space<vmem>>) dst(%dma_wait3A_770 : memref<80x64xf32, #tpu.memory_space<hbm>>)
    %dma_wait3A_771 = arith.constant 0 : i32
    %dma_wait3A_772 = arith.constant 0 : i32
    %dma_wait3A_773 = arith.constant 0 : i32
    %dma_wait3A_774 = tpu.memref_slice %arg4[%arg0, %dma_wait3A_771, %dma_wait3A_772, %dma_wait3A_773] : memref<2x16x640x64xf32, #tpu.memory_space<hbm>> -> memref<1x16x640x64xf32, #tpu.memory_space<hbm>>
    %dma_wait3A_775 = tpu.memref_squeeze %dma_wait3A_774 : memref<1x16x640x64xf32, #tpu.memory_space<hbm>> -> memref<16x640x64xf32, #tpu.memory_space<hbm>>
    %dma_wait3A_776 = arith.constant 0 : i32
    %dma_wait3A_777 = arith.constant 0 : i32
    %dma_wait3A_778 = tpu.memref_slice %dma_wait3A_775[%arg1, %dma_wait3A_776, %dma_wait3A_777] : memref<16x640x64xf32, #tpu.memory_space<hbm>> -> memref<1x640x64xf32, #tpu.memory_space<hbm>>
    %dma_wait3A_779 = tpu.memref_squeeze %dma_wait3A_778 : memref<1x640x64xf32, #tpu.memory_space<hbm>> -> memref<640x64xf32, #tpu.memory_space<hbm>>
    %dma_wait3A_780 = arith.constant 0 : i32
    %dma_wait3A_781 = arith.constant 0 : i32
    %dma_wait3A_782 = tpu.memref_slice %dma_wait3A_779[%dma_wait3A_780, %dma_wait3A_781] : memref<640x64xf32, #tpu.memory_space<hbm>> -> memref<80x64xf32, #tpu.memory_space<hbm>>
    %dma_wait3A_783 = arith.constant 0 : i32
    %dma_wait3A_784 = arith.constant 0 : i32
    %dma_wait3A_785 = arith.constant 0 : i32
    %dma_wait3A_786 = tpu.memref_slice %arg4[%arg0, %dma_wait3A_783, %dma_wait3A_784, %dma_wait3A_785] : memref<2x16x640x64xf32, #tpu.memory_space<hbm>> -> memref<1x16x640x64xf32, #tpu.memory_space<hbm>>
    %dma_wait3A_787 = tpu.memref_squeeze %dma_wait3A_786 : memref<1x16x640x64xf32, #tpu.memory_space<hbm>> -> memref<16x640x64xf32, #tpu.memory_space<hbm>>
    %dma_wait3A_788 = arith.constant 0 : i32
    %dma_wait3A_789 = arith.constant 0 : i32
    %dma_wait3A_790 = tpu.memref_slice %dma_wait3A_787[%arg1, %dma_wait3A_788, %dma_wait3A_789] : memref<16x640x64xf32, #tpu.memory_space<hbm>> -> memref<1x640x64xf32, #tpu.memory_space<hbm>>
    %dma_wait3A_791 = tpu.memref_squeeze %dma_wait3A_790 : memref<1x640x64xf32, #tpu.memory_space<hbm>> -> memref<640x64xf32, #tpu.memory_space<hbm>>
    %dma_wait3A_792 = arith.constant 0 : i32
    %dma_wait3A_793 = arith.constant 0 : i32
    %dma_wait3A_794 = tpu.memref_slice %dma_wait3A_791[%dma_wait3A_792, %dma_wait3A_793] : memref<640x64xf32, #tpu.memory_space<hbm>> -> memref<80x64xf32, #tpu.memory_space<hbm>>
    tpu.wait_dma2 semaphore(%arg19 : memref<!tpu.dma_semaphore, #tpu.memory_space<semaphore_mem>>) src(%arg13 : memref<80x64xf32, #tpu.memory_space<vmem>>) dst(%dma_wait3A_794 : memref<80x64xf32, #tpu.memory_space<hbm>>)
    %dma_wait3A_795 = arith.constant 0 : i32
    %dma_wait3A_796 = arith.constant 0 : i32
    %dma_wait3A_797 = arith.constant 0 : i32
    %dma_wait3A_798 = tpu.memref_slice %arg4[%arg0, %dma_wait3A_795, %dma_wait3A_796, %dma_wait3A_797] : memref<2x16x640x64xf32, #tpu.memory_space<hbm>> -> memref<1x16x640x64xf32, #tpu.memory_space<hbm>>
    %dma_wait3A_799 = tpu.memref_squeeze %dma_wait3A_798 : memref<1x16x640x64xf32, #tpu.memory_space<hbm>> -> memref<16x640x64xf32, #tpu.memory_space<hbm>>
    %dma_wait3A_800 = arith.constant 0 : i32
    %dma_wait3A_801 = arith.constant 0 : i32
    %dma_wait3A_802 = tpu.memref_slice %dma_wait3A_799[%arg1, %dma_wait3A_800, %dma_wait3A_801] : memref<16x640x64xf32, #tpu.memory_space<hbm>> -> memref<1x640x64xf32, #tpu.memory_space<hbm>>
    %dma_wait3A_803 = tpu.memref_squeeze %dma_wait3A_802 : memref<1x640x64xf32, #tpu.memory_space<hbm>> -> memref<640x64xf32, #tpu.memory_space<hbm>>
    %dma_wait3A_804 = arith.constant 0 : i32
    %dma_wait3A_805 = arith.constant 0 : i32
    %dma_wait3A_806 = tpu.memref_slice %dma_wait3A_803[%dma_wait3A_804, %dma_wait3A_805] : memref<640x64xf32, #tpu.memory_space<hbm>> -> memref<80x64xf32, #tpu.memory_space<hbm>>
    %dma_wait3A_807 = arith.constant 0 : i32
    %dma_wait3A_808 = arith.constant 0 : i32
    %dma_wait3A_809 = arith.constant 0 : i32
    %dma_wait3A_810 = tpu.memref_slice %arg4[%arg0, %dma_wait3A_807, %dma_wait3A_808, %dma_wait3A_809] : memref<2x16x640x64xf32, #tpu.memory_space<hbm>> -> memref<1x16x640x64xf32, #tpu.memory_space<hbm>>
    %dma_wait3A_811 = tpu.memref_squeeze %dma_wait3A_810 : memref<1x16x640x64xf32, #tpu.memory_space<hbm>> -> memref<16x640x64xf32, #tpu.memory_space<hbm>>
    %dma_wait3A_812 = arith.constant 0 : i32
    %dma_wait3A_813 = arith.constant 0 : i32
    %dma_wait3A_814 = tpu.memref_slice %dma_wait3A_811[%arg1, %dma_wait3A_812, %dma_wait3A_813] : memref<16x640x64xf32, #tpu.memory_space<hbm>> -> memref<1x640x64xf32, #tpu.memory_space<hbm>>
    %dma_wait3A_815 = tpu.memref_squeeze %dma_wait3A_814 : memref<1x640x64xf32, #tpu.memory_space<hbm>> -> memref<640x64xf32, #tpu.memory_space<hbm>>
    %dma_wait3A_816 = arith.constant 0 : i32
    %dma_wait3A_817 = arith.constant 0 : i32
    %dma_wait3A_818 = tpu.memref_slice %dma_wait3A_815[%dma_wait3A_816, %dma_wait3A_817] : memref<640x64xf32, #tpu.memory_space<hbm>> -> memref<80x64xf32, #tpu.memory_space<hbm>>
    tpu.wait_dma2 semaphore(%arg19 : memref<!tpu.dma_semaphore, #tpu.memory_space<semaphore_mem>>) src(%arg14 : memref<80x64xf32, #tpu.memory_space<vmem>>) dst(%dma_wait3A_818 : memref<80x64xf32, #tpu.memory_space<hbm>>)
    %dma_wait3A_819 = arith.constant 0 : i32
    %dma_wait3A_820 = arith.constant 0 : i32
    %dma_wait3A_821 = arith.constant 0 : i32
    %dma_wait3A_822 = tpu.memref_slice %arg4[%arg0, %dma_wait3A_819, %dma_wait3A_820, %dma_wait3A_821] : memref<2x16x640x64xf32, #tpu.memory_space<hbm>> -> memref<1x16x640x64xf32, #tpu.memory_space<hbm>>
    %dma_wait3A_823 = tpu.memref_squeeze %dma_wait3A_822 : memref<1x16x640x64xf32, #tpu.memory_space<hbm>> -> memref<16x640x64xf32, #tpu.memory_space<hbm>>
    %dma_wait3A_824 = arith.constant 0 : i32
    %dma_wait3A_825 = arith.constant 0 : i32
    %dma_wait3A_826 = tpu.memref_slice %dma_wait3A_823[%arg1, %dma_wait3A_824, %dma_wait3A_825] : memref<16x640x64xf32, #tpu.memory_space<hbm>> -> memref<1x640x64xf32, #tpu.memory_space<hbm>>
    %dma_wait3A_827 = tpu.memref_squeeze %dma_wait3A_826 : memref<1x640x64xf32, #tpu.memory_space<hbm>> -> memref<640x64xf32, #tpu.memory_space<hbm>>
    %dma_wait3A_828 = arith.constant 0 : i32
    %dma_wait3A_829 = arith.constant 0 : i32
    %dma_wait3A_830 = tpu.memref_slice %dma_wait3A_827[%dma_wait3A_828, %dma_wait3A_829] : memref<640x64xf32, #tpu.memory_space<hbm>> -> memref<80x64xf32, #tpu.memory_space<hbm>>
    %dma_wait3A_831 = arith.constant 0 : i32
    %dma_wait3A_832 = arith.constant 0 : i32
    %dma_wait3A_833 = arith.constant 0 : i32
    %dma_wait3A_834 = tpu.memref_slice %arg4[%arg0, %dma_wait3A_831, %dma_wait3A_832, %dma_wait3A_833] : memref<2x16x640x64xf32, #tpu.memory_space<hbm>> -> memref<1x16x640x64xf32, #tpu.memory_space<hbm>>
    %dma_wait3A_835 = tpu.memref_squeeze %dma_wait3A_834 : memref<1x16x640x64xf32, #tpu.memory_space<hbm>> -> memref<16x640x64xf32, #tpu.memory_space<hbm>>
    %dma_wait3A_836 = arith.constant 0 : i32
    %dma_wait3A_837 = arith.constant 0 : i32
    %dma_wait3A_838 = tpu.memref_slice %dma_wait3A_835[%arg1, %dma_wait3A_836, %dma_wait3A_837] : memref<16x640x64xf32, #tpu.memory_space<hbm>> -> memref<1x640x64xf32, #tpu.memory_space<hbm>>
    %dma_wait3A_839 = tpu.memref_squeeze %dma_wait3A_838 : memref<1x640x64xf32, #tpu.memory_space<hbm>> -> memref<640x64xf32, #tpu.memory_space<hbm>>
    %dma_wait3A_840 = arith.constant 0 : i32
    %dma_wait3A_841 = arith.constant 0 : i32
    %dma_wait3A_842 = tpu.memref_slice %dma_wait3A_839[%dma_wait3A_840, %dma_wait3A_841] : memref<640x64xf32, #tpu.memory_space<hbm>> -> memref<80x64xf32, #tpu.memory_space<hbm>>
    tpu.wait_dma2 semaphore(%arg19 : memref<!tpu.dma_semaphore, #tpu.memory_space<semaphore_mem>>) src(%arg15 : memref<80x64xf32, #tpu.memory_space<vmem>>) dst(%dma_wait3A_842 : memref<80x64xf32, #tpu.memory_space<hbm>>)
    return
  }
}

#map = affine_map<(d0, d1) -> (0, 0, 0, 0)>
module attributes {stable_mosaic.version = 14 : i64} {
  func.func @body(%arg0: i32, %arg1: i32, %arg2: memref<2x32x125x80xi32, #tpu.memory_space<hbm>>, %arg3: memref<2x16x640x16xf32, #tpu.memory_space<hbm>>, %arg4: memref<125x80xi32, #tpu.memory_space<vmem>>, %arg5: memref<80x16xf32, #tpu.memory_space<vmem>>, %arg6: memref<80x16xf32, #tpu.memory_space<vmem>>, %arg7: memref<640x16xf32, #tpu.memory_space<vmem>>, %arg8: memref<8x80xi32, #tpu.memory_space<vmem>>, %arg9: memref<10240x16xf32, #tpu.memory_space<vmem_shared>>, %arg10: memref<!tpu.dma_semaphore, #tpu.memory_space<semaphore_mem>>) attributes {dimension_semantics = [#tpu.dimension_semantics<core_parallel>, #tpu.dimension_semantics<subcore_parallel>], iteration_bounds = array<i64: 2, 16>, scalar_prefetch = 0 : i64, scratch_operands = 7 : i64, tpu.core_type = #tpu.core_type<sc_vector_subcore>, window_params = [{transform_indices = #map}, {transform_indices = #map}]} {
    %mul3A = arith.constant 2 : i32
    %mul3A_0 = arith.muli %arg1, %mul3A : i32
    %add3A = arith.addi %mul3A_0, %arg0 : i32
    %dma_start3A = arith.constant 1 : i32
    %dma_start3A_1 = arith.constant 0 : i32
    %dma_start3A_2 = arith.constant 0 : i32
    %dma_start3A_3 = arith.constant 0 : i32
    %dma_start3A_4 = tpu.memref_slice %arg2[%dma_start3A, %dma_start3A_1, %dma_start3A_2, %dma_start3A_3] : memref<2x32x125x80xi32, #tpu.memory_space<hbm>> -> memref<1x32x125x80xi32, #tpu.memory_space<hbm>>
    %dma_start3A_5 = tpu.memref_squeeze %dma_start3A_4 : memref<1x32x125x80xi32, #tpu.memory_space<hbm>> -> memref<32x125x80xi32, #tpu.memory_space<hbm>>
    %dma_start3A_6 = arith.constant 0 : i32
    %dma_start3A_7 = arith.constant 0 : i32
    %dma_start3A_8 = tpu.memref_slice %dma_start3A_5[%add3A, %dma_start3A_6, %dma_start3A_7] : memref<32x125x80xi32, #tpu.memory_space<hbm>> -> memref<1x125x80xi32, #tpu.memory_space<hbm>>
    %dma_start3A_9 = tpu.memref_squeeze %dma_start3A_8 : memref<1x125x80xi32, #tpu.memory_space<hbm>> -> memref<125x80xi32, #tpu.memory_space<hbm>>
    %dma_start3A_10 = arith.constant 0 : i32
    %dma_start3A_11 = arith.constant 0 : i32
    %dma_start3A_12 = arith.constant 0 : i32
    %dma_start3A_13 = tpu.memref_slice %arg2[%dma_start3A, %dma_start3A_10, %dma_start3A_11, %dma_start3A_12] : memref<2x32x125x80xi32, #tpu.memory_space<hbm>> -> memref<1x32x125x80xi32, #tpu.memory_space<hbm>>
    %dma_start3A_14 = tpu.memref_squeeze %dma_start3A_13 : memref<1x32x125x80xi32, #tpu.memory_space<hbm>> -> memref<32x125x80xi32, #tpu.memory_space<hbm>>
    %dma_start3A_15 = arith.constant 0 : i32
    %dma_start3A_16 = arith.constant 0 : i32
    %dma_start3A_17 = tpu.memref_slice %dma_start3A_14[%add3A, %dma_start3A_15, %dma_start3A_16] : memref<32x125x80xi32, #tpu.memory_space<hbm>> -> memref<1x125x80xi32, #tpu.memory_space<hbm>>
    %dma_start3A_18 = tpu.memref_squeeze %dma_start3A_17 : memref<1x125x80xi32, #tpu.memory_space<hbm>> -> memref<125x80xi32, #tpu.memory_space<hbm>>
    tpu.enqueue_dma source(%dma_start3A_18 : memref<125x80xi32, #tpu.memory_space<hbm>>) target(%arg4 : memref<125x80xi32, #tpu.memory_space<vmem>>) target_semaphore(%arg10 : memref<!tpu.dma_semaphore, #tpu.memory_space<semaphore_mem>>)
    %scan3A = arith.constant 0 : i32
    %scan3A_19 = arith.constant 0 : i32
    %scan3A_20 = arith.constant 80 : i32
    %scan3A_21 = arith.addi %scan3A_19, %scan3A_20 : i32
    %scan3A_22 = arith.constant 1 : i32
    scf.for %scan3A_171 = %scan3A_19 to %scan3A_21 step %scan3A_22  : i32 {
      %broadcast_in_dim3A = arith.constant 1.000000e+00 : f32
      %broadcast_in_dim3A_172 = vector.broadcast %broadcast_in_dim3A : f32 to vector<16xf32>
      %swap3A = arith.index_cast %scan3A_171 : i32 to index
      %swap3A_173 = arith.constant 0 : index
      %swap3A_174 = tpu.vector_load %arg5[%swap3A, %swap3A_173] {strides = array<i32>} : memref<80x16xf32, #tpu.memory_space<vmem>>, vector<1x16xf32>,
      %swap3A_175 = vector.shape_cast %swap3A_174 : vector<1x16xf32> to vector<16xf32>
      %swap3A_176 = vector.shape_cast %broadcast_in_dim3A_172 : vector<16xf32> to vector<1x16xf32>
      tpu.vector_store %arg5[%swap3A, %swap3A_173], %swap3A_176 {strides = array<i32>} : memref<80x16xf32, #tpu.memory_space<vmem>>, vector<1x16xf32>,
      %broadcast_in_dim3A_177 = arith.constant 0.000000e+00 : f32
      %broadcast_in_dim3A_178 = vector.broadcast %broadcast_in_dim3A_177 : f32 to vector<16xf32>
      %swap3A_179 = arith.index_cast %scan3A_171 : i32 to index
      %swap3A_180 = arith.constant 0 : index
      %swap3A_181 = tpu.vector_load %arg6[%swap3A_179, %swap3A_180] {strides = array<i32>} : memref<80x16xf32, #tpu.memory_space<vmem>>, vector<1x16xf32>,
      %swap3A_182 = vector.shape_cast %swap3A_181 : vector<1x16xf32> to vector<16xf32>
      %swap3A_183 = vector.shape_cast %broadcast_in_dim3A_178 : vector<16xf32> to vector<1x16xf32>
      tpu.vector_store %arg6[%swap3A_179, %swap3A_180], %swap3A_183 {strides = array<i32>} : memref<80x16xf32, #tpu.memory_space<vmem>>, vector<1x16xf32>,
    }
    %scan3A_23 = arith.constant 80 : i32
    %mul3A_24 = arith.constant 640 : i32
    %mul3A_25 = arith.muli %arg1, %mul3A_24 : i32
    %iota3A = tpu.iota {dimensions = array<i32: 0>} : vector<16xi32>
    %scan3A_26 = arith.constant 0 : i32
    %scan3A_27 = arith.constant 0 : i32
    %scan3A_28 = arith.constant 40 : i32
    %scan3A_29 = arith.addi %scan3A_27, %scan3A_28 : i32
    %scan3A_30 = arith.constant 1 : i32
    scf.for %scan3A_171 = %scan3A_27 to %scan3A_29 step %scan3A_30  : i32 {
      %mul3A_172 = arith.constant 16 : i32
      %mul3A_173 = arith.muli %scan3A_171, %mul3A_172 : i32
      %add3A_174 = arith.addi %mul3A_25, %mul3A_173 : i32
      %add3A_175 = vector.broadcast %add3A_174 : i32 to vector<16xi32>
      %add3A_176 = arith.addi %add3A_175, %iota3A : vector<16xi32>
      %jit3A = arith.constant 5 : i32
      %div3A = arith.divsi %scan3A_171, %jit3A : i32
      %sign3A = arith.constant 0 : i32
      %sign3A_177 = arith.cmpi sgt, %scan3A_171, %sign3A : i32
      %sign3A_178 = arith.extui %sign3A_177 : i1 to i32
      %sign3A_179 = arith.constant 0 : i32
      %sign3A_180 = arith.cmpi slt, %scan3A_171, %sign3A_179 : i32
      %sign3A_181 = arith.extui %sign3A_180 : i1 to i32
      %sign3A_182 = arith.subi %sign3A_178, %sign3A_181 : i32
      %sign3A_183 = arith.constant 0 : i32
      %sign3A_184 = arith.cmpi sgt, %jit3A, %sign3A_183 : i32
      %sign3A_185 = arith.extui %sign3A_184 : i1 to i32
      %sign3A_186 = arith.constant 0 : i32
      %sign3A_187 = arith.cmpi slt, %jit3A, %sign3A_186 : i32
      %sign3A_188 = arith.extui %sign3A_187 : i1 to i32
      %sign3A_189 = arith.subi %sign3A_185, %sign3A_188 : i32
      %ne3A = arith.cmpi ne, %sign3A_182, %sign3A_189 : i32
      %rem3A = arith.remsi %scan3A_171, %jit3A : i32
      %ne3A_190 = arith.constant 0 : i32
      %ne3A_191 = arith.cmpi ne, %rem3A, %ne3A_190 : i32
      %and3A = arith.andi %ne3A, %ne3A_191 : i1
      %sub3A = arith.constant 1 : i32
      %sub3A_192 = arith.subi %div3A, %sub3A : i32
      %select_n3A = arith.select %and3A, %sub3A_192, %div3A : i32
      %jit3A_193 = arith.constant 5 : i32
      %eq3A = arith.constant 0 : i32
      %eq3A_194 = arith.cmpi eq, %jit3A_193, %eq3A : i32
      %jit3A_195 = arith.constant 1 : i32
      %select_n3A_196 = arith.select %eq3A_194, %jit3A_195, %jit3A_193 : i32
      %rem3A_197 = arith.remsi %scan3A_171, %select_n3A_196 : i32
      %ne3A_198 = arith.constant 0 : i32
      %ne3A_199 = arith.cmpi ne, %rem3A_197, %ne3A_198 : i32
      %lt3A = arith.constant 0 : i32
      %lt3A_200 = arith.cmpi slt, %rem3A_197, %lt3A : i32
      %lt3A_201 = arith.constant 0 : i32
      %lt3A_202 = arith.cmpi slt, %select_n3A_196, %lt3A_201 : i32
      %ne3A_203 = arith.xori %lt3A_200, %lt3A_202 : i1
      %and3A_204 = arith.andi %ne3A_203, %ne3A_199 : i1
      %add3A_205 = arith.addi %rem3A_197, %select_n3A_196 : i32
      %select_n3A_206 = arith.select %and3A_204, %add3A_205, %rem3A_197 : i32
      %mul3A_207 = arith.constant 16 : i32
      %mul3A_208 = arith.muli %select_n3A_206, %mul3A_207 : i32
      %swap3A = arith.index_cast %select_n3A : i32 to index
      %swap3A_209 = arith.index_cast %mul3A_208 : i32 to index
      %swap3A_210 = tpu.vector_load %arg8[%swap3A, %swap3A_209] {strides = array<i32>} : memref<8x80xi32, #tpu.memory_space<vmem>>, vector<1x16xi32>,
      %swap3A_211 = vector.shape_cast %swap3A_210 : vector<1x16xi32> to vector<16xi32>
      %swap3A_212 = vector.shape_cast %add3A_176 : vector<16xi32> to vector<1x16xi32>
      tpu.vector_store %arg8[%swap3A, %swap3A_209], %swap3A_212 {strides = array<i32>} : memref<8x80xi32, #tpu.memory_space<vmem>>, vector<1x16xi32>,
    }
    %scan3A_31 = arith.constant 40 : i32
    %dma_start3A_32 = arith.constant 0 : i32
    %dma_start3A_33 = arith.constant 0 : i32
    %dma_start3A_34 = tpu.memref_slice %arg8[%dma_start3A_32, %dma_start3A_33] : memref<8x80xi32, #tpu.memory_space<vmem>> -> memref<1x80xi32, #tpu.memory_space<vmem>>
    %dma_start3A_35 = tpu.memref_squeeze %dma_start3A_34 : memref<1x80xi32, #tpu.memory_space<vmem>> -> memref<80xi32, #tpu.memory_space<vmem>>
    %dma_start3A_36 = arith.constant 0 : i32
    %dma_start3A_37 = arith.constant 0 : i32
    %dma_start3A_38 = tpu.memref_slice %arg9[%dma_start3A_36, %dma_start3A_37] : memref<10240x16xf32, #tpu.memory_space<vmem_shared>> -> memref<10240x16xf32, #tpu.memory_space<vmem_shared>>
    tpu.enqueue_indirect_dma source(%arg6 : memref<80x16xf32, #tpu.memory_space<vmem>>) target(%dma_start3A_38 : memref<10240x16xf32, #tpu.memory_space<vmem_shared>>) offsets(%dma_start3A_35 : memref<80xi32, #tpu.memory_space<vmem>>) semaphore(%arg10 : memref<!tpu.dma_semaphore, #tpu.memory_space<semaphore_mem>>)
    %dma_start3A_39 = arith.constant 1 : i32
    %dma_start3A_40 = arith.constant 0 : i32
    %dma_start3A_41 = tpu.memref_slice %arg8[%dma_start3A_39, %dma_start3A_40] : memref<8x80xi32, #tpu.memory_space<vmem>> -> memref<1x80xi32, #tpu.memory_space<vmem>>
    %dma_start3A_42 = tpu.memref_squeeze %dma_start3A_41 : memref<1x80xi32, #tpu.memory_space<vmem>> -> memref<80xi32, #tpu.memory_space<vmem>>
    %dma_start3A_43 = arith.constant 0 : i32
    %dma_start3A_44 = arith.constant 0 : i32
    %dma_start3A_45 = tpu.memref_slice %arg9[%dma_start3A_43, %dma_start3A_44] : memref<10240x16xf32, #tpu.memory_space<vmem_shared>> -> memref<10240x16xf32, #tpu.memory_space<vmem_shared>>
    tpu.enqueue_indirect_dma source(%arg6 : memref<80x16xf32, #tpu.memory_space<vmem>>) target(%dma_start3A_45 : memref<10240x16xf32, #tpu.memory_space<vmem_shared>>) offsets(%dma_start3A_42 : memref<80xi32, #tpu.memory_space<vmem>>) semaphore(%arg10 : memref<!tpu.dma_semaphore, #tpu.memory_space<semaphore_mem>>)
    %dma_start3A_46 = arith.constant 2 : i32
    %dma_start3A_47 = arith.constant 0 : i32
    %dma_start3A_48 = tpu.memref_slice %arg8[%dma_start3A_46, %dma_start3A_47] : memref<8x80xi32, #tpu.memory_space<vmem>> -> memref<1x80xi32, #tpu.memory_space<vmem>>
    %dma_start3A_49 = tpu.memref_squeeze %dma_start3A_48 : memref<1x80xi32, #tpu.memory_space<vmem>> -> memref<80xi32, #tpu.memory_space<vmem>>
    %dma_start3A_50 = arith.constant 0 : i32
    %dma_start3A_51 = arith.constant 0 : i32
    %dma_start3A_52 = tpu.memref_slice %arg9[%dma_start3A_50, %dma_start3A_51] : memref<10240x16xf32, #tpu.memory_space<vmem_shared>> -> memref<10240x16xf32, #tpu.memory_space<vmem_shared>>
    tpu.enqueue_indirect_dma source(%arg6 : memref<80x16xf32, #tpu.memory_space<vmem>>) target(%dma_start3A_52 : memref<10240x16xf32, #tpu.memory_space<vmem_shared>>) offsets(%dma_start3A_49 : memref<80xi32, #tpu.memory_space<vmem>>) semaphore(%arg10 : memref<!tpu.dma_semaphore, #tpu.memory_space<semaphore_mem>>)
    %dma_start3A_53 = arith.constant 3 : i32
    %dma_start3A_54 = arith.constant 0 : i32
    %dma_start3A_55 = tpu.memref_slice %arg8[%dma_start3A_53, %dma_start3A_54] : memref<8x80xi32, #tpu.memory_space<vmem>> -> memref<1x80xi32, #tpu.memory_space<vmem>>
    %dma_start3A_56 = tpu.memref_squeeze %dma_start3A_55 : memref<1x80xi32, #tpu.memory_space<vmem>> -> memref<80xi32, #tpu.memory_space<vmem>>
    %dma_start3A_57 = arith.constant 0 : i32
    %dma_start3A_58 = arith.constant 0 : i32
    %dma_start3A_59 = tpu.memref_slice %arg9[%dma_start3A_57, %dma_start3A_58] : memref<10240x16xf32, #tpu.memory_space<vmem_shared>> -> memref<10240x16xf32, #tpu.memory_space<vmem_shared>>
    tpu.enqueue_indirect_dma source(%arg6 : memref<80x16xf32, #tpu.memory_space<vmem>>) target(%dma_start3A_59 : memref<10240x16xf32, #tpu.memory_space<vmem_shared>>) offsets(%dma_start3A_56 : memref<80xi32, #tpu.memory_space<vmem>>) semaphore(%arg10 : memref<!tpu.dma_semaphore, #tpu.memory_space<semaphore_mem>>)
    %dma_start3A_60 = arith.constant 4 : i32
    %dma_start3A_61 = arith.constant 0 : i32
    %dma_start3A_62 = tpu.memref_slice %arg8[%dma_start3A_60, %dma_start3A_61] : memref<8x80xi32, #tpu.memory_space<vmem>> -> memref<1x80xi32, #tpu.memory_space<vmem>>
    %dma_start3A_63 = tpu.memref_squeeze %dma_start3A_62 : memref<1x80xi32, #tpu.memory_space<vmem>> -> memref<80xi32, #tpu.memory_space<vmem>>
    %dma_start3A_64 = arith.constant 0 : i32
    %dma_start3A_65 = arith.constant 0 : i32
    %dma_start3A_66 = tpu.memref_slice %arg9[%dma_start3A_64, %dma_start3A_65] : memref<10240x16xf32, #tpu.memory_space<vmem_shared>> -> memref<10240x16xf32, #tpu.memory_space<vmem_shared>>
    tpu.enqueue_indirect_dma source(%arg6 : memref<80x16xf32, #tpu.memory_space<vmem>>) target(%dma_start3A_66 : memref<10240x16xf32, #tpu.memory_space<vmem_shared>>) offsets(%dma_start3A_63 : memref<80xi32, #tpu.memory_space<vmem>>) semaphore(%arg10 : memref<!tpu.dma_semaphore, #tpu.memory_space<semaphore_mem>>)
    %dma_start3A_67 = arith.constant 5 : i32
    %dma_start3A_68 = arith.constant 0 : i32
    %dma_start3A_69 = tpu.memref_slice %arg8[%dma_start3A_67, %dma_start3A_68] : memref<8x80xi32, #tpu.memory_space<vmem>> -> memref<1x80xi32, #tpu.memory_space<vmem>>
    %dma_start3A_70 = tpu.memref_squeeze %dma_start3A_69 : memref<1x80xi32, #tpu.memory_space<vmem>> -> memref<80xi32, #tpu.memory_space<vmem>>
    %dma_start3A_71 = arith.constant 0 : i32
    %dma_start3A_72 = arith.constant 0 : i32
    %dma_start3A_73 = tpu.memref_slice %arg9[%dma_start3A_71, %dma_start3A_72] : memref<10240x16xf32, #tpu.memory_space<vmem_shared>> -> memref<10240x16xf32, #tpu.memory_space<vmem_shared>>
    tpu.enqueue_indirect_dma source(%arg6 : memref<80x16xf32, #tpu.memory_space<vmem>>) target(%dma_start3A_73 : memref<10240x16xf32, #tpu.memory_space<vmem_shared>>) offsets(%dma_start3A_70 : memref<80xi32, #tpu.memory_space<vmem>>) semaphore(%arg10 : memref<!tpu.dma_semaphore, #tpu.memory_space<semaphore_mem>>)
    %dma_start3A_74 = arith.constant 6 : i32
    %dma_start3A_75 = arith.constant 0 : i32
    %dma_start3A_76 = tpu.memref_slice %arg8[%dma_start3A_74, %dma_start3A_75] : memref<8x80xi32, #tpu.memory_space<vmem>> -> memref<1x80xi32, #tpu.memory_space<vmem>>
    %dma_start3A_77 = tpu.memref_squeeze %dma_start3A_76 : memref<1x80xi32, #tpu.memory_space<vmem>> -> memref<80xi32, #tpu.memory_space<vmem>>
    %dma_start3A_78 = arith.constant 0 : i32
    %dma_start3A_79 = arith.constant 0 : i32
    %dma_start3A_80 = tpu.memref_slice %arg9[%dma_start3A_78, %dma_start3A_79] : memref<10240x16xf32, #tpu.memory_space<vmem_shared>> -> memref<10240x16xf32, #tpu.memory_space<vmem_shared>>
    tpu.enqueue_indirect_dma source(%arg6 : memref<80x16xf32, #tpu.memory_space<vmem>>) target(%dma_start3A_80 : memref<10240x16xf32, #tpu.memory_space<vmem_shared>>) offsets(%dma_start3A_77 : memref<80xi32, #tpu.memory_space<vmem>>) semaphore(%arg10 : memref<!tpu.dma_semaphore, #tpu.memory_space<semaphore_mem>>)
    %dma_start3A_81 = arith.constant 7 : i32
    %dma_start3A_82 = arith.constant 0 : i32
    %dma_start3A_83 = tpu.memref_slice %arg8[%dma_start3A_81, %dma_start3A_82] : memref<8x80xi32, #tpu.memory_space<vmem>> -> memref<1x80xi32, #tpu.memory_space<vmem>>
    %dma_start3A_84 = tpu.memref_squeeze %dma_start3A_83 : memref<1x80xi32, #tpu.memory_space<vmem>> -> memref<80xi32, #tpu.memory_space<vmem>>
    %dma_start3A_85 = arith.constant 0 : i32
    %dma_start3A_86 = arith.constant 0 : i32
    %dma_start3A_87 = tpu.memref_slice %arg9[%dma_start3A_85, %dma_start3A_86] : memref<10240x16xf32, #tpu.memory_space<vmem_shared>> -> memref<10240x16xf32, #tpu.memory_space<vmem_shared>>
    tpu.enqueue_indirect_dma source(%arg6 : memref<80x16xf32, #tpu.memory_space<vmem>>) target(%dma_start3A_87 : memref<10240x16xf32, #tpu.memory_space<vmem_shared>>) offsets(%dma_start3A_84 : memref<80xi32, #tpu.memory_space<vmem>>) semaphore(%arg10 : memref<!tpu.dma_semaphore, #tpu.memory_space<semaphore_mem>>)
    %dma_wait3A = arith.constant 0 : i32
    %dma_wait3A_88 = arith.constant 0 : i32
    %dma_wait3A_89 = tpu.memref_slice %arg8[%dma_wait3A, %dma_wait3A_88] : memref<8x80xi32, #tpu.memory_space<vmem>> -> memref<1x80xi32, #tpu.memory_space<vmem>>
    %dma_wait3A_90 = tpu.memref_squeeze %dma_wait3A_89 : memref<1x80xi32, #tpu.memory_space<vmem>> -> memref<80xi32, #tpu.memory_space<vmem>>
    %dma_wait3A_91 = arith.constant 0 : i32
    %dma_wait3A_92 = arith.constant 0 : i32
    %dma_wait3A_93 = tpu.memref_slice %arg9[%dma_wait3A_91, %dma_wait3A_92] : memref<10240x16xf32, #tpu.memory_space<vmem_shared>> -> memref<10240x16xf32, #tpu.memory_space<vmem_shared>>
    tpu.wait_indirect_dma semaphore(%arg10 : memref<!tpu.dma_semaphore, #tpu.memory_space<semaphore_mem>>) src(%arg6 : memref<80x16xf32, #tpu.memory_space<vmem>>) dst(%dma_wait3A_93 : memref<10240x16xf32, #tpu.memory_space<vmem_shared>>)
    %dma_wait3A_94 = arith.constant 0 : i32
    %dma_wait3A_95 = arith.constant 0 : i32
    %dma_wait3A_96 = tpu.memref_slice %arg8[%dma_wait3A_94, %dma_wait3A_95] : memref<8x80xi32, #tpu.memory_space<vmem>> -> memref<1x80xi32, #tpu.memory_space<vmem>>
    %dma_wait3A_97 = tpu.memref_squeeze %dma_wait3A_96 : memref<1x80xi32, #tpu.memory_space<vmem>> -> memref<80xi32, #tpu.memory_space<vmem>>
    %dma_wait3A_98 = arith.constant 0 : i32
    %dma_wait3A_99 = arith.constant 0 : i32
    %dma_wait3A_100 = tpu.memref_slice %arg9[%dma_wait3A_98, %dma_wait3A_99] : memref<10240x16xf32, #tpu.memory_space<vmem_shared>> -> memref<10240x16xf32, #tpu.memory_space<vmem_shared>>
    tpu.wait_indirect_dma semaphore(%arg10 : memref<!tpu.dma_semaphore, #tpu.memory_space<semaphore_mem>>) src(%arg6 : memref<80x16xf32, #tpu.memory_space<vmem>>) dst(%dma_wait3A_100 : memref<10240x16xf32, #tpu.memory_space<vmem_shared>>)
    %dma_wait3A_101 = arith.constant 0 : i32
    %dma_wait3A_102 = arith.constant 0 : i32
    %dma_wait3A_103 = tpu.memref_slice %arg8[%dma_wait3A_101, %dma_wait3A_102] : memref<8x80xi32, #tpu.memory_space<vmem>> -> memref<1x80xi32, #tpu.memory_space<vmem>>
    %dma_wait3A_104 = tpu.memref_squeeze %dma_wait3A_103 : memref<1x80xi32, #tpu.memory_space<vmem>> -> memref<80xi32, #tpu.memory_space<vmem>>
    %dma_wait3A_105 = arith.constant 0 : i32
    %dma_wait3A_106 = arith.constant 0 : i32
    %dma_wait3A_107 = tpu.memref_slice %arg9[%dma_wait3A_105, %dma_wait3A_106] : memref<10240x16xf32, #tpu.memory_space<vmem_shared>> -> memref<10240x16xf32, #tpu.memory_space<vmem_shared>>
    tpu.wait_indirect_dma semaphore(%arg10 : memref<!tpu.dma_semaphore, #tpu.memory_space<semaphore_mem>>) src(%arg6 : memref<80x16xf32, #tpu.memory_space<vmem>>) dst(%dma_wait3A_107 : memref<10240x16xf32, #tpu.memory_space<vmem_shared>>)
    %dma_wait3A_108 = arith.constant 0 : i32
    %dma_wait3A_109 = arith.constant 0 : i32
    %dma_wait3A_110 = tpu.memref_slice %arg8[%dma_wait3A_108, %dma_wait3A_109] : memref<8x80xi32, #tpu.memory_space<vmem>> -> memref<1x80xi32, #tpu.memory_space<vmem>>
    %dma_wait3A_111 = tpu.memref_squeeze %dma_wait3A_110 : memref<1x80xi32, #tpu.memory_space<vmem>> -> memref<80xi32, #tpu.memory_space<vmem>>
    %dma_wait3A_112 = arith.constant 0 : i32
    %dma_wait3A_113 = arith.constant 0 : i32
    %dma_wait3A_114 = tpu.memref_slice %arg9[%dma_wait3A_112, %dma_wait3A_113] : memref<10240x16xf32, #tpu.memory_space<vmem_shared>> -> memref<10240x16xf32, #tpu.memory_space<vmem_shared>>
    tpu.wait_indirect_dma semaphore(%arg10 : memref<!tpu.dma_semaphore, #tpu.memory_space<semaphore_mem>>) src(%arg6 : memref<80x16xf32, #tpu.memory_space<vmem>>) dst(%dma_wait3A_114 : memref<10240x16xf32, #tpu.memory_space<vmem_shared>>)
    %dma_wait3A_115 = arith.constant 0 : i32
    %dma_wait3A_116 = arith.constant 0 : i32
    %dma_wait3A_117 = tpu.memref_slice %arg8[%dma_wait3A_115, %dma_wait3A_116] : memref<8x80xi32, #tpu.memory_space<vmem>> -> memref<1x80xi32, #tpu.memory_space<vmem>>
    %dma_wait3A_118 = tpu.memref_squeeze %dma_wait3A_117 : memref<1x80xi32, #tpu.memory_space<vmem>> -> memref<80xi32, #tpu.memory_space<vmem>>
    %dma_wait3A_119 = arith.constant 0 : i32
    %dma_wait3A_120 = arith.constant 0 : i32
    %dma_wait3A_121 = tpu.memref_slice %arg9[%dma_wait3A_119, %dma_wait3A_120] : memref<10240x16xf32, #tpu.memory_space<vmem_shared>> -> memref<10240x16xf32, #tpu.memory_space<vmem_shared>>
    tpu.wait_indirect_dma semaphore(%arg10 : memref<!tpu.dma_semaphore, #tpu.memory_space<semaphore_mem>>) src(%arg6 : memref<80x16xf32, #tpu.memory_space<vmem>>) dst(%dma_wait3A_121 : memref<10240x16xf32, #tpu.memory_space<vmem_shared>>)
    %dma_wait3A_122 = arith.constant 0 : i32
    %dma_wait3A_123 = arith.constant 0 : i32
    %dma_wait3A_124 = tpu.memref_slice %arg8[%dma_wait3A_122, %dma_wait3A_123] : memref<8x80xi32, #tpu.memory_space<vmem>> -> memref<1x80xi32, #tpu.memory_space<vmem>>
    %dma_wait3A_125 = tpu.memref_squeeze %dma_wait3A_124 : memref<1x80xi32, #tpu.memory_space<vmem>> -> memref<80xi32, #tpu.memory_space<vmem>>
    %dma_wait3A_126 = arith.constant 0 : i32
    %dma_wait3A_127 = arith.constant 0 : i32
    %dma_wait3A_128 = tpu.memref_slice %arg9[%dma_wait3A_126, %dma_wait3A_127] : memref<10240x16xf32, #tpu.memory_space<vmem_shared>> -> memref<10240x16xf32, #tpu.memory_space<vmem_shared>>
    tpu.wait_indirect_dma semaphore(%arg10 : memref<!tpu.dma_semaphore, #tpu.memory_space<semaphore_mem>>) src(%arg6 : memref<80x16xf32, #tpu.memory_space<vmem>>) dst(%dma_wait3A_128 : memref<10240x16xf32, #tpu.memory_space<vmem_shared>>)
    %dma_wait3A_129 = arith.constant 0 : i32
    %dma_wait3A_130 = arith.constant 0 : i32
    %dma_wait3A_131 = tpu.memref_slice %arg8[%dma_wait3A_129, %dma_wait3A_130] : memref<8x80xi32, #tpu.memory_space<vmem>> -> memref<1x80xi32, #tpu.memory_space<vmem>>
    %dma_wait3A_132 = tpu.memref_squeeze %dma_wait3A_131 : memref<1x80xi32, #tpu.memory_space<vmem>> -> memref<80xi32, #tpu.memory_space<vmem>>
    %dma_wait3A_133 = arith.constant 0 : i32
    %dma_wait3A_134 = arith.constant 0 : i32
    %dma_wait3A_135 = tpu.memref_slice %arg9[%dma_wait3A_133, %dma_wait3A_134] : memref<10240x16xf32, #tpu.memory_space<vmem_shared>> -> memref<10240x16xf32, #tpu.memory_space<vmem_shared>>
    tpu.wait_indirect_dma semaphore(%arg10 : memref<!tpu.dma_semaphore, #tpu.memory_space<semaphore_mem>>) src(%arg6 : memref<80x16xf32, #tpu.memory_space<vmem>>) dst(%dma_wait3A_135 : memref<10240x16xf32, #tpu.memory_space<vmem_shared>>)
    %dma_wait3A_136 = arith.constant 0 : i32
    %dma_wait3A_137 = arith.constant 0 : i32
    %dma_wait3A_138 = tpu.memref_slice %arg8[%dma_wait3A_136, %dma_wait3A_137] : memref<8x80xi32, #tpu.memory_space<vmem>> -> memref<1x80xi32, #tpu.memory_space<vmem>>
    %dma_wait3A_139 = tpu.memref_squeeze %dma_wait3A_138 : memref<1x80xi32, #tpu.memory_space<vmem>> -> memref<80xi32, #tpu.memory_space<vmem>>
    %dma_wait3A_140 = arith.constant 0 : i32
    %dma_wait3A_141 = arith.constant 0 : i32
    %dma_wait3A_142 = tpu.memref_slice %arg9[%dma_wait3A_140, %dma_wait3A_141] : memref<10240x16xf32, #tpu.memory_space<vmem_shared>> -> memref<10240x16xf32, #tpu.memory_space<vmem_shared>>
    tpu.wait_indirect_dma semaphore(%arg10 : memref<!tpu.dma_semaphore, #tpu.memory_space<semaphore_mem>>) src(%arg6 : memref<80x16xf32, #tpu.memory_space<vmem>>) dst(%dma_wait3A_142 : memref<10240x16xf32, #tpu.memory_space<vmem_shared>>)
    %dma_wait3A_143 = arith.constant 1 : i32
    %dma_wait3A_144 = arith.constant 0 : i32
    %dma_wait3A_145 = arith.constant 0 : i32
    %dma_wait3A_146 = arith.constant 0 : i32
    %dma_wait3A_147 = tpu.memref_slice %arg2[%dma_wait3A_143, %dma_wait3A_144, %dma_wait3A_145, %dma_wait3A_146] : memref<2x32x125x80xi32, #tpu.memory_space<hbm>> -> memref<1x32x125x80xi32, #tpu.memory_space<hbm>>
    %dma_wait3A_148 = tpu.memref_squeeze %dma_wait3A_147 : memref<1x32x125x80xi32, #tpu.memory_space<hbm>> -> memref<32x125x80xi32, #tpu.memory_space<hbm>>
    %dma_wait3A_149 = arith.constant 0 : i32
    %dma_wait3A_150 = arith.constant 0 : i32
    %dma_wait3A_151 = tpu.memref_slice %dma_wait3A_148[%add3A, %dma_wait3A_149, %dma_wait3A_150] : memref<32x125x80xi32, #tpu.memory_space<hbm>> -> memref<1x125x80xi32, #tpu.memory_space<hbm>>
    %dma_wait3A_152 = tpu.memref_squeeze %dma_wait3A_151 : memref<1x125x80xi32, #tpu.memory_space<hbm>> -> memref<125x80xi32, #tpu.memory_space<hbm>>
    %dma_wait3A_153 = arith.constant 0 : i32
    %dma_wait3A_154 = arith.constant 0 : i32
    %dma_wait3A_155 = arith.constant 0 : i32
    %dma_wait3A_156 = tpu.memref_slice %arg2[%dma_wait3A_143, %dma_wait3A_153, %dma_wait3A_154, %dma_wait3A_155] : memref<2x32x125x80xi32, #tpu.memory_space<hbm>> -> memref<1x32x125x80xi32, #tpu.memory_space<hbm>>
    %dma_wait3A_157 = tpu.memref_squeeze %dma_wait3A_156 : memref<1x32x125x80xi32, #tpu.memory_space<hbm>> -> memref<32x125x80xi32, #tpu.memory_space<hbm>>
    %dma_wait3A_158 = arith.constant 0 : i32
    %dma_wait3A_159 = arith.constant 0 : i32
    %dma_wait3A_160 = tpu.memref_slice %dma_wait3A_157[%add3A, %dma_wait3A_158, %dma_wait3A_159] : memref<32x125x80xi32, #tpu.memory_space<hbm>> -> memref<1x125x80xi32, #tpu.memory_space<hbm>>
    %dma_wait3A_161 = tpu.memref_squeeze %dma_wait3A_160 : memref<1x125x80xi32, #tpu.memory_space<hbm>> -> memref<125x80xi32, #tpu.memory_space<hbm>>
    tpu.wait_dma2 semaphore(%arg10 : memref<!tpu.dma_semaphore, #tpu.memory_space<semaphore_mem>>) src(%dma_wait3A_161 : memref<125x80xi32, #tpu.memory_space<hbm>>) dst(%arg4 : memref<125x80xi32, #tpu.memory_space<vmem>>)
    %barrier3A = arith.constant 0 : index
    tpu.barrier barrier_id(%barrier3A)
    %scan3A_162 = arith.constant 0 : i32
    %scan3A_163 = arith.constant 0 : i32
    %scan3A_164 = arith.constant 25 : i32
    %scan3A_165 = arith.addi %scan3A_163, %scan3A_164 : i32
    %scan3A_166 = arith.constant 1 : i32
    scf.for %scan3A_171 = %scan3A_163 to %scan3A_165 step %scan3A_166  : i32 {
      %mul3A_172 = arith.constant 5 : i32
      %mul3A_173 = arith.muli %scan3A_171, %mul3A_172 : i32
      %add3A_174 = arith.constant 0 : i32
      %add3A_175 = arith.addi %mul3A_173, %add3A_174 : i32
      %dma_start3A_176 = arith.constant 0 : i32
      %dma_start3A_177 = tpu.memref_slice %arg4[%add3A_175, %dma_start3A_176] : memref<125x80xi32, #tpu.memory_space<vmem>> -> memref<1x80xi32, #tpu.memory_space<vmem>>
      %dma_start3A_178 = tpu.memref_squeeze %dma_start3A_177 : memref<1x80xi32, #tpu.memory_space<vmem>> -> memref<80xi32, #tpu.memory_space<vmem>>
      %dma_start3A_179 = arith.constant 0 : i32
      %dma_start3A_180 = arith.constant 0 : i32
      %dma_start3A_181 = tpu.memref_slice %arg9[%dma_start3A_179, %dma_start3A_180] : memref<10240x16xf32, #tpu.memory_space<vmem_shared>> -> memref<10240x16xf32, #tpu.memory_space<vmem_shared>>
      tpu.enqueue_indirect_dma source(%arg5 : memref<80x16xf32, #tpu.memory_space<vmem>>) target(%dma_start3A_181 : memref<10240x16xf32, #tpu.memory_space<vmem_shared>>) offsets(%dma_start3A_178 : memref<80xi32, #tpu.memory_space<vmem>>) semaphore(%arg10 : memref<!tpu.dma_semaphore, #tpu.memory_space<semaphore_mem>>) {add = true}
      %mul3A_182 = arith.constant 5 : i32
      %mul3A_183 = arith.muli %scan3A_171, %mul3A_182 : i32
      %add3A_184 = arith.constant 1 : i32
      %add3A_185 = arith.addi %mul3A_183, %add3A_184 : i32
      %dma_start3A_186 = arith.constant 0 : i32
      %dma_start3A_187 = tpu.memref_slice %arg4[%add3A_185, %dma_start3A_186] : memref<125x80xi32, #tpu.memory_space<vmem>> -> memref<1x80xi32, #tpu.memory_space<vmem>>
      %dma_start3A_188 = tpu.memref_squeeze %dma_start3A_187 : memref<1x80xi32, #tpu.memory_space<vmem>> -> memref<80xi32, #tpu.memory_space<vmem>>
      %dma_start3A_189 = arith.constant 0 : i32
      %dma_start3A_190 = arith.constant 0 : i32
      %dma_start3A_191 = tpu.memref_slice %arg9[%dma_start3A_189, %dma_start3A_190] : memref<10240x16xf32, #tpu.memory_space<vmem_shared>> -> memref<10240x16xf32, #tpu.memory_space<vmem_shared>>
      tpu.enqueue_indirect_dma source(%arg5 : memref<80x16xf32, #tpu.memory_space<vmem>>) target(%dma_start3A_191 : memref<10240x16xf32, #tpu.memory_space<vmem_shared>>) offsets(%dma_start3A_188 : memref<80xi32, #tpu.memory_space<vmem>>) semaphore(%arg10 : memref<!tpu.dma_semaphore, #tpu.memory_space<semaphore_mem>>) {add = true}
      %mul3A_192 = arith.constant 5 : i32
      %mul3A_193 = arith.muli %scan3A_171, %mul3A_192 : i32
      %add3A_194 = arith.constant 2 : i32
      %add3A_195 = arith.addi %mul3A_193, %add3A_194 : i32
      %dma_start3A_196 = arith.constant 0 : i32
      %dma_start3A_197 = tpu.memref_slice %arg4[%add3A_195, %dma_start3A_196] : memref<125x80xi32, #tpu.memory_space<vmem>> -> memref<1x80xi32, #tpu.memory_space<vmem>>
      %dma_start3A_198 = tpu.memref_squeeze %dma_start3A_197 : memref<1x80xi32, #tpu.memory_space<vmem>> -> memref<80xi32, #tpu.memory_space<vmem>>
      %dma_start3A_199 = arith.constant 0 : i32
      %dma_start3A_200 = arith.constant 0 : i32
      %dma_start3A_201 = tpu.memref_slice %arg9[%dma_start3A_199, %dma_start3A_200] : memref<10240x16xf32, #tpu.memory_space<vmem_shared>> -> memref<10240x16xf32, #tpu.memory_space<vmem_shared>>
      tpu.enqueue_indirect_dma source(%arg5 : memref<80x16xf32, #tpu.memory_space<vmem>>) target(%dma_start3A_201 : memref<10240x16xf32, #tpu.memory_space<vmem_shared>>) offsets(%dma_start3A_198 : memref<80xi32, #tpu.memory_space<vmem>>) semaphore(%arg10 : memref<!tpu.dma_semaphore, #tpu.memory_space<semaphore_mem>>) {add = true}
      %mul3A_202 = arith.constant 5 : i32
      %mul3A_203 = arith.muli %scan3A_171, %mul3A_202 : i32
      %add3A_204 = arith.constant 3 : i32
      %add3A_205 = arith.addi %mul3A_203, %add3A_204 : i32
      %dma_start3A_206 = arith.constant 0 : i32
      %dma_start3A_207 = tpu.memref_slice %arg4[%add3A_205, %dma_start3A_206] : memref<125x80xi32, #tpu.memory_space<vmem>> -> memref<1x80xi32, #tpu.memory_space<vmem>>
      %dma_start3A_208 = tpu.memref_squeeze %dma_start3A_207 : memref<1x80xi32, #tpu.memory_space<vmem>> -> memref<80xi32, #tpu.memory_space<vmem>>
      %dma_start3A_209 = arith.constant 0 : i32
      %dma_start3A_210 = arith.constant 0 : i32
      %dma_start3A_211 = tpu.memref_slice %arg9[%dma_start3A_209, %dma_start3A_210] : memref<10240x16xf32, #tpu.memory_space<vmem_shared>> -> memref<10240x16xf32, #tpu.memory_space<vmem_shared>>
      tpu.enqueue_indirect_dma source(%arg5 : memref<80x16xf32, #tpu.memory_space<vmem>>) target(%dma_start3A_211 : memref<10240x16xf32, #tpu.memory_space<vmem_shared>>) offsets(%dma_start3A_208 : memref<80xi32, #tpu.memory_space<vmem>>) semaphore(%arg10 : memref<!tpu.dma_semaphore, #tpu.memory_space<semaphore_mem>>) {add = true}
      %mul3A_212 = arith.constant 5 : i32
      %mul3A_213 = arith.muli %scan3A_171, %mul3A_212 : i32
      %add3A_214 = arith.constant 4 : i32
      %add3A_215 = arith.addi %mul3A_213, %add3A_214 : i32
      %dma_start3A_216 = arith.constant 0 : i32
      %dma_start3A_217 = tpu.memref_slice %arg4[%add3A_215, %dma_start3A_216] : memref<125x80xi32, #tpu.memory_space<vmem>> -> memref<1x80xi32, #tpu.memory_space<vmem>>
      %dma_start3A_218 = tpu.memref_squeeze %dma_start3A_217 : memref<1x80xi32, #tpu.memory_space<vmem>> -> memref<80xi32, #tpu.memory_space<vmem>>
      %dma_start3A_219 = arith.constant 0 : i32
      %dma_start3A_220 = arith.constant 0 : i32
      %dma_start3A_221 = tpu.memref_slice %arg9[%dma_start3A_219, %dma_start3A_220] : memref<10240x16xf32, #tpu.memory_space<vmem_shared>> -> memref<10240x16xf32, #tpu.memory_space<vmem_shared>>
      tpu.enqueue_indirect_dma source(%arg5 : memref<80x16xf32, #tpu.memory_space<vmem>>) target(%dma_start3A_221 : memref<10240x16xf32, #tpu.memory_space<vmem_shared>>) offsets(%dma_start3A_218 : memref<80xi32, #tpu.memory_space<vmem>>) semaphore(%arg10 : memref<!tpu.dma_semaphore, #tpu.memory_space<semaphore_mem>>) {add = true}
      %dma_wait3A_222 = arith.constant 0 : i32
      %dma_wait3A_223 = arith.constant 0 : i32
      %dma_wait3A_224 = tpu.memref_slice %arg4[%dma_wait3A_222, %dma_wait3A_223] : memref<125x80xi32, #tpu.memory_space<vmem>> -> memref<1x80xi32, #tpu.memory_space<vmem>>
      %dma_wait3A_225 = tpu.memref_squeeze %dma_wait3A_224 : memref<1x80xi32, #tpu.memory_space<vmem>> -> memref<80xi32, #tpu.memory_space<vmem>>
      %dma_wait3A_226 = arith.constant 0 : i32
      %dma_wait3A_227 = arith.constant 0 : i32
      %dma_wait3A_228 = tpu.memref_slice %arg9[%dma_wait3A_226, %dma_wait3A_227] : memref<10240x16xf32, #tpu.memory_space<vmem_shared>> -> memref<10240x16xf32, #tpu.memory_space<vmem_shared>>
      tpu.wait_indirect_dma semaphore(%arg10 : memref<!tpu.dma_semaphore, #tpu.memory_space<semaphore_mem>>) src(%arg5 : memref<80x16xf32, #tpu.memory_space<vmem>>) dst(%dma_wait3A_228 : memref<10240x16xf32, #tpu.memory_space<vmem_shared>>)
      %dma_wait3A_229 = arith.constant 0 : i32
      %dma_wait3A_230 = arith.constant 0 : i32
      %dma_wait3A_231 = tpu.memref_slice %arg4[%dma_wait3A_229, %dma_wait3A_230] : memref<125x80xi32, #tpu.memory_space<vmem>> -> memref<1x80xi32, #tpu.memory_space<vmem>>
      %dma_wait3A_232 = tpu.memref_squeeze %dma_wait3A_231 : memref<1x80xi32, #tpu.memory_space<vmem>> -> memref<80xi32, #tpu.memory_space<vmem>>
      %dma_wait3A_233 = arith.constant 0 : i32
      %dma_wait3A_234 = arith.constant 0 : i32
      %dma_wait3A_235 = tpu.memref_slice %arg9[%dma_wait3A_233, %dma_wait3A_234] : memref<10240x16xf32, #tpu.memory_space<vmem_shared>> -> memref<10240x16xf32, #tpu.memory_space<vmem_shared>>
      tpu.wait_indirect_dma semaphore(%arg10 : memref<!tpu.dma_semaphore, #tpu.memory_space<semaphore_mem>>) src(%arg5 : memref<80x16xf32, #tpu.memory_space<vmem>>) dst(%dma_wait3A_235 : memref<10240x16xf32, #tpu.memory_space<vmem_shared>>)
      %dma_wait3A_236 = arith.constant 0 : i32
      %dma_wait3A_237 = arith.constant 0 : i32
      %dma_wait3A_238 = tpu.memref_slice %arg4[%dma_wait3A_236, %dma_wait3A_237] : memref<125x80xi32, #tpu.memory_space<vmem>> -> memref<1x80xi32, #tpu.memory_space<vmem>>
      %dma_wait3A_239 = tpu.memref_squeeze %dma_wait3A_238 : memref<1x80xi32, #tpu.memory_space<vmem>> -> memref<80xi32, #tpu.memory_space<vmem>>
      %dma_wait3A_240 = arith.constant 0 : i32
      %dma_wait3A_241 = arith.constant 0 : i32
      %dma_wait3A_242 = tpu.memref_slice %arg9[%dma_wait3A_240, %dma_wait3A_241] : memref<10240x16xf32, #tpu.memory_space<vmem_shared>> -> memref<10240x16xf32, #tpu.memory_space<vmem_shared>>
      tpu.wait_indirect_dma semaphore(%arg10 : memref<!tpu.dma_semaphore, #tpu.memory_space<semaphore_mem>>) src(%arg5 : memref<80x16xf32, #tpu.memory_space<vmem>>) dst(%dma_wait3A_242 : memref<10240x16xf32, #tpu.memory_space<vmem_shared>>)
      %dma_wait3A_243 = arith.constant 0 : i32
      %dma_wait3A_244 = arith.constant 0 : i32
      %dma_wait3A_245 = tpu.memref_slice %arg4[%dma_wait3A_243, %dma_wait3A_244] : memref<125x80xi32, #tpu.memory_space<vmem>> -> memref<1x80xi32, #tpu.memory_space<vmem>>
      %dma_wait3A_246 = tpu.memref_squeeze %dma_wait3A_245 : memref<1x80xi32, #tpu.memory_space<vmem>> -> memref<80xi32, #tpu.memory_space<vmem>>
      %dma_wait3A_247 = arith.constant 0 : i32
      %dma_wait3A_248 = arith.constant 0 : i32
      %dma_wait3A_249 = tpu.memref_slice %arg9[%dma_wait3A_247, %dma_wait3A_248] : memref<10240x16xf32, #tpu.memory_space<vmem_shared>> -> memref<10240x16xf32, #tpu.memory_space<vmem_shared>>
      tpu.wait_indirect_dma semaphore(%arg10 : memref<!tpu.dma_semaphore, #tpu.memory_space<semaphore_mem>>) src(%arg5 : memref<80x16xf32, #tpu.memory_space<vmem>>) dst(%dma_wait3A_249 : memref<10240x16xf32, #tpu.memory_space<vmem_shared>>)
      %dma_wait3A_250 = arith.constant 0 : i32
      %dma_wait3A_251 = arith.constant 0 : i32
      %dma_wait3A_252 = tpu.memref_slice %arg4[%dma_wait3A_250, %dma_wait3A_251] : memref<125x80xi32, #tpu.memory_space<vmem>> -> memref<1x80xi32, #tpu.memory_space<vmem>>
      %dma_wait3A_253 = tpu.memref_squeeze %dma_wait3A_252 : memref<1x80xi32, #tpu.memory_space<vmem>> -> memref<80xi32, #tpu.memory_space<vmem>>
      %dma_wait3A_254 = arith.constant 0 : i32
      %dma_wait3A_255 = arith.constant 0 : i32
      %dma_wait3A_256 = tpu.memref_slice %arg9[%dma_wait3A_254, %dma_wait3A_255] : memref<10240x16xf32, #tpu.memory_space<vmem_shared>> -> memref<10240x16xf32, #tpu.memory_space<vmem_shared>>
      tpu.wait_indirect_dma semaphore(%arg10 : memref<!tpu.dma_semaphore, #tpu.memory_space<semaphore_mem>>) src(%arg5 : memref<80x16xf32, #tpu.memory_space<vmem>>) dst(%dma_wait3A_256 : memref<10240x16xf32, #tpu.memory_space<vmem_shared>>)
    }
    %scan3A_167 = arith.constant 25 : i32
    %barrier3A_168 = arith.constant 0 : index
    tpu.barrier barrier_id(%barrier3A_168)
    %mul3A_169 = arith.constant 640 : i32
    %mul3A_170 = arith.muli %arg1, %mul3A_169 : i32
    "tpu.region"() ({
      %run_scoped3A = tpu.sem_alloc : memref<!tpu.dma_semaphore, #tpu.memory_space<semaphore_mem>>
      %dma_start3A_171 = arith.constant 0 : i32
      %dma_start3A_172 = tpu.memref_slice %arg9[%mul3A_170, %dma_start3A_171] : memref<10240x16xf32, #tpu.memory_space<vmem_shared>> -> memref<640x16xf32, #tpu.memory_space<vmem_shared>>
      %dma_start3A_173 = arith.constant 0 : i32
      %dma_start3A_174 = tpu.memref_slice %arg9[%mul3A_170, %dma_start3A_173] : memref<10240x16xf32, #tpu.memory_space<vmem_shared>> -> memref<640x16xf32, #tpu.memory_space<vmem_shared>>
      tpu.enqueue_dma source(%dma_start3A_174 : memref<640x16xf32, #tpu.memory_space<vmem_shared>>) target(%arg7 : memref<640x16xf32, #tpu.memory_space<vmem>>) target_semaphore(%run_scoped3A : memref<!tpu.dma_semaphore, #tpu.memory_space<semaphore_mem>>)
      %dma_wait3A_175 = arith.constant 0 : i32
      %dma_wait3A_176 = tpu.memref_slice %arg9[%mul3A_170, %dma_wait3A_175] : memref<10240x16xf32, #tpu.memory_space<vmem_shared>> -> memref<640x16xf32, #tpu.memory_space<vmem_shared>>
      %dma_wait3A_177 = arith.constant 0 : i32
      %dma_wait3A_178 = tpu.memref_slice %arg9[%mul3A_170, %dma_wait3A_177] : memref<10240x16xf32, #tpu.memory_space<vmem_shared>> -> memref<640x16xf32, #tpu.memory_space<vmem_shared>>
      tpu.wait_dma2 semaphore(%run_scoped3A : memref<!tpu.dma_semaphore, #tpu.memory_space<semaphore_mem>>) src(%dma_wait3A_178 : memref<640x16xf32, #tpu.memory_space<vmem_shared>>) dst(%arg7 : memref<640x16xf32, #tpu.memory_space<vmem>>)
      tpu.yield
    }) : () -> ()
    "tpu.region"() ({
      %run_scoped3A = tpu.sem_alloc : memref<!tpu.dma_semaphore, #tpu.memory_space<semaphore_mem>>
      %dma_start3A_171 = arith.constant 0 : i32
      %dma_start3A_172 = arith.constant 0 : i32
      %dma_start3A_173 = arith.constant 0 : i32
      %dma_start3A_174 = tpu.memref_slice %arg3[%arg0, %dma_start3A_171, %dma_start3A_172, %dma_start3A_173] : memref<2x16x640x16xf32, #tpu.memory_space<hbm>> -> memref<1x16x640x16xf32, #tpu.memory_space<hbm>>
      %dma_start3A_175 = tpu.memref_squeeze %dma_start3A_174 : memref<1x16x640x16xf32, #tpu.memory_space<hbm>> -> memref<16x640x16xf32, #tpu.memory_space<hbm>>
      %dma_start3A_176 = arith.constant 0 : i32
      %dma_start3A_177 = arith.constant 0 : i32
      %dma_start3A_178 = tpu.memref_slice %dma_start3A_175[%arg1, %dma_start3A_176, %dma_start3A_177] : memref<16x640x16xf32, #tpu.memory_space<hbm>> -> memref<1x640x16xf32, #tpu.memory_space<hbm>>
      %dma_start3A_179 = tpu.memref_squeeze %dma_start3A_178 : memref<1x640x16xf32, #tpu.memory_space<hbm>> -> memref<640x16xf32, #tpu.memory_space<hbm>>
      %dma_start3A_180 = arith.constant 0 : i32
      %dma_start3A_181 = arith.constant 0 : i32
      %dma_start3A_182 = arith.constant 0 : i32
      %dma_start3A_183 = tpu.memref_slice %arg3[%arg0, %dma_start3A_180, %dma_start3A_181, %dma_start3A_182] : memref<2x16x640x16xf32, #tpu.memory_space<hbm>> -> memref<1x16x640x16xf32, #tpu.memory_space<hbm>>
      %dma_start3A_184 = tpu.memref_squeeze %dma_start3A_183 : memref<1x16x640x16xf32, #tpu.memory_space<hbm>> -> memref<16x640x16xf32, #tpu.memory_space<hbm>>
      %dma_start3A_185 = arith.constant 0 : i32
      %dma_start3A_186 = arith.constant 0 : i32
      %dma_start3A_187 = tpu.memref_slice %dma_start3A_184[%arg1, %dma_start3A_185, %dma_start3A_186] : memref<16x640x16xf32, #tpu.memory_space<hbm>> -> memref<1x640x16xf32, #tpu.memory_space<hbm>>
      %dma_start3A_188 = tpu.memref_squeeze %dma_start3A_187 : memref<1x640x16xf32, #tpu.memory_space<hbm>> -> memref<640x16xf32, #tpu.memory_space<hbm>>
      tpu.enqueue_dma source(%arg7 : memref<640x16xf32, #tpu.memory_space<vmem>>) target(%dma_start3A_188 : memref<640x16xf32, #tpu.memory_space<hbm>>) target_semaphore(%run_scoped3A : memref<!tpu.dma_semaphore, #tpu.memory_space<semaphore_mem>>)
      %dma_wait3A_189 = arith.constant 0 : i32
      %dma_wait3A_190 = arith.constant 0 : i32
      %dma_wait3A_191 = arith.constant 0 : i32
      %dma_wait3A_192 = tpu.memref_slice %arg3[%arg0, %dma_wait3A_189, %dma_wait3A_190, %dma_wait3A_191] : memref<2x16x640x16xf32, #tpu.memory_space<hbm>> -> memref<1x16x640x16xf32, #tpu.memory_space<hbm>>
      %dma_wait3A_193 = tpu.memref_squeeze %dma_wait3A_192 : memref<1x16x640x16xf32, #tpu.memory_space<hbm>> -> memref<16x640x16xf32, #tpu.memory_space<hbm>>
      %dma_wait3A_194 = arith.constant 0 : i32
      %dma_wait3A_195 = arith.constant 0 : i32
      %dma_wait3A_196 = tpu.memref_slice %dma_wait3A_193[%arg1, %dma_wait3A_194, %dma_wait3A_195] : memref<16x640x16xf32, #tpu.memory_space<hbm>> -> memref<1x640x16xf32, #tpu.memory_space<hbm>>
      %dma_wait3A_197 = tpu.memref_squeeze %dma_wait3A_196 : memref<1x640x16xf32, #tpu.memory_space<hbm>> -> memref<640x16xf32, #tpu.memory_space<hbm>>
      %dma_wait3A_198 = arith.constant 0 : i32
      %dma_wait3A_199 = arith.constant 0 : i32
      %dma_wait3A_200 = arith.constant 0 : i32
      %dma_wait3A_201 = tpu.memref_slice %arg3[%arg0, %dma_wait3A_198, %dma_wait3A_199, %dma_wait3A_200] : memref<2x16x640x16xf32, #tpu.memory_space<hbm>> -> memref<1x16x640x16xf32, #tpu.memory_space<hbm>>
      %dma_wait3A_202 = tpu.memref_squeeze %dma_wait3A_201 : memref<1x16x640x16xf32, #tpu.memory_space<hbm>> -> memref<16x640x16xf32, #tpu.memory_space<hbm>>
      %dma_wait3A_203 = arith.constant 0 : i32
      %dma_wait3A_204 = arith.constant 0 : i32
      %dma_wait3A_205 = tpu.memref_slice %dma_wait3A_202[%arg1, %dma_wait3A_203, %dma_wait3A_204] : memref<16x640x16xf32, #tpu.memory_space<hbm>> -> memref<1x640x16xf32, #tpu.memory_space<hbm>>
      %dma_wait3A_206 = tpu.memref_squeeze %dma_wait3A_205 : memref<1x640x16xf32, #tpu.memory_space<hbm>> -> memref<640x16xf32, #tpu.memory_space<hbm>>
      tpu.wait_dma2 semaphore(%run_scoped3A : memref<!tpu.dma_semaphore, #tpu.memory_space<semaphore_mem>>) src(%arg7 : memref<640x16xf32, #tpu.memory_space<vmem>>) dst(%dma_wait3A_206 : memref<640x16xf32, #tpu.memory_space<hbm>>)
      tpu.yield
    }) : () -> ()
    return
  }
}

#map = affine_map<(d0, d1) -> (0, 0)>
#map1 = affine_map<(d0, d1) -> (0, 0, 0, 0)>
module attributes {stable_mosaic.version = 14 : i64} {
  func.func @body(%arg0: i32, %arg1: i32, %arg2: memref<10000x32xf32, #tpu.memory_space<hbm>>, %arg3: memref<2x32x125x80xi32, #tpu.memory_space<hbm>>, %arg4: memref<2x16x640x32xf32, #tpu.memory_space<hbm>>, %arg5: memref<125x80xi32, #tpu.memory_space<vmem>>, %arg6: memref<125x80xi32, #tpu.memory_space<vmem>>, %arg7: memref<8x80xi32, #tpu.memory_space<vmem>>, %arg8: memref<80x32xf32, #tpu.memory_space<vmem>>, %arg9: memref<80x32xf32, #tpu.memory_space<vmem>>, %arg10: memref<80x32xf32, #tpu.memory_space<vmem>>, %arg11: memref<80x32xf32, #tpu.memory_space<vmem>>, %arg12: memref<80x32xf32, #tpu.memory_space<vmem>>, %arg13: memref<80x32xf32, #tpu.memory_space<vmem>>, %arg14: memref<80x32xf32, #tpu.memory_space<vmem>>, %arg15: memref<80x32xf32, #tpu.memory_space<vmem>>, %arg16: memref<80x32xf32, #tpu.memory_space<vmem>>, %arg17: memref<80x32xf32, #tpu.memory_space<vmem>>, %arg18: memref<!tpu.dma_semaphore, #tpu.memory_space<semaphore_mem>>, %arg19: memref<!tpu.dma_semaphore, #tpu.memory_space<semaphore_mem>>, %arg20: memref<10240x32xf32, #tpu.memory_space<vmem_shared>>) attributes {dimension_semantics = [#tpu.dimension_semantics<core_parallel>, #tpu.dimension_semantics<subcore_parallel>], iteration_bounds = array<i64: 2, 16>, scalar_prefetch = 0 : i64, scratch_operands = 16 : i64, tpu.core_type = #tpu.core_type<sc_vector_subcore>, window_params = [{transform_indices = #map}, {transform_indices = #map1}, {transform_indices = #map1}]} {
    %mul3A = arith.constant 2 : i32
    %mul3A_0 = arith.muli %arg1, %mul3A : i32
    %add3A = arith.addi %mul3A_0, %arg0 : i32
    %dma_start3A = arith.constant 0 : i32
    %dma_start3A_1 = arith.constant 0 : i32
    %dma_start3A_2 = arith.constant 0 : i32
    %dma_start3A_3 = arith.constant 0 : i32
    %dma_start3A_4 = tpu.memref_slice %arg3[%dma_start3A, %dma_start3A_1, %dma_start3A_2, %dma_start3A_3] : memref<2x32x125x80xi32, #tpu.memory_space<hbm>> -> memref<1x32x125x80xi32, #tpu.memory_space<hbm>>
    %dma_start3A_5 = tpu.memref_squeeze %dma_start3A_4 : memref<1x32x125x80xi32, #tpu.memory_space<hbm>> -> memref<32x125x80xi32, #tpu.memory_space<hbm>>
    %dma_start3A_6 = arith.constant 0 : i32
    %dma_start3A_7 = arith.constant 0 : i32
    %dma_start3A_8 = tpu.memref_slice %dma_start3A_5[%add3A, %dma_start3A_6, %dma_start3A_7] : memref<32x125x80xi32, #tpu.memory_space<hbm>> -> memref<1x125x80xi32, #tpu.memory_space<hbm>>
    %dma_start3A_9 = tpu.memref_squeeze %dma_start3A_8 : memref<1x125x80xi32, #tpu.memory_space<hbm>> -> memref<125x80xi32, #tpu.memory_space<hbm>>
    %dma_start3A_10 = arith.constant 0 : i32
    %dma_start3A_11 = arith.constant 0 : i32
    %dma_start3A_12 = arith.constant 0 : i32
    %dma_start3A_13 = tpu.memref_slice %arg3[%dma_start3A, %dma_start3A_10, %dma_start3A_11, %dma_start3A_12] : memref<2x32x125x80xi32, #tpu.memory_space<hbm>> -> memref<1x32x125x80xi32, #tpu.memory_space<hbm>>
    %dma_start3A_14 = tpu.memref_squeeze %dma_start3A_13 : memref<1x32x125x80xi32, #tpu.memory_space<hbm>> -> memref<32x125x80xi32, #tpu.memory_space<hbm>>
    %dma_start3A_15 = arith.constant 0 : i32
    %dma_start3A_16 = arith.constant 0 : i32
    %dma_start3A_17 = tpu.memref_slice %dma_start3A_14[%add3A, %dma_start3A_15, %dma_start3A_16] : memref<32x125x80xi32, #tpu.memory_space<hbm>> -> memref<1x125x80xi32, #tpu.memory_space<hbm>>
    %dma_start3A_18 = tpu.memref_squeeze %dma_start3A_17 : memref<1x125x80xi32, #tpu.memory_space<hbm>> -> memref<125x80xi32, #tpu.memory_space<hbm>>
    tpu.enqueue_dma source(%dma_start3A_18 : memref<125x80xi32, #tpu.memory_space<hbm>>) target(%arg5 : memref<125x80xi32, #tpu.memory_space<vmem>>) target_semaphore(%arg18 : memref<!tpu.dma_semaphore, #tpu.memory_space<semaphore_mem>>)
    %dma_start3A_19 = arith.constant 1 : i32
    %dma_start3A_20 = arith.constant 0 : i32
    %dma_start3A_21 = arith.constant 0 : i32
    %dma_start3A_22 = arith.constant 0 : i32
    %dma_start3A_23 = tpu.memref_slice %arg3[%dma_start3A_19, %dma_start3A_20, %dma_start3A_21, %dma_start3A_22] : memref<2x32x125x80xi32, #tpu.memory_space<hbm>> -> memref<1x32x125x80xi32, #tpu.memory_space<hbm>>
    %dma_start3A_24 = tpu.memref_squeeze %dma_start3A_23 : memref<1x32x125x80xi32, #tpu.memory_space<hbm>> -> memref<32x125x80xi32, #tpu.memory_space<hbm>>
    %dma_start3A_25 = arith.constant 0 : i32
    %dma_start3A_26 = arith.constant 0 : i32
    %dma_start3A_27 = tpu.memref_slice %dma_start3A_24[%add3A, %dma_start3A_25, %dma_start3A_26] : memref<32x125x80xi32, #tpu.memory_space<hbm>> -> memref<1x125x80xi32, #tpu.memory_space<hbm>>
    %dma_start3A_28 = tpu.memref_squeeze %dma_start3A_27 : memref<1x125x80xi32, #tpu.memory_space<hbm>> -> memref<125x80xi32, #tpu.memory_space<hbm>>
    %dma_start3A_29 = arith.constant 0 : i32
    %dma_start3A_30 = arith.constant 0 : i32
    %dma_start3A_31 = arith.constant 0 : i32
    %dma_start3A_32 = tpu.memref_slice %arg3[%dma_start3A_19, %dma_start3A_29, %dma_start3A_30, %dma_start3A_31] : memref<2x32x125x80xi32, #tpu.memory_space<hbm>> -> memref<1x32x125x80xi32, #tpu.memory_space<hbm>>
    %dma_start3A_33 = tpu.memref_squeeze %dma_start3A_32 : memref<1x32x125x80xi32, #tpu.memory_space<hbm>> -> memref<32x125x80xi32, #tpu.memory_space<hbm>>
    %dma_start3A_34 = arith.constant 0 : i32
    %dma_start3A_35 = arith.constant 0 : i32
    %dma_start3A_36 = tpu.memref_slice %dma_start3A_33[%add3A, %dma_start3A_34, %dma_start3A_35] : memref<32x125x80xi32, #tpu.memory_space<hbm>> -> memref<1x125x80xi32, #tpu.memory_space<hbm>>
    %dma_start3A_37 = tpu.memref_squeeze %dma_start3A_36 : memref<1x125x80xi32, #tpu.memory_space<hbm>> -> memref<125x80xi32, #tpu.memory_space<hbm>>
    tpu.enqueue_dma source(%dma_start3A_37 : memref<125x80xi32, #tpu.memory_space<hbm>>) target(%arg6 : memref<125x80xi32, #tpu.memory_space<vmem>>) target_semaphore(%arg18 : memref<!tpu.dma_semaphore, #tpu.memory_space<semaphore_mem>>)
    %scan3A = arith.constant 0 : i32
    %scan3A_38 = arith.constant 0 : i32
    %scan3A_39 = arith.constant 80 : i32
    %scan3A_40 = arith.addi %scan3A_38, %scan3A_39 : i32
    %scan3A_41 = arith.constant 1 : i32
    scf.for %scan3A_843 = %scan3A_38 to %scan3A_40 step %scan3A_41  : i32 {
      %broadcast_in_dim3A = arith.constant 0.000000e+00 : f32
      %broadcast_in_dim3A_844 = vector.broadcast %broadcast_in_dim3A : f32 to vector<16xf32>
      %swap3A = arith.index_cast %scan3A_843 : i32 to index
      %swap3A_845 = arith.constant 0 : index
      %swap3A_846 = tpu.vector_load %arg8[%swap3A, %swap3A_845] {strides = array<i32>} : memref<80x32xf32, #tpu.memory_space<vmem>>, vector<1x16xf32>,
      %swap3A_847 = vector.shape_cast %swap3A_846 : vector<1x16xf32> to vector<16xf32>
      %swap3A_848 = vector.shape_cast %broadcast_in_dim3A_844 : vector<16xf32> to vector<1x16xf32>
      tpu.vector_store %arg8[%swap3A, %swap3A_845], %swap3A_848 {strides = array<i32>} : memref<80x32xf32, #tpu.memory_space<vmem>>, vector<1x16xf32>,
      %broadcast_in_dim3A_849 = arith.constant 0.000000e+00 : f32
      %broadcast_in_dim3A_850 = vector.broadcast %broadcast_in_dim3A_849 : f32 to vector<16xf32>
      %swap3A_851 = arith.index_cast %scan3A_843 : i32 to index
      %swap3A_852 = arith.constant 16 : index
      %swap3A_853 = tpu.vector_load %arg8[%swap3A_851, %swap3A_852] {strides = array<i32>} : memref<80x32xf32, #tpu.memory_space<vmem>>, vector<1x16xf32>,
      %swap3A_854 = vector.shape_cast %swap3A_853 : vector<1x16xf32> to vector<16xf32>
      %swap3A_855 = vector.shape_cast %broadcast_in_dim3A_850 : vector<16xf32> to vector<1x16xf32>
      tpu.vector_store %arg8[%swap3A_851, %swap3A_852], %swap3A_855 {strides = array<i32>} : memref<80x32xf32, #tpu.memory_space<vmem>>, vector<1x16xf32>,
    }
    %scan3A_42 = arith.constant 80 : i32
    %mul3A_43 = arith.constant 640 : i32
    %mul3A_44 = arith.muli %arg1, %mul3A_43 : i32
    %iota3A = tpu.iota {dimensions = array<i32: 0>} : vector<16xi32>
    %scan3A_45 = arith.constant 0 : i32
    %scan3A_46 = arith.constant 0 : i32
    %scan3A_47 = arith.constant 40 : i32
    %scan3A_48 = arith.addi %scan3A_46, %scan3A_47 : i32
    %scan3A_49 = arith.constant 1 : i32
    scf.for %scan3A_843 = %scan3A_46 to %scan3A_48 step %scan3A_49  : i32 {
      %mul3A_844 = arith.constant 16 : i32
      %mul3A_845 = arith.muli %scan3A_843, %mul3A_844 : i32
      %add3A_846 = arith.addi %mul3A_44, %mul3A_845 : i32
      %add3A_847 = vector.broadcast %add3A_846 : i32 to vector<16xi32>
      %add3A_848 = arith.addi %add3A_847, %iota3A : vector<16xi32>
      %jit3A = arith.constant 5 : i32
      %div3A = arith.divsi %scan3A_843, %jit3A : i32
      %sign3A = arith.constant 0 : i32
      %sign3A_849 = arith.cmpi sgt, %scan3A_843, %sign3A : i32
      %sign3A_850 = arith.extui %sign3A_849 : i1 to i32
      %sign3A_851 = arith.constant 0 : i32
      %sign3A_852 = arith.cmpi slt, %scan3A_843, %sign3A_851 : i32
      %sign3A_853 = arith.extui %sign3A_852 : i1 to i32
      %sign3A_854 = arith.subi %sign3A_850, %sign3A_853 : i32
      %sign3A_855 = arith.constant 0 : i32
      %sign3A_856 = arith.cmpi sgt, %jit3A, %sign3A_855 : i32
      %sign3A_857 = arith.extui %sign3A_856 : i1 to i32
      %sign3A_858 = arith.constant 0 : i32
      %sign3A_859 = arith.cmpi slt, %jit3A, %sign3A_858 : i32
      %sign3A_860 = arith.extui %sign3A_859 : i1 to i32
      %sign3A_861 = arith.subi %sign3A_857, %sign3A_860 : i32
      %ne3A = arith.cmpi ne, %sign3A_854, %sign3A_861 : i32
      %rem3A = arith.remsi %scan3A_843, %jit3A : i32
      %ne3A_862 = arith.constant 0 : i32
      %ne3A_863 = arith.cmpi ne, %rem3A, %ne3A_862 : i32
      %and3A = arith.andi %ne3A, %ne3A_863 : i1
      %sub3A = arith.constant 1 : i32
      %sub3A_864 = arith.subi %div3A, %sub3A : i32
      %select_n3A = arith.select %and3A, %sub3A_864, %div3A : i32
      %jit3A_865 = arith.constant 5 : i32
      %eq3A = arith.constant 0 : i32
      %eq3A_866 = arith.cmpi eq, %jit3A_865, %eq3A : i32
      %jit3A_867 = arith.constant 1 : i32
      %select_n3A_868 = arith.select %eq3A_866, %jit3A_867, %jit3A_865 : i32
      %rem3A_869 = arith.remsi %scan3A_843, %select_n3A_868 : i32
      %ne3A_870 = arith.constant 0 : i32
      %ne3A_871 = arith.cmpi ne, %rem3A_869, %ne3A_870 : i32
      %lt3A = arith.constant 0 : i32
      %lt3A_872 = arith.cmpi slt, %rem3A_869, %lt3A : i32
      %lt3A_873 = arith.constant 0 : i32
      %lt3A_874 = arith.cmpi slt, %select_n3A_868, %lt3A_873 : i32
      %ne3A_875 = arith.xori %lt3A_872, %lt3A_874 : i1
      %and3A_876 = arith.andi %ne3A_875, %ne3A_871 : i1
      %add3A_877 = arith.addi %rem3A_869, %select_n3A_868 : i32
      %select_n3A_878 = arith.select %and3A_876, %add3A_877, %rem3A_869 : i32
      %mul3A_879 = arith.constant 16 : i32
      %mul3A_880 = arith.muli %select_n3A_878, %mul3A_879 : i32
      %swap3A = arith.index_cast %select_n3A : i32 to index
      %swap3A_881 = arith.index_cast %mul3A_880 : i32 to index
      %swap3A_882 = tpu.vector_load %arg7[%swap3A, %swap3A_881] {strides = array<i32>} : memref<8x80xi32, #tpu.memory_space<vmem>>, vector<1x16xi32>,
      %swap3A_883 = vector.shape_cast %swap3A_882 : vector<1x16xi32> to vector<16xi32>
      %swap3A_884 = vector.shape_cast %add3A_848 : vector<16xi32> to vector<1x16xi32>
      tpu.vector_store %arg7[%swap3A, %swap3A_881], %swap3A_884 {strides = array<i32>} : memref<8x80xi32, #tpu.memory_space<vmem>>, vector<1x16xi32>,
    }
    %scan3A_50 = arith.constant 40 : i32
    %dma_start3A_51 = arith.constant 0 : i32
    %dma_start3A_52 = arith.constant 0 : i32
    %dma_start3A_53 = tpu.memref_slice %arg7[%dma_start3A_51, %dma_start3A_52] : memref<8x80xi32, #tpu.memory_space<vmem>> -> memref<1x80xi32, #tpu.memory_space<vmem>>
    %dma_start3A_54 = tpu.memref_squeeze %dma_start3A_53 : memref<1x80xi32, #tpu.memory_space<vmem>> -> memref<80xi32, #tpu.memory_space<vmem>>
    %dma_start3A_55 = arith.constant 0 : i32
    %dma_start3A_56 = arith.constant 0 : i32
    %dma_start3A_57 = tpu.memref_slice %arg20[%dma_start3A_55, %dma_start3A_56] : memref<10240x32xf32, #tpu.memory_space<vmem_shared>> -> memref<10240x32xf32, #tpu.memory_space<vmem_shared>>
    tpu.enqueue_indirect_dma source(%arg8 : memref<80x32xf32, #tpu.memory_space<vmem>>) target(%dma_start3A_57 : memref<10240x32xf32, #tpu.memory_space<vmem_shared>>) offsets(%dma_start3A_54 : memref<80xi32, #tpu.memory_space<vmem>>) semaphore(%arg19 : memref<!tpu.dma_semaphore, #tpu.memory_space<semaphore_mem>>)
    %dma_start3A_58 = arith.constant 1 : i32
    %dma_start3A_59 = arith.constant 0 : i32
    %dma_start3A_60 = tpu.memref_slice %arg7[%dma_start3A_58, %dma_start3A_59] : memref<8x80xi32, #tpu.memory_space<vmem>> -> memref<1x80xi32, #tpu.memory_space<vmem>>
    %dma_start3A_61 = tpu.memref_squeeze %dma_start3A_60 : memref<1x80xi32, #tpu.memory_space<vmem>> -> memref<80xi32, #tpu.memory_space<vmem>>
    %dma_start3A_62 = arith.constant 0 : i32
    %dma_start3A_63 = arith.constant 0 : i32
    %dma_start3A_64 = tpu.memref_slice %arg20[%dma_start3A_62, %dma_start3A_63] : memref<10240x32xf32, #tpu.memory_space<vmem_shared>> -> memref<10240x32xf32, #tpu.memory_space<vmem_shared>>
    tpu.enqueue_indirect_dma source(%arg8 : memref<80x32xf32, #tpu.memory_space<vmem>>) target(%dma_start3A_64 : memref<10240x32xf32, #tpu.memory_space<vmem_shared>>) offsets(%dma_start3A_61 : memref<80xi32, #tpu.memory_space<vmem>>) semaphore(%arg19 : memref<!tpu.dma_semaphore, #tpu.memory_space<semaphore_mem>>)
    %dma_start3A_65 = arith.constant 2 : i32
    %dma_start3A_66 = arith.constant 0 : i32
    %dma_start3A_67 = tpu.memref_slice %arg7[%dma_start3A_65, %dma_start3A_66] : memref<8x80xi32, #tpu.memory_space<vmem>> -> memref<1x80xi32, #tpu.memory_space<vmem>>
    %dma_start3A_68 = tpu.memref_squeeze %dma_start3A_67 : memref<1x80xi32, #tpu.memory_space<vmem>> -> memref<80xi32, #tpu.memory_space<vmem>>
    %dma_start3A_69 = arith.constant 0 : i32
    %dma_start3A_70 = arith.constant 0 : i32
    %dma_start3A_71 = tpu.memref_slice %arg20[%dma_start3A_69, %dma_start3A_70] : memref<10240x32xf32, #tpu.memory_space<vmem_shared>> -> memref<10240x32xf32, #tpu.memory_space<vmem_shared>>
    tpu.enqueue_indirect_dma source(%arg8 : memref<80x32xf32, #tpu.memory_space<vmem>>) target(%dma_start3A_71 : memref<10240x32xf32, #tpu.memory_space<vmem_shared>>) offsets(%dma_start3A_68 : memref<80xi32, #tpu.memory_space<vmem>>) semaphore(%arg19 : memref<!tpu.dma_semaphore, #tpu.memory_space<semaphore_mem>>)
    %dma_start3A_72 = arith.constant 3 : i32
    %dma_start3A_73 = arith.constant 0 : i32
    %dma_start3A_74 = tpu.memref_slice %arg7[%dma_start3A_72, %dma_start3A_73] : memref<8x80xi32, #tpu.memory_space<vmem>> -> memref<1x80xi32, #tpu.memory_space<vmem>>
    %dma_start3A_75 = tpu.memref_squeeze %dma_start3A_74 : memref<1x80xi32, #tpu.memory_space<vmem>> -> memref<80xi32, #tpu.memory_space<vmem>>
    %dma_start3A_76 = arith.constant 0 : i32
    %dma_start3A_77 = arith.constant 0 : i32
    %dma_start3A_78 = tpu.memref_slice %arg20[%dma_start3A_76, %dma_start3A_77] : memref<10240x32xf32, #tpu.memory_space<vmem_shared>> -> memref<10240x32xf32, #tpu.memory_space<vmem_shared>>
    tpu.enqueue_indirect_dma source(%arg8 : memref<80x32xf32, #tpu.memory_space<vmem>>) target(%dma_start3A_78 : memref<10240x32xf32, #tpu.memory_space<vmem_shared>>) offsets(%dma_start3A_75 : memref<80xi32, #tpu.memory_space<vmem>>) semaphore(%arg19 : memref<!tpu.dma_semaphore, #tpu.memory_space<semaphore_mem>>)
    %dma_start3A_79 = arith.constant 4 : i32
    %dma_start3A_80 = arith.constant 0 : i32
    %dma_start3A_81 = tpu.memref_slice %arg7[%dma_start3A_79, %dma_start3A_80] : memref<8x80xi32, #tpu.memory_space<vmem>> -> memref<1x80xi32, #tpu.memory_space<vmem>>
    %dma_start3A_82 = tpu.memref_squeeze %dma_start3A_81 : memref<1x80xi32, #tpu.memory_space<vmem>> -> memref<80xi32, #tpu.memory_space<vmem>>
    %dma_start3A_83 = arith.constant 0 : i32
    %dma_start3A_84 = arith.constant 0 : i32
    %dma_start3A_85 = tpu.memref_slice %arg20[%dma_start3A_83, %dma_start3A_84] : memref<10240x32xf32, #tpu.memory_space<vmem_shared>> -> memref<10240x32xf32, #tpu.memory_space<vmem_shared>>
    tpu.enqueue_indirect_dma source(%arg8 : memref<80x32xf32, #tpu.memory_space<vmem>>) target(%dma_start3A_85 : memref<10240x32xf32, #tpu.memory_space<vmem_shared>>) offsets(%dma_start3A_82 : memref<80xi32, #tpu.memory_space<vmem>>) semaphore(%arg19 : memref<!tpu.dma_semaphore, #tpu.memory_space<semaphore_mem>>)
    %dma_start3A_86 = arith.constant 5 : i32
    %dma_start3A_87 = arith.constant 0 : i32
    %dma_start3A_88 = tpu.memref_slice %arg7[%dma_start3A_86, %dma_start3A_87] : memref<8x80xi32, #tpu.memory_space<vmem>> -> memref<1x80xi32, #tpu.memory_space<vmem>>
    %dma_start3A_89 = tpu.memref_squeeze %dma_start3A_88 : memref<1x80xi32, #tpu.memory_space<vmem>> -> memref<80xi32, #tpu.memory_space<vmem>>
    %dma_start3A_90 = arith.constant 0 : i32
    %dma_start3A_91 = arith.constant 0 : i32
    %dma_start3A_92 = tpu.memref_slice %arg20[%dma_start3A_90, %dma_start3A_91] : memref<10240x32xf32, #tpu.memory_space<vmem_shared>> -> memref<10240x32xf32, #tpu.memory_space<vmem_shared>>
    tpu.enqueue_indirect_dma source(%arg8 : memref<80x32xf32, #tpu.memory_space<vmem>>) target(%dma_start3A_92 : memref<10240x32xf32, #tpu.memory_space<vmem_shared>>) offsets(%dma_start3A_89 : memref<80xi32, #tpu.memory_space<vmem>>) semaphore(%arg19 : memref<!tpu.dma_semaphore, #tpu.memory_space<semaphore_mem>>)
    %dma_start3A_93 = arith.constant 6 : i32
    %dma_start3A_94 = arith.constant 0 : i32
    %dma_start3A_95 = tpu.memref_slice %arg7[%dma_start3A_93, %dma_start3A_94] : memref<8x80xi32, #tpu.memory_space<vmem>> -> memref<1x80xi32, #tpu.memory_space<vmem>>
    %dma_start3A_96 = tpu.memref_squeeze %dma_start3A_95 : memref<1x80xi32, #tpu.memory_space<vmem>> -> memref<80xi32, #tpu.memory_space<vmem>>
    %dma_start3A_97 = arith.constant 0 : i32
    %dma_start3A_98 = arith.constant 0 : i32
    %dma_start3A_99 = tpu.memref_slice %arg20[%dma_start3A_97, %dma_start3A_98] : memref<10240x32xf32, #tpu.memory_space<vmem_shared>> -> memref<10240x32xf32, #tpu.memory_space<vmem_shared>>
    tpu.enqueue_indirect_dma source(%arg8 : memref<80x32xf32, #tpu.memory_space<vmem>>) target(%dma_start3A_99 : memref<10240x32xf32, #tpu.memory_space<vmem_shared>>) offsets(%dma_start3A_96 : memref<80xi32, #tpu.memory_space<vmem>>) semaphore(%arg19 : memref<!tpu.dma_semaphore, #tpu.memory_space<semaphore_mem>>)
    %dma_start3A_100 = arith.constant 7 : i32
    %dma_start3A_101 = arith.constant 0 : i32
    %dma_start3A_102 = tpu.memref_slice %arg7[%dma_start3A_100, %dma_start3A_101] : memref<8x80xi32, #tpu.memory_space<vmem>> -> memref<1x80xi32, #tpu.memory_space<vmem>>
    %dma_start3A_103 = tpu.memref_squeeze %dma_start3A_102 : memref<1x80xi32, #tpu.memory_space<vmem>> -> memref<80xi32, #tpu.memory_space<vmem>>
    %dma_start3A_104 = arith.constant 0 : i32
    %dma_start3A_105 = arith.constant 0 : i32
    %dma_start3A_106 = tpu.memref_slice %arg20[%dma_start3A_104, %dma_start3A_105] : memref<10240x32xf32, #tpu.memory_space<vmem_shared>> -> memref<10240x32xf32, #tpu.memory_space<vmem_shared>>
    tpu.enqueue_indirect_dma source(%arg8 : memref<80x32xf32, #tpu.memory_space<vmem>>) target(%dma_start3A_106 : memref<10240x32xf32, #tpu.memory_space<vmem_shared>>) offsets(%dma_start3A_103 : memref<80xi32, #tpu.memory_space<vmem>>) semaphore(%arg19 : memref<!tpu.dma_semaphore, #tpu.memory_space<semaphore_mem>>)
    %dma_wait3A = arith.constant 0 : i32
    %dma_wait3A_107 = arith.constant 0 : i32
    %dma_wait3A_108 = tpu.memref_slice %arg7[%dma_wait3A, %dma_wait3A_107] : memref<8x80xi32, #tpu.memory_space<vmem>> -> memref<1x80xi32, #tpu.memory_space<vmem>>
    %dma_wait3A_109 = tpu.memref_squeeze %dma_wait3A_108 : memref<1x80xi32, #tpu.memory_space<vmem>> -> memref<80xi32, #tpu.memory_space<vmem>>
    %dma_wait3A_110 = arith.constant 0 : i32
    %dma_wait3A_111 = arith.constant 0 : i32
    %dma_wait3A_112 = tpu.memref_slice %arg20[%dma_wait3A_110, %dma_wait3A_111] : memref<10240x32xf32, #tpu.memory_space<vmem_shared>> -> memref<10240x32xf32, #tpu.memory_space<vmem_shared>>
    tpu.wait_indirect_dma semaphore(%arg19 : memref<!tpu.dma_semaphore, #tpu.memory_space<semaphore_mem>>) src(%arg8 : memref<80x32xf32, #tpu.memory_space<vmem>>) dst(%dma_wait3A_112 : memref<10240x32xf32, #tpu.memory_space<vmem_shared>>)
    %dma_wait3A_113 = arith.constant 0 : i32
    %dma_wait3A_114 = arith.constant 0 : i32
    %dma_wait3A_115 = tpu.memref_slice %arg7[%dma_wait3A_113, %dma_wait3A_114] : memref<8x80xi32, #tpu.memory_space<vmem>> -> memref<1x80xi32, #tpu.memory_space<vmem>>
    %dma_wait3A_116 = tpu.memref_squeeze %dma_wait3A_115 : memref<1x80xi32, #tpu.memory_space<vmem>> -> memref<80xi32, #tpu.memory_space<vmem>>
    %dma_wait3A_117 = arith.constant 0 : i32
    %dma_wait3A_118 = arith.constant 0 : i32
    %dma_wait3A_119 = tpu.memref_slice %arg20[%dma_wait3A_117, %dma_wait3A_118] : memref<10240x32xf32, #tpu.memory_space<vmem_shared>> -> memref<10240x32xf32, #tpu.memory_space<vmem_shared>>
    tpu.wait_indirect_dma semaphore(%arg19 : memref<!tpu.dma_semaphore, #tpu.memory_space<semaphore_mem>>) src(%arg8 : memref<80x32xf32, #tpu.memory_space<vmem>>) dst(%dma_wait3A_119 : memref<10240x32xf32, #tpu.memory_space<vmem_shared>>)
    %dma_wait3A_120 = arith.constant 0 : i32
    %dma_wait3A_121 = arith.constant 0 : i32
    %dma_wait3A_122 = tpu.memref_slice %arg7[%dma_wait3A_120, %dma_wait3A_121] : memref<8x80xi32, #tpu.memory_space<vmem>> -> memref<1x80xi32, #tpu.memory_space<vmem>>
    %dma_wait3A_123 = tpu.memref_squeeze %dma_wait3A_122 : memref<1x80xi32, #tpu.memory_space<vmem>> -> memref<80xi32, #tpu.memory_space<vmem>>
    %dma_wait3A_124 = arith.constant 0 : i32
    %dma_wait3A_125 = arith.constant 0 : i32
    %dma_wait3A_126 = tpu.memref_slice %arg20[%dma_wait3A_124, %dma_wait3A_125] : memref<10240x32xf32, #tpu.memory_space<vmem_shared>> -> memref<10240x32xf32, #tpu.memory_space<vmem_shared>>
    tpu.wait_indirect_dma semaphore(%arg19 : memref<!tpu.dma_semaphore, #tpu.memory_space<semaphore_mem>>) src(%arg8 : memref<80x32xf32, #tpu.memory_space<vmem>>) dst(%dma_wait3A_126 : memref<10240x32xf32, #tpu.memory_space<vmem_shared>>)
    %dma_wait3A_127 = arith.constant 0 : i32
    %dma_wait3A_128 = arith.constant 0 : i32
    %dma_wait3A_129 = tpu.memref_slice %arg7[%dma_wait3A_127, %dma_wait3A_128] : memref<8x80xi32, #tpu.memory_space<vmem>> -> memref<1x80xi32, #tpu.memory_space<vmem>>
    %dma_wait3A_130 = tpu.memref_squeeze %dma_wait3A_129 : memref<1x80xi32, #tpu.memory_space<vmem>> -> memref<80xi32, #tpu.memory_space<vmem>>
    %dma_wait3A_131 = arith.constant 0 : i32
    %dma_wait3A_132 = arith.constant 0 : i32
    %dma_wait3A_133 = tpu.memref_slice %arg20[%dma_wait3A_131, %dma_wait3A_132] : memref<10240x32xf32, #tpu.memory_space<vmem_shared>> -> memref<10240x32xf32, #tpu.memory_space<vmem_shared>>
    tpu.wait_indirect_dma semaphore(%arg19 : memref<!tpu.dma_semaphore, #tpu.memory_space<semaphore_mem>>) src(%arg8 : memref<80x32xf32, #tpu.memory_space<vmem>>) dst(%dma_wait3A_133 : memref<10240x32xf32, #tpu.memory_space<vmem_shared>>)
    %dma_wait3A_134 = arith.constant 0 : i32
    %dma_wait3A_135 = arith.constant 0 : i32
    %dma_wait3A_136 = tpu.memref_slice %arg7[%dma_wait3A_134, %dma_wait3A_135] : memref<8x80xi32, #tpu.memory_space<vmem>> -> memref<1x80xi32, #tpu.memory_space<vmem>>
    %dma_wait3A_137 = tpu.memref_squeeze %dma_wait3A_136 : memref<1x80xi32, #tpu.memory_space<vmem>> -> memref<80xi32, #tpu.memory_space<vmem>>
    %dma_wait3A_138 = arith.constant 0 : i32
    %dma_wait3A_139 = arith.constant 0 : i32
    %dma_wait3A_140 = tpu.memref_slice %arg20[%dma_wait3A_138, %dma_wait3A_139] : memref<10240x32xf32, #tpu.memory_space<vmem_shared>> -> memref<10240x32xf32, #tpu.memory_space<vmem_shared>>
    tpu.wait_indirect_dma semaphore(%arg19 : memref<!tpu.dma_semaphore, #tpu.memory_space<semaphore_mem>>) src(%arg8 : memref<80x32xf32, #tpu.memory_space<vmem>>) dst(%dma_wait3A_140 : memref<10240x32xf32, #tpu.memory_space<vmem_shared>>)
    %dma_wait3A_141 = arith.constant 0 : i32
    %dma_wait3A_142 = arith.constant 0 : i32
    %dma_wait3A_143 = tpu.memref_slice %arg7[%dma_wait3A_141, %dma_wait3A_142] : memref<8x80xi32, #tpu.memory_space<vmem>> -> memref<1x80xi32, #tpu.memory_space<vmem>>
    %dma_wait3A_144 = tpu.memref_squeeze %dma_wait3A_143 : memref<1x80xi32, #tpu.memory_space<vmem>> -> memref<80xi32, #tpu.memory_space<vmem>>
    %dma_wait3A_145 = arith.constant 0 : i32
    %dma_wait3A_146 = arith.constant 0 : i32
    %dma_wait3A_147 = tpu.memref_slice %arg20[%dma_wait3A_145, %dma_wait3A_146] : memref<10240x32xf32, #tpu.memory_space<vmem_shared>> -> memref<10240x32xf32, #tpu.memory_space<vmem_shared>>
    tpu.wait_indirect_dma semaphore(%arg19 : memref<!tpu.dma_semaphore, #tpu.memory_space<semaphore_mem>>) src(%arg8 : memref<80x32xf32, #tpu.memory_space<vmem>>) dst(%dma_wait3A_147 : memref<10240x32xf32, #tpu.memory_space<vmem_shared>>)
    %dma_wait3A_148 = arith.constant 0 : i32
    %dma_wait3A_149 = arith.constant 0 : i32
    %dma_wait3A_150 = tpu.memref_slice %arg7[%dma_wait3A_148, %dma_wait3A_149] : memref<8x80xi32, #tpu.memory_space<vmem>> -> memref<1x80xi32, #tpu.memory_space<vmem>>
    %dma_wait3A_151 = tpu.memref_squeeze %dma_wait3A_150 : memref<1x80xi32, #tpu.memory_space<vmem>> -> memref<80xi32, #tpu.memory_space<vmem>>
    %dma_wait3A_152 = arith.constant 0 : i32
    %dma_wait3A_153 = arith.constant 0 : i32
    %dma_wait3A_154 = tpu.memref_slice %arg20[%dma_wait3A_152, %dma_wait3A_153] : memref<10240x32xf32, #tpu.memory_space<vmem_shared>> -> memref<10240x32xf32, #tpu.memory_space<vmem_shared>>
    tpu.wait_indirect_dma semaphore(%arg19 : memref<!tpu.dma_semaphore, #tpu.memory_space<semaphore_mem>>) src(%arg8 : memref<80x32xf32, #tpu.memory_space<vmem>>) dst(%dma_wait3A_154 : memref<10240x32xf32, #tpu.memory_space<vmem_shared>>)
    %dma_wait3A_155 = arith.constant 0 : i32
    %dma_wait3A_156 = arith.constant 0 : i32
    %dma_wait3A_157 = tpu.memref_slice %arg7[%dma_wait3A_155, %dma_wait3A_156] : memref<8x80xi32, #tpu.memory_space<vmem>> -> memref<1x80xi32, #tpu.memory_space<vmem>>
    %dma_wait3A_158 = tpu.memref_squeeze %dma_wait3A_157 : memref<1x80xi32, #tpu.memory_space<vmem>> -> memref<80xi32, #tpu.memory_space<vmem>>
    %dma_wait3A_159 = arith.constant 0 : i32
    %dma_wait3A_160 = arith.constant 0 : i32
    %dma_wait3A_161 = tpu.memref_slice %arg20[%dma_wait3A_159, %dma_wait3A_160] : memref<10240x32xf32, #tpu.memory_space<vmem_shared>> -> memref<10240x32xf32, #tpu.memory_space<vmem_shared>>
    tpu.wait_indirect_dma semaphore(%arg19 : memref<!tpu.dma_semaphore, #tpu.memory_space<semaphore_mem>>) src(%arg8 : memref<80x32xf32, #tpu.memory_space<vmem>>) dst(%dma_wait3A_161 : memref<10240x32xf32, #tpu.memory_space<vmem_shared>>)
    %barrier3A = arith.constant 0 : index
    tpu.barrier barrier_id(%barrier3A)
    %dma_wait3A_162 = arith.constant 0 : i32
    %dma_wait3A_163 = arith.constant 0 : i32
    %dma_wait3A_164 = arith.constant 0 : i32
    %dma_wait3A_165 = arith.constant 0 : i32
    %dma_wait3A_166 = tpu.memref_slice %arg3[%dma_wait3A_162, %dma_wait3A_163, %dma_wait3A_164, %dma_wait3A_165] : memref<2x32x125x80xi32, #tpu.memory_space<hbm>> -> memref<1x32x125x80xi32, #tpu.memory_space<hbm>>
    %dma_wait3A_167 = tpu.memref_squeeze %dma_wait3A_166 : memref<1x32x125x80xi32, #tpu.memory_space<hbm>> -> memref<32x125x80xi32, #tpu.memory_space<hbm>>
    %dma_wait3A_168 = arith.constant 0 : i32
    %dma_wait3A_169 = arith.constant 0 : i32
    %dma_wait3A_170 = tpu.memref_slice %dma_wait3A_167[%add3A, %dma_wait3A_168, %dma_wait3A_169] : memref<32x125x80xi32, #tpu.memory_space<hbm>> -> memref<1x125x80xi32, #tpu.memory_space<hbm>>
    %dma_wait3A_171 = tpu.memref_squeeze %dma_wait3A_170 : memref<1x125x80xi32, #tpu.memory_space<hbm>> -> memref<125x80xi32, #tpu.memory_space<hbm>>
    %dma_wait3A_172 = arith.constant 0 : i32
    %dma_wait3A_173 = arith.constant 0 : i32
    %dma_wait3A_174 = arith.constant 0 : i32
    %dma_wait3A_175 = tpu.memref_slice %arg3[%dma_wait3A_162, %dma_wait3A_172, %dma_wait3A_173, %dma_wait3A_174] : memref<2x32x125x80xi32, #tpu.memory_space<hbm>> -> memref<1x32x125x80xi32, #tpu.memory_space<hbm>>
    %dma_wait3A_176 = tpu.memref_squeeze %dma_wait3A_175 : memref<1x32x125x80xi32, #tpu.memory_space<hbm>> -> memref<32x125x80xi32, #tpu.memory_space<hbm>>
    %dma_wait3A_177 = arith.constant 0 : i32
    %dma_wait3A_178 = arith.constant 0 : i32
    %dma_wait3A_179 = tpu.memref_slice %dma_wait3A_176[%add3A, %dma_wait3A_177, %dma_wait3A_178] : memref<32x125x80xi32, #tpu.memory_space<hbm>> -> memref<1x125x80xi32, #tpu.memory_space<hbm>>
    %dma_wait3A_180 = tpu.memref_squeeze %dma_wait3A_179 : memref<1x125x80xi32, #tpu.memory_space<hbm>> -> memref<125x80xi32, #tpu.memory_space<hbm>>
    tpu.wait_dma2 semaphore(%arg18 : memref<!tpu.dma_semaphore, #tpu.memory_space<semaphore_mem>>) src(%dma_wait3A_180 : memref<125x80xi32, #tpu.memory_space<hbm>>) dst(%arg5 : memref<125x80xi32, #tpu.memory_space<vmem>>)
    %dma_wait3A_181 = arith.constant 1 : i32
    %dma_wait3A_182 = arith.constant 0 : i32
    %dma_wait3A_183 = arith.constant 0 : i32
    %dma_wait3A_184 = arith.constant 0 : i32
    %dma_wait3A_185 = tpu.memref_slice %arg3[%dma_wait3A_181, %dma_wait3A_182, %dma_wait3A_183, %dma_wait3A_184] : memref<2x32x125x80xi32, #tpu.memory_space<hbm>> -> memref<1x32x125x80xi32, #tpu.memory_space<hbm>>
    %dma_wait3A_186 = tpu.memref_squeeze %dma_wait3A_185 : memref<1x32x125x80xi32, #tpu.memory_space<hbm>> -> memref<32x125x80xi32, #tpu.memory_space<hbm>>
    %dma_wait3A_187 = arith.constant 0 : i32
    %dma_wait3A_188 = arith.constant 0 : i32
    %dma_wait3A_189 = tpu.memref_slice %dma_wait3A_186[%add3A, %dma_wait3A_187, %dma_wait3A_188] : memref<32x125x80xi32, #tpu.memory_space<hbm>> -> memref<1x125x80xi32, #tpu.memory_space<hbm>>
    %dma_wait3A_190 = tpu.memref_squeeze %dma_wait3A_189 : memref<1x125x80xi32, #tpu.memory_space<hbm>> -> memref<125x80xi32, #tpu.memory_space<hbm>>
    %dma_wait3A_191 = arith.constant 0 : i32
    %dma_wait3A_192 = arith.constant 0 : i32
    %dma_wait3A_193 = arith.constant 0 : i32
    %dma_wait3A_194 = tpu.memref_slice %arg3[%dma_wait3A_181, %dma_wait3A_191, %dma_wait3A_192, %dma_wait3A_193] : memref<2x32x125x80xi32, #tpu.memory_space<hbm>> -> memref<1x32x125x80xi32, #tpu.memory_space<hbm>>
    %dma_wait3A_195 = tpu.memref_squeeze %dma_wait3A_194 : memref<1x32x125x80xi32, #tpu.memory_space<hbm>> -> memref<32x125x80xi32, #tpu.memory_space<hbm>>
    %dma_wait3A_196 = arith.constant 0 : i32
    %dma_wait3A_197 = arith.constant 0 : i32
    %dma_wait3A_198 = tpu.memref_slice %dma_wait3A_195[%add3A, %dma_wait3A_196, %dma_wait3A_197] : memref<32x125x80xi32, #tpu.memory_space<hbm>> -> memref<1x125x80xi32, #tpu.memory_space<hbm>>
    %dma_wait3A_199 = tpu.memref_squeeze %dma_wait3A_198 : memref<1x125x80xi32, #tpu.memory_space<hbm>> -> memref<125x80xi32, #tpu.memory_space<hbm>>
    tpu.wait_dma2 semaphore(%arg18 : memref<!tpu.dma_semaphore, #tpu.memory_space<semaphore_mem>>) src(%dma_wait3A_199 : memref<125x80xi32, #tpu.memory_space<hbm>>) dst(%arg6 : memref<125x80xi32, #tpu.memory_space<vmem>>)
    %dma_start3A_200 = arith.constant 0 : i32
    %dma_start3A_201 = arith.constant 0 : i32
    %dma_start3A_202 = tpu.memref_slice %arg5[%dma_start3A_200, %dma_start3A_201] : memref<125x80xi32, #tpu.memory_space<vmem>> -> memref<1x80xi32, #tpu.memory_space<vmem>>
    %dma_start3A_203 = tpu.memref_squeeze %dma_start3A_202 : memref<1x80xi32, #tpu.memory_space<vmem>> -> memref<80xi32, #tpu.memory_space<vmem>>
    %dma_start3A_204 = arith.constant 0 : i32
    %dma_start3A_205 = arith.constant 0 : i32
    %dma_start3A_206 = tpu.memref_slice %arg2[%dma_start3A_204, %dma_start3A_205] : memref<10000x32xf32, #tpu.memory_space<hbm>> -> memref<10000x32xf32, #tpu.memory_space<hbm>>
    tpu.enqueue_indirect_dma source(%dma_start3A_206 : memref<10000x32xf32, #tpu.memory_space<hbm>>) target(%arg8 : memref<80x32xf32, #tpu.memory_space<vmem>>) offsets(%dma_start3A_203 : memref<80xi32, #tpu.memory_space<vmem>>) semaphore(%arg18 : memref<!tpu.dma_semaphore, #tpu.memory_space<semaphore_mem>>)
    %dma_start3A_207 = arith.constant 1 : i32
    %dma_start3A_208 = arith.constant 0 : i32
    %dma_start3A_209 = tpu.memref_slice %arg5[%dma_start3A_207, %dma_start3A_208] : memref<125x80xi32, #tpu.memory_space<vmem>> -> memref<1x80xi32, #tpu.memory_space<vmem>>
    %dma_start3A_210 = tpu.memref_squeeze %dma_start3A_209 : memref<1x80xi32, #tpu.memory_space<vmem>> -> memref<80xi32, #tpu.memory_space<vmem>>
    %dma_start3A_211 = arith.constant 0 : i32
    %dma_start3A_212 = arith.constant 0 : i32
    %dma_start3A_213 = tpu.memref_slice %arg2[%dma_start3A_211, %dma_start3A_212] : memref<10000x32xf32, #tpu.memory_space<hbm>> -> memref<10000x32xf32, #tpu.memory_space<hbm>>
    tpu.enqueue_indirect_dma source(%dma_start3A_213 : memref<10000x32xf32, #tpu.memory_space<hbm>>) target(%arg9 : memref<80x32xf32, #tpu.memory_space<vmem>>) offsets(%dma_start3A_210 : memref<80xi32, #tpu.memory_space<vmem>>) semaphore(%arg18 : memref<!tpu.dma_semaphore, #tpu.memory_space<semaphore_mem>>)
    %dma_start3A_214 = arith.constant 2 : i32
    %dma_start3A_215 = arith.constant 0 : i32
    %dma_start3A_216 = tpu.memref_slice %arg5[%dma_start3A_214, %dma_start3A_215] : memref<125x80xi32, #tpu.memory_space<vmem>> -> memref<1x80xi32, #tpu.memory_space<vmem>>
    %dma_start3A_217 = tpu.memref_squeeze %dma_start3A_216 : memref<1x80xi32, #tpu.memory_space<vmem>> -> memref<80xi32, #tpu.memory_space<vmem>>
    %dma_start3A_218 = arith.constant 0 : i32
    %dma_start3A_219 = arith.constant 0 : i32
    %dma_start3A_220 = tpu.memref_slice %arg2[%dma_start3A_218, %dma_start3A_219] : memref<10000x32xf32, #tpu.memory_space<hbm>> -> memref<10000x32xf32, #tpu.memory_space<hbm>>
    tpu.enqueue_indirect_dma source(%dma_start3A_220 : memref<10000x32xf32, #tpu.memory_space<hbm>>) target(%arg10 : memref<80x32xf32, #tpu.memory_space<vmem>>) offsets(%dma_start3A_217 : memref<80xi32, #tpu.memory_space<vmem>>) semaphore(%arg18 : memref<!tpu.dma_semaphore, #tpu.memory_space<semaphore_mem>>)
    %dma_start3A_221 = arith.constant 3 : i32
    %dma_start3A_222 = arith.constant 0 : i32
    %dma_start3A_223 = tpu.memref_slice %arg5[%dma_start3A_221, %dma_start3A_222] : memref<125x80xi32, #tpu.memory_space<vmem>> -> memref<1x80xi32, #tpu.memory_space<vmem>>
    %dma_start3A_224 = tpu.memref_squeeze %dma_start3A_223 : memref<1x80xi32, #tpu.memory_space<vmem>> -> memref<80xi32, #tpu.memory_space<vmem>>
    %dma_start3A_225 = arith.constant 0 : i32
    %dma_start3A_226 = arith.constant 0 : i32
    %dma_start3A_227 = tpu.memref_slice %arg2[%dma_start3A_225, %dma_start3A_226] : memref<10000x32xf32, #tpu.memory_space<hbm>> -> memref<10000x32xf32, #tpu.memory_space<hbm>>
    tpu.enqueue_indirect_dma source(%dma_start3A_227 : memref<10000x32xf32, #tpu.memory_space<hbm>>) target(%arg11 : memref<80x32xf32, #tpu.memory_space<vmem>>) offsets(%dma_start3A_224 : memref<80xi32, #tpu.memory_space<vmem>>) semaphore(%arg18 : memref<!tpu.dma_semaphore, #tpu.memory_space<semaphore_mem>>)
    %dma_start3A_228 = arith.constant 4 : i32
    %dma_start3A_229 = arith.constant 0 : i32
    %dma_start3A_230 = tpu.memref_slice %arg5[%dma_start3A_228, %dma_start3A_229] : memref<125x80xi32, #tpu.memory_space<vmem>> -> memref<1x80xi32, #tpu.memory_space<vmem>>
    %dma_start3A_231 = tpu.memref_squeeze %dma_start3A_230 : memref<1x80xi32, #tpu.memory_space<vmem>> -> memref<80xi32, #tpu.memory_space<vmem>>
    %dma_start3A_232 = arith.constant 0 : i32
    %dma_start3A_233 = arith.constant 0 : i32
    %dma_start3A_234 = tpu.memref_slice %arg2[%dma_start3A_232, %dma_start3A_233] : memref<10000x32xf32, #tpu.memory_space<hbm>> -> memref<10000x32xf32, #tpu.memory_space<hbm>>
    tpu.enqueue_indirect_dma source(%dma_start3A_234 : memref<10000x32xf32, #tpu.memory_space<hbm>>) target(%arg12 : memref<80x32xf32, #tpu.memory_space<vmem>>) offsets(%dma_start3A_231 : memref<80xi32, #tpu.memory_space<vmem>>) semaphore(%arg18 : memref<!tpu.dma_semaphore, #tpu.memory_space<semaphore_mem>>)
    %scan3A_235 = arith.constant 0 : i32
    %scan3A_236 = arith.constant 0 : i32
    %scan3A_237 = arith.constant 12 : i32
    %scan3A_238 = arith.addi %scan3A_236, %scan3A_237 : i32
    %scan3A_239 = arith.constant 1 : i32
    scf.for %scan3A_843 = %scan3A_236 to %scan3A_238 step %scan3A_239  : i32 {
      %mul3A_844 = arith.constant 2 : i32
      %mul3A_845 = arith.muli %mul3A_844, %scan3A_843 : i32
      %dma_wait3A_846 = arith.constant 0 : i32
      %dma_wait3A_847 = arith.constant 0 : i32
      %dma_wait3A_848 = tpu.memref_slice %arg5[%dma_wait3A_846, %dma_wait3A_847] : memref<125x80xi32, #tpu.memory_space<vmem>> -> memref<1x80xi32, #tpu.memory_space<vmem>>
      %dma_wait3A_849 = tpu.memref_squeeze %dma_wait3A_848 : memref<1x80xi32, #tpu.memory_space<vmem>> -> memref<80xi32, #tpu.memory_space<vmem>>
      %dma_wait3A_850 = arith.constant 0 : i32
      %dma_wait3A_851 = arith.constant 0 : i32
      %dma_wait3A_852 = tpu.memref_slice %arg2[%dma_wait3A_850, %dma_wait3A_851] : memref<10000x32xf32, #tpu.memory_space<hbm>> -> memref<10000x32xf32, #tpu.memory_space<hbm>>
      tpu.wait_indirect_dma semaphore(%arg18 : memref<!tpu.dma_semaphore, #tpu.memory_space<semaphore_mem>>) src(%dma_wait3A_852 : memref<10000x32xf32, #tpu.memory_space<hbm>>) dst(%arg8 : memref<80x32xf32, #tpu.memory_space<vmem>>)
      %dma_wait3A_853 = arith.constant 0 : i32
      %dma_wait3A_854 = arith.constant 0 : i32
      %dma_wait3A_855 = tpu.memref_slice %arg5[%dma_wait3A_853, %dma_wait3A_854] : memref<125x80xi32, #tpu.memory_space<vmem>> -> memref<1x80xi32, #tpu.memory_space<vmem>>
      %dma_wait3A_856 = tpu.memref_squeeze %dma_wait3A_855 : memref<1x80xi32, #tpu.memory_space<vmem>> -> memref<80xi32, #tpu.memory_space<vmem>>
      %dma_wait3A_857 = arith.constant 0 : i32
      %dma_wait3A_858 = arith.constant 0 : i32
      %dma_wait3A_859 = tpu.memref_slice %arg2[%dma_wait3A_857, %dma_wait3A_858] : memref<10000x32xf32, #tpu.memory_space<hbm>> -> memref<10000x32xf32, #tpu.memory_space<hbm>>
      tpu.wait_indirect_dma semaphore(%arg18 : memref<!tpu.dma_semaphore, #tpu.memory_space<semaphore_mem>>) src(%dma_wait3A_859 : memref<10000x32xf32, #tpu.memory_space<hbm>>) dst(%arg9 : memref<80x32xf32, #tpu.memory_space<vmem>>)
      %dma_wait3A_860 = arith.constant 0 : i32
      %dma_wait3A_861 = arith.constant 0 : i32
      %dma_wait3A_862 = tpu.memref_slice %arg5[%dma_wait3A_860, %dma_wait3A_861] : memref<125x80xi32, #tpu.memory_space<vmem>> -> memref<1x80xi32, #tpu.memory_space<vmem>>
      %dma_wait3A_863 = tpu.memref_squeeze %dma_wait3A_862 : memref<1x80xi32, #tpu.memory_space<vmem>> -> memref<80xi32, #tpu.memory_space<vmem>>
      %dma_wait3A_864 = arith.constant 0 : i32
      %dma_wait3A_865 = arith.constant 0 : i32
      %dma_wait3A_866 = tpu.memref_slice %arg2[%dma_wait3A_864, %dma_wait3A_865] : memref<10000x32xf32, #tpu.memory_space<hbm>> -> memref<10000x32xf32, #tpu.memory_space<hbm>>
      tpu.wait_indirect_dma semaphore(%arg18 : memref<!tpu.dma_semaphore, #tpu.memory_space<semaphore_mem>>) src(%dma_wait3A_866 : memref<10000x32xf32, #tpu.memory_space<hbm>>) dst(%arg10 : memref<80x32xf32, #tpu.memory_space<vmem>>)
      %dma_wait3A_867 = arith.constant 0 : i32
      %dma_wait3A_868 = arith.constant 0 : i32
      %dma_wait3A_869 = tpu.memref_slice %arg5[%dma_wait3A_867, %dma_wait3A_868] : memref<125x80xi32, #tpu.memory_space<vmem>> -> memref<1x80xi32, #tpu.memory_space<vmem>>
      %dma_wait3A_870 = tpu.memref_squeeze %dma_wait3A_869 : memref<1x80xi32, #tpu.memory_space<vmem>> -> memref<80xi32, #tpu.memory_space<vmem>>
      %dma_wait3A_871 = arith.constant 0 : i32
      %dma_wait3A_872 = arith.constant 0 : i32
      %dma_wait3A_873 = tpu.memref_slice %arg2[%dma_wait3A_871, %dma_wait3A_872] : memref<10000x32xf32, #tpu.memory_space<hbm>> -> memref<10000x32xf32, #tpu.memory_space<hbm>>
      tpu.wait_indirect_dma semaphore(%arg18 : memref<!tpu.dma_semaphore, #tpu.memory_space<semaphore_mem>>) src(%dma_wait3A_873 : memref<10000x32xf32, #tpu.memory_space<hbm>>) dst(%arg11 : memref<80x32xf32, #tpu.memory_space<vmem>>)
      %dma_wait3A_874 = arith.constant 0 : i32
      %dma_wait3A_875 = arith.constant 0 : i32
      %dma_wait3A_876 = tpu.memref_slice %arg5[%dma_wait3A_874, %dma_wait3A_875] : memref<125x80xi32, #tpu.memory_space<vmem>> -> memref<1x80xi32, #tpu.memory_space<vmem>>
      %dma_wait3A_877 = tpu.memref_squeeze %dma_wait3A_876 : memref<1x80xi32, #tpu.memory_space<vmem>> -> memref<80xi32, #tpu.memory_space<vmem>>
      %dma_wait3A_878 = arith.constant 0 : i32
      %dma_wait3A_879 = arith.constant 0 : i32
      %dma_wait3A_880 = tpu.memref_slice %arg2[%dma_wait3A_878, %dma_wait3A_879] : memref<10000x32xf32, #tpu.memory_space<hbm>> -> memref<10000x32xf32, #tpu.memory_space<hbm>>
      tpu.wait_indirect_dma semaphore(%arg18 : memref<!tpu.dma_semaphore, #tpu.memory_space<semaphore_mem>>) src(%dma_wait3A_880 : memref<10000x32xf32, #tpu.memory_space<hbm>>) dst(%arg12 : memref<80x32xf32, #tpu.memory_space<vmem>>)
      %add3A_881 = arith.constant 1 : i32
      %add3A_882 = arith.addi %mul3A_845, %add3A_881 : i32
      %mul3A_883 = arith.constant 5 : i32
      %mul3A_884 = arith.muli %add3A_882, %mul3A_883 : i32
      %add3A_885 = arith.constant 0 : i32
      %add3A_886 = arith.addi %mul3A_884, %add3A_885 : i32
      %dma_start3A_887 = arith.constant 0 : i32
      %dma_start3A_888 = tpu.memref_slice %arg5[%add3A_886, %dma_start3A_887] : memref<125x80xi32, #tpu.memory_space<vmem>> -> memref<1x80xi32, #tpu.memory_space<vmem>>
      %dma_start3A_889 = tpu.memref_squeeze %dma_start3A_888 : memref<1x80xi32, #tpu.memory_space<vmem>> -> memref<80xi32, #tpu.memory_space<vmem>>
      %dma_start3A_890 = arith.constant 0 : i32
      %dma_start3A_891 = arith.constant 0 : i32
      %dma_start3A_892 = tpu.memref_slice %arg2[%dma_start3A_890, %dma_start3A_891] : memref<10000x32xf32, #tpu.memory_space<hbm>> -> memref<10000x32xf32, #tpu.memory_space<hbm>>
      tpu.enqueue_indirect_dma source(%dma_start3A_892 : memref<10000x32xf32, #tpu.memory_space<hbm>>) target(%arg13 : memref<80x32xf32, #tpu.memory_space<vmem>>) offsets(%dma_start3A_889 : memref<80xi32, #tpu.memory_space<vmem>>) semaphore(%arg18 : memref<!tpu.dma_semaphore, #tpu.memory_space<semaphore_mem>>)
      %mul3A_893 = arith.constant 5 : i32
      %mul3A_894 = arith.muli %add3A_882, %mul3A_893 : i32
      %add3A_895 = arith.constant 1 : i32
      %add3A_896 = arith.addi %mul3A_894, %add3A_895 : i32
      %dma_start3A_897 = arith.constant 0 : i32
      %dma_start3A_898 = tpu.memref_slice %arg5[%add3A_896, %dma_start3A_897] : memref<125x80xi32, #tpu.memory_space<vmem>> -> memref<1x80xi32, #tpu.memory_space<vmem>>
      %dma_start3A_899 = tpu.memref_squeeze %dma_start3A_898 : memref<1x80xi32, #tpu.memory_space<vmem>> -> memref<80xi32, #tpu.memory_space<vmem>>
      %dma_start3A_900 = arith.constant 0 : i32
      %dma_start3A_901 = arith.constant 0 : i32
      %dma_start3A_902 = tpu.memref_slice %arg2[%dma_start3A_900, %dma_start3A_901] : memref<10000x32xf32, #tpu.memory_space<hbm>> -> memref<10000x32xf32, #tpu.memory_space<hbm>>
      tpu.enqueue_indirect_dma source(%dma_start3A_902 : memref<10000x32xf32, #tpu.memory_space<hbm>>) target(%arg14 : memref<80x32xf32, #tpu.memory_space<vmem>>) offsets(%dma_start3A_899 : memref<80xi32, #tpu.memory_space<vmem>>) semaphore(%arg18 : memref<!tpu.dma_semaphore, #tpu.memory_space<semaphore_mem>>)
      %mul3A_903 = arith.constant 5 : i32
      %mul3A_904 = arith.muli %add3A_882, %mul3A_903 : i32
      %add3A_905 = arith.constant 2 : i32
      %add3A_906 = arith.addi %mul3A_904, %add3A_905 : i32
      %dma_start3A_907 = arith.constant 0 : i32
      %dma_start3A_908 = tpu.memref_slice %arg5[%add3A_906, %dma_start3A_907] : memref<125x80xi32, #tpu.memory_space<vmem>> -> memref<1x80xi32, #tpu.memory_space<vmem>>
      %dma_start3A_909 = tpu.memref_squeeze %dma_start3A_908 : memref<1x80xi32, #tpu.memory_space<vmem>> -> memref<80xi32, #tpu.memory_space<vmem>>
      %dma_start3A_910 = arith.constant 0 : i32
      %dma_start3A_911 = arith.constant 0 : i32
      %dma_start3A_912 = tpu.memref_slice %arg2[%dma_start3A_910, %dma_start3A_911] : memref<10000x32xf32, #tpu.memory_space<hbm>> -> memref<10000x32xf32, #tpu.memory_space<hbm>>
      tpu.enqueue_indirect_dma source(%dma_start3A_912 : memref<10000x32xf32, #tpu.memory_space<hbm>>) target(%arg15 : memref<80x32xf32, #tpu.memory_space<vmem>>) offsets(%dma_start3A_909 : memref<80xi32, #tpu.memory_space<vmem>>) semaphore(%arg18 : memref<!tpu.dma_semaphore, #tpu.memory_space<semaphore_mem>>)
      %mul3A_913 = arith.constant 5 : i32
      %mul3A_914 = arith.muli %add3A_882, %mul3A_913 : i32
      %add3A_915 = arith.constant 3 : i32
      %add3A_916 = arith.addi %mul3A_914, %add3A_915 : i32
      %dma_start3A_917 = arith.constant 0 : i32
      %dma_start3A_918 = tpu.memref_slice %arg5[%add3A_916, %dma_start3A_917] : memref<125x80xi32, #tpu.memory_space<vmem>> -> memref<1x80xi32, #tpu.memory_space<vmem>>
      %dma_start3A_919 = tpu.memref_squeeze %dma_start3A_918 : memref<1x80xi32, #tpu.memory_space<vmem>> -> memref<80xi32, #tpu.memory_space<vmem>>
      %dma_start3A_920 = arith.constant 0 : i32
      %dma_start3A_921 = arith.constant 0 : i32
      %dma_start3A_922 = tpu.memref_slice %arg2[%dma_start3A_920, %dma_start3A_921] : memref<10000x32xf32, #tpu.memory_space<hbm>> -> memref<10000x32xf32, #tpu.memory_space<hbm>>
      tpu.enqueue_indirect_dma source(%dma_start3A_922 : memref<10000x32xf32, #tpu.memory_space<hbm>>) target(%arg16 : memref<80x32xf32, #tpu.memory_space<vmem>>) offsets(%dma_start3A_919 : memref<80xi32, #tpu.memory_space<vmem>>) semaphore(%arg18 : memref<!tpu.dma_semaphore, #tpu.memory_space<semaphore_mem>>)
      %mul3A_923 = arith.constant 5 : i32
      %mul3A_924 = arith.muli %add3A_882, %mul3A_923 : i32
      %add3A_925 = arith.constant 4 : i32
      %add3A_926 = arith.addi %mul3A_924, %add3A_925 : i32
      %dma_start3A_927 = arith.constant 0 : i32
      %dma_start3A_928 = tpu.memref_slice %arg5[%add3A_926, %dma_start3A_927] : memref<125x80xi32, #tpu.memory_space<vmem>> -> memref<1x80xi32, #tpu.memory_space<vmem>>
      %dma_start3A_929 = tpu.memref_squeeze %dma_start3A_928 : memref<1x80xi32, #tpu.memory_space<vmem>> -> memref<80xi32, #tpu.memory_space<vmem>>
      %dma_start3A_930 = arith.constant 0 : i32
      %dma_start3A_931 = arith.constant 0 : i32
      %dma_start3A_932 = tpu.memref_slice %arg2[%dma_start3A_930, %dma_start3A_931] : memref<10000x32xf32, #tpu.memory_space<hbm>> -> memref<10000x32xf32, #tpu.memory_space<hbm>>
      tpu.enqueue_indirect_dma source(%dma_start3A_932 : memref<10000x32xf32, #tpu.memory_space<hbm>>) target(%arg17 : memref<80x32xf32, #tpu.memory_space<vmem>>) offsets(%dma_start3A_929 : memref<80xi32, #tpu.memory_space<vmem>>) semaphore(%arg18 : memref<!tpu.dma_semaphore, #tpu.memory_space<semaphore_mem>>)
      %mul3A_933 = arith.constant 5 : i32
      %mul3A_934 = arith.muli %mul3A_845, %mul3A_933 : i32
      %add3A_935 = arith.constant 0 : i32
      %add3A_936 = arith.addi %mul3A_934, %add3A_935 : i32
      %dma_start3A_937 = arith.constant 0 : i32
      %dma_start3A_938 = tpu.memref_slice %arg6[%add3A_936, %dma_start3A_937] : memref<125x80xi32, #tpu.memory_space<vmem>> -> memref<1x80xi32, #tpu.memory_space<vmem>>
      %dma_start3A_939 = tpu.memref_squeeze %dma_start3A_938 : memref<1x80xi32, #tpu.memory_space<vmem>> -> memref<80xi32, #tpu.memory_space<vmem>>
      %dma_start3A_940 = arith.constant 0 : i32
      %dma_start3A_941 = arith.constant 0 : i32
      %dma_start3A_942 = tpu.memref_slice %arg20[%dma_start3A_940, %dma_start3A_941] : memref<10240x32xf32, #tpu.memory_space<vmem_shared>> -> memref<10240x32xf32, #tpu.memory_space<vmem_shared>>
      tpu.enqueue_indirect_dma source(%arg8 : memref<80x32xf32, #tpu.memory_space<vmem>>) target(%dma_start3A_942 : memref<10240x32xf32, #tpu.memory_space<vmem_shared>>) offsets(%dma_start3A_939 : memref<80xi32, #tpu.memory_space<vmem>>) semaphore(%arg19 : memref<!tpu.dma_semaphore, #tpu.memory_space<semaphore_mem>>) {add = true}
      %mul3A_943 = arith.constant 5 : i32
      %mul3A_944 = arith.muli %mul3A_845, %mul3A_943 : i32
      %add3A_945 = arith.constant 1 : i32
      %add3A_946 = arith.addi %mul3A_944, %add3A_945 : i32
      %dma_start3A_947 = arith.constant 0 : i32
      %dma_start3A_948 = tpu.memref_slice %arg6[%add3A_946, %dma_start3A_947] : memref<125x80xi32, #tpu.memory_space<vmem>> -> memref<1x80xi32, #tpu.memory_space<vmem>>
      %dma_start3A_949 = tpu.memref_squeeze %dma_start3A_948 : memref<1x80xi32, #tpu.memory_space<vmem>> -> memref<80xi32, #tpu.memory_space<vmem>>
      %dma_start3A_950 = arith.constant 0 : i32
      %dma_start3A_951 = arith.constant 0 : i32
      %dma_start3A_952 = tpu.memref_slice %arg20[%dma_start3A_950, %dma_start3A_951] : memref<10240x32xf32, #tpu.memory_space<vmem_shared>> -> memref<10240x32xf32, #tpu.memory_space<vmem_shared>>
      tpu.enqueue_indirect_dma source(%arg9 : memref<80x32xf32, #tpu.memory_space<vmem>>) target(%dma_start3A_952 : memref<10240x32xf32, #tpu.memory_space<vmem_shared>>) offsets(%dma_start3A_949 : memref<80xi32, #tpu.memory_space<vmem>>) semaphore(%arg19 : memref<!tpu.dma_semaphore, #tpu.memory_space<semaphore_mem>>) {add = true}
      %mul3A_953 = arith.constant 5 : i32
      %mul3A_954 = arith.muli %mul3A_845, %mul3A_953 : i32
      %add3A_955 = arith.constant 2 : i32
      %add3A_956 = arith.addi %mul3A_954, %add3A_955 : i32
      %dma_start3A_957 = arith.constant 0 : i32
      %dma_start3A_958 = tpu.memref_slice %arg6[%add3A_956, %dma_start3A_957] : memref<125x80xi32, #tpu.memory_space<vmem>> -> memref<1x80xi32, #tpu.memory_space<vmem>>
      %dma_start3A_959 = tpu.memref_squeeze %dma_start3A_958 : memref<1x80xi32, #tpu.memory_space<vmem>> -> memref<80xi32, #tpu.memory_space<vmem>>
      %dma_start3A_960 = arith.constant 0 : i32
      %dma_start3A_961 = arith.constant 0 : i32
      %dma_start3A_962 = tpu.memref_slice %arg20[%dma_start3A_960, %dma_start3A_961] : memref<10240x32xf32, #tpu.memory_space<vmem_shared>> -> memref<10240x32xf32, #tpu.memory_space<vmem_shared>>
      tpu.enqueue_indirect_dma source(%arg10 : memref<80x32xf32, #tpu.memory_space<vmem>>) target(%dma_start3A_962 : memref<10240x32xf32, #tpu.memory_space<vmem_shared>>) offsets(%dma_start3A_959 : memref<80xi32, #tpu.memory_space<vmem>>) semaphore(%arg19 : memref<!tpu.dma_semaphore, #tpu.memory_space<semaphore_mem>>) {add = true}
      %mul3A_963 = arith.constant 5 : i32
      %mul3A_964 = arith.muli %mul3A_845, %mul3A_963 : i32
      %add3A_965 = arith.constant 3 : i32
      %add3A_966 = arith.addi %mul3A_964, %add3A_965 : i32
      %dma_start3A_967 = arith.constant 0 : i32
      %dma_start3A_968 = tpu.memref_slice %arg6[%add3A_966, %dma_start3A_967] : memref<125x80xi32, #tpu.memory_space<vmem>> -> memref<1x80xi32, #tpu.memory_space<vmem>>
      %dma_start3A_969 = tpu.memref_squeeze %dma_start3A_968 : memref<1x80xi32, #tpu.memory_space<vmem>> -> memref<80xi32, #tpu.memory_space<vmem>>
      %dma_start3A_970 = arith.constant 0 : i32
      %dma_start3A_971 = arith.constant 0 : i32
      %dma_start3A_972 = tpu.memref_slice %arg20[%dma_start3A_970, %dma_start3A_971] : memref<10240x32xf32, #tpu.memory_space<vmem_shared>> -> memref<10240x32xf32, #tpu.memory_space<vmem_shared>>
      tpu.enqueue_indirect_dma source(%arg11 : memref<80x32xf32, #tpu.memory_space<vmem>>) target(%dma_start3A_972 : memref<10240x32xf32, #tpu.memory_space<vmem_shared>>) offsets(%dma_start3A_969 : memref<80xi32, #tpu.memory_space<vmem>>) semaphore(%arg19 : memref<!tpu.dma_semaphore, #tpu.memory_space<semaphore_mem>>) {add = true}
      %mul3A_973 = arith.constant 5 : i32
      %mul3A_974 = arith.muli %mul3A_845, %mul3A_973 : i32
      %add3A_975 = arith.constant 4 : i32
      %add3A_976 = arith.addi %mul3A_974, %add3A_975 : i32
      %dma_start3A_977 = arith.constant 0 : i32
      %dma_start3A_978 = tpu.memref_slice %arg6[%add3A_976, %dma_start3A_977] : memref<125x80xi32, #tpu.memory_space<vmem>> -> memref<1x80xi32, #tpu.memory_space<vmem>>
      %dma_start3A_979 = tpu.memref_squeeze %dma_start3A_978 : memref<1x80xi32, #tpu.memory_space<vmem>> -> memref<80xi32, #tpu.memory_space<vmem>>
      %dma_start3A_980 = arith.constant 0 : i32
      %dma_start3A_981 = arith.constant 0 : i32
      %dma_start3A_982 = tpu.memref_slice %arg20[%dma_start3A_980, %dma_start3A_981] : memref<10240x32xf32, #tpu.memory_space<vmem_shared>> -> memref<10240x32xf32, #tpu.memory_space<vmem_shared>>
      tpu.enqueue_indirect_dma source(%arg12 : memref<80x32xf32, #tpu.memory_space<vmem>>) target(%dma_start3A_982 : memref<10240x32xf32, #tpu.memory_space<vmem_shared>>) offsets(%dma_start3A_979 : memref<80xi32, #tpu.memory_space<vmem>>) semaphore(%arg19 : memref<!tpu.dma_semaphore, #tpu.memory_space<semaphore_mem>>) {add = true}
      %dma_wait3A_983 = arith.constant 0 : i32
      %dma_wait3A_984 = arith.constant 0 : i32
      %dma_wait3A_985 = tpu.memref_slice %arg6[%dma_wait3A_983, %dma_wait3A_984] : memref<125x80xi32, #tpu.memory_space<vmem>> -> memref<1x80xi32, #tpu.memory_space<vmem>>
      %dma_wait3A_986 = tpu.memref_squeeze %dma_wait3A_985 : memref<1x80xi32, #tpu.memory_space<vmem>> -> memref<80xi32, #tpu.memory_space<vmem>>
      %dma_wait3A_987 = arith.constant 0 : i32
      %dma_wait3A_988 = arith.constant 0 : i32
      %dma_wait3A_989 = tpu.memref_slice %arg20[%dma_wait3A_987, %dma_wait3A_988] : memref<10240x32xf32, #tpu.memory_space<vmem_shared>> -> memref<10240x32xf32, #tpu.memory_space<vmem_shared>>
      tpu.wait_indirect_dma semaphore(%arg19 : memref<!tpu.dma_semaphore, #tpu.memory_space<semaphore_mem>>) src(%arg8 : memref<80x32xf32, #tpu.memory_space<vmem>>) dst(%dma_wait3A_989 : memref<10240x32xf32, #tpu.memory_space<vmem_shared>>)
      %dma_wait3A_990 = arith.constant 0 : i32
      %dma_wait3A_991 = arith.constant 0 : i32
      %dma_wait3A_992 = tpu.memref_slice %arg6[%dma_wait3A_990, %dma_wait3A_991] : memref<125x80xi32, #tpu.memory_space<vmem>> -> memref<1x80xi32, #tpu.memory_space<vmem>>
      %dma_wait3A_993 = tpu.memref_squeeze %dma_wait3A_992 : memref<1x80xi32, #tpu.memory_space<vmem>> -> memref<80xi32, #tpu.memory_space<vmem>>
      %dma_wait3A_994 = arith.constant 0 : i32
      %dma_wait3A_995 = arith.constant 0 : i32
      %dma_wait3A_996 = tpu.memref_slice %arg20[%dma_wait3A_994, %dma_wait3A_995] : memref<10240x32xf32, #tpu.memory_space<vmem_shared>> -> memref<10240x32xf32, #tpu.memory_space<vmem_shared>>
      tpu.wait_indirect_dma semaphore(%arg19 : memref<!tpu.dma_semaphore, #tpu.memory_space<semaphore_mem>>) src(%arg9 : memref<80x32xf32, #tpu.memory_space<vmem>>) dst(%dma_wait3A_996 : memref<10240x32xf32, #tpu.memory_space<vmem_shared>>)
      %dma_wait3A_997 = arith.constant 0 : i32
      %dma_wait3A_998 = arith.constant 0 : i32
      %dma_wait3A_999 = tpu.memref_slice %arg6[%dma_wait3A_997, %dma_wait3A_998] : memref<125x80xi32, #tpu.memory_space<vmem>> -> memref<1x80xi32, #tpu.memory_space<vmem>>
      %dma_wait3A_1000 = tpu.memref_squeeze %dma_wait3A_999 : memref<1x80xi32, #tpu.memory_space<vmem>> -> memref<80xi32, #tpu.memory_space<vmem>>
      %dma_wait3A_1001 = arith.constant 0 : i32
      %dma_wait3A_1002 = arith.constant 0 : i32
      %dma_wait3A_1003 = tpu.memref_slice %arg20[%dma_wait3A_1001, %dma_wait3A_1002] : memref<10240x32xf32, #tpu.memory_space<vmem_shared>> -> memref<10240x32xf32, #tpu.memory_space<vmem_shared>>
      tpu.wait_indirect_dma semaphore(%arg19 : memref<!tpu.dma_semaphore, #tpu.memory_space<semaphore_mem>>) src(%arg10 : memref<80x32xf32, #tpu.memory_space<vmem>>) dst(%dma_wait3A_1003 : memref<10240x32xf32, #tpu.memory_space<vmem_shared>>)
      %dma_wait3A_1004 = arith.constant 0 : i32
      %dma_wait3A_1005 = arith.constant 0 : i32
      %dma_wait3A_1006 = tpu.memref_slice %arg6[%dma_wait3A_1004, %dma_wait3A_1005] : memref<125x80xi32, #tpu.memory_space<vmem>> -> memref<1x80xi32, #tpu.memory_space<vmem>>
      %dma_wait3A_1007 = tpu.memref_squeeze %dma_wait3A_1006 : memref<1x80xi32, #tpu.memory_space<vmem>> -> memref<80xi32, #tpu.memory_space<vmem>>
      %dma_wait3A_1008 = arith.constant 0 : i32
      %dma_wait3A_1009 = arith.constant 0 : i32
      %dma_wait3A_1010 = tpu.memref_slice %arg20[%dma_wait3A_1008, %dma_wait3A_1009] : memref<10240x32xf32, #tpu.memory_space<vmem_shared>> -> memref<10240x32xf32, #tpu.memory_space<vmem_shared>>
      tpu.wait_indirect_dma semaphore(%arg19 : memref<!tpu.dma_semaphore, #tpu.memory_space<semaphore_mem>>) src(%arg11 : memref<80x32xf32, #tpu.memory_space<vmem>>) dst(%dma_wait3A_1010 : memref<10240x32xf32, #tpu.memory_space<vmem_shared>>)
      %dma_wait3A_1011 = arith.constant 0 : i32
      %dma_wait3A_1012 = arith.constant 0 : i32
      %dma_wait3A_1013 = tpu.memref_slice %arg6[%dma_wait3A_1011, %dma_wait3A_1012] : memref<125x80xi32, #tpu.memory_space<vmem>> -> memref<1x80xi32, #tpu.memory_space<vmem>>
      %dma_wait3A_1014 = tpu.memref_squeeze %dma_wait3A_1013 : memref<1x80xi32, #tpu.memory_space<vmem>> -> memref<80xi32, #tpu.memory_space<vmem>>
      %dma_wait3A_1015 = arith.constant 0 : i32
      %dma_wait3A_1016 = arith.constant 0 : i32
      %dma_wait3A_1017 = tpu.memref_slice %arg20[%dma_wait3A_1015, %dma_wait3A_1016] : memref<10240x32xf32, #tpu.memory_space<vmem_shared>> -> memref<10240x32xf32, #tpu.memory_space<vmem_shared>>
      tpu.wait_indirect_dma semaphore(%arg19 : memref<!tpu.dma_semaphore, #tpu.memory_space<semaphore_mem>>) src(%arg12 : memref<80x32xf32, #tpu.memory_space<vmem>>) dst(%dma_wait3A_1017 : memref<10240x32xf32, #tpu.memory_space<vmem_shared>>)
      %dma_wait3A_1018 = arith.constant 0 : i32
      %dma_wait3A_1019 = arith.constant 0 : i32
      %dma_wait3A_1020 = tpu.memref_slice %arg5[%dma_wait3A_1018, %dma_wait3A_1019] : memref<125x80xi32, #tpu.memory_space<vmem>> -> memref<1x80xi32, #tpu.memory_space<vmem>>
      %dma_wait3A_1021 = tpu.memref_squeeze %dma_wait3A_1020 : memref<1x80xi32, #tpu.memory_space<vmem>> -> memref<80xi32, #tpu.memory_space<vmem>>
      %dma_wait3A_1022 = arith.constant 0 : i32
      %dma_wait3A_1023 = arith.constant 0 : i32
      %dma_wait3A_1024 = tpu.memref_slice %arg2[%dma_wait3A_1022, %dma_wait3A_1023] : memref<10000x32xf32, #tpu.memory_space<hbm>> -> memref<10000x32xf32, #tpu.memory_space<hbm>>
      tpu.wait_indirect_dma semaphore(%arg18 : memref<!tpu.dma_semaphore, #tpu.memory_space<semaphore_mem>>) src(%dma_wait3A_1024 : memref<10000x32xf32, #tpu.memory_space<hbm>>) dst(%arg13 : memref<80x32xf32, #tpu.memory_space<vmem>>)
      %dma_wait3A_1025 = arith.constant 0 : i32
      %dma_wait3A_1026 = arith.constant 0 : i32
      %dma_wait3A_1027 = tpu.memref_slice %arg5[%dma_wait3A_1025, %dma_wait3A_1026] : memref<125x80xi32, #tpu.memory_space<vmem>> -> memref<1x80xi32, #tpu.memory_space<vmem>>
      %dma_wait3A_1028 = tpu.memref_squeeze %dma_wait3A_1027 : memref<1x80xi32, #tpu.memory_space<vmem>> -> memref<80xi32, #tpu.memory_space<vmem>>
      %dma_wait3A_1029 = arith.constant 0 : i32
      %dma_wait3A_1030 = arith.constant 0 : i32
      %dma_wait3A_1031 = tpu.memref_slice %arg2[%dma_wait3A_1029, %dma_wait3A_1030] : memref<10000x32xf32, #tpu.memory_space<hbm>> -> memref<10000x32xf32, #tpu.memory_space<hbm>>
      tpu.wait_indirect_dma semaphore(%arg18 : memref<!tpu.dma_semaphore, #tpu.memory_space<semaphore_mem>>) src(%dma_wait3A_1031 : memref<10000x32xf32, #tpu.memory_space<hbm>>) dst(%arg14 : memref<80x32xf32, #tpu.memory_space<vmem>>)
      %dma_wait3A_1032 = arith.constant 0 : i32
      %dma_wait3A_1033 = arith.constant 0 : i32
      %dma_wait3A_1034 = tpu.memref_slice %arg5[%dma_wait3A_1032, %dma_wait3A_1033] : memref<125x80xi32, #tpu.memory_space<vmem>> -> memref<1x80xi32, #tpu.memory_space<vmem>>
      %dma_wait3A_1035 = tpu.memref_squeeze %dma_wait3A_1034 : memref<1x80xi32, #tpu.memory_space<vmem>> -> memref<80xi32, #tpu.memory_space<vmem>>
      %dma_wait3A_1036 = arith.constant 0 : i32
      %dma_wait3A_1037 = arith.constant 0 : i32
      %dma_wait3A_1038 = tpu.memref_slice %arg2[%dma_wait3A_1036, %dma_wait3A_1037] : memref<10000x32xf32, #tpu.memory_space<hbm>> -> memref<10000x32xf32, #tpu.memory_space<hbm>>
      tpu.wait_indirect_dma semaphore(%arg18 : memref<!tpu.dma_semaphore, #tpu.memory_space<semaphore_mem>>) src(%dma_wait3A_1038 : memref<10000x32xf32, #tpu.memory_space<hbm>>) dst(%arg15 : memref<80x32xf32, #tpu.memory_space<vmem>>)
      %dma_wait3A_1039 = arith.constant 0 : i32
      %dma_wait3A_1040 = arith.constant 0 : i32
      %dma_wait3A_1041 = tpu.memref_slice %arg5[%dma_wait3A_1039, %dma_wait3A_1040] : memref<125x80xi32, #tpu.memory_space<vmem>> -> memref<1x80xi32, #tpu.memory_space<vmem>>
      %dma_wait3A_1042 = tpu.memref_squeeze %dma_wait3A_1041 : memref<1x80xi32, #tpu.memory_space<vmem>> -> memref<80xi32, #tpu.memory_space<vmem>>
      %dma_wait3A_1043 = arith.constant 0 : i32
      %dma_wait3A_1044 = arith.constant 0 : i32
      %dma_wait3A_1045 = tpu.memref_slice %arg2[%dma_wait3A_1043, %dma_wait3A_1044] : memref<10000x32xf32, #tpu.memory_space<hbm>> -> memref<10000x32xf32, #tpu.memory_space<hbm>>
      tpu.wait_indirect_dma semaphore(%arg18 : memref<!tpu.dma_semaphore, #tpu.memory_space<semaphore_mem>>) src(%dma_wait3A_1045 : memref<10000x32xf32, #tpu.memory_space<hbm>>) dst(%arg16 : memref<80x32xf32, #tpu.memory_space<vmem>>)
      %dma_wait3A_1046 = arith.constant 0 : i32
      %dma_wait3A_1047 = arith.constant 0 : i32
      %dma_wait3A_1048 = tpu.memref_slice %arg5[%dma_wait3A_1046, %dma_wait3A_1047] : memref<125x80xi32, #tpu.memory_space<vmem>> -> memref<1x80xi32, #tpu.memory_space<vmem>>
      %dma_wait3A_1049 = tpu.memref_squeeze %dma_wait3A_1048 : memref<1x80xi32, #tpu.memory_space<vmem>> -> memref<80xi32, #tpu.memory_space<vmem>>
      %dma_wait3A_1050 = arith.constant 0 : i32
      %dma_wait3A_1051 = arith.constant 0 : i32
      %dma_wait3A_1052 = tpu.memref_slice %arg2[%dma_wait3A_1050, %dma_wait3A_1051] : memref<10000x32xf32, #tpu.memory_space<hbm>> -> memref<10000x32xf32, #tpu.memory_space<hbm>>
      tpu.wait_indirect_dma semaphore(%arg18 : memref<!tpu.dma_semaphore, #tpu.memory_space<semaphore_mem>>) src(%dma_wait3A_1052 : memref<10000x32xf32, #tpu.memory_space<hbm>>) dst(%arg17 : memref<80x32xf32, #tpu.memory_space<vmem>>)
      %add3A_1053 = arith.constant 2 : i32
      %add3A_1054 = arith.addi %mul3A_845, %add3A_1053 : i32
      %mul3A_1055 = arith.constant 5 : i32
      %mul3A_1056 = arith.muli %add3A_1054, %mul3A_1055 : i32
      %add3A_1057 = arith.constant 0 : i32
      %add3A_1058 = arith.addi %mul3A_1056, %add3A_1057 : i32
      %dma_start3A_1059 = arith.constant 0 : i32
      %dma_start3A_1060 = tpu.memref_slice %arg5[%add3A_1058, %dma_start3A_1059] : memref<125x80xi32, #tpu.memory_space<vmem>> -> memref<1x80xi32, #tpu.memory_space<vmem>>
      %dma_start3A_1061 = tpu.memref_squeeze %dma_start3A_1060 : memref<1x80xi32, #tpu.memory_space<vmem>> -> memref<80xi32, #tpu.memory_space<vmem>>
      %dma_start3A_1062 = arith.constant 0 : i32
      %dma_start3A_1063 = arith.constant 0 : i32
      %dma_start3A_1064 = tpu.memref_slice %arg2[%dma_start3A_1062, %dma_start3A_1063] : memref<10000x32xf32, #tpu.memory_space<hbm>> -> memref<10000x32xf32, #tpu.memory_space<hbm>>
      tpu.enqueue_indirect_dma source(%dma_start3A_1064 : memref<10000x32xf32, #tpu.memory_space<hbm>>) target(%arg8 : memref<80x32xf32, #tpu.memory_space<vmem>>) offsets(%dma_start3A_1061 : memref<80xi32, #tpu.memory_space<vmem>>) semaphore(%arg18 : memref<!tpu.dma_semaphore, #tpu.memory_space<semaphore_mem>>)
      %mul3A_1065 = arith.constant 5 : i32
      %mul3A_1066 = arith.muli %add3A_1054, %mul3A_1065 : i32
      %add3A_1067 = arith.constant 1 : i32
      %add3A_1068 = arith.addi %mul3A_1066, %add3A_1067 : i32
      %dma_start3A_1069 = arith.constant 0 : i32
      %dma_start3A_1070 = tpu.memref_slice %arg5[%add3A_1068, %dma_start3A_1069] : memref<125x80xi32, #tpu.memory_space<vmem>> -> memref<1x80xi32, #tpu.memory_space<vmem>>
      %dma_start3A_1071 = tpu.memref_squeeze %dma_start3A_1070 : memref<1x80xi32, #tpu.memory_space<vmem>> -> memref<80xi32, #tpu.memory_space<vmem>>
      %dma_start3A_1072 = arith.constant 0 : i32
      %dma_start3A_1073 = arith.constant 0 : i32
      %dma_start3A_1074 = tpu.memref_slice %arg2[%dma_start3A_1072, %dma_start3A_1073] : memref<10000x32xf32, #tpu.memory_space<hbm>> -> memref<10000x32xf32, #tpu.memory_space<hbm>>
      tpu.enqueue_indirect_dma source(%dma_start3A_1074 : memref<10000x32xf32, #tpu.memory_space<hbm>>) target(%arg9 : memref<80x32xf32, #tpu.memory_space<vmem>>) offsets(%dma_start3A_1071 : memref<80xi32, #tpu.memory_space<vmem>>) semaphore(%arg18 : memref<!tpu.dma_semaphore, #tpu.memory_space<semaphore_mem>>)
      %mul3A_1075 = arith.constant 5 : i32
      %mul3A_1076 = arith.muli %add3A_1054, %mul3A_1075 : i32
      %add3A_1077 = arith.constant 2 : i32
      %add3A_1078 = arith.addi %mul3A_1076, %add3A_1077 : i32
      %dma_start3A_1079 = arith.constant 0 : i32
      %dma_start3A_1080 = tpu.memref_slice %arg5[%add3A_1078, %dma_start3A_1079] : memref<125x80xi32, #tpu.memory_space<vmem>> -> memref<1x80xi32, #tpu.memory_space<vmem>>
      %dma_start3A_1081 = tpu.memref_squeeze %dma_start3A_1080 : memref<1x80xi32, #tpu.memory_space<vmem>> -> memref<80xi32, #tpu.memory_space<vmem>>
      %dma_start3A_1082 = arith.constant 0 : i32
      %dma_start3A_1083 = arith.constant 0 : i32
      %dma_start3A_1084 = tpu.memref_slice %arg2[%dma_start3A_1082, %dma_start3A_1083] : memref<10000x32xf32, #tpu.memory_space<hbm>> -> memref<10000x32xf32, #tpu.memory_space<hbm>>
      tpu.enqueue_indirect_dma source(%dma_start3A_1084 : memref<10000x32xf32, #tpu.memory_space<hbm>>) target(%arg10 : memref<80x32xf32, #tpu.memory_space<vmem>>) offsets(%dma_start3A_1081 : memref<80xi32, #tpu.memory_space<vmem>>) semaphore(%arg18 : memref<!tpu.dma_semaphore, #tpu.memory_space<semaphore_mem>>)
      %mul3A_1085 = arith.constant 5 : i32
      %mul3A_1086 = arith.muli %add3A_1054, %mul3A_1085 : i32
      %add3A_1087 = arith.constant 3 : i32
      %add3A_1088 = arith.addi %mul3A_1086, %add3A_1087 : i32
      %dma_start3A_1089 = arith.constant 0 : i32
      %dma_start3A_1090 = tpu.memref_slice %arg5[%add3A_1088, %dma_start3A_1089] : memref<125x80xi32, #tpu.memory_space<vmem>> -> memref<1x80xi32, #tpu.memory_space<vmem>>
      %dma_start3A_1091 = tpu.memref_squeeze %dma_start3A_1090 : memref<1x80xi32, #tpu.memory_space<vmem>> -> memref<80xi32, #tpu.memory_space<vmem>>
      %dma_start3A_1092 = arith.constant 0 : i32
      %dma_start3A_1093 = arith.constant 0 : i32
      %dma_start3A_1094 = tpu.memref_slice %arg2[%dma_start3A_1092, %dma_start3A_1093] : memref<10000x32xf32, #tpu.memory_space<hbm>> -> memref<10000x32xf32, #tpu.memory_space<hbm>>
      tpu.enqueue_indirect_dma source(%dma_start3A_1094 : memref<10000x32xf32, #tpu.memory_space<hbm>>) target(%arg11 : memref<80x32xf32, #tpu.memory_space<vmem>>) offsets(%dma_start3A_1091 : memref<80xi32, #tpu.memory_space<vmem>>) semaphore(%arg18 : memref<!tpu.dma_semaphore, #tpu.memory_space<semaphore_mem>>)
      %mul3A_1095 = arith.constant 5 : i32
      %mul3A_1096 = arith.muli %add3A_1054, %mul3A_1095 : i32
      %add3A_1097 = arith.constant 4 : i32
      %add3A_1098 = arith.addi %mul3A_1096, %add3A_1097 : i32
      %dma_start3A_1099 = arith.constant 0 : i32
      %dma_start3A_1100 = tpu.memref_slice %arg5[%add3A_1098, %dma_start3A_1099] : memref<125x80xi32, #tpu.memory_space<vmem>> -> memref<1x80xi32, #tpu.memory_space<vmem>>
      %dma_start3A_1101 = tpu.memref_squeeze %dma_start3A_1100 : memref<1x80xi32, #tpu.memory_space<vmem>> -> memref<80xi32, #tpu.memory_space<vmem>>
      %dma_start3A_1102 = arith.constant 0 : i32
      %dma_start3A_1103 = arith.constant 0 : i32
      %dma_start3A_1104 = tpu.memref_slice %arg2[%dma_start3A_1102, %dma_start3A_1103] : memref<10000x32xf32, #tpu.memory_space<hbm>> -> memref<10000x32xf32, #tpu.memory_space<hbm>>
      tpu.enqueue_indirect_dma source(%dma_start3A_1104 : memref<10000x32xf32, #tpu.memory_space<hbm>>) target(%arg12 : memref<80x32xf32, #tpu.memory_space<vmem>>) offsets(%dma_start3A_1101 : memref<80xi32, #tpu.memory_space<vmem>>) semaphore(%arg18 : memref<!tpu.dma_semaphore, #tpu.memory_space<semaphore_mem>>)
      %add3A_1105 = arith.constant 1 : i32
      %add3A_1106 = arith.addi %mul3A_845, %add3A_1105 : i32
      %mul3A_1107 = arith.constant 5 : i32
      %mul3A_1108 = arith.muli %add3A_1106, %mul3A_1107 : i32
      %add3A_1109 = arith.constant 0 : i32
      %add3A_1110 = arith.addi %mul3A_1108, %add3A_1109 : i32
      %dma_start3A_1111 = arith.constant 0 : i32
      %dma_start3A_1112 = tpu.memref_slice %arg6[%add3A_1110, %dma_start3A_1111] : memref<125x80xi32, #tpu.memory_space<vmem>> -> memref<1x80xi32, #tpu.memory_space<vmem>>
      %dma_start3A_1113 = tpu.memref_squeeze %dma_start3A_1112 : memref<1x80xi32, #tpu.memory_space<vmem>> -> memref<80xi32, #tpu.memory_space<vmem>>
      %dma_start3A_1114 = arith.constant 0 : i32
      %dma_start3A_1115 = arith.constant 0 : i32
      %dma_start3A_1116 = tpu.memref_slice %arg20[%dma_start3A_1114, %dma_start3A_1115] : memref<10240x32xf32, #tpu.memory_space<vmem_shared>> -> memref<10240x32xf32, #tpu.memory_space<vmem_shared>>
      tpu.enqueue_indirect_dma source(%arg13 : memref<80x32xf32, #tpu.memory_space<vmem>>) target(%dma_start3A_1116 : memref<10240x32xf32, #tpu.memory_space<vmem_shared>>) offsets(%dma_start3A_1113 : memref<80xi32, #tpu.memory_space<vmem>>) semaphore(%arg19 : memref<!tpu.dma_semaphore, #tpu.memory_space<semaphore_mem>>) {add = true}
      %mul3A_1117 = arith.constant 5 : i32
      %mul3A_1118 = arith.muli %add3A_1106, %mul3A_1117 : i32
      %add3A_1119 = arith.constant 1 : i32
      %add3A_1120 = arith.addi %mul3A_1118, %add3A_1119 : i32
      %dma_start3A_1121 = arith.constant 0 : i32
      %dma_start3A_1122 = tpu.memref_slice %arg6[%add3A_1120, %dma_start3A_1121] : memref<125x80xi32, #tpu.memory_space<vmem>> -> memref<1x80xi32, #tpu.memory_space<vmem>>
      %dma_start3A_1123 = tpu.memref_squeeze %dma_start3A_1122 : memref<1x80xi32, #tpu.memory_space<vmem>> -> memref<80xi32, #tpu.memory_space<vmem>>
      %dma_start3A_1124 = arith.constant 0 : i32
      %dma_start3A_1125 = arith.constant 0 : i32
      %dma_start3A_1126 = tpu.memref_slice %arg20[%dma_start3A_1124, %dma_start3A_1125] : memref<10240x32xf32, #tpu.memory_space<vmem_shared>> -> memref<10240x32xf32, #tpu.memory_space<vmem_shared>>
      tpu.enqueue_indirect_dma source(%arg14 : memref<80x32xf32, #tpu.memory_space<vmem>>) target(%dma_start3A_1126 : memref<10240x32xf32, #tpu.memory_space<vmem_shared>>) offsets(%dma_start3A_1123 : memref<80xi32, #tpu.memory_space<vmem>>) semaphore(%arg19 : memref<!tpu.dma_semaphore, #tpu.memory_space<semaphore_mem>>) {add = true}
      %mul3A_1127 = arith.constant 5 : i32
      %mul3A_1128 = arith.muli %add3A_1106, %mul3A_1127 : i32
      %add3A_1129 = arith.constant 2 : i32
      %add3A_1130 = arith.addi %mul3A_1128, %add3A_1129 : i32
      %dma_start3A_1131 = arith.constant 0 : i32
      %dma_start3A_1132 = tpu.memref_slice %arg6[%add3A_1130, %dma_start3A_1131] : memref<125x80xi32, #tpu.memory_space<vmem>> -> memref<1x80xi32, #tpu.memory_space<vmem>>
      %dma_start3A_1133 = tpu.memref_squeeze %dma_start3A_1132 : memref<1x80xi32, #tpu.memory_space<vmem>> -> memref<80xi32, #tpu.memory_space<vmem>>
      %dma_start3A_1134 = arith.constant 0 : i32
      %dma_start3A_1135 = arith.constant 0 : i32
      %dma_start3A_1136 = tpu.memref_slice %arg20[%dma_start3A_1134, %dma_start3A_1135] : memref<10240x32xf32, #tpu.memory_space<vmem_shared>> -> memref<10240x32xf32, #tpu.memory_space<vmem_shared>>
      tpu.enqueue_indirect_dma source(%arg15 : memref<80x32xf32, #tpu.memory_space<vmem>>) target(%dma_start3A_1136 : memref<10240x32xf32, #tpu.memory_space<vmem_shared>>) offsets(%dma_start3A_1133 : memref<80xi32, #tpu.memory_space<vmem>>) semaphore(%arg19 : memref<!tpu.dma_semaphore, #tpu.memory_space<semaphore_mem>>) {add = true}
      %mul3A_1137 = arith.constant 5 : i32
      %mul3A_1138 = arith.muli %add3A_1106, %mul3A_1137 : i32
      %add3A_1139 = arith.constant 3 : i32
      %add3A_1140 = arith.addi %mul3A_1138, %add3A_1139 : i32
      %dma_start3A_1141 = arith.constant 0 : i32
      %dma_start3A_1142 = tpu.memref_slice %arg6[%add3A_1140, %dma_start3A_1141] : memref<125x80xi32, #tpu.memory_space<vmem>> -> memref<1x80xi32, #tpu.memory_space<vmem>>
      %dma_start3A_1143 = tpu.memref_squeeze %dma_start3A_1142 : memref<1x80xi32, #tpu.memory_space<vmem>> -> memref<80xi32, #tpu.memory_space<vmem>>
      %dma_start3A_1144 = arith.constant 0 : i32
      %dma_start3A_1145 = arith.constant 0 : i32
      %dma_start3A_1146 = tpu.memref_slice %arg20[%dma_start3A_1144, %dma_start3A_1145] : memref<10240x32xf32, #tpu.memory_space<vmem_shared>> -> memref<10240x32xf32, #tpu.memory_space<vmem_shared>>
      tpu.enqueue_indirect_dma source(%arg16 : memref<80x32xf32, #tpu.memory_space<vmem>>) target(%dma_start3A_1146 : memref<10240x32xf32, #tpu.memory_space<vmem_shared>>) offsets(%dma_start3A_1143 : memref<80xi32, #tpu.memory_space<vmem>>) semaphore(%arg19 : memref<!tpu.dma_semaphore, #tpu.memory_space<semaphore_mem>>) {add = true}
      %mul3A_1147 = arith.constant 5 : i32
      %mul3A_1148 = arith.muli %add3A_1106, %mul3A_1147 : i32
      %add3A_1149 = arith.constant 4 : i32
      %add3A_1150 = arith.addi %mul3A_1148, %add3A_1149 : i32
      %dma_start3A_1151 = arith.constant 0 : i32
      %dma_start3A_1152 = tpu.memref_slice %arg6[%add3A_1150, %dma_start3A_1151] : memref<125x80xi32, #tpu.memory_space<vmem>> -> memref<1x80xi32, #tpu.memory_space<vmem>>
      %dma_start3A_1153 = tpu.memref_squeeze %dma_start3A_1152 : memref<1x80xi32, #tpu.memory_space<vmem>> -> memref<80xi32, #tpu.memory_space<vmem>>
      %dma_start3A_1154 = arith.constant 0 : i32
      %dma_start3A_1155 = arith.constant 0 : i32
      %dma_start3A_1156 = tpu.memref_slice %arg20[%dma_start3A_1154, %dma_start3A_1155] : memref<10240x32xf32, #tpu.memory_space<vmem_shared>> -> memref<10240x32xf32, #tpu.memory_space<vmem_shared>>
      tpu.enqueue_indirect_dma source(%arg17 : memref<80x32xf32, #tpu.memory_space<vmem>>) target(%dma_start3A_1156 : memref<10240x32xf32, #tpu.memory_space<vmem_shared>>) offsets(%dma_start3A_1153 : memref<80xi32, #tpu.memory_space<vmem>>) semaphore(%arg19 : memref<!tpu.dma_semaphore, #tpu.memory_space<semaphore_mem>>) {add = true}
      %dma_wait3A_1157 = arith.constant 0 : i32
      %dma_wait3A_1158 = arith.constant 0 : i32
      %dma_wait3A_1159 = tpu.memref_slice %arg6[%dma_wait3A_1157, %dma_wait3A_1158] : memref<125x80xi32, #tpu.memory_space<vmem>> -> memref<1x80xi32, #tpu.memory_space<vmem>>
      %dma_wait3A_1160 = tpu.memref_squeeze %dma_wait3A_1159 : memref<1x80xi32, #tpu.memory_space<vmem>> -> memref<80xi32, #tpu.memory_space<vmem>>
      %dma_wait3A_1161 = arith.constant 0 : i32
      %dma_wait3A_1162 = arith.constant 0 : i32
      %dma_wait3A_1163 = tpu.memref_slice %arg20[%dma_wait3A_1161, %dma_wait3A_1162] : memref<10240x32xf32, #tpu.memory_space<vmem_shared>> -> memref<10240x32xf32, #tpu.memory_space<vmem_shared>>
      tpu.wait_indirect_dma semaphore(%arg19 : memref<!tpu.dma_semaphore, #tpu.memory_space<semaphore_mem>>) src(%arg13 : memref<80x32xf32, #tpu.memory_space<vmem>>) dst(%dma_wait3A_1163 : memref<10240x32xf32, #tpu.memory_space<vmem_shared>>)
      %dma_wait3A_1164 = arith.constant 0 : i32
      %dma_wait3A_1165 = arith.constant 0 : i32
      %dma_wait3A_1166 = tpu.memref_slice %arg6[%dma_wait3A_1164, %dma_wait3A_1165] : memref<125x80xi32, #tpu.memory_space<vmem>> -> memref<1x80xi32, #tpu.memory_space<vmem>>
      %dma_wait3A_1167 = tpu.memref_squeeze %dma_wait3A_1166 : memref<1x80xi32, #tpu.memory_space<vmem>> -> memref<80xi32, #tpu.memory_space<vmem>>
      %dma_wait3A_1168 = arith.constant 0 : i32
      %dma_wait3A_1169 = arith.constant 0 : i32
      %dma_wait3A_1170 = tpu.memref_slice %arg20[%dma_wait3A_1168, %dma_wait3A_1169] : memref<10240x32xf32, #tpu.memory_space<vmem_shared>> -> memref<10240x32xf32, #tpu.memory_space<vmem_shared>>
      tpu.wait_indirect_dma semaphore(%arg19 : memref<!tpu.dma_semaphore, #tpu.memory_space<semaphore_mem>>) src(%arg14 : memref<80x32xf32, #tpu.memory_space<vmem>>) dst(%dma_wait3A_1170 : memref<10240x32xf32, #tpu.memory_space<vmem_shared>>)
      %dma_wait3A_1171 = arith.constant 0 : i32
      %dma_wait3A_1172 = arith.constant 0 : i32
      %dma_wait3A_1173 = tpu.memref_slice %arg6[%dma_wait3A_1171, %dma_wait3A_1172] : memref<125x80xi32, #tpu.memory_space<vmem>> -> memref<1x80xi32, #tpu.memory_space<vmem>>
      %dma_wait3A_1174 = tpu.memref_squeeze %dma_wait3A_1173 : memref<1x80xi32, #tpu.memory_space<vmem>> -> memref<80xi32, #tpu.memory_space<vmem>>
      %dma_wait3A_1175 = arith.constant 0 : i32
      %dma_wait3A_1176 = arith.constant 0 : i32
      %dma_wait3A_1177 = tpu.memref_slice %arg20[%dma_wait3A_1175, %dma_wait3A_1176] : memref<10240x32xf32, #tpu.memory_space<vmem_shared>> -> memref<10240x32xf32, #tpu.memory_space<vmem_shared>>
      tpu.wait_indirect_dma semaphore(%arg19 : memref<!tpu.dma_semaphore, #tpu.memory_space<semaphore_mem>>) src(%arg15 : memref<80x32xf32, #tpu.memory_space<vmem>>) dst(%dma_wait3A_1177 : memref<10240x32xf32, #tpu.memory_space<vmem_shared>>)
      %dma_wait3A_1178 = arith.constant 0 : i32
      %dma_wait3A_1179 = arith.constant 0 : i32
      %dma_wait3A_1180 = tpu.memref_slice %arg6[%dma_wait3A_1178, %dma_wait3A_1179] : memref<125x80xi32, #tpu.memory_space<vmem>> -> memref<1x80xi32, #tpu.memory_space<vmem>>
      %dma_wait3A_1181 = tpu.memref_squeeze %dma_wait3A_1180 : memref<1x80xi32, #tpu.memory_space<vmem>> -> memref<80xi32, #tpu.memory_space<vmem>>
      %dma_wait3A_1182 = arith.constant 0 : i32
      %dma_wait3A_1183 = arith.constant 0 : i32
      %dma_wait3A_1184 = tpu.memref_slice %arg20[%dma_wait3A_1182, %dma_wait3A_1183] : memref<10240x32xf32, #tpu.memory_space<vmem_shared>> -> memref<10240x32xf32, #tpu.memory_space<vmem_shared>>
      tpu.wait_indirect_dma semaphore(%arg19 : memref<!tpu.dma_semaphore, #tpu.memory_space<semaphore_mem>>) src(%arg16 : memref<80x32xf32, #tpu.memory_space<vmem>>) dst(%dma_wait3A_1184 : memref<10240x32xf32, #tpu.memory_space<vmem_shared>>)
      %dma_wait3A_1185 = arith.constant 0 : i32
      %dma_wait3A_1186 = arith.constant 0 : i32
      %dma_wait3A_1187 = tpu.memref_slice %arg6[%dma_wait3A_1185, %dma_wait3A_1186] : memref<125x80xi32, #tpu.memory_space<vmem>> -> memref<1x80xi32, #tpu.memory_space<vmem>>
      %dma_wait3A_1188 = tpu.memref_squeeze %dma_wait3A_1187 : memref<1x80xi32, #tpu.memory_space<vmem>> -> memref<80xi32, #tpu.memory_space<vmem>>
      %dma_wait3A_1189 = arith.constant 0 : i32
      %dma_wait3A_1190 = arith.constant 0 : i32
      %dma_wait3A_1191 = tpu.memref_slice %arg20[%dma_wait3A_1189, %dma_wait3A_1190] : memref<10240x32xf32, #tpu.memory_space<vmem_shared>> -> memref<10240x32xf32, #tpu.memory_space<vmem_shared>>
      tpu.wait_indirect_dma semaphore(%arg19 : memref<!tpu.dma_semaphore, #tpu.memory_space<semaphore_mem>>) src(%arg17 : memref<80x32xf32, #tpu.memory_space<vmem>>) dst(%dma_wait3A_1191 : memref<10240x32xf32, #tpu.memory_space<vmem_shared>>)
    }
    %scan3A_240 = arith.constant 12 : i32
    %dma_wait3A_241 = arith.constant 0 : i32
    %dma_wait3A_242 = arith.constant 0 : i32
    %dma_wait3A_243 = tpu.memref_slice %arg5[%dma_wait3A_241, %dma_wait3A_242] : memref<125x80xi32, #tpu.memory_space<vmem>> -> memref<1x80xi32, #tpu.memory_space<vmem>>
    %dma_wait3A_244 = tpu.memref_squeeze %dma_wait3A_243 : memref<1x80xi32, #tpu.memory_space<vmem>> -> memref<80xi32, #tpu.memory_space<vmem>>
    %dma_wait3A_245 = arith.constant 0 : i32
    %dma_wait3A_246 = arith.constant 0 : i32
    %dma_wait3A_247 = tpu.memref_slice %arg2[%dma_wait3A_245, %dma_wait3A_246] : memref<10000x32xf32, #tpu.memory_space<hbm>> -> memref<10000x32xf32, #tpu.memory_space<hbm>>
    tpu.wait_indirect_dma semaphore(%arg18 : memref<!tpu.dma_semaphore, #tpu.memory_space<semaphore_mem>>) src(%dma_wait3A_247 : memref<10000x32xf32, #tpu.memory_space<hbm>>) dst(%arg8 : memref<80x32xf32, #tpu.memory_space<vmem>>)
    %dma_wait3A_248 = arith.constant 0 : i32
    %dma_wait3A_249 = arith.constant 0 : i32
    %dma_wait3A_250 = tpu.memref_slice %arg5[%dma_wait3A_248, %dma_wait3A_249] : memref<125x80xi32, #tpu.memory_space<vmem>> -> memref<1x80xi32, #tpu.memory_space<vmem>>
    %dma_wait3A_251 = tpu.memref_squeeze %dma_wait3A_250 : memref<1x80xi32, #tpu.memory_space<vmem>> -> memref<80xi32, #tpu.memory_space<vmem>>
    %dma_wait3A_252 = arith.constant 0 : i32
    %dma_wait3A_253 = arith.constant 0 : i32
    %dma_wait3A_254 = tpu.memref_slice %arg2[%dma_wait3A_252, %dma_wait3A_253] : memref<10000x32xf32, #tpu.memory_space<hbm>> -> memref<10000x32xf32, #tpu.memory_space<hbm>>
    tpu.wait_indirect_dma semaphore(%arg18 : memref<!tpu.dma_semaphore, #tpu.memory_space<semaphore_mem>>) src(%dma_wait3A_254 : memref<10000x32xf32, #tpu.memory_space<hbm>>) dst(%arg9 : memref<80x32xf32, #tpu.memory_space<vmem>>)
    %dma_wait3A_255 = arith.constant 0 : i32
    %dma_wait3A_256 = arith.constant 0 : i32
    %dma_wait3A_257 = tpu.memref_slice %arg5[%dma_wait3A_255, %dma_wait3A_256] : memref<125x80xi32, #tpu.memory_space<vmem>> -> memref<1x80xi32, #tpu.memory_space<vmem>>
    %dma_wait3A_258 = tpu.memref_squeeze %dma_wait3A_257 : memref<1x80xi32, #tpu.memory_space<vmem>> -> memref<80xi32, #tpu.memory_space<vmem>>
    %dma_wait3A_259 = arith.constant 0 : i32
    %dma_wait3A_260 = arith.constant 0 : i32
    %dma_wait3A_261 = tpu.memref_slice %arg2[%dma_wait3A_259, %dma_wait3A_260] : memref<10000x32xf32, #tpu.memory_space<hbm>> -> memref<10000x32xf32, #tpu.memory_space<hbm>>
    tpu.wait_indirect_dma semaphore(%arg18 : memref<!tpu.dma_semaphore, #tpu.memory_space<semaphore_mem>>) src(%dma_wait3A_261 : memref<10000x32xf32, #tpu.memory_space<hbm>>) dst(%arg10 : memref<80x32xf32, #tpu.memory_space<vmem>>)
    %dma_wait3A_262 = arith.constant 0 : i32
    %dma_wait3A_263 = arith.constant 0 : i32
    %dma_wait3A_264 = tpu.memref_slice %arg5[%dma_wait3A_262, %dma_wait3A_263] : memref<125x80xi32, #tpu.memory_space<vmem>> -> memref<1x80xi32, #tpu.memory_space<vmem>>
    %dma_wait3A_265 = tpu.memref_squeeze %dma_wait3A_264 : memref<1x80xi32, #tpu.memory_space<vmem>> -> memref<80xi32, #tpu.memory_space<vmem>>
    %dma_wait3A_266 = arith.constant 0 : i32
    %dma_wait3A_267 = arith.constant 0 : i32
    %dma_wait3A_268 = tpu.memref_slice %arg2[%dma_wait3A_266, %dma_wait3A_267] : memref<10000x32xf32, #tpu.memory_space<hbm>> -> memref<10000x32xf32, #tpu.memory_space<hbm>>
    tpu.wait_indirect_dma semaphore(%arg18 : memref<!tpu.dma_semaphore, #tpu.memory_space<semaphore_mem>>) src(%dma_wait3A_268 : memref<10000x32xf32, #tpu.memory_space<hbm>>) dst(%arg11 : memref<80x32xf32, #tpu.memory_space<vmem>>)
    %dma_wait3A_269 = arith.constant 0 : i32
    %dma_wait3A_270 = arith.constant 0 : i32
    %dma_wait3A_271 = tpu.memref_slice %arg5[%dma_wait3A_269, %dma_wait3A_270] : memref<125x80xi32, #tpu.memory_space<vmem>> -> memref<1x80xi32, #tpu.memory_space<vmem>>
    %dma_wait3A_272 = tpu.memref_squeeze %dma_wait3A_271 : memref<1x80xi32, #tpu.memory_space<vmem>> -> memref<80xi32, #tpu.memory_space<vmem>>
    %dma_wait3A_273 = arith.constant 0 : i32
    %dma_wait3A_274 = arith.constant 0 : i32
    %dma_wait3A_275 = tpu.memref_slice %arg2[%dma_wait3A_273, %dma_wait3A_274] : memref<10000x32xf32, #tpu.memory_space<hbm>> -> memref<10000x32xf32, #tpu.memory_space<hbm>>
    tpu.wait_indirect_dma semaphore(%arg18 : memref<!tpu.dma_semaphore, #tpu.memory_space<semaphore_mem>>) src(%dma_wait3A_275 : memref<10000x32xf32, #tpu.memory_space<hbm>>) dst(%arg12 : memref<80x32xf32, #tpu.memory_space<vmem>>)
    %dma_start3A_276 = arith.constant 120 : i32
    %dma_start3A_277 = arith.constant 0 : i32
    %dma_start3A_278 = tpu.memref_slice %arg6[%dma_start3A_276, %dma_start3A_277] : memref<125x80xi32, #tpu.memory_space<vmem>> -> memref<1x80xi32, #tpu.memory_space<vmem>>
    %dma_start3A_279 = tpu.memref_squeeze %dma_start3A_278 : memref<1x80xi32, #tpu.memory_space<vmem>> -> memref<80xi32, #tpu.memory_space<vmem>>
    %dma_start3A_280 = arith.constant 0 : i32
    %dma_start3A_281 = arith.constant 0 : i32
    %dma_start3A_282 = tpu.memref_slice %arg20[%dma_start3A_280, %dma_start3A_281] : memref<10240x32xf32, #tpu.memory_space<vmem_shared>> -> memref<10240x32xf32, #tpu.memory_space<vmem_shared>>
    tpu.enqueue_indirect_dma source(%arg8 : memref<80x32xf32, #tpu.memory_space<vmem>>) target(%dma_start3A_282 : memref<10240x32xf32, #tpu.memory_space<vmem_shared>>) offsets(%dma_start3A_279 : memref<80xi32, #tpu.memory_space<vmem>>) semaphore(%arg19 : memref<!tpu.dma_semaphore, #tpu.memory_space<semaphore_mem>>) {add = true}
    %dma_start3A_283 = arith.constant 121 : i32
    %dma_start3A_284 = arith.constant 0 : i32
    %dma_start3A_285 = tpu.memref_slice %arg6[%dma_start3A_283, %dma_start3A_284] : memref<125x80xi32, #tpu.memory_space<vmem>> -> memref<1x80xi32, #tpu.memory_space<vmem>>
    %dma_start3A_286 = tpu.memref_squeeze %dma_start3A_285 : memref<1x80xi32, #tpu.memory_space<vmem>> -> memref<80xi32, #tpu.memory_space<vmem>>
    %dma_start3A_287 = arith.constant 0 : i32
    %dma_start3A_288 = arith.constant 0 : i32
    %dma_start3A_289 = tpu.memref_slice %arg20[%dma_start3A_287, %dma_start3A_288] : memref<10240x32xf32, #tpu.memory_space<vmem_shared>> -> memref<10240x32xf32, #tpu.memory_space<vmem_shared>>
    tpu.enqueue_indirect_dma source(%arg9 : memref<80x32xf32, #tpu.memory_space<vmem>>) target(%dma_start3A_289 : memref<10240x32xf32, #tpu.memory_space<vmem_shared>>) offsets(%dma_start3A_286 : memref<80xi32, #tpu.memory_space<vmem>>) semaphore(%arg19 : memref<!tpu.dma_semaphore, #tpu.memory_space<semaphore_mem>>) {add = true}
    %dma_start3A_290 = arith.constant 122 : i32
    %dma_start3A_291 = arith.constant 0 : i32
    %dma_start3A_292 = tpu.memref_slice %arg6[%dma_start3A_290, %dma_start3A_291] : memref<125x80xi32, #tpu.memory_space<vmem>> -> memref<1x80xi32, #tpu.memory_space<vmem>>
    %dma_start3A_293 = tpu.memref_squeeze %dma_start3A_292 : memref<1x80xi32, #tpu.memory_space<vmem>> -> memref<80xi32, #tpu.memory_space<vmem>>
    %dma_start3A_294 = arith.constant 0 : i32
    %dma_start3A_295 = arith.constant 0 : i32
    %dma_start3A_296 = tpu.memref_slice %arg20[%dma_start3A_294, %dma_start3A_295] : memref<10240x32xf32, #tpu.memory_space<vmem_shared>> -> memref<10240x32xf32, #tpu.memory_space<vmem_shared>>
    tpu.enqueue_indirect_dma source(%arg10 : memref<80x32xf32, #tpu.memory_space<vmem>>) target(%dma_start3A_296 : memref<10240x32xf32, #tpu.memory_space<vmem_shared>>) offsets(%dma_start3A_293 : memref<80xi32, #tpu.memory_space<vmem>>) semaphore(%arg19 : memref<!tpu.dma_semaphore, #tpu.memory_space<semaphore_mem>>) {add = true}
    %dma_start3A_297 = arith.constant 123 : i32
    %dma_start3A_298 = arith.constant 0 : i32
    %dma_start3A_299 = tpu.memref_slice %arg6[%dma_start3A_297, %dma_start3A_298] : memref<125x80xi32, #tpu.memory_space<vmem>> -> memref<1x80xi32, #tpu.memory_space<vmem>>
    %dma_start3A_300 = tpu.memref_squeeze %dma_start3A_299 : memref<1x80xi32, #tpu.memory_space<vmem>> -> memref<80xi32, #tpu.memory_space<vmem>>
    %dma_start3A_301 = arith.constant 0 : i32
    %dma_start3A_302 = arith.constant 0 : i32
    %dma_start3A_303 = tpu.memref_slice %arg20[%dma_start3A_301, %dma_start3A_302] : memref<10240x32xf32, #tpu.memory_space<vmem_shared>> -> memref<10240x32xf32, #tpu.memory_space<vmem_shared>>
    tpu.enqueue_indirect_dma source(%arg11 : memref<80x32xf32, #tpu.memory_space<vmem>>) target(%dma_start3A_303 : memref<10240x32xf32, #tpu.memory_space<vmem_shared>>) offsets(%dma_start3A_300 : memref<80xi32, #tpu.memory_space<vmem>>) semaphore(%arg19 : memref<!tpu.dma_semaphore, #tpu.memory_space<semaphore_mem>>) {add = true}
    %dma_start3A_304 = arith.constant 124 : i32
    %dma_start3A_305 = arith.constant 0 : i32
    %dma_start3A_306 = tpu.memref_slice %arg6[%dma_start3A_304, %dma_start3A_305] : memref<125x80xi32, #tpu.memory_space<vmem>> -> memref<1x80xi32, #tpu.memory_space<vmem>>
    %dma_start3A_307 = tpu.memref_squeeze %dma_start3A_306 : memref<1x80xi32, #tpu.memory_space<vmem>> -> memref<80xi32, #tpu.memory_space<vmem>>
    %dma_start3A_308 = arith.constant 0 : i32
    %dma_start3A_309 = arith.constant 0 : i32
    %dma_start3A_310 = tpu.memref_slice %arg20[%dma_start3A_308, %dma_start3A_309] : memref<10240x32xf32, #tpu.memory_space<vmem_shared>> -> memref<10240x32xf32, #tpu.memory_space<vmem_shared>>
    tpu.enqueue_indirect_dma source(%arg12 : memref<80x32xf32, #tpu.memory_space<vmem>>) target(%dma_start3A_310 : memref<10240x32xf32, #tpu.memory_space<vmem_shared>>) offsets(%dma_start3A_307 : memref<80xi32, #tpu.memory_space<vmem>>) semaphore(%arg19 : memref<!tpu.dma_semaphore, #tpu.memory_space<semaphore_mem>>) {add = true}
    %dma_wait3A_311 = arith.constant 0 : i32
    %dma_wait3A_312 = arith.constant 0 : i32
    %dma_wait3A_313 = tpu.memref_slice %arg6[%dma_wait3A_311, %dma_wait3A_312] : memref<125x80xi32, #tpu.memory_space<vmem>> -> memref<1x80xi32, #tpu.memory_space<vmem>>
    %dma_wait3A_314 = tpu.memref_squeeze %dma_wait3A_313 : memref<1x80xi32, #tpu.memory_space<vmem>> -> memref<80xi32, #tpu.memory_space<vmem>>
    %dma_wait3A_315 = arith.constant 0 : i32
    %dma_wait3A_316 = arith.constant 0 : i32
    %dma_wait3A_317 = tpu.memref_slice %arg20[%dma_wait3A_315, %dma_wait3A_316] : memref<10240x32xf32, #tpu.memory_space<vmem_shared>> -> memref<10240x32xf32, #tpu.memory_space<vmem_shared>>
    tpu.wait_indirect_dma semaphore(%arg19 : memref<!tpu.dma_semaphore, #tpu.memory_space<semaphore_mem>>) src(%arg8 : memref<80x32xf32, #tpu.memory_space<vmem>>) dst(%dma_wait3A_317 : memref<10240x32xf32, #tpu.memory_space<vmem_shared>>)
    %dma_wait3A_318 = arith.constant 0 : i32
    %dma_wait3A_319 = arith.constant 0 : i32
    %dma_wait3A_320 = tpu.memref_slice %arg6[%dma_wait3A_318, %dma_wait3A_319] : memref<125x80xi32, #tpu.memory_space<vmem>> -> memref<1x80xi32, #tpu.memory_space<vmem>>
    %dma_wait3A_321 = tpu.memref_squeeze %dma_wait3A_320 : memref<1x80xi32, #tpu.memory_space<vmem>> -> memref<80xi32, #tpu.memory_space<vmem>>
    %dma_wait3A_322 = arith.constant 0 : i32
    %dma_wait3A_323 = arith.constant 0 : i32
    %dma_wait3A_324 = tpu.memref_slice %arg20[%dma_wait3A_322, %dma_wait3A_323] : memref<10240x32xf32, #tpu.memory_space<vmem_shared>> -> memref<10240x32xf32, #tpu.memory_space<vmem_shared>>
    tpu.wait_indirect_dma semaphore(%arg19 : memref<!tpu.dma_semaphore, #tpu.memory_space<semaphore_mem>>) src(%arg9 : memref<80x32xf32, #tpu.memory_space<vmem>>) dst(%dma_wait3A_324 : memref<10240x32xf32, #tpu.memory_space<vmem_shared>>)
    %dma_wait3A_325 = arith.constant 0 : i32
    %dma_wait3A_326 = arith.constant 0 : i32
    %dma_wait3A_327 = tpu.memref_slice %arg6[%dma_wait3A_325, %dma_wait3A_326] : memref<125x80xi32, #tpu.memory_space<vmem>> -> memref<1x80xi32, #tpu.memory_space<vmem>>
    %dma_wait3A_328 = tpu.memref_squeeze %dma_wait3A_327 : memref<1x80xi32, #tpu.memory_space<vmem>> -> memref<80xi32, #tpu.memory_space<vmem>>
    %dma_wait3A_329 = arith.constant 0 : i32
    %dma_wait3A_330 = arith.constant 0 : i32
    %dma_wait3A_331 = tpu.memref_slice %arg20[%dma_wait3A_329, %dma_wait3A_330] : memref<10240x32xf32, #tpu.memory_space<vmem_shared>> -> memref<10240x32xf32, #tpu.memory_space<vmem_shared>>
    tpu.wait_indirect_dma semaphore(%arg19 : memref<!tpu.dma_semaphore, #tpu.memory_space<semaphore_mem>>) src(%arg10 : memref<80x32xf32, #tpu.memory_space<vmem>>) dst(%dma_wait3A_331 : memref<10240x32xf32, #tpu.memory_space<vmem_shared>>)
    %dma_wait3A_332 = arith.constant 0 : i32
    %dma_wait3A_333 = arith.constant 0 : i32
    %dma_wait3A_334 = tpu.memref_slice %arg6[%dma_wait3A_332, %dma_wait3A_333] : memref<125x80xi32, #tpu.memory_space<vmem>> -> memref<1x80xi32, #tpu.memory_space<vmem>>
    %dma_wait3A_335 = tpu.memref_squeeze %dma_wait3A_334 : memref<1x80xi32, #tpu.memory_space<vmem>> -> memref<80xi32, #tpu.memory_space<vmem>>
    %dma_wait3A_336 = arith.constant 0 : i32
    %dma_wait3A_337 = arith.constant 0 : i32
    %dma_wait3A_338 = tpu.memref_slice %arg20[%dma_wait3A_336, %dma_wait3A_337] : memref<10240x32xf32, #tpu.memory_space<vmem_shared>> -> memref<10240x32xf32, #tpu.memory_space<vmem_shared>>
    tpu.wait_indirect_dma semaphore(%arg19 : memref<!tpu.dma_semaphore, #tpu.memory_space<semaphore_mem>>) src(%arg11 : memref<80x32xf32, #tpu.memory_space<vmem>>) dst(%dma_wait3A_338 : memref<10240x32xf32, #tpu.memory_space<vmem_shared>>)
    %dma_wait3A_339 = arith.constant 0 : i32
    %dma_wait3A_340 = arith.constant 0 : i32
    %dma_wait3A_341 = tpu.memref_slice %arg6[%dma_wait3A_339, %dma_wait3A_340] : memref<125x80xi32, #tpu.memory_space<vmem>> -> memref<1x80xi32, #tpu.memory_space<vmem>>
    %dma_wait3A_342 = tpu.memref_squeeze %dma_wait3A_341 : memref<1x80xi32, #tpu.memory_space<vmem>> -> memref<80xi32, #tpu.memory_space<vmem>>
    %dma_wait3A_343 = arith.constant 0 : i32
    %dma_wait3A_344 = arith.constant 0 : i32
    %dma_wait3A_345 = tpu.memref_slice %arg20[%dma_wait3A_343, %dma_wait3A_344] : memref<10240x32xf32, #tpu.memory_space<vmem_shared>> -> memref<10240x32xf32, #tpu.memory_space<vmem_shared>>
    tpu.wait_indirect_dma semaphore(%arg19 : memref<!tpu.dma_semaphore, #tpu.memory_space<semaphore_mem>>) src(%arg12 : memref<80x32xf32, #tpu.memory_space<vmem>>) dst(%dma_wait3A_345 : memref<10240x32xf32, #tpu.memory_space<vmem_shared>>)
    %barrier3A_346 = arith.constant 0 : index
    tpu.barrier barrier_id(%barrier3A_346)
    %mul3A_347 = arith.constant 640 : i32
    %mul3A_348 = arith.muli %arg1, %mul3A_347 : i32
    %add3A_349 = arith.constant 0 : i32
    %add3A_350 = arith.addi %mul3A_348, %add3A_349 : i32
    %dma_start3A_351 = arith.constant 0 : i32
    %dma_start3A_352 = tpu.memref_slice %arg20[%add3A_350, %dma_start3A_351] : memref<10240x32xf32, #tpu.memory_space<vmem_shared>> -> memref<80x32xf32, #tpu.memory_space<vmem_shared>>
    %dma_start3A_353 = arith.constant 0 : i32
    %dma_start3A_354 = tpu.memref_slice %arg20[%add3A_350, %dma_start3A_353] : memref<10240x32xf32, #tpu.memory_space<vmem_shared>> -> memref<80x32xf32, #tpu.memory_space<vmem_shared>>
    tpu.enqueue_dma source(%dma_start3A_354 : memref<80x32xf32, #tpu.memory_space<vmem_shared>>) target(%arg8 : memref<80x32xf32, #tpu.memory_space<vmem>>) target_semaphore(%arg18 : memref<!tpu.dma_semaphore, #tpu.memory_space<semaphore_mem>>)
    %mul3A_355 = arith.constant 640 : i32
    %mul3A_356 = arith.muli %arg1, %mul3A_355 : i32
    %add3A_357 = arith.constant 80 : i32
    %add3A_358 = arith.addi %mul3A_356, %add3A_357 : i32
    %dma_start3A_359 = arith.constant 0 : i32
    %dma_start3A_360 = tpu.memref_slice %arg20[%add3A_358, %dma_start3A_359] : memref<10240x32xf32, #tpu.memory_space<vmem_shared>> -> memref<80x32xf32, #tpu.memory_space<vmem_shared>>
    %dma_start3A_361 = arith.constant 0 : i32
    %dma_start3A_362 = tpu.memref_slice %arg20[%add3A_358, %dma_start3A_361] : memref<10240x32xf32, #tpu.memory_space<vmem_shared>> -> memref<80x32xf32, #tpu.memory_space<vmem_shared>>
    tpu.enqueue_dma source(%dma_start3A_362 : memref<80x32xf32, #tpu.memory_space<vmem_shared>>) target(%arg9 : memref<80x32xf32, #tpu.memory_space<vmem>>) target_semaphore(%arg18 : memref<!tpu.dma_semaphore, #tpu.memory_space<semaphore_mem>>)
    %mul3A_363 = arith.constant 640 : i32
    %mul3A_364 = arith.muli %arg1, %mul3A_363 : i32
    %add3A_365 = arith.constant 160 : i32
    %add3A_366 = arith.addi %mul3A_364, %add3A_365 : i32
    %dma_start3A_367 = arith.constant 0 : i32
    %dma_start3A_368 = tpu.memref_slice %arg20[%add3A_366, %dma_start3A_367] : memref<10240x32xf32, #tpu.memory_space<vmem_shared>> -> memref<80x32xf32, #tpu.memory_space<vmem_shared>>
    %dma_start3A_369 = arith.constant 0 : i32
    %dma_start3A_370 = tpu.memref_slice %arg20[%add3A_366, %dma_start3A_369] : memref<10240x32xf32, #tpu.memory_space<vmem_shared>> -> memref<80x32xf32, #tpu.memory_space<vmem_shared>>
    tpu.enqueue_dma source(%dma_start3A_370 : memref<80x32xf32, #tpu.memory_space<vmem_shared>>) target(%arg10 : memref<80x32xf32, #tpu.memory_space<vmem>>) target_semaphore(%arg18 : memref<!tpu.dma_semaphore, #tpu.memory_space<semaphore_mem>>)
    %mul3A_371 = arith.constant 640 : i32
    %mul3A_372 = arith.muli %arg1, %mul3A_371 : i32
    %add3A_373 = arith.constant 240 : i32
    %add3A_374 = arith.addi %mul3A_372, %add3A_373 : i32
    %dma_start3A_375 = arith.constant 0 : i32
    %dma_start3A_376 = tpu.memref_slice %arg20[%add3A_374, %dma_start3A_375] : memref<10240x32xf32, #tpu.memory_space<vmem_shared>> -> memref<80x32xf32, #tpu.memory_space<vmem_shared>>
    %dma_start3A_377 = arith.constant 0 : i32
    %dma_start3A_378 = tpu.memref_slice %arg20[%add3A_374, %dma_start3A_377] : memref<10240x32xf32, #tpu.memory_space<vmem_shared>> -> memref<80x32xf32, #tpu.memory_space<vmem_shared>>
    tpu.enqueue_dma source(%dma_start3A_378 : memref<80x32xf32, #tpu.memory_space<vmem_shared>>) target(%arg11 : memref<80x32xf32, #tpu.memory_space<vmem>>) target_semaphore(%arg18 : memref<!tpu.dma_semaphore, #tpu.memory_space<semaphore_mem>>)
    %mul3A_379 = arith.constant 640 : i32
    %mul3A_380 = arith.muli %arg1, %mul3A_379 : i32
    %add3A_381 = arith.constant 320 : i32
    %add3A_382 = arith.addi %mul3A_380, %add3A_381 : i32
    %dma_start3A_383 = arith.constant 0 : i32
    %dma_start3A_384 = tpu.memref_slice %arg20[%add3A_382, %dma_start3A_383] : memref<10240x32xf32, #tpu.memory_space<vmem_shared>> -> memref<80x32xf32, #tpu.memory_space<vmem_shared>>
    %dma_start3A_385 = arith.constant 0 : i32
    %dma_start3A_386 = tpu.memref_slice %arg20[%add3A_382, %dma_start3A_385] : memref<10240x32xf32, #tpu.memory_space<vmem_shared>> -> memref<80x32xf32, #tpu.memory_space<vmem_shared>>
    tpu.enqueue_dma source(%dma_start3A_386 : memref<80x32xf32, #tpu.memory_space<vmem_shared>>) target(%arg12 : memref<80x32xf32, #tpu.memory_space<vmem>>) target_semaphore(%arg18 : memref<!tpu.dma_semaphore, #tpu.memory_space<semaphore_mem>>)
    %mul3A_387 = arith.constant 640 : i32
    %mul3A_388 = arith.muli %arg1, %mul3A_387 : i32
    %add3A_389 = arith.constant 400 : i32
    %add3A_390 = arith.addi %mul3A_388, %add3A_389 : i32
    %dma_start3A_391 = arith.constant 0 : i32
    %dma_start3A_392 = tpu.memref_slice %arg20[%add3A_390, %dma_start3A_391] : memref<10240x32xf32, #tpu.memory_space<vmem_shared>> -> memref<80x32xf32, #tpu.memory_space<vmem_shared>>
    %dma_start3A_393 = arith.constant 0 : i32
    %dma_start3A_394 = tpu.memref_slice %arg20[%add3A_390, %dma_start3A_393] : memref<10240x32xf32, #tpu.memory_space<vmem_shared>> -> memref<80x32xf32, #tpu.memory_space<vmem_shared>>
    tpu.enqueue_dma source(%dma_start3A_394 : memref<80x32xf32, #tpu.memory_space<vmem_shared>>) target(%arg13 : memref<80x32xf32, #tpu.memory_space<vmem>>) target_semaphore(%arg18 : memref<!tpu.dma_semaphore, #tpu.memory_space<semaphore_mem>>)
    %mul3A_395 = arith.constant 640 : i32
    %mul3A_396 = arith.muli %arg1, %mul3A_395 : i32
    %add3A_397 = arith.constant 480 : i32
    %add3A_398 = arith.addi %mul3A_396, %add3A_397 : i32
    %dma_start3A_399 = arith.constant 0 : i32
    %dma_start3A_400 = tpu.memref_slice %arg20[%add3A_398, %dma_start3A_399] : memref<10240x32xf32, #tpu.memory_space<vmem_shared>> -> memref<80x32xf32, #tpu.memory_space<vmem_shared>>
    %dma_start3A_401 = arith.constant 0 : i32
    %dma_start3A_402 = tpu.memref_slice %arg20[%add3A_398, %dma_start3A_401] : memref<10240x32xf32, #tpu.memory_space<vmem_shared>> -> memref<80x32xf32, #tpu.memory_space<vmem_shared>>
    tpu.enqueue_dma source(%dma_start3A_402 : memref<80x32xf32, #tpu.memory_space<vmem_shared>>) target(%arg14 : memref<80x32xf32, #tpu.memory_space<vmem>>) target_semaphore(%arg18 : memref<!tpu.dma_semaphore, #tpu.memory_space<semaphore_mem>>)
    %mul3A_403 = arith.constant 640 : i32
    %mul3A_404 = arith.muli %arg1, %mul3A_403 : i32
    %add3A_405 = arith.constant 560 : i32
    %add3A_406 = arith.addi %mul3A_404, %add3A_405 : i32
    %dma_start3A_407 = arith.constant 0 : i32
    %dma_start3A_408 = tpu.memref_slice %arg20[%add3A_406, %dma_start3A_407] : memref<10240x32xf32, #tpu.memory_space<vmem_shared>> -> memref<80x32xf32, #tpu.memory_space<vmem_shared>>
    %dma_start3A_409 = arith.constant 0 : i32
    %dma_start3A_410 = tpu.memref_slice %arg20[%add3A_406, %dma_start3A_409] : memref<10240x32xf32, #tpu.memory_space<vmem_shared>> -> memref<80x32xf32, #tpu.memory_space<vmem_shared>>
    tpu.enqueue_dma source(%dma_start3A_410 : memref<80x32xf32, #tpu.memory_space<vmem_shared>>) target(%arg15 : memref<80x32xf32, #tpu.memory_space<vmem>>) target_semaphore(%arg18 : memref<!tpu.dma_semaphore, #tpu.memory_space<semaphore_mem>>)
    %mul3A_411 = arith.constant 640 : i32
    %mul3A_412 = arith.muli %arg1, %mul3A_411 : i32
    %dma_wait3A_413 = arith.constant 0 : i32
    %dma_wait3A_414 = tpu.memref_slice %arg20[%mul3A_412, %dma_wait3A_413] : memref<10240x32xf32, #tpu.memory_space<vmem_shared>> -> memref<80x32xf32, #tpu.memory_space<vmem_shared>>
    %dma_wait3A_415 = arith.constant 0 : i32
    %dma_wait3A_416 = tpu.memref_slice %arg20[%mul3A_412, %dma_wait3A_415] : memref<10240x32xf32, #tpu.memory_space<vmem_shared>> -> memref<80x32xf32, #tpu.memory_space<vmem_shared>>
    tpu.wait_dma2 semaphore(%arg18 : memref<!tpu.dma_semaphore, #tpu.memory_space<semaphore_mem>>) src(%dma_wait3A_416 : memref<80x32xf32, #tpu.memory_space<vmem_shared>>) dst(%arg8 : memref<80x32xf32, #tpu.memory_space<vmem>>)
    %mul3A_417 = arith.constant 640 : i32
    %mul3A_418 = arith.muli %arg1, %mul3A_417 : i32
    %dma_wait3A_419 = arith.constant 0 : i32
    %dma_wait3A_420 = tpu.memref_slice %arg20[%mul3A_418, %dma_wait3A_419] : memref<10240x32xf32, #tpu.memory_space<vmem_shared>> -> memref<80x32xf32, #tpu.memory_space<vmem_shared>>
    %dma_wait3A_421 = arith.constant 0 : i32
    %dma_wait3A_422 = tpu.memref_slice %arg20[%mul3A_418, %dma_wait3A_421] : memref<10240x32xf32, #tpu.memory_space<vmem_shared>> -> memref<80x32xf32, #tpu.memory_space<vmem_shared>>
    tpu.wait_dma2 semaphore(%arg18 : memref<!tpu.dma_semaphore, #tpu.memory_space<semaphore_mem>>) src(%dma_wait3A_422 : memref<80x32xf32, #tpu.memory_space<vmem_shared>>) dst(%arg9 : memref<80x32xf32, #tpu.memory_space<vmem>>)
    %mul3A_423 = arith.constant 640 : i32
    %mul3A_424 = arith.muli %arg1, %mul3A_423 : i32
    %dma_wait3A_425 = arith.constant 0 : i32
    %dma_wait3A_426 = tpu.memref_slice %arg20[%mul3A_424, %dma_wait3A_425] : memref<10240x32xf32, #tpu.memory_space<vmem_shared>> -> memref<80x32xf32, #tpu.memory_space<vmem_shared>>
    %dma_wait3A_427 = arith.constant 0 : i32
    %dma_wait3A_428 = tpu.memref_slice %arg20[%mul3A_424, %dma_wait3A_427] : memref<10240x32xf32, #tpu.memory_space<vmem_shared>> -> memref<80x32xf32, #tpu.memory_space<vmem_shared>>
    tpu.wait_dma2 semaphore(%arg18 : memref<!tpu.dma_semaphore, #tpu.memory_space<semaphore_mem>>) src(%dma_wait3A_428 : memref<80x32xf32, #tpu.memory_space<vmem_shared>>) dst(%arg10 : memref<80x32xf32, #tpu.memory_space<vmem>>)
    %mul3A_429 = arith.constant 640 : i32
    %mul3A_430 = arith.muli %arg1, %mul3A_429 : i32
    %dma_wait3A_431 = arith.constant 0 : i32
    %dma_wait3A_432 = tpu.memref_slice %arg20[%mul3A_430, %dma_wait3A_431] : memref<10240x32xf32, #tpu.memory_space<vmem_shared>> -> memref<80x32xf32, #tpu.memory_space<vmem_shared>>
    %dma_wait3A_433 = arith.constant 0 : i32
    %dma_wait3A_434 = tpu.memref_slice %arg20[%mul3A_430, %dma_wait3A_433] : memref<10240x32xf32, #tpu.memory_space<vmem_shared>> -> memref<80x32xf32, #tpu.memory_space<vmem_shared>>
    tpu.wait_dma2 semaphore(%arg18 : memref<!tpu.dma_semaphore, #tpu.memory_space<semaphore_mem>>) src(%dma_wait3A_434 : memref<80x32xf32, #tpu.memory_space<vmem_shared>>) dst(%arg11 : memref<80x32xf32, #tpu.memory_space<vmem>>)
    %mul3A_435 = arith.constant 640 : i32
    %mul3A_436 = arith.muli %arg1, %mul3A_435 : i32
    %dma_wait3A_437 = arith.constant 0 : i32
    %dma_wait3A_438 = tpu.memref_slice %arg20[%mul3A_436, %dma_wait3A_437] : memref<10240x32xf32, #tpu.memory_space<vmem_shared>> -> memref<80x32xf32, #tpu.memory_space<vmem_shared>>
    %dma_wait3A_439 = arith.constant 0 : i32
    %dma_wait3A_440 = tpu.memref_slice %arg20[%mul3A_436, %dma_wait3A_439] : memref<10240x32xf32, #tpu.memory_space<vmem_shared>> -> memref<80x32xf32, #tpu.memory_space<vmem_shared>>
    tpu.wait_dma2 semaphore(%arg18 : memref<!tpu.dma_semaphore, #tpu.memory_space<semaphore_mem>>) src(%dma_wait3A_440 : memref<80x32xf32, #tpu.memory_space<vmem_shared>>) dst(%arg12 : memref<80x32xf32, #tpu.memory_space<vmem>>)
    %mul3A_441 = arith.constant 640 : i32
    %mul3A_442 = arith.muli %arg1, %mul3A_441 : i32
    %dma_wait3A_443 = arith.constant 0 : i32
    %dma_wait3A_444 = tpu.memref_slice %arg20[%mul3A_442, %dma_wait3A_443] : memref<10240x32xf32, #tpu.memory_space<vmem_shared>> -> memref<80x32xf32, #tpu.memory_space<vmem_shared>>
    %dma_wait3A_445 = arith.constant 0 : i32
    %dma_wait3A_446 = tpu.memref_slice %arg20[%mul3A_442, %dma_wait3A_445] : memref<10240x32xf32, #tpu.memory_space<vmem_shared>> -> memref<80x32xf32, #tpu.memory_space<vmem_shared>>
    tpu.wait_dma2 semaphore(%arg18 : memref<!tpu.dma_semaphore, #tpu.memory_space<semaphore_mem>>) src(%dma_wait3A_446 : memref<80x32xf32, #tpu.memory_space<vmem_shared>>) dst(%arg13 : memref<80x32xf32, #tpu.memory_space<vmem>>)
    %mul3A_447 = arith.constant 640 : i32
    %mul3A_448 = arith.muli %arg1, %mul3A_447 : i32
    %dma_wait3A_449 = arith.constant 0 : i32
    %dma_wait3A_450 = tpu.memref_slice %arg20[%mul3A_448, %dma_wait3A_449] : memref<10240x32xf32, #tpu.memory_space<vmem_shared>> -> memref<80x32xf32, #tpu.memory_space<vmem_shared>>
    %dma_wait3A_451 = arith.constant 0 : i32
    %dma_wait3A_452 = tpu.memref_slice %arg20[%mul3A_448, %dma_wait3A_451] : memref<10240x32xf32, #tpu.memory_space<vmem_shared>> -> memref<80x32xf32, #tpu.memory_space<vmem_shared>>
    tpu.wait_dma2 semaphore(%arg18 : memref<!tpu.dma_semaphore, #tpu.memory_space<semaphore_mem>>) src(%dma_wait3A_452 : memref<80x32xf32, #tpu.memory_space<vmem_shared>>) dst(%arg14 : memref<80x32xf32, #tpu.memory_space<vmem>>)
    %mul3A_453 = arith.constant 640 : i32
    %mul3A_454 = arith.muli %arg1, %mul3A_453 : i32
    %dma_wait3A_455 = arith.constant 0 : i32
    %dma_wait3A_456 = tpu.memref_slice %arg20[%mul3A_454, %dma_wait3A_455] : memref<10240x32xf32, #tpu.memory_space<vmem_shared>> -> memref<80x32xf32, #tpu.memory_space<vmem_shared>>
    %dma_wait3A_457 = arith.constant 0 : i32
    %dma_wait3A_458 = tpu.memref_slice %arg20[%mul3A_454, %dma_wait3A_457] : memref<10240x32xf32, #tpu.memory_space<vmem_shared>> -> memref<80x32xf32, #tpu.memory_space<vmem_shared>>
    tpu.wait_dma2 semaphore(%arg18 : memref<!tpu.dma_semaphore, #tpu.memory_space<semaphore_mem>>) src(%dma_wait3A_458 : memref<80x32xf32, #tpu.memory_space<vmem_shared>>) dst(%arg15 : memref<80x32xf32, #tpu.memory_space<vmem>>)
    %dma_start3A_459 = arith.constant 0 : i32
    %dma_start3A_460 = arith.constant 0 : i32
    %dma_start3A_461 = arith.constant 0 : i32
    %dma_start3A_462 = tpu.memref_slice %arg4[%arg0, %dma_start3A_459, %dma_start3A_460, %dma_start3A_461] : memref<2x16x640x32xf32, #tpu.memory_space<hbm>> -> memref<1x16x640x32xf32, #tpu.memory_space<hbm>>
    %dma_start3A_463 = tpu.memref_squeeze %dma_start3A_462 : memref<1x16x640x32xf32, #tpu.memory_space<hbm>> -> memref<16x640x32xf32, #tpu.memory_space<hbm>>
    %dma_start3A_464 = arith.constant 0 : i32
    %dma_start3A_465 = arith.constant 0 : i32
    %dma_start3A_466 = tpu.memref_slice %dma_start3A_463[%arg1, %dma_start3A_464, %dma_start3A_465] : memref<16x640x32xf32, #tpu.memory_space<hbm>> -> memref<1x640x32xf32, #tpu.memory_space<hbm>>
    %dma_start3A_467 = tpu.memref_squeeze %dma_start3A_466 : memref<1x640x32xf32, #tpu.memory_space<hbm>> -> memref<640x32xf32, #tpu.memory_space<hbm>>
    %dma_start3A_468 = arith.constant 0 : i32
    %dma_start3A_469 = arith.constant 0 : i32
    %dma_start3A_470 = tpu.memref_slice %dma_start3A_467[%dma_start3A_468, %dma_start3A_469] : memref<640x32xf32, #tpu.memory_space<hbm>> -> memref<80x32xf32, #tpu.memory_space<hbm>>
    %dma_start3A_471 = arith.constant 0 : i32
    %dma_start3A_472 = arith.constant 0 : i32
    %dma_start3A_473 = arith.constant 0 : i32
    %dma_start3A_474 = tpu.memref_slice %arg4[%arg0, %dma_start3A_471, %dma_start3A_472, %dma_start3A_473] : memref<2x16x640x32xf32, #tpu.memory_space<hbm>> -> memref<1x16x640x32xf32, #tpu.memory_space<hbm>>
    %dma_start3A_475 = tpu.memref_squeeze %dma_start3A_474 : memref<1x16x640x32xf32, #tpu.memory_space<hbm>> -> memref<16x640x32xf32, #tpu.memory_space<hbm>>
    %dma_start3A_476 = arith.constant 0 : i32
    %dma_start3A_477 = arith.constant 0 : i32
    %dma_start3A_478 = tpu.memref_slice %dma_start3A_475[%arg1, %dma_start3A_476, %dma_start3A_477] : memref<16x640x32xf32, #tpu.memory_space<hbm>> -> memref<1x640x32xf32, #tpu.memory_space<hbm>>
    %dma_start3A_479 = tpu.memref_squeeze %dma_start3A_478 : memref<1x640x32xf32, #tpu.memory_space<hbm>> -> memref<640x32xf32, #tpu.memory_space<hbm>>
    %dma_start3A_480 = arith.constant 0 : i32
    %dma_start3A_481 = arith.constant 0 : i32
    %dma_start3A_482 = tpu.memref_slice %dma_start3A_479[%dma_start3A_480, %dma_start3A_481] : memref<640x32xf32, #tpu.memory_space<hbm>> -> memref<80x32xf32, #tpu.memory_space<hbm>>
    tpu.enqueue_dma source(%arg8 : memref<80x32xf32, #tpu.memory_space<vmem>>) target(%dma_start3A_482 : memref<80x32xf32, #tpu.memory_space<hbm>>) target_semaphore(%arg19 : memref<!tpu.dma_semaphore, #tpu.memory_space<semaphore_mem>>)
    %dma_start3A_483 = arith.constant 0 : i32
    %dma_start3A_484 = arith.constant 0 : i32
    %dma_start3A_485 = arith.constant 0 : i32
    %dma_start3A_486 = tpu.memref_slice %arg4[%arg0, %dma_start3A_483, %dma_start3A_484, %dma_start3A_485] : memref<2x16x640x32xf32, #tpu.memory_space<hbm>> -> memref<1x16x640x32xf32, #tpu.memory_space<hbm>>
    %dma_start3A_487 = tpu.memref_squeeze %dma_start3A_486 : memref<1x16x640x32xf32, #tpu.memory_space<hbm>> -> memref<16x640x32xf32, #tpu.memory_space<hbm>>
    %dma_start3A_488 = arith.constant 0 : i32
    %dma_start3A_489 = arith.constant 0 : i32
    %dma_start3A_490 = tpu.memref_slice %dma_start3A_487[%arg1, %dma_start3A_488, %dma_start3A_489] : memref<16x640x32xf32, #tpu.memory_space<hbm>> -> memref<1x640x32xf32, #tpu.memory_space<hbm>>
    %dma_start3A_491 = tpu.memref_squeeze %dma_start3A_490 : memref<1x640x32xf32, #tpu.memory_space<hbm>> -> memref<640x32xf32, #tpu.memory_space<hbm>>
    %dma_start3A_492 = arith.constant 80 : i32
    %dma_start3A_493 = arith.constant 0 : i32
    %dma_start3A_494 = tpu.memref_slice %dma_start3A_491[%dma_start3A_492, %dma_start3A_493] : memref<640x32xf32, #tpu.memory_space<hbm>> -> memref<80x32xf32, #tpu.memory_space<hbm>>
    %dma_start3A_495 = arith.constant 0 : i32
    %dma_start3A_496 = arith.constant 0 : i32
    %dma_start3A_497 = arith.constant 0 : i32
    %dma_start3A_498 = tpu.memref_slice %arg4[%arg0, %dma_start3A_495, %dma_start3A_496, %dma_start3A_497] : memref<2x16x640x32xf32, #tpu.memory_space<hbm>> -> memref<1x16x640x32xf32, #tpu.memory_space<hbm>>
    %dma_start3A_499 = tpu.memref_squeeze %dma_start3A_498 : memref<1x16x640x32xf32, #tpu.memory_space<hbm>> -> memref<16x640x32xf32, #tpu.memory_space<hbm>>
    %dma_start3A_500 = arith.constant 0 : i32
    %dma_start3A_501 = arith.constant 0 : i32
    %dma_start3A_502 = tpu.memref_slice %dma_start3A_499[%arg1, %dma_start3A_500, %dma_start3A_501] : memref<16x640x32xf32, #tpu.memory_space<hbm>> -> memref<1x640x32xf32, #tpu.memory_space<hbm>>
    %dma_start3A_503 = tpu.memref_squeeze %dma_start3A_502 : memref<1x640x32xf32, #tpu.memory_space<hbm>> -> memref<640x32xf32, #tpu.memory_space<hbm>>
    %dma_start3A_504 = arith.constant 80 : i32
    %dma_start3A_505 = arith.constant 0 : i32
    %dma_start3A_506 = tpu.memref_slice %dma_start3A_503[%dma_start3A_504, %dma_start3A_505] : memref<640x32xf32, #tpu.memory_space<hbm>> -> memref<80x32xf32, #tpu.memory_space<hbm>>
    tpu.enqueue_dma source(%arg9 : memref<80x32xf32, #tpu.memory_space<vmem>>) target(%dma_start3A_506 : memref<80x32xf32, #tpu.memory_space<hbm>>) target_semaphore(%arg19 : memref<!tpu.dma_semaphore, #tpu.memory_space<semaphore_mem>>)
    %dma_start3A_507 = arith.constant 0 : i32
    %dma_start3A_508 = arith.constant 0 : i32
    %dma_start3A_509 = arith.constant 0 : i32
    %dma_start3A_510 = tpu.memref_slice %arg4[%arg0, %dma_start3A_507, %dma_start3A_508, %dma_start3A_509] : memref<2x16x640x32xf32, #tpu.memory_space<hbm>> -> memref<1x16x640x32xf32, #tpu.memory_space<hbm>>
    %dma_start3A_511 = tpu.memref_squeeze %dma_start3A_510 : memref<1x16x640x32xf32, #tpu.memory_space<hbm>> -> memref<16x640x32xf32, #tpu.memory_space<hbm>>
    %dma_start3A_512 = arith.constant 0 : i32
    %dma_start3A_513 = arith.constant 0 : i32
    %dma_start3A_514 = tpu.memref_slice %dma_start3A_511[%arg1, %dma_start3A_512, %dma_start3A_513] : memref<16x640x32xf32, #tpu.memory_space<hbm>> -> memref<1x640x32xf32, #tpu.memory_space<hbm>>
    %dma_start3A_515 = tpu.memref_squeeze %dma_start3A_514 : memref<1x640x32xf32, #tpu.memory_space<hbm>> -> memref<640x32xf32, #tpu.memory_space<hbm>>
    %dma_start3A_516 = arith.constant 160 : i32
    %dma_start3A_517 = arith.constant 0 : i32
    %dma_start3A_518 = tpu.memref_slice %dma_start3A_515[%dma_start3A_516, %dma_start3A_517] : memref<640x32xf32, #tpu.memory_space<hbm>> -> memref<80x32xf32, #tpu.memory_space<hbm>>
    %dma_start3A_519 = arith.constant 0 : i32
    %dma_start3A_520 = arith.constant 0 : i32
    %dma_start3A_521 = arith.constant 0 : i32
    %dma_start3A_522 = tpu.memref_slice %arg4[%arg0, %dma_start3A_519, %dma_start3A_520, %dma_start3A_521] : memref<2x16x640x32xf32, #tpu.memory_space<hbm>> -> memref<1x16x640x32xf32, #tpu.memory_space<hbm>>
    %dma_start3A_523 = tpu.memref_squeeze %dma_start3A_522 : memref<1x16x640x32xf32, #tpu.memory_space<hbm>> -> memref<16x640x32xf32, #tpu.memory_space<hbm>>
    %dma_start3A_524 = arith.constant 0 : i32
    %dma_start3A_525 = arith.constant 0 : i32
    %dma_start3A_526 = tpu.memref_slice %dma_start3A_523[%arg1, %dma_start3A_524, %dma_start3A_525] : memref<16x640x32xf32, #tpu.memory_space<hbm>> -> memref<1x640x32xf32, #tpu.memory_space<hbm>>
    %dma_start3A_527 = tpu.memref_squeeze %dma_start3A_526 : memref<1x640x32xf32, #tpu.memory_space<hbm>> -> memref<640x32xf32, #tpu.memory_space<hbm>>
    %dma_start3A_528 = arith.constant 160 : i32
    %dma_start3A_529 = arith.constant 0 : i32
    %dma_start3A_530 = tpu.memref_slice %dma_start3A_527[%dma_start3A_528, %dma_start3A_529] : memref<640x32xf32, #tpu.memory_space<hbm>> -> memref<80x32xf32, #tpu.memory_space<hbm>>
    tpu.enqueue_dma source(%arg10 : memref<80x32xf32, #tpu.memory_space<vmem>>) target(%dma_start3A_530 : memref<80x32xf32, #tpu.memory_space<hbm>>) target_semaphore(%arg19 : memref<!tpu.dma_semaphore, #tpu.memory_space<semaphore_mem>>)
    %dma_start3A_531 = arith.constant 0 : i32
    %dma_start3A_532 = arith.constant 0 : i32
    %dma_start3A_533 = arith.constant 0 : i32
    %dma_start3A_534 = tpu.memref_slice %arg4[%arg0, %dma_start3A_531, %dma_start3A_532, %dma_start3A_533] : memref<2x16x640x32xf32, #tpu.memory_space<hbm>> -> memref<1x16x640x32xf32, #tpu.memory_space<hbm>>
    %dma_start3A_535 = tpu.memref_squeeze %dma_start3A_534 : memref<1x16x640x32xf32, #tpu.memory_space<hbm>> -> memref<16x640x32xf32, #tpu.memory_space<hbm>>
    %dma_start3A_536 = arith.constant 0 : i32
    %dma_start3A_537 = arith.constant 0 : i32
    %dma_start3A_538 = tpu.memref_slice %dma_start3A_535[%arg1, %dma_start3A_536, %dma_start3A_537] : memref<16x640x32xf32, #tpu.memory_space<hbm>> -> memref<1x640x32xf32, #tpu.memory_space<hbm>>
    %dma_start3A_539 = tpu.memref_squeeze %dma_start3A_538 : memref<1x640x32xf32, #tpu.memory_space<hbm>> -> memref<640x32xf32, #tpu.memory_space<hbm>>
    %dma_start3A_540 = arith.constant 240 : i32
    %dma_start3A_541 = arith.constant 0 : i32
    %dma_start3A_542 = tpu.memref_slice %dma_start3A_539[%dma_start3A_540, %dma_start3A_541] : memref<640x32xf32, #tpu.memory_space<hbm>> -> memref<80x32xf32, #tpu.memory_space<hbm>>
    %dma_start3A_543 = arith.constant 0 : i32
    %dma_start3A_544 = arith.constant 0 : i32
    %dma_start3A_545 = arith.constant 0 : i32
    %dma_start3A_546 = tpu.memref_slice %arg4[%arg0, %dma_start3A_543, %dma_start3A_544, %dma_start3A_545] : memref<2x16x640x32xf32, #tpu.memory_space<hbm>> -> memref<1x16x640x32xf32, #tpu.memory_space<hbm>>
    %dma_start3A_547 = tpu.memref_squeeze %dma_start3A_546 : memref<1x16x640x32xf32, #tpu.memory_space<hbm>> -> memref<16x640x32xf32, #tpu.memory_space<hbm>>
    %dma_start3A_548 = arith.constant 0 : i32
    %dma_start3A_549 = arith.constant 0 : i32
    %dma_start3A_550 = tpu.memref_slice %dma_start3A_547[%arg1, %dma_start3A_548, %dma_start3A_549] : memref<16x640x32xf32, #tpu.memory_space<hbm>> -> memref<1x640x32xf32, #tpu.memory_space<hbm>>
    %dma_start3A_551 = tpu.memref_squeeze %dma_start3A_550 : memref<1x640x32xf32, #tpu.memory_space<hbm>> -> memref<640x32xf32, #tpu.memory_space<hbm>>
    %dma_start3A_552 = arith.constant 240 : i32
    %dma_start3A_553 = arith.constant 0 : i32
    %dma_start3A_554 = tpu.memref_slice %dma_start3A_551[%dma_start3A_552, %dma_start3A_553] : memref<640x32xf32, #tpu.memory_space<hbm>> -> memref<80x32xf32, #tpu.memory_space<hbm>>
    tpu.enqueue_dma source(%arg11 : memref<80x32xf32, #tpu.memory_space<vmem>>) target(%dma_start3A_554 : memref<80x32xf32, #tpu.memory_space<hbm>>) target_semaphore(%arg19 : memref<!tpu.dma_semaphore, #tpu.memory_space<semaphore_mem>>)
    %dma_start3A_555 = arith.constant 0 : i32
    %dma_start3A_556 = arith.constant 0 : i32
    %dma_start3A_557 = arith.constant 0 : i32
    %dma_start3A_558 = tpu.memref_slice %arg4[%arg0, %dma_start3A_555, %dma_start3A_556, %dma_start3A_557] : memref<2x16x640x32xf32, #tpu.memory_space<hbm>> -> memref<1x16x640x32xf32, #tpu.memory_space<hbm>>
    %dma_start3A_559 = tpu.memref_squeeze %dma_start3A_558 : memref<1x16x640x32xf32, #tpu.memory_space<hbm>> -> memref<16x640x32xf32, #tpu.memory_space<hbm>>
    %dma_start3A_560 = arith.constant 0 : i32
    %dma_start3A_561 = arith.constant 0 : i32
    %dma_start3A_562 = tpu.memref_slice %dma_start3A_559[%arg1, %dma_start3A_560, %dma_start3A_561] : memref<16x640x32xf32, #tpu.memory_space<hbm>> -> memref<1x640x32xf32, #tpu.memory_space<hbm>>
    %dma_start3A_563 = tpu.memref_squeeze %dma_start3A_562 : memref<1x640x32xf32, #tpu.memory_space<hbm>> -> memref<640x32xf32, #tpu.memory_space<hbm>>
    %dma_start3A_564 = arith.constant 320 : i32
    %dma_start3A_565 = arith.constant 0 : i32
    %dma_start3A_566 = tpu.memref_slice %dma_start3A_563[%dma_start3A_564, %dma_start3A_565] : memref<640x32xf32, #tpu.memory_space<hbm>> -> memref<80x32xf32, #tpu.memory_space<hbm>>
    %dma_start3A_567 = arith.constant 0 : i32
    %dma_start3A_568 = arith.constant 0 : i32
    %dma_start3A_569 = arith.constant 0 : i32
    %dma_start3A_570 = tpu.memref_slice %arg4[%arg0, %dma_start3A_567, %dma_start3A_568, %dma_start3A_569] : memref<2x16x640x32xf32, #tpu.memory_space<hbm>> -> memref<1x16x640x32xf32, #tpu.memory_space<hbm>>
    %dma_start3A_571 = tpu.memref_squeeze %dma_start3A_570 : memref<1x16x640x32xf32, #tpu.memory_space<hbm>> -> memref<16x640x32xf32, #tpu.memory_space<hbm>>
    %dma_start3A_572 = arith.constant 0 : i32
    %dma_start3A_573 = arith.constant 0 : i32
    %dma_start3A_574 = tpu.memref_slice %dma_start3A_571[%arg1, %dma_start3A_572, %dma_start3A_573] : memref<16x640x32xf32, #tpu.memory_space<hbm>> -> memref<1x640x32xf32, #tpu.memory_space<hbm>>
    %dma_start3A_575 = tpu.memref_squeeze %dma_start3A_574 : memref<1x640x32xf32, #tpu.memory_space<hbm>> -> memref<640x32xf32, #tpu.memory_space<hbm>>
    %dma_start3A_576 = arith.constant 320 : i32
    %dma_start3A_577 = arith.constant 0 : i32
    %dma_start3A_578 = tpu.memref_slice %dma_start3A_575[%dma_start3A_576, %dma_start3A_577] : memref<640x32xf32, #tpu.memory_space<hbm>> -> memref<80x32xf32, #tpu.memory_space<hbm>>
    tpu.enqueue_dma source(%arg12 : memref<80x32xf32, #tpu.memory_space<vmem>>) target(%dma_start3A_578 : memref<80x32xf32, #tpu.memory_space<hbm>>) target_semaphore(%arg19 : memref<!tpu.dma_semaphore, #tpu.memory_space<semaphore_mem>>)
    %dma_start3A_579 = arith.constant 0 : i32
    %dma_start3A_580 = arith.constant 0 : i32
    %dma_start3A_581 = arith.constant 0 : i32
    %dma_start3A_582 = tpu.memref_slice %arg4[%arg0, %dma_start3A_579, %dma_start3A_580, %dma_start3A_581] : memref<2x16x640x32xf32, #tpu.memory_space<hbm>> -> memref<1x16x640x32xf32, #tpu.memory_space<hbm>>
    %dma_start3A_583 = tpu.memref_squeeze %dma_start3A_582 : memref<1x16x640x32xf32, #tpu.memory_space<hbm>> -> memref<16x640x32xf32, #tpu.memory_space<hbm>>
    %dma_start3A_584 = arith.constant 0 : i32
    %dma_start3A_585 = arith.constant 0 : i32
    %dma_start3A_586 = tpu.memref_slice %dma_start3A_583[%arg1, %dma_start3A_584, %dma_start3A_585] : memref<16x640x32xf32, #tpu.memory_space<hbm>> -> memref<1x640x32xf32, #tpu.memory_space<hbm>>
    %dma_start3A_587 = tpu.memref_squeeze %dma_start3A_586 : memref<1x640x32xf32, #tpu.memory_space<hbm>> -> memref<640x32xf32, #tpu.memory_space<hbm>>
    %dma_start3A_588 = arith.constant 400 : i32
    %dma_start3A_589 = arith.constant 0 : i32
    %dma_start3A_590 = tpu.memref_slice %dma_start3A_587[%dma_start3A_588, %dma_start3A_589] : memref<640x32xf32, #tpu.memory_space<hbm>> -> memref<80x32xf32, #tpu.memory_space<hbm>>
    %dma_start3A_591 = arith.constant 0 : i32
    %dma_start3A_592 = arith.constant 0 : i32
    %dma_start3A_593 = arith.constant 0 : i32
    %dma_start3A_594 = tpu.memref_slice %arg4[%arg0, %dma_start3A_591, %dma_start3A_592, %dma_start3A_593] : memref<2x16x640x32xf32, #tpu.memory_space<hbm>> -> memref<1x16x640x32xf32, #tpu.memory_space<hbm>>
    %dma_start3A_595 = tpu.memref_squeeze %dma_start3A_594 : memref<1x16x640x32xf32, #tpu.memory_space<hbm>> -> memref<16x640x32xf32, #tpu.memory_space<hbm>>
    %dma_start3A_596 = arith.constant 0 : i32
    %dma_start3A_597 = arith.constant 0 : i32
    %dma_start3A_598 = tpu.memref_slice %dma_start3A_595[%arg1, %dma_start3A_596, %dma_start3A_597] : memref<16x640x32xf32, #tpu.memory_space<hbm>> -> memref<1x640x32xf32, #tpu.memory_space<hbm>>
    %dma_start3A_599 = tpu.memref_squeeze %dma_start3A_598 : memref<1x640x32xf32, #tpu.memory_space<hbm>> -> memref<640x32xf32, #tpu.memory_space<hbm>>
    %dma_start3A_600 = arith.constant 400 : i32
    %dma_start3A_601 = arith.constant 0 : i32
    %dma_start3A_602 = tpu.memref_slice %dma_start3A_599[%dma_start3A_600, %dma_start3A_601] : memref<640x32xf32, #tpu.memory_space<hbm>> -> memref<80x32xf32, #tpu.memory_space<hbm>>
    tpu.enqueue_dma source(%arg13 : memref<80x32xf32, #tpu.memory_space<vmem>>) target(%dma_start3A_602 : memref<80x32xf32, #tpu.memory_space<hbm>>) target_semaphore(%arg19 : memref<!tpu.dma_semaphore, #tpu.memory_space<semaphore_mem>>)
    %dma_start3A_603 = arith.constant 0 : i32
    %dma_start3A_604 = arith.constant 0 : i32
    %dma_start3A_605 = arith.constant 0 : i32
    %dma_start3A_606 = tpu.memref_slice %arg4[%arg0, %dma_start3A_603, %dma_start3A_604, %dma_start3A_605] : memref<2x16x640x32xf32, #tpu.memory_space<hbm>> -> memref<1x16x640x32xf32, #tpu.memory_space<hbm>>
    %dma_start3A_607 = tpu.memref_squeeze %dma_start3A_606 : memref<1x16x640x32xf32, #tpu.memory_space<hbm>> -> memref<16x640x32xf32, #tpu.memory_space<hbm>>
    %dma_start3A_608 = arith.constant 0 : i32
    %dma_start3A_609 = arith.constant 0 : i32
    %dma_start3A_610 = tpu.memref_slice %dma_start3A_607[%arg1, %dma_start3A_608, %dma_start3A_609] : memref<16x640x32xf32, #tpu.memory_space<hbm>> -> memref<1x640x32xf32, #tpu.memory_space<hbm>>
    %dma_start3A_611 = tpu.memref_squeeze %dma_start3A_610 : memref<1x640x32xf32, #tpu.memory_space<hbm>> -> memref<640x32xf32, #tpu.memory_space<hbm>>
    %dma_start3A_612 = arith.constant 480 : i32
    %dma_start3A_613 = arith.constant 0 : i32
    %dma_start3A_614 = tpu.memref_slice %dma_start3A_611[%dma_start3A_612, %dma_start3A_613] : memref<640x32xf32, #tpu.memory_space<hbm>> -> memref<80x32xf32, #tpu.memory_space<hbm>>
    %dma_start3A_615 = arith.constant 0 : i32
    %dma_start3A_616 = arith.constant 0 : i32
    %dma_start3A_617 = arith.constant 0 : i32
    %dma_start3A_618 = tpu.memref_slice %arg4[%arg0, %dma_start3A_615, %dma_start3A_616, %dma_start3A_617] : memref<2x16x640x32xf32, #tpu.memory_space<hbm>> -> memref<1x16x640x32xf32, #tpu.memory_space<hbm>>
    %dma_start3A_619 = tpu.memref_squeeze %dma_start3A_618 : memref<1x16x640x32xf32, #tpu.memory_space<hbm>> -> memref<16x640x32xf32, #tpu.memory_space<hbm>>
    %dma_start3A_620 = arith.constant 0 : i32
    %dma_start3A_621 = arith.constant 0 : i32
    %dma_start3A_622 = tpu.memref_slice %dma_start3A_619[%arg1, %dma_start3A_620, %dma_start3A_621] : memref<16x640x32xf32, #tpu.memory_space<hbm>> -> memref<1x640x32xf32, #tpu.memory_space<hbm>>
    %dma_start3A_623 = tpu.memref_squeeze %dma_start3A_622 : memref<1x640x32xf32, #tpu.memory_space<hbm>> -> memref<640x32xf32, #tpu.memory_space<hbm>>
    %dma_start3A_624 = arith.constant 480 : i32
    %dma_start3A_625 = arith.constant 0 : i32
    %dma_start3A_626 = tpu.memref_slice %dma_start3A_623[%dma_start3A_624, %dma_start3A_625] : memref<640x32xf32, #tpu.memory_space<hbm>> -> memref<80x32xf32, #tpu.memory_space<hbm>>
    tpu.enqueue_dma source(%arg14 : memref<80x32xf32, #tpu.memory_space<vmem>>) target(%dma_start3A_626 : memref<80x32xf32, #tpu.memory_space<hbm>>) target_semaphore(%arg19 : memref<!tpu.dma_semaphore, #tpu.memory_space<semaphore_mem>>)
    %dma_start3A_627 = arith.constant 0 : i32
    %dma_start3A_628 = arith.constant 0 : i32
    %dma_start3A_629 = arith.constant 0 : i32
    %dma_start3A_630 = tpu.memref_slice %arg4[%arg0, %dma_start3A_627, %dma_start3A_628, %dma_start3A_629] : memref<2x16x640x32xf32, #tpu.memory_space<hbm>> -> memref<1x16x640x32xf32, #tpu.memory_space<hbm>>
    %dma_start3A_631 = tpu.memref_squeeze %dma_start3A_630 : memref<1x16x640x32xf32, #tpu.memory_space<hbm>> -> memref<16x640x32xf32, #tpu.memory_space<hbm>>
    %dma_start3A_632 = arith.constant 0 : i32
    %dma_start3A_633 = arith.constant 0 : i32
    %dma_start3A_634 = tpu.memref_slice %dma_start3A_631[%arg1, %dma_start3A_632, %dma_start3A_633] : memref<16x640x32xf32, #tpu.memory_space<hbm>> -> memref<1x640x32xf32, #tpu.memory_space<hbm>>
    %dma_start3A_635 = tpu.memref_squeeze %dma_start3A_634 : memref<1x640x32xf32, #tpu.memory_space<hbm>> -> memref<640x32xf32, #tpu.memory_space<hbm>>
    %dma_start3A_636 = arith.constant 560 : i32
    %dma_start3A_637 = arith.constant 0 : i32
    %dma_start3A_638 = tpu.memref_slice %dma_start3A_635[%dma_start3A_636, %dma_start3A_637] : memref<640x32xf32, #tpu.memory_space<hbm>> -> memref<80x32xf32, #tpu.memory_space<hbm>>
    %dma_start3A_639 = arith.constant 0 : i32
    %dma_start3A_640 = arith.constant 0 : i32
    %dma_start3A_641 = arith.constant 0 : i32
    %dma_start3A_642 = tpu.memref_slice %arg4[%arg0, %dma_start3A_639, %dma_start3A_640, %dma_start3A_641] : memref<2x16x640x32xf32, #tpu.memory_space<hbm>> -> memref<1x16x640x32xf32, #tpu.memory_space<hbm>>
    %dma_start3A_643 = tpu.memref_squeeze %dma_start3A_642 : memref<1x16x640x32xf32, #tpu.memory_space<hbm>> -> memref<16x640x32xf32, #tpu.memory_space<hbm>>
    %dma_start3A_644 = arith.constant 0 : i32
    %dma_start3A_645 = arith.constant 0 : i32
    %dma_start3A_646 = tpu.memref_slice %dma_start3A_643[%arg1, %dma_start3A_644, %dma_start3A_645] : memref<16x640x32xf32, #tpu.memory_space<hbm>> -> memref<1x640x32xf32, #tpu.memory_space<hbm>>
    %dma_start3A_647 = tpu.memref_squeeze %dma_start3A_646 : memref<1x640x32xf32, #tpu.memory_space<hbm>> -> memref<640x32xf32, #tpu.memory_space<hbm>>
    %dma_start3A_648 = arith.constant 560 : i32
    %dma_start3A_649 = arith.constant 0 : i32
    %dma_start3A_650 = tpu.memref_slice %dma_start3A_647[%dma_start3A_648, %dma_start3A_649] : memref<640x32xf32, #tpu.memory_space<hbm>> -> memref<80x32xf32, #tpu.memory_space<hbm>>
    tpu.enqueue_dma source(%arg15 : memref<80x32xf32, #tpu.memory_space<vmem>>) target(%dma_start3A_650 : memref<80x32xf32, #tpu.memory_space<hbm>>) target_semaphore(%arg19 : memref<!tpu.dma_semaphore, #tpu.memory_space<semaphore_mem>>)
    %dma_wait3A_651 = arith.constant 0 : i32
    %dma_wait3A_652 = arith.constant 0 : i32
    %dma_wait3A_653 = arith.constant 0 : i32
    %dma_wait3A_654 = tpu.memref_slice %arg4[%arg0, %dma_wait3A_651, %dma_wait3A_652, %dma_wait3A_653] : memref<2x16x640x32xf32, #tpu.memory_space<hbm>> -> memref<1x16x640x32xf32, #tpu.memory_space<hbm>>
    %dma_wait3A_655 = tpu.memref_squeeze %dma_wait3A_654 : memref<1x16x640x32xf32, #tpu.memory_space<hbm>> -> memref<16x640x32xf32, #tpu.memory_space<hbm>>
    %dma_wait3A_656 = arith.constant 0 : i32
    %dma_wait3A_657 = arith.constant 0 : i32
    %dma_wait3A_658 = tpu.memref_slice %dma_wait3A_655[%arg1, %dma_wait3A_656, %dma_wait3A_657] : memref<16x640x32xf32, #tpu.memory_space<hbm>> -> memref<1x640x32xf32, #tpu.memory_space<hbm>>
    %dma_wait3A_659 = tpu.memref_squeeze %dma_wait3A_658 : memref<1x640x32xf32, #tpu.memory_space<hbm>> -> memref<640x32xf32, #tpu.memory_space<hbm>>
    %dma_wait3A_660 = arith.constant 0 : i32
    %dma_wait3A_661 = arith.constant 0 : i32
    %dma_wait3A_662 = tpu.memref_slice %dma_wait3A_659[%dma_wait3A_660, %dma_wait3A_661] : memref<640x32xf32, #tpu.memory_space<hbm>> -> memref<80x32xf32, #tpu.memory_space<hbm>>
    %dma_wait3A_663 = arith.constant 0 : i32
    %dma_wait3A_664 = arith.constant 0 : i32
    %dma_wait3A_665 = arith.constant 0 : i32
    %dma_wait3A_666 = tpu.memref_slice %arg4[%arg0, %dma_wait3A_663, %dma_wait3A_664, %dma_wait3A_665] : memref<2x16x640x32xf32, #tpu.memory_space<hbm>> -> memref<1x16x640x32xf32, #tpu.memory_space<hbm>>
    %dma_wait3A_667 = tpu.memref_squeeze %dma_wait3A_666 : memref<1x16x640x32xf32, #tpu.memory_space<hbm>> -> memref<16x640x32xf32, #tpu.memory_space<hbm>>
    %dma_wait3A_668 = arith.constant 0 : i32
    %dma_wait3A_669 = arith.constant 0 : i32
    %dma_wait3A_670 = tpu.memref_slice %dma_wait3A_667[%arg1, %dma_wait3A_668, %dma_wait3A_669] : memref<16x640x32xf32, #tpu.memory_space<hbm>> -> memref<1x640x32xf32, #tpu.memory_space<hbm>>
    %dma_wait3A_671 = tpu.memref_squeeze %dma_wait3A_670 : memref<1x640x32xf32, #tpu.memory_space<hbm>> -> memref<640x32xf32, #tpu.memory_space<hbm>>
    %dma_wait3A_672 = arith.constant 0 : i32
    %dma_wait3A_673 = arith.constant 0 : i32
    %dma_wait3A_674 = tpu.memref_slice %dma_wait3A_671[%dma_wait3A_672, %dma_wait3A_673] : memref<640x32xf32, #tpu.memory_space<hbm>> -> memref<80x32xf32, #tpu.memory_space<hbm>>
    tpu.wait_dma2 semaphore(%arg19 : memref<!tpu.dma_semaphore, #tpu.memory_space<semaphore_mem>>) src(%arg8 : memref<80x32xf32, #tpu.memory_space<vmem>>) dst(%dma_wait3A_674 : memref<80x32xf32, #tpu.memory_space<hbm>>)
    %dma_wait3A_675 = arith.constant 0 : i32
    %dma_wait3A_676 = arith.constant 0 : i32
    %dma_wait3A_677 = arith.constant 0 : i32
    %dma_wait3A_678 = tpu.memref_slice %arg4[%arg0, %dma_wait3A_675, %dma_wait3A_676, %dma_wait3A_677] : memref<2x16x640x32xf32, #tpu.memory_space<hbm>> -> memref<1x16x640x32xf32, #tpu.memory_space<hbm>>
    %dma_wait3A_679 = tpu.memref_squeeze %dma_wait3A_678 : memref<1x16x640x32xf32, #tpu.memory_space<hbm>> -> memref<16x640x32xf32, #tpu.memory_space<hbm>>
    %dma_wait3A_680 = arith.constant 0 : i32
    %dma_wait3A_681 = arith.constant 0 : i32
    %dma_wait3A_682 = tpu.memref_slice %dma_wait3A_679[%arg1, %dma_wait3A_680, %dma_wait3A_681] : memref<16x640x32xf32, #tpu.memory_space<hbm>> -> memref<1x640x32xf32, #tpu.memory_space<hbm>>
    %dma_wait3A_683 = tpu.memref_squeeze %dma_wait3A_682 : memref<1x640x32xf32, #tpu.memory_space<hbm>> -> memref<640x32xf32, #tpu.memory_space<hbm>>
    %dma_wait3A_684 = arith.constant 0 : i32
    %dma_wait3A_685 = arith.constant 0 : i32
    %dma_wait3A_686 = tpu.memref_slice %dma_wait3A_683[%dma_wait3A_684, %dma_wait3A_685] : memref<640x32xf32, #tpu.memory_space<hbm>> -> memref<80x32xf32, #tpu.memory_space<hbm>>
    %dma_wait3A_687 = arith.constant 0 : i32
    %dma_wait3A_688 = arith.constant 0 : i32
    %dma_wait3A_689 = arith.constant 0 : i32
    %dma_wait3A_690 = tpu.memref_slice %arg4[%arg0, %dma_wait3A_687, %dma_wait3A_688, %dma_wait3A_689] : memref<2x16x640x32xf32, #tpu.memory_space<hbm>> -> memref<1x16x640x32xf32, #tpu.memory_space<hbm>>
    %dma_wait3A_691 = tpu.memref_squeeze %dma_wait3A_690 : memref<1x16x640x32xf32, #tpu.memory_space<hbm>> -> memref<16x640x32xf32, #tpu.memory_space<hbm>>
    %dma_wait3A_692 = arith.constant 0 : i32
    %dma_wait3A_693 = arith.constant 0 : i32
    %dma_wait3A_694 = tpu.memref_slice %dma_wait3A_691[%arg1, %dma_wait3A_692, %dma_wait3A_693] : memref<16x640x32xf32, #tpu.memory_space<hbm>> -> memref<1x640x32xf32, #tpu.memory_space<hbm>>
    %dma_wait3A_695 = tpu.memref_squeeze %dma_wait3A_694 : memref<1x640x32xf32, #tpu.memory_space<hbm>> -> memref<640x32xf32, #tpu.memory_space<hbm>>
    %dma_wait3A_696 = arith.constant 0 : i32
    %dma_wait3A_697 = arith.constant 0 : i32
    %dma_wait3A_698 = tpu.memref_slice %dma_wait3A_695[%dma_wait3A_696, %dma_wait3A_697] : memref<640x32xf32, #tpu.memory_space<hbm>> -> memref<80x32xf32, #tpu.memory_space<hbm>>
    tpu.wait_dma2 semaphore(%arg19 : memref<!tpu.dma_semaphore, #tpu.memory_space<semaphore_mem>>) src(%arg9 : memref<80x32xf32, #tpu.memory_space<vmem>>) dst(%dma_wait3A_698 : memref<80x32xf32, #tpu.memory_space<hbm>>)
    %dma_wait3A_699 = arith.constant 0 : i32
    %dma_wait3A_700 = arith.constant 0 : i32
    %dma_wait3A_701 = arith.constant 0 : i32
    %dma_wait3A_702 = tpu.memref_slice %arg4[%arg0, %dma_wait3A_699, %dma_wait3A_700, %dma_wait3A_701] : memref<2x16x640x32xf32, #tpu.memory_space<hbm>> -> memref<1x16x640x32xf32, #tpu.memory_space<hbm>>
    %dma_wait3A_703 = tpu.memref_squeeze %dma_wait3A_702 : memref<1x16x640x32xf32, #tpu.memory_space<hbm>> -> memref<16x640x32xf32, #tpu.memory_space<hbm>>
    %dma_wait3A_704 = arith.constant 0 : i32
    %dma_wait3A_705 = arith.constant 0 : i32
    %dma_wait3A_706 = tpu.memref_slice %dma_wait3A_703[%arg1, %dma_wait3A_704, %dma_wait3A_705] : memref<16x640x32xf32, #tpu.memory_space<hbm>> -> memref<1x640x32xf32, #tpu.memory_space<hbm>>
    %dma_wait3A_707 = tpu.memref_squeeze %dma_wait3A_706 : memref<1x640x32xf32, #tpu.memory_space<hbm>> -> memref<640x32xf32, #tpu.memory_space<hbm>>
    %dma_wait3A_708 = arith.constant 0 : i32
    %dma_wait3A_709 = arith.constant 0 : i32
    %dma_wait3A_710 = tpu.memref_slice %dma_wait3A_707[%dma_wait3A_708, %dma_wait3A_709] : memref<640x32xf32, #tpu.memory_space<hbm>> -> memref<80x32xf32, #tpu.memory_space<hbm>>
    %dma_wait3A_711 = arith.constant 0 : i32
    %dma_wait3A_712 = arith.constant 0 : i32
    %dma_wait3A_713 = arith.constant 0 : i32
    %dma_wait3A_714 = tpu.memref_slice %arg4[%arg0, %dma_wait3A_711, %dma_wait3A_712, %dma_wait3A_713] : memref<2x16x640x32xf32, #tpu.memory_space<hbm>> -> memref<1x16x640x32xf32, #tpu.memory_space<hbm>>
    %dma_wait3A_715 = tpu.memref_squeeze %dma_wait3A_714 : memref<1x16x640x32xf32, #tpu.memory_space<hbm>> -> memref<16x640x32xf32, #tpu.memory_space<hbm>>
    %dma_wait3A_716 = arith.constant 0 : i32
    %dma_wait3A_717 = arith.constant 0 : i32
    %dma_wait3A_718 = tpu.memref_slice %dma_wait3A_715[%arg1, %dma_wait3A_716, %dma_wait3A_717] : memref<16x640x32xf32, #tpu.memory_space<hbm>> -> memref<1x640x32xf32, #tpu.memory_space<hbm>>
    %dma_wait3A_719 = tpu.memref_squeeze %dma_wait3A_718 : memref<1x640x32xf32, #tpu.memory_space<hbm>> -> memref<640x32xf32, #tpu.memory_space<hbm>>
    %dma_wait3A_720 = arith.constant 0 : i32
    %dma_wait3A_721 = arith.constant 0 : i32
    %dma_wait3A_722 = tpu.memref_slice %dma_wait3A_719[%dma_wait3A_720, %dma_wait3A_721] : memref<640x32xf32, #tpu.memory_space<hbm>> -> memref<80x32xf32, #tpu.memory_space<hbm>>
    tpu.wait_dma2 semaphore(%arg19 : memref<!tpu.dma_semaphore, #tpu.memory_space<semaphore_mem>>) src(%arg10 : memref<80x32xf32, #tpu.memory_space<vmem>>) dst(%dma_wait3A_722 : memref<80x32xf32, #tpu.memory_space<hbm>>)
    %dma_wait3A_723 = arith.constant 0 : i32
    %dma_wait3A_724 = arith.constant 0 : i32
    %dma_wait3A_725 = arith.constant 0 : i32
    %dma_wait3A_726 = tpu.memref_slice %arg4[%arg0, %dma_wait3A_723, %dma_wait3A_724, %dma_wait3A_725] : memref<2x16x640x32xf32, #tpu.memory_space<hbm>> -> memref<1x16x640x32xf32, #tpu.memory_space<hbm>>
    %dma_wait3A_727 = tpu.memref_squeeze %dma_wait3A_726 : memref<1x16x640x32xf32, #tpu.memory_space<hbm>> -> memref<16x640x32xf32, #tpu.memory_space<hbm>>
    %dma_wait3A_728 = arith.constant 0 : i32
    %dma_wait3A_729 = arith.constant 0 : i32
    %dma_wait3A_730 = tpu.memref_slice %dma_wait3A_727[%arg1, %dma_wait3A_728, %dma_wait3A_729] : memref<16x640x32xf32, #tpu.memory_space<hbm>> -> memref<1x640x32xf32, #tpu.memory_space<hbm>>
    %dma_wait3A_731 = tpu.memref_squeeze %dma_wait3A_730 : memref<1x640x32xf32, #tpu.memory_space<hbm>> -> memref<640x32xf32, #tpu.memory_space<hbm>>
    %dma_wait3A_732 = arith.constant 0 : i32
    %dma_wait3A_733 = arith.constant 0 : i32
    %dma_wait3A_734 = tpu.memref_slice %dma_wait3A_731[%dma_wait3A_732, %dma_wait3A_733] : memref<640x32xf32, #tpu.memory_space<hbm>> -> memref<80x32xf32, #tpu.memory_space<hbm>>
    %dma_wait3A_735 = arith.constant 0 : i32
    %dma_wait3A_736 = arith.constant 0 : i32
    %dma_wait3A_737 = arith.constant 0 : i32
    %dma_wait3A_738 = tpu.memref_slice %arg4[%arg0, %dma_wait3A_735, %dma_wait3A_736, %dma_wait3A_737] : memref<2x16x640x32xf32, #tpu.memory_space<hbm>> -> memref<1x16x640x32xf32, #tpu.memory_space<hbm>>
    %dma_wait3A_739 = tpu.memref_squeeze %dma_wait3A_738 : memref<1x16x640x32xf32, #tpu.memory_space<hbm>> -> memref<16x640x32xf32, #tpu.memory_space<hbm>>
    %dma_wait3A_740 = arith.constant 0 : i32
    %dma_wait3A_741 = arith.constant 0 : i32
    %dma_wait3A_742 = tpu.memref_slice %dma_wait3A_739[%arg1, %dma_wait3A_740, %dma_wait3A_741] : memref<16x640x32xf32, #tpu.memory_space<hbm>> -> memref<1x640x32xf32, #tpu.memory_space<hbm>>
    %dma_wait3A_743 = tpu.memref_squeeze %dma_wait3A_742 : memref<1x640x32xf32, #tpu.memory_space<hbm>> -> memref<640x32xf32, #tpu.memory_space<hbm>>
    %dma_wait3A_744 = arith.constant 0 : i32
    %dma_wait3A_745 = arith.constant 0 : i32
    %dma_wait3A_746 = tpu.memref_slice %dma_wait3A_743[%dma_wait3A_744, %dma_wait3A_745] : memref<640x32xf32, #tpu.memory_space<hbm>> -> memref<80x32xf32, #tpu.memory_space<hbm>>
    tpu.wait_dma2 semaphore(%arg19 : memref<!tpu.dma_semaphore, #tpu.memory_space<semaphore_mem>>) src(%arg11 : memref<80x32xf32, #tpu.memory_space<vmem>>) dst(%dma_wait3A_746 : memref<80x32xf32, #tpu.memory_space<hbm>>)
    %dma_wait3A_747 = arith.constant 0 : i32
    %dma_wait3A_748 = arith.constant 0 : i32
    %dma_wait3A_749 = arith.constant 0 : i32
    %dma_wait3A_750 = tpu.memref_slice %arg4[%arg0, %dma_wait3A_747, %dma_wait3A_748, %dma_wait3A_749] : memref<2x16x640x32xf32, #tpu.memory_space<hbm>> -> memref<1x16x640x32xf32, #tpu.memory_space<hbm>>
    %dma_wait3A_751 = tpu.memref_squeeze %dma_wait3A_750 : memref<1x16x640x32xf32, #tpu.memory_space<hbm>> -> memref<16x640x32xf32, #tpu.memory_space<hbm>>
    %dma_wait3A_752 = arith.constant 0 : i32
    %dma_wait3A_753 = arith.constant 0 : i32
    %dma_wait3A_754 = tpu.memref_slice %dma_wait3A_751[%arg1, %dma_wait3A_752, %dma_wait3A_753] : memref<16x640x32xf32, #tpu.memory_space<hbm>> -> memref<1x640x32xf32, #tpu.memory_space<hbm>>
    %dma_wait3A_755 = tpu.memref_squeeze %dma_wait3A_754 : memref<1x640x32xf32, #tpu.memory_space<hbm>> -> memref<640x32xf32, #tpu.memory_space<hbm>>
    %dma_wait3A_756 = arith.constant 0 : i32
    %dma_wait3A_757 = arith.constant 0 : i32
    %dma_wait3A_758 = tpu.memref_slice %dma_wait3A_755[%dma_wait3A_756, %dma_wait3A_757] : memref<640x32xf32, #tpu.memory_space<hbm>> -> memref<80x32xf32, #tpu.memory_space<hbm>>
    %dma_wait3A_759 = arith.constant 0 : i32
    %dma_wait3A_760 = arith.constant 0 : i32
    %dma_wait3A_761 = arith.constant 0 : i32
    %dma_wait3A_762 = tpu.memref_slice %arg4[%arg0, %dma_wait3A_759, %dma_wait3A_760, %dma_wait3A_761] : memref<2x16x640x32xf32, #tpu.memory_space<hbm>> -> memref<1x16x640x32xf32, #tpu.memory_space<hbm>>
    %dma_wait3A_763 = tpu.memref_squeeze %dma_wait3A_762 : memref<1x16x640x32xf32, #tpu.memory_space<hbm>> -> memref<16x640x32xf32, #tpu.memory_space<hbm>>
    %dma_wait3A_764 = arith.constant 0 : i32
    %dma_wait3A_765 = arith.constant 0 : i32
    %dma_wait3A_766 = tpu.memref_slice %dma_wait3A_763[%arg1, %dma_wait3A_764, %dma_wait3A_765] : memref<16x640x32xf32, #tpu.memory_space<hbm>> -> memref<1x640x32xf32, #tpu.memory_space<hbm>>
    %dma_wait3A_767 = tpu.memref_squeeze %dma_wait3A_766 : memref<1x640x32xf32, #tpu.memory_space<hbm>> -> memref<640x32xf32, #tpu.memory_space<hbm>>
    %dma_wait3A_768 = arith.constant 0 : i32
    %dma_wait3A_769 = arith.constant 0 : i32
    %dma_wait3A_770 = tpu.memref_slice %dma_wait3A_767[%dma_wait3A_768, %dma_wait3A_769] : memref<640x32xf32, #tpu.memory_space<hbm>> -> memref<80x32xf32, #tpu.memory_space<hbm>>
    tpu.wait_dma2 semaphore(%arg19 : memref<!tpu.dma_semaphore, #tpu.memory_space<semaphore_mem>>) src(%arg12 : memref<80x32xf32, #tpu.memory_space<vmem>>) dst(%dma_wait3A_770 : memref<80x32xf32, #tpu.memory_space<hbm>>)
    %dma_wait3A_771 = arith.constant 0 : i32
    %dma_wait3A_772 = arith.constant 0 : i32
    %dma_wait3A_773 = arith.constant 0 : i32
    %dma_wait3A_774 = tpu.memref_slice %arg4[%arg0, %dma_wait3A_771, %dma_wait3A_772, %dma_wait3A_773] : memref<2x16x640x32xf32, #tpu.memory_space<hbm>> -> memref<1x16x640x32xf32, #tpu.memory_space<hbm>>
    %dma_wait3A_775 = tpu.memref_squeeze %dma_wait3A_774 : memref<1x16x640x32xf32, #tpu.memory_space<hbm>> -> memref<16x640x32xf32, #tpu.memory_space<hbm>>
    %dma_wait3A_776 = arith.constant 0 : i32
    %dma_wait3A_777 = arith.constant 0 : i32
    %dma_wait3A_778 = tpu.memref_slice %dma_wait3A_775[%arg1, %dma_wait3A_776, %dma_wait3A_777] : memref<16x640x32xf32, #tpu.memory_space<hbm>> -> memref<1x640x32xf32, #tpu.memory_space<hbm>>
    %dma_wait3A_779 = tpu.memref_squeeze %dma_wait3A_778 : memref<1x640x32xf32, #tpu.memory_space<hbm>> -> memref<640x32xf32, #tpu.memory_space<hbm>>
    %dma_wait3A_780 = arith.constant 0 : i32
    %dma_wait3A_781 = arith.constant 0 : i32
    %dma_wait3A_782 = tpu.memref_slice %dma_wait3A_779[%dma_wait3A_780, %dma_wait3A_781] : memref<640x32xf32, #tpu.memory_space<hbm>> -> memref<80x32xf32, #tpu.memory_space<hbm>>
    %dma_wait3A_783 = arith.constant 0 : i32
    %dma_wait3A_784 = arith.constant 0 : i32
    %dma_wait3A_785 = arith.constant 0 : i32
    %dma_wait3A_786 = tpu.memref_slice %arg4[%arg0, %dma_wait3A_783, %dma_wait3A_784, %dma_wait3A_785] : memref<2x16x640x32xf32, #tpu.memory_space<hbm>> -> memref<1x16x640x32xf32, #tpu.memory_space<hbm>>
    %dma_wait3A_787 = tpu.memref_squeeze %dma_wait3A_786 : memref<1x16x640x32xf32, #tpu.memory_space<hbm>> -> memref<16x640x32xf32, #tpu.memory_space<hbm>>
    %dma_wait3A_788 = arith.constant 0 : i32
    %dma_wait3A_789 = arith.constant 0 : i32
    %dma_wait3A_790 = tpu.memref_slice %dma_wait3A_787[%arg1, %dma_wait3A_788, %dma_wait3A_789] : memref<16x640x32xf32, #tpu.memory_space<hbm>> -> memref<1x640x32xf32, #tpu.memory_space<hbm>>
    %dma_wait3A_791 = tpu.memref_squeeze %dma_wait3A_790 : memref<1x640x32xf32, #tpu.memory_space<hbm>> -> memref<640x32xf32, #tpu.memory_space<hbm>>
    %dma_wait3A_792 = arith.constant 0 : i32
    %dma_wait3A_793 = arith.constant 0 : i32
    %dma_wait3A_794 = tpu.memref_slice %dma_wait3A_791[%dma_wait3A_792, %dma_wait3A_793] : memref<640x32xf32, #tpu.memory_space<hbm>> -> memref<80x32xf32, #tpu.memory_space<hbm>>
    tpu.wait_dma2 semaphore(%arg19 : memref<!tpu.dma_semaphore, #tpu.memory_space<semaphore_mem>>) src(%arg13 : memref<80x32xf32, #tpu.memory_space<vmem>>) dst(%dma_wait3A_794 : memref<80x32xf32, #tpu.memory_space<hbm>>)
    %dma_wait3A_795 = arith.constant 0 : i32
    %dma_wait3A_796 = arith.constant 0 : i32
    %dma_wait3A_797 = arith.constant 0 : i32
    %dma_wait3A_798 = tpu.memref_slice %arg4[%arg0, %dma_wait3A_795, %dma_wait3A_796, %dma_wait3A_797] : memref<2x16x640x32xf32, #tpu.memory_space<hbm>> -> memref<1x16x640x32xf32, #tpu.memory_space<hbm>>
    %dma_wait3A_799 = tpu.memref_squeeze %dma_wait3A_798 : memref<1x16x640x32xf32, #tpu.memory_space<hbm>> -> memref<16x640x32xf32, #tpu.memory_space<hbm>>
    %dma_wait3A_800 = arith.constant 0 : i32
    %dma_wait3A_801 = arith.constant 0 : i32
    %dma_wait3A_802 = tpu.memref_slice %dma_wait3A_799[%arg1, %dma_wait3A_800, %dma_wait3A_801] : memref<16x640x32xf32, #tpu.memory_space<hbm>> -> memref<1x640x32xf32, #tpu.memory_space<hbm>>
    %dma_wait3A_803 = tpu.memref_squeeze %dma_wait3A_802 : memref<1x640x32xf32, #tpu.memory_space<hbm>> -> memref<640x32xf32, #tpu.memory_space<hbm>>
    %dma_wait3A_804 = arith.constant 0 : i32
    %dma_wait3A_805 = arith.constant 0 : i32
    %dma_wait3A_806 = tpu.memref_slice %dma_wait3A_803[%dma_wait3A_804, %dma_wait3A_805] : memref<640x32xf32, #tpu.memory_space<hbm>> -> memref<80x32xf32, #tpu.memory_space<hbm>>
    %dma_wait3A_807 = arith.constant 0 : i32
    %dma_wait3A_808 = arith.constant 0 : i32
    %dma_wait3A_809 = arith.constant 0 : i32
    %dma_wait3A_810 = tpu.memref_slice %arg4[%arg0, %dma_wait3A_807, %dma_wait3A_808, %dma_wait3A_809] : memref<2x16x640x32xf32, #tpu.memory_space<hbm>> -> memref<1x16x640x32xf32, #tpu.memory_space<hbm>>
    %dma_wait3A_811 = tpu.memref_squeeze %dma_wait3A_810 : memref<1x16x640x32xf32, #tpu.memory_space<hbm>> -> memref<16x640x32xf32, #tpu.memory_space<hbm>>
    %dma_wait3A_812 = arith.constant 0 : i32
    %dma_wait3A_813 = arith.constant 0 : i32
    %dma_wait3A_814 = tpu.memref_slice %dma_wait3A_811[%arg1, %dma_wait3A_812, %dma_wait3A_813] : memref<16x640x32xf32, #tpu.memory_space<hbm>> -> memref<1x640x32xf32, #tpu.memory_space<hbm>>
    %dma_wait3A_815 = tpu.memref_squeeze %dma_wait3A_814 : memref<1x640x32xf32, #tpu.memory_space<hbm>> -> memref<640x32xf32, #tpu.memory_space<hbm>>
    %dma_wait3A_816 = arith.constant 0 : i32
    %dma_wait3A_817 = arith.constant 0 : i32
    %dma_wait3A_818 = tpu.memref_slice %dma_wait3A_815[%dma_wait3A_816, %dma_wait3A_817] : memref<640x32xf32, #tpu.memory_space<hbm>> -> memref<80x32xf32, #tpu.memory_space<hbm>>
    tpu.wait_dma2 semaphore(%arg19 : memref<!tpu.dma_semaphore, #tpu.memory_space<semaphore_mem>>) src(%arg14 : memref<80x32xf32, #tpu.memory_space<vmem>>) dst(%dma_wait3A_818 : memref<80x32xf32, #tpu.memory_space<hbm>>)
    %dma_wait3A_819 = arith.constant 0 : i32
    %dma_wait3A_820 = arith.constant 0 : i32
    %dma_wait3A_821 = arith.constant 0 : i32
    %dma_wait3A_822 = tpu.memref_slice %arg4[%arg0, %dma_wait3A_819, %dma_wait3A_820, %dma_wait3A_821] : memref<2x16x640x32xf32, #tpu.memory_space<hbm>> -> memref<1x16x640x32xf32, #tpu.memory_space<hbm>>
    %dma_wait3A_823 = tpu.memref_squeeze %dma_wait3A_822 : memref<1x16x640x32xf32, #tpu.memory_space<hbm>> -> memref<16x640x32xf32, #tpu.memory_space<hbm>>
    %dma_wait3A_824 = arith.constant 0 : i32
    %dma_wait3A_825 = arith.constant 0 : i32
    %dma_wait3A_826 = tpu.memref_slice %dma_wait3A_823[%arg1, %dma_wait3A_824, %dma_wait3A_825] : memref<16x640x32xf32, #tpu.memory_space<hbm>> -> memref<1x640x32xf32, #tpu.memory_space<hbm>>
    %dma_wait3A_827 = tpu.memref_squeeze %dma_wait3A_826 : memref<1x640x32xf32, #tpu.memory_space<hbm>> -> memref<640x32xf32, #tpu.memory_space<hbm>>
    %dma_wait3A_828 = arith.constant 0 : i32
    %dma_wait3A_829 = arith.constant 0 : i32
    %dma_wait3A_830 = tpu.memref_slice %dma_wait3A_827[%dma_wait3A_828, %dma_wait3A_829] : memref<640x32xf32, #tpu.memory_space<hbm>> -> memref<80x32xf32, #tpu.memory_space<hbm>>
    %dma_wait3A_831 = arith.constant 0 : i32
    %dma_wait3A_832 = arith.constant 0 : i32
    %dma_wait3A_833 = arith.constant 0 : i32
    %dma_wait3A_834 = tpu.memref_slice %arg4[%arg0, %dma_wait3A_831, %dma_wait3A_832, %dma_wait3A_833] : memref<2x16x640x32xf32, #tpu.memory_space<hbm>> -> memref<1x16x640x32xf32, #tpu.memory_space<hbm>>
    %dma_wait3A_835 = tpu.memref_squeeze %dma_wait3A_834 : memref<1x16x640x32xf32, #tpu.memory_space<hbm>> -> memref<16x640x32xf32, #tpu.memory_space<hbm>>
    %dma_wait3A_836 = arith.constant 0 : i32
    %dma_wait3A_837 = arith.constant 0 : i32
    %dma_wait3A_838 = tpu.memref_slice %dma_wait3A_835[%arg1, %dma_wait3A_836, %dma_wait3A_837] : memref<16x640x32xf32, #tpu.memory_space<hbm>> -> memref<1x640x32xf32, #tpu.memory_space<hbm>>
    %dma_wait3A_839 = tpu.memref_squeeze %dma_wait3A_838 : memref<1x640x32xf32, #tpu.memory_space<hbm>> -> memref<640x32xf32, #tpu.memory_space<hbm>>
    %dma_wait3A_840 = arith.constant 0 : i32
    %dma_wait3A_841 = arith.constant 0 : i32
    %dma_wait3A_842 = tpu.memref_slice %dma_wait3A_839[%dma_wait3A_840, %dma_wait3A_841] : memref<640x32xf32, #tpu.memory_space<hbm>> -> memref<80x32xf32, #tpu.memory_space<hbm>>
    tpu.wait_dma2 semaphore(%arg19 : memref<!tpu.dma_semaphore, #tpu.memory_space<semaphore_mem>>) src(%arg15 : memref<80x32xf32, #tpu.memory_space<vmem>>) dst(%dma_wait3A_842 : memref<80x32xf32, #tpu.memory_space<hbm>>)
    return
  }
}

module attributes {stable_mosaic.version = 14 : i64} {
  func.func @_tc1_body(%arg0: i32, %arg1: memref<1000x128xf32, #tpu.memory_space<vmem>>, %arg2: memref<128x64xf32, #tpu.memory_space<vmem>>, %arg3: memref<1x64xf32, #tpu.memory_space<vmem>>, %arg4: memref<2x1000x16xf32, #tpu.memory_space<vmem>>, %arg5: memref<1000x64xf32, #tpu.memory_space<vmem>>) attributes {dimension_semantics = [#tpu.dimension_semantics<arbitrary>], iteration_bounds = array<i64: 10>, scalar_prefetch = 0 : i64, scratch_operands = 0 : i64, tpu.core_type = #tpu.core_type<tc>, window_params = [{transform_indices = @transform_0, window_bounds = array<i64: 1000, 128>}, {pipeline_mode = #tpu.pipeline_mode<synchronous>, transform_indices = @transform_1, window_bounds = array<i64: 128, 64>}, {pipeline_mode = #tpu.pipeline_mode<synchronous>, transform_indices = @transform_2, window_bounds = array<i64: 1, 64>}, {transform_indices = @transform_3, window_bounds = array<i64: 2, 1000, 16>}, {transform_indices = @transform_4, window_bounds = array<i64: 1000, 64>}]} {
    %get3A = arith.constant 0 : index
    %get3A_0 = arith.constant 0 : index
    %get3A_1 = vector.load %arg3[%get3A, %get3A_0] : memref<1x64xf32, #tpu.memory_space<vmem>>, vector<1x64xf32>
    %rsqrt3A = arith.constant 1.000010e+00 : f32
    %rsqrt3A_2 = math.rsqrt %rsqrt3A : f32
    %mul3A = vector.broadcast %rsqrt3A_2 : f32 to vector<1x64xf32>
    %mul3A_3 = arith.mulf %get3A_1, %mul3A : vector<1x64xf32>
    %get3A_4 = arith.constant 0 : index
    %get3A_5 = arith.constant 0 : index
    %get3A_6 = arith.constant 0 : index
    %get3A_7 = vector.load %arg4[%get3A_4, %get3A_5, %get3A_6] : memref<2x1000x16xf32, #tpu.memory_space<vmem>>, vector<1x1000x1xf32>
    %get3A_8 = vector.shape_cast %get3A_7 : vector<1x1000x1xf32> to vector<1000x1xf32>
    %get3A_9 = arith.constant 1 : index
    %get3A_10 = arith.constant 0 : index
    %get3A_11 = arith.constant 0 : index
    %get3A_12 = vector.load %arg4[%get3A_9, %get3A_10, %get3A_11] : memref<2x1000x16xf32, #tpu.memory_space<vmem>>, vector<1x1000x1xf32>
    %get3A_13 = vector.shape_cast %get3A_12 : vector<1x1000x1xf32> to vector<1000x1xf32>
    %add3A = arith.addf %get3A_8, %get3A_13 : vector<1000x1xf32>
    %add3A_14 = arith.constant 1.000000e+00 : f32
    %add3A_15 = vector.broadcast %add3A_14 : f32 to vector<1000x1xf32>
    %add3A_16 = arith.addf %add3A, %add3A_15 : vector<1000x1xf32>
    %rsqrt3A_17 = math.rsqrt %add3A_16 : vector<1000x1xf32>
    %get3A_18 = arith.constant 0 : index
    %get3A_19 = arith.constant 0 : index
    %get3A_20 = vector.load %arg1[%get3A_18, %get3A_19] : memref<1000x128xf32, #tpu.memory_space<vmem>>, vector<1000x128xf32>
    %get3A_21 = arith.constant 0 : index
    %get3A_22 = arith.constant 0 : index
    %get3A_23 = vector.load %arg2[%get3A_21, %get3A_22] : memref<128x64xf32, #tpu.memory_space<vmem>>, vector<128x64xf32>
    %mul3A_24 = vector.broadcast %mul3A_3 : vector<1x64xf32> to vector<128x64xf32>
    %mul3A_25 = arith.mulf %get3A_23, %mul3A_24 : vector<128x64xf32>
    %dot_general3A = arith.constant dense<0.000000e+00> : vector<1000x64xf32>
    %dot_general3A_26 = tpu.matmul %get3A_20, %mul3A_25, %dot_general3A {dimension_numbers = #tpu.dot_dimension_numbers<[1], [0], [0], [1], [0, 0, 1, 1], [], []>, transpose_lhs_hint = false} : vector<1000x128xf32>, vector<128x64xf32>, vector<1000x64xf32> -> vector<1000x64xf32>
    %mul3A_27 = vector.broadcast %rsqrt3A_17 : vector<1000x1xf32> to vector<1000x64xf32>
    %mul3A_28 = arith.mulf %dot_general3A_26, %mul3A_27 : vector<1000x64xf32>
    %swap3A = arith.constant 0 : index
    %swap3A_29 = arith.constant 0 : index
    %swap3A_30 = vector.load %arg5[%swap3A, %swap3A_29] : memref<1000x64xf32, #tpu.memory_space<vmem>>, vector<1000x64xf32>
    tpu.vector_store %arg5[%swap3A, %swap3A_29], %mul3A_28 {strides = array<i32>} : memref<1000x64xf32, #tpu.memory_space<vmem>>, vector<1000x64xf32>,
    return
  }
  func.func @transform_0(%arg0: i32) -> (i32, i32) {
    %c0_i32 = arith.constant 0 : i32
    %c0_i32_0 = arith.constant 0 : i32
    return %arg0, %c0_i32 : i32, i32
  }
  func.func @transform_1(%arg0: i32) -> (i32, i32) {
    %c0_i32 = arith.constant 0 : i32
    %c0_i32_0 = arith.constant 0 : i32
    %c0_i32_1 = arith.constant 0 : i32
    return %c0_i32, %c0_i32_0 : i32, i32
  }
  func.func @transform_2(%arg0: i32) -> (i32, i32) {
    %c0_i32 = arith.constant 0 : i32
    %c0_i32_0 = arith.constant 0 : i32
    %c0_i32_1 = arith.constant 0 : i32
    return %c0_i32, %c0_i32_0 : i32, i32
  }
  func.func @transform_3(%arg0: i32) -> (i32, i32, i32) {
    %c0_i32 = arith.constant 0 : i32
    %c0_i32_0 = arith.constant 0 : i32
    %c0_i32_1 = arith.constant 0 : i32
    return %c0_i32, %arg0, %c0_i32_0 : i32, i32, i32
  }
  func.func @transform_4(%arg0: i32) -> (i32, i32) {
    %c0_i32 = arith.constant 0 : i32
    %c0_i32_0 = arith.constant 0 : i32
    return %arg0, %c0_i32 : i32, i32
  }
}

module attributes {stable_mosaic.version = 14 : i64} {
  func.func @_tc2_body(%arg0: i32, %arg1: memref<2x1000x64xf32, #tpu.memory_space<vmem>>, %arg2: memref<1000x64xf32, #tpu.memory_space<vmem>>, %arg3: memref<2x1000x16xf32, #tpu.memory_space<vmem>>, %arg4: memref<1x64xf32, #tpu.memory_space<vmem>>, %arg5: memref<1x64xf32, #tpu.memory_space<vmem>>, %arg6: memref<1x64xf32, #tpu.memory_space<vmem>>, %arg7: memref<64x32xf32, #tpu.memory_space<vmem>>, %arg8: memref<1000x32xf32, #tpu.memory_space<vmem>>) attributes {dimension_semantics = [#tpu.dimension_semantics<arbitrary>], iteration_bounds = array<i64: 10>, scalar_prefetch = 0 : i64, scratch_operands = 0 : i64, tpu.core_type = #tpu.core_type<tc>, window_params = [{transform_indices = @transform_0, window_bounds = array<i64: 2, 1000, 64>}, {transform_indices = @transform_1, window_bounds = array<i64: 1000, 64>}, {transform_indices = @transform_2, window_bounds = array<i64: 2, 1000, 16>}, {pipeline_mode = #tpu.pipeline_mode<synchronous>, transform_indices = @transform_3, window_bounds = array<i64: 1, 64>}, {pipeline_mode = #tpu.pipeline_mode<synchronous>, transform_indices = @transform_4, window_bounds = array<i64: 1, 64>}, {pipeline_mode = #tpu.pipeline_mode<synchronous>, transform_indices = @transform_5, window_bounds = array<i64: 1, 64>}, {pipeline_mode = #tpu.pipeline_mode<synchronous>, transform_indices = @transform_6, window_bounds = array<i64: 64, 32>}, {transform_indices = @transform_7, window_bounds = array<i64: 1000, 32>}]} {
    %get3A = arith.constant 0 : index
    %get3A_0 = arith.constant 0 : index
    %get3A_1 = vector.load %arg4[%get3A, %get3A_0] : memref<1x64xf32, #tpu.memory_space<vmem>>, vector<1x64xf32>
    %rsqrt3A = arith.constant 1.000010e+00 : f32
    %rsqrt3A_2 = math.rsqrt %rsqrt3A : f32
    %mul3A = vector.broadcast %rsqrt3A_2 : f32 to vector<1x64xf32>
    %mul3A_3 = arith.mulf %get3A_1, %mul3A : vector<1x64xf32>
    %get3A_4 = arith.constant 0 : index
    %get3A_5 = arith.constant 0 : index
    %get3A_6 = vector.load %arg5[%get3A_4, %get3A_5] : memref<1x64xf32, #tpu.memory_space<vmem>>, vector<1x64xf32>
    %mul3A_7 = arith.mulf %get3A_6, %mul3A_3 : vector<1x64xf32>
    %get3A_8 = arith.constant 0 : index
    %get3A_9 = arith.constant 0 : index
    %get3A_10 = vector.load %arg6[%get3A_8, %get3A_9] : memref<1x64xf32, #tpu.memory_space<vmem>>, vector<1x64xf32>
    %add3A = arith.addf %mul3A_7, %get3A_10 : vector<1x64xf32>
    %get3A_11 = arith.constant 0 : index
    %get3A_12 = arith.constant 0 : index
    %get3A_13 = arith.constant 0 : index
    %get3A_14 = vector.load %arg3[%get3A_11, %get3A_12, %get3A_13] : memref<2x1000x16xf32, #tpu.memory_space<vmem>>, vector<1x1000x1xf32>
    %get3A_15 = vector.shape_cast %get3A_14 : vector<1x1000x1xf32> to vector<1000x1xf32>
    %get3A_16 = arith.constant 1 : index
    %get3A_17 = arith.constant 0 : index
    %get3A_18 = arith.constant 0 : index
    %get3A_19 = vector.load %arg3[%get3A_16, %get3A_17, %get3A_18] : memref<2x1000x16xf32, #tpu.memory_space<vmem>>, vector<1x1000x1xf32>
    %get3A_20 = vector.shape_cast %get3A_19 : vector<1x1000x1xf32> to vector<1000x1xf32>
    %add3A_21 = arith.addf %get3A_15, %get3A_20 : vector<1000x1xf32>
    %add3A_22 = arith.constant 1.000000e+00 : f32
    %add3A_23 = vector.broadcast %add3A_22 : f32 to vector<1000x1xf32>
    %add3A_24 = arith.addf %add3A_21, %add3A_23 : vector<1000x1xf32>
    %rsqrt3A_25 = math.rsqrt %add3A_24 : vector<1000x1xf32>
    %get3A_26 = arith.constant 0 : index
    %get3A_27 = arith.constant 0 : index
    %get3A_28 = arith.constant 0 : index
    %get3A_29 = vector.load %arg1[%get3A_26, %get3A_27, %get3A_28] : memref<2x1000x64xf32, #tpu.memory_space<vmem>>, vector<1x1000x64xf32>
    %get3A_30 = vector.shape_cast %get3A_29 : vector<1x1000x64xf32> to vector<1000x64xf32>
    %get3A_31 = arith.constant 1 : index
    %get3A_32 = arith.constant 0 : index
    %get3A_33 = arith.constant 0 : index
    %get3A_34 = vector.load %arg1[%get3A_31, %get3A_32, %get3A_33] : memref<2x1000x64xf32, #tpu.memory_space<vmem>>, vector<1x1000x64xf32>
    %get3A_35 = vector.shape_cast %get3A_34 : vector<1x1000x64xf32> to vector<1000x64xf32>
    %add3A_36 = arith.addf %get3A_30, %get3A_35 : vector<1000x64xf32>
    %get3A_37 = arith.constant 0 : index
    %get3A_38 = arith.constant 0 : index
    %get3A_39 = vector.load %arg2[%get3A_37, %get3A_38] : memref<1000x64xf32, #tpu.memory_space<vmem>>, vector<1000x64xf32>
    %add3A_40 = arith.addf %add3A_36, %get3A_39 : vector<1000x64xf32>
    %mul3A_41 = vector.broadcast %rsqrt3A_25 : vector<1000x1xf32> to vector<1000x64xf32>
    %mul3A_42 = arith.mulf %add3A_40, %mul3A_41 : vector<1000x64xf32>
    %add3A_43 = vector.broadcast %add3A : vector<1x64xf32> to vector<1000x64xf32>
    %add3A_44 = arith.addf %mul3A_42, %add3A_43 : vector<1000x64xf32>
    %max3A = arith.constant 0.000000e+00 : f32
    %max3A_45 = vector.broadcast %max3A : f32 to vector<1000x64xf32>
    %max3A_46 = arith.maximumf %add3A_44, %max3A_45 : vector<1000x64xf32>
    %get3A_47 = arith.constant 0 : index
    %get3A_48 = arith.constant 0 : index
    %get3A_49 = vector.load %arg7[%get3A_47, %get3A_48] : memref<64x32xf32, #tpu.memory_space<vmem>>, vector<64x32xf32>
    %dot_general3A = arith.constant dense<0.000000e+00> : vector<1000x32xf32>
    %dot_general3A_50 = tpu.matmul %max3A_46, %get3A_49, %dot_general3A {dimension_numbers = #tpu.dot_dimension_numbers<[1], [0], [0], [1], [0, 0, 1, 1], [], []>, transpose_lhs_hint = false} : vector<1000x64xf32>, vector<64x32xf32>, vector<1000x32xf32> -> vector<1000x32xf32>
    %mul3A_51 = vector.broadcast %rsqrt3A_25 : vector<1000x1xf32> to vector<1000x32xf32>
    %mul3A_52 = arith.mulf %dot_general3A_50, %mul3A_51 : vector<1000x32xf32>
    %swap3A = arith.constant 0 : index
    %swap3A_53 = arith.constant 0 : index
    %swap3A_54 = vector.load %arg8[%swap3A, %swap3A_53] : memref<1000x32xf32, #tpu.memory_space<vmem>>, vector<1000x32xf32>
    tpu.vector_store %arg8[%swap3A, %swap3A_53], %mul3A_52 {strides = array<i32>} : memref<1000x32xf32, #tpu.memory_space<vmem>>, vector<1000x32xf32>,
    return
  }
  func.func @transform_0(%arg0: i32) -> (i32, i32, i32) {
    %c0_i32 = arith.constant 0 : i32
    %c0_i32_0 = arith.constant 0 : i32
    %c0_i32_1 = arith.constant 0 : i32
    return %c0_i32, %arg0, %c0_i32_0 : i32, i32, i32
  }
  func.func @transform_1(%arg0: i32) -> (i32, i32) {
    %c0_i32 = arith.constant 0 : i32
    %c0_i32_0 = arith.constant 0 : i32
    return %arg0, %c0_i32 : i32, i32
  }
  func.func @transform_2(%arg0: i32) -> (i32, i32, i32) {
    %c0_i32 = arith.constant 0 : i32
    %c0_i32_0 = arith.constant 0 : i32
    %c0_i32_1 = arith.constant 0 : i32
    return %c0_i32, %arg0, %c0_i32_0 : i32, i32, i32
  }
  func.func @transform_3(%arg0: i32) -> (i32, i32) {
    %c0_i32 = arith.constant 0 : i32
    %c0_i32_0 = arith.constant 0 : i32
    %c0_i32_1 = arith.constant 0 : i32
    return %c0_i32, %c0_i32_0 : i32, i32
  }
  func.func @transform_4(%arg0: i32) -> (i32, i32) {
    %c0_i32 = arith.constant 0 : i32
    %c0_i32_0 = arith.constant 0 : i32
    %c0_i32_1 = arith.constant 0 : i32
    return %c0_i32, %c0_i32_0 : i32, i32
  }
  func.func @transform_5(%arg0: i32) -> (i32, i32) {
    %c0_i32 = arith.constant 0 : i32
    %c0_i32_0 = arith.constant 0 : i32
    %c0_i32_1 = arith.constant 0 : i32
    return %c0_i32, %c0_i32_0 : i32, i32
  }
  func.func @transform_6(%arg0: i32) -> (i32, i32) {
    %c0_i32 = arith.constant 0 : i32
    %c0_i32_0 = arith.constant 0 : i32
    %c0_i32_1 = arith.constant 0 : i32
    return %c0_i32, %c0_i32_0 : i32, i32
  }
  func.func @transform_7(%arg0: i32) -> (i32, i32) {
    %c0_i32 = arith.constant 0 : i32
    %c0_i32_0 = arith.constant 0 : i32
    return %arg0, %c0_i32 : i32, i32
  }
}

module attributes {stable_mosaic.version = 14 : i64} {
  func.func @_tc3_body(%arg0: i32, %arg1: memref<2x1000x32xf32, #tpu.memory_space<vmem>>, %arg2: memref<1000x32xf32, #tpu.memory_space<vmem>>, %arg3: memref<2x1000x16xf32, #tpu.memory_space<vmem>>, %arg4: memref<1x32xf32, #tpu.memory_space<vmem>>, %arg5: memref<1000x32xf32, #tpu.memory_space<vmem>>) attributes {dimension_semantics = [#tpu.dimension_semantics<arbitrary>], iteration_bounds = array<i64: 10>, scalar_prefetch = 0 : i64, scratch_operands = 0 : i64, tpu.core_type = #tpu.core_type<tc>, window_params = [{transform_indices = @transform_0, window_bounds = array<i64: 2, 1000, 32>}, {transform_indices = @transform_1, window_bounds = array<i64: 1000, 32>}, {transform_indices = @transform_2, window_bounds = array<i64: 2, 1000, 16>}, {pipeline_mode = #tpu.pipeline_mode<synchronous>, transform_indices = @transform_3, window_bounds = array<i64: 1, 32>}, {transform_indices = @transform_4, window_bounds = array<i64: 1000, 32>}]} {
    %get3A = arith.constant 0 : index
    %get3A_0 = arith.constant 0 : index
    %get3A_1 = arith.constant 0 : index
    %get3A_2 = vector.load %arg3[%get3A, %get3A_0, %get3A_1] : memref<2x1000x16xf32, #tpu.memory_space<vmem>>, vector<1x1000x1xf32>
    %get3A_3 = vector.shape_cast %get3A_2 : vector<1x1000x1xf32> to vector<1000x1xf32>
    %get3A_4 = arith.constant 1 : index
    %get3A_5 = arith.constant 0 : index
    %get3A_6 = arith.constant 0 : index
    %get3A_7 = vector.load %arg3[%get3A_4, %get3A_5, %get3A_6] : memref<2x1000x16xf32, #tpu.memory_space<vmem>>, vector<1x1000x1xf32>
    %get3A_8 = vector.shape_cast %get3A_7 : vector<1x1000x1xf32> to vector<1000x1xf32>
    %add3A = arith.addf %get3A_3, %get3A_8 : vector<1000x1xf32>
    %add3A_9 = arith.constant 1.000000e+00 : f32
    %add3A_10 = vector.broadcast %add3A_9 : f32 to vector<1000x1xf32>
    %add3A_11 = arith.addf %add3A, %add3A_10 : vector<1000x1xf32>
    %rsqrt3A = math.rsqrt %add3A_11 : vector<1000x1xf32>
    %get3A_12 = arith.constant 0 : index
    %get3A_13 = arith.constant 0 : index
    %get3A_14 = arith.constant 0 : index
    %get3A_15 = vector.load %arg1[%get3A_12, %get3A_13, %get3A_14] : memref<2x1000x32xf32, #tpu.memory_space<vmem>>, vector<1x1000x32xf32>
    %get3A_16 = vector.shape_cast %get3A_15 : vector<1x1000x32xf32> to vector<1000x32xf32>
    %get3A_17 = arith.constant 1 : index
    %get3A_18 = arith.constant 0 : index
    %get3A_19 = arith.constant 0 : index
    %get3A_20 = vector.load %arg1[%get3A_17, %get3A_18, %get3A_19] : memref<2x1000x32xf32, #tpu.memory_space<vmem>>, vector<1x1000x32xf32>
    %get3A_21 = vector.shape_cast %get3A_20 : vector<1x1000x32xf32> to vector<1000x32xf32>
    %add3A_22 = arith.addf %get3A_16, %get3A_21 : vector<1000x32xf32>
    %get3A_23 = arith.constant 0 : index
    %get3A_24 = arith.constant 0 : index
    %get3A_25 = vector.load %arg2[%get3A_23, %get3A_24] : memref<1000x32xf32, #tpu.memory_space<vmem>>, vector<1000x32xf32>
    %add3A_26 = arith.addf %add3A_22, %get3A_25 : vector<1000x32xf32>
    %mul3A = vector.broadcast %rsqrt3A : vector<1000x1xf32> to vector<1000x32xf32>
    %mul3A_27 = arith.mulf %add3A_26, %mul3A : vector<1000x32xf32>
    %get3A_28 = arith.constant 0 : index
    %get3A_29 = arith.constant 0 : index
    %get3A_30 = vector.load %arg4[%get3A_28, %get3A_29] : memref<1x32xf32, #tpu.memory_space<vmem>>, vector<1x32xf32>
    %add3A_31 = vector.broadcast %get3A_30 : vector<1x32xf32> to vector<1000x32xf32>
    %add3A_32 = arith.addf %mul3A_27, %add3A_31 : vector<1000x32xf32>
    %swap3A = arith.constant 0 : index
    %swap3A_33 = arith.constant 0 : index
    %swap3A_34 = vector.load %arg5[%swap3A, %swap3A_33] : memref<1000x32xf32, #tpu.memory_space<vmem>>, vector<1000x32xf32>
    tpu.vector_store %arg5[%swap3A, %swap3A_33], %add3A_32 {strides = array<i32>} : memref<1000x32xf32, #tpu.memory_space<vmem>>, vector<1000x32xf32>,
    return
  }
  func.func @transform_0(%arg0: i32) -> (i32, i32, i32) {
    %c0_i32 = arith.constant 0 : i32
    %c0_i32_0 = arith.constant 0 : i32
    %c0_i32_1 = arith.constant 0 : i32
    return %c0_i32, %arg0, %c0_i32_0 : i32, i32, i32
  }
  func.func @transform_1(%arg0: i32) -> (i32, i32) {
    %c0_i32 = arith.constant 0 : i32
    %c0_i32_0 = arith.constant 0 : i32
    return %arg0, %c0_i32 : i32, i32
  }
  func.func @transform_2(%arg0: i32) -> (i32, i32, i32) {
    %c0_i32 = arith.constant 0 : i32
    %c0_i32_0 = arith.constant 0 : i32
    %c0_i32_1 = arith.constant 0 : i32
    return %c0_i32, %arg0, %c0_i32_0 : i32, i32, i32
  }
  func.func @transform_3(%arg0: i32) -> (i32, i32) {
    %c0_i32 = arith.constant 0 : i32
    %c0_i32_0 = arith.constant 0 : i32
    %c0_i32_1 = arith.constant 0 : i32
    return %c0_i32, %c0_i32_0 : i32, i32
  }
  func.func @transform_4(%arg0: i32) -> (i32, i32) {
    %c0_i32 = arith.constant 0 : i32
    %c0_i32_0 = arith.constant 0 : i32
    return %arg0, %c0_i32 : i32, i32
  }
}

</mosaic_0001>

<sc_bundles>
// kernel: _run.11.cloned.1.call-start
scs
__scs_entry_jumppad:
0x0: {  	(pc) =	sbr.rel $0x88, $3  }
0x1: {  	(tag) =	ssettag $0x0;
	lr =	simm.s32 $0x1  }
0x2: {  	[smem:$0x3F99] =	sst lr;
	_ =	strace $0xD0000000  }
0x3: {  	_ = 	snop  }
0x4: {  	_ = 	snop  }
0x5: {  	_ = 	snop  }
0x6: {  	_ = 	snop  }
0x7: {  	_ = 	snop  }
__scs_overlays_trampoline_lowered:
0x8: {  	[smem:$0x3FA8] =	sst s0  }
0x9: {  	[smem:$0x3FA9] =	sst s1  }
0xa: {  	[smem:$0x3FAA] =	sst s2  }
0xb: {  	[smem:$0x3FAB] =	sst s3  }
0xc: {  	[smem:$0x3FAC] =	sst s4  }
0xd: {  	[smem:$0x3FAD] =	sst s5  }
0xe: {  	[smem:$0x3FAE] =	sst s6  }
0xf: {  	[smem:$0x3FAF] =	sst s7  }
0x10: {  	[smem:$0x3FB0] =	sst s8  }
0x11: {  	[smem:$0x3FB1] =	sst s9;
	s0 =	simm.s32 @!p0 $0x0  }
0x12: {  	s1 =	sld [smem:$0x3F97];
	s0 =	simm.s32 @p0 $0x1  }
0x13: {  	[smem:$0x3FB2] =	sst s0;
	s0 =	simm.s32 @!p1 $0x0  }
0x14: {  	s2 =	sld [smem:$0x3F96];
	s0 =	simm.s32 @p1 $0x1  }
0x15: {  	[smem:$0x3FB3] =	sst s0;
	s0 =	simm.s32 @!p2 $0x0  }
0x16: {  	s3 =	sld [smem:$0x3FDB];
	s0 =	simm.s32 @p2 $0x1  }
0x17: {  	s4 =	simm.s32 $0x1BF5;
	[smem:$0x3FB5] =	sst s0  }
0x18: {  	s0 =	sld [smem:$0x3F98];
	_ =	swait.ge [sflag:s4], $0x0  }
0x19: {  	s7 =	sld [smem:$0x3F99]  }
0x1a: {  	s8 =	sadd.s32 $0xFFFFE003, lr  }
0x1b: {  	s9 =	sadd.s32 $0xFFFFFEF7, lr;
	s5 =	simm.s32 $0xFFFFFFFF;
	p2 =	slt.u32 s8, $0xFFFFF086  }
0x1c: {  	p1 =	slt.u32 s9, $0xF7A;
	s5 =	simm.s32 @!p2 $0x0  }
0x1d: {  	s5 =	simm.s32 @p1 $0x1;
	p0 =	seq.s32 s7, s2  }
0x1e: {  	s7 =	smul.u32 @!p0 $0xF7A, s2;
	p2 =	seq.s32 @!p0 s5, $0x0  }
0x1f: {  	s9 =	smul.u32 $0xF7A, s1;
	s8 =	simm.s32 @!p0 $0x1BF5;
	p2 =	por !p2, p0  }
0x20: {  	[sflag:s8] =	ssyncset.s32 @!p0 $0xFFFFF086;
	s6 =	sadd.s32 @!p0 s3, s7;
	s7 =	simm.s32 @!p0 $0x108  }
0x21: {  	s3 =	sadd.s32 s3, s9;
	s6 =	sadd.s32 @!p0 $0x88, s6;
	s7 =	simm.s32 @p2 $0x1082  }
0x22: {  	[simem:s7], [sflag:s8] =	dma.local @!p0 [hbm:s6], $0xF7A  }
0x23: {  	s9 =	sor.u32 $0xD0000000, s2;
	s6 =	simm.s32 $0x108;
	_ =	swait.ge @!p0 [sflag:s8], $0x0  }
0x24: {  	s3 =	sadd.s32 $0x88, s3;
	s6 =	simm.s32 @!p1 $0x1082;
	[sflag:s4] =	ssyncset.s32 $0xFFFFF086  }
0x25: {  	[simem:s6], [sflag:s4] =	dma.local [hbm:s3], $0xF7A  }
0x26: {  	[smem:$0x3F99] =	sst s1;
	(tag) =	ssettag s2;
	_ =	strace s9  }
0x27: {  	s1 =	sld [smem:$0x3FA9]  }
0x28: {  	s2 =	sld [smem:$0x3FAA]  }
0x29: {  	s4 =	sld [smem:$0x3FAC]  }
0x2a: {  	p0 =	seq.s32 s5, $0x0;
	s5 =	sld [smem:$0x3FAD]  }
0x2b: {  	s6 =	sld [smem:$0x3FAE]  }
0x2c: {  	s7 =	sld [smem:$0x3FAF]  }
0x2d: {  	s3 =	simm.s32 $0x108;
	s8 =	sld [smem:$0x3FB0]  }
0x2e: {  	s3 =	simm.s32 @!p0 $0x1082;
	s9 =	sld [smem:$0x3FB1]  }
0x2f: {  	lr =	sadd.s32 s0, s3;
	s0 =	sld [smem:$0x3FA8]  }
0x30: {  	s3 =	sld [smem:$0x3FAB]  }
0x31: {  	[smem:$0x3FB4] =	sst s10  }
0x32: {  	s10 =	sld [smem:$0x3FB2];
	_ =	sdelay $0x3  }
0x33: {  	p0 =	seq.s32 s10, $0x1;
	s10 =	sld [smem:$0x3FB4];
	_ =	sdelay $0x3  }
0x34: {  	[smem:$0x3FB4] =	sst s10  }
0x35: {  	s10 =	sld [smem:$0x3FB3];
	_ =	sdelay $0x3  }
0x36: {  	p1 =	seq.s32 s10, $0x1;
	s10 =	sld [smem:$0x3FB4];
	_ =	sdelay $0x3  }
0x37: {  	[smem:$0x3FB4] =	sst s10  }
0x38: {  	s10 =	sld [smem:$0x3FB5]  }
0x39: {  	_ = 	snop;
	(pc) =	sbr.ind lr, $3  }
0x3a: {  	_ = 	snop  }
0x3b: {  	_ = 	snop  }
0x3c: {  	p2 =	seq.s32 s10, $0x1;
	s10 =	sld [smem:$0x3FB4]  }
0x3d: {  	_ =	shalt  }
0x3e: {  	_ =	shalt  }
0x3f: {  	_ =	shalt  }
0x40: {  	_ =	shalt  }
0x41: {  	_ =	shalt  }
0x42: {  	_ =	shalt  }
0x43: {  	_ =	shalt  }
0x44: {  	_ =	shalt  }
0x45: {  	_ =	shalt  }
0x46: {  	_ =	shalt  }
0x47: {  	_ =	shalt  }
0x48: {  	_ =	shalt  }
0x49: {  	_ =	shalt  }
0x4a: {  	_ =	shalt  }
0x4b: {  	_ =	shalt  }
0x4c: {  	_ =	shalt  }
0x4d: {  	_ =	shalt  }
0x4e: {  	_ =	shalt  }
0x4f: {  	_ =	shalt  }
0x50: {  	_ =	shalt  }
0x51: {  	_ =	shalt  }
0x52: {  	_ =	shalt  }
0x53: {  	_ =	shalt  }
0x54: {  	_ =	shalt  }
0x55: {  	_ =	shalt  }
0x56: {  	_ =	shalt  }
0x57: {  	_ =	shalt  }
0x58: {  	_ =	shalt  }
0x59: {  	_ =	shalt  }
0x5a: {  	_ =	shalt  }
0x5b: {  	_ =	shalt  }
0x5c: {  	_ =	shalt  }
0x5d: {  	_ =	shalt  }
0x5e: {  	_ =	shalt  }
0x5f: {  	_ =	shalt  }
0x60: {  	_ =	shalt  }
0x61: {  	_ =	shalt  }
0x62: {  	_ =	shalt  }
0x63: {  	_ =	shalt  }
0x64: {  	_ =	shalt  }
0x65: {  	_ =	shalt  }
0x66: {  	_ =	shalt  }
0x67: {  	_ =	shalt  }
0x68: {  	_ =	shalt  }
0x69: {  	_ =	shalt  }
0x6a: {  	_ =	shalt  }
0x6b: {  	_ =	shalt  }
0x6c: {  	_ =	shalt  }
0x6d: {  	_ =	shalt  }
0x6e: {  	_ =	shalt  }
0x6f: {  	_ =	shalt  }
0x70: {  	_ =	shalt  }
0x71: {  	_ =	shalt  }
0x72: {  	_ =	shalt  }
0x73: {  	_ =	shalt  }
0x74: {  	_ =	shalt  }
0x75: {  	_ =	shalt  }
0x76: {  	_ =	shalt  }
0x77: {  	_ =	shalt  }
0x78: {  	_ =	shalt  }
0x79: {  	_ =	shalt  }
0x7a: {  	_ =	shalt  }
0x7b: {  	_ =	shalt  }
0x7c: {  	_ =	shalt  }
0x7d: {  	_ =	shalt  }
0x7e: {  	_ =	shalt  }
0x7f: {  	_ =	shalt  }
0x80: {  	_ =	shalt  }
0x81: {  	_ =	shalt  }
0x82: {  	_ =	shalt  }
0x83: {  	_ =	shalt  }
0x84: {  	_ =	shalt  }
0x85: {  	_ =	shalt  }
0x86: {  	_ =	shalt  }
0x87: {  	_ =	shalt  }
.Lfunc_end0:
.L_simem_size_0:
called_computation.1_lowered:
.L_overlay_start_0:
0x88: {  	s2 =	sld [smem:$0x3FD9]  }
0x89: {  	s3 =	sld [smem:$0x3FFE];
	_ =	sdelay $0x1  }
0x8a: {  	s1 =	srdreg.scid  }
0x8b: {  	s0 =	sand.u32 $0x1, s1  }
0x8c: {  	s16 =	sshll.u32 s0, $0xA;
	s2 =	sadd.s32 s3, s2  }
0x8d: {  	s2 =	sadd.s32 s2, s16  }
0x8e: {  	[smem:$0x3FC0] =	sst s2  }
0x8f: {  	_ = 	snop  }
0x90: {  	(tm) =	ssettm $0x1  }
0x91: {  	s17 =	sld [smem:$0x3FFB];
	_ =	sdelay $0x3  }
0x92: {  	_ =	strace s17  }
0x93: {  	s2 =	sld [smem:$0x3FFC];
	_ =	sdelay $0x3  }
0x94: {  	_ =	strace s2  }
0x95: {  	s2 =	sld [smem:$0x3FFD];
	_ =	sdelay $0x3  }
0x96: {  	_ =	strace s2  }
0x97: {  	_ =	strace $0x8FFFFFFF  }
0x98: {  	s18 =	sld [smem:$0x3FDB];
	_ =	sdelay $0x1  }
0x99: {  	s19 =	simm.s32 $_scs_section_size  }
0x9a: {  	s4 =	simm.s32 $_size__tile_overlayer_lowered;
	s5 =	simm.s32 $_tile_overlayer_lowered  }
0x9b: {  	s22 =	simm.s32 $0x1BFF;
	s21 =	sshll.u32 s5, $0x1;
	s2 =	sadd.s32 s19, s18  }
0x9c: {  	s6 =	simm.s32 $0x0;
	s20 =	sshll.u32 s4, $0x1;
	s4 =	sadd.s32 s21, s2  }
0x9d: {  	[timem:s6], [sflag:s22] =	dma.local [hbm:s4], s20  }
0x9e: {  	_ =	swait.ge [sflag:s22], s20  }
0x9f: {  	s3 =	ssub.s32 $0x0, s20;
	[sflag:s22] =	ssyncset.done $0x0  }
0xa0: {  	[sflag:s22] =	ssyncadd.s32 s3;
	_ =	sdelay $0x1  }
0xa1: {  	s23 =	simm.s32 $0x1B8B  }
0xa2: {  	_ =	swait.ge [sflag:s23], $0x1  }
0xa3: {  	[sflag:s23] =	ssyncset.done $0x0  }
0xa4: {  	s25 =	simm.s32 $0x1B8E;
	s24 =	sld [smem:$0x3FFE];
	[sflag:s23] =	ssyncadd.s32 $0xFFFFFFFF  }
0xa5: {  	s26 =	simm.s32 $execute0_lowered;
	[smem:$0x3FD2] =	sst s25  }
0xa6: {  	s4 =	sshll.u32 s26, $0x1;
	_ =	strace $0x80000049;
	[dreg:$0x1] =	wrdreg $0xFFFFFFFF  }
0xa7: {  	s28 =	simm.s32 $_size_execute0_lowered;
	s2 =	sadd.s32 s2, s4;
	[dreg:$0x0] =	wrdreg $0x0  }
0xa8: {  	s4 =	sshll.u32 s28, $0x1;
	[dreg:$0x2] =	wrdreg s2  }
0xa9: {  	[dreg:$0x3] =	wrdreg s4  }
0xaa: {  	[dreg:$0x4] =	wrdreg $0xC0  }
0xab: {  	_ =	task [dreg:s6], $0x5FFFF  }
0xac: {  	[dreg:$0x1] =	wrdreg $0xFFFFFFFF  }
0xad: {  	[dreg:$0x0] =	wrdreg $0x60  }
0xae: {  	[dreg:$0x2] =	wrdreg s24  }
0xaf: {  	[dreg:$0x3] =	wrdreg $0x118A00  }
0xb0: {  	[dreg:$0x4] =	wrdreg $0x9  }
0xb1: {  	_ =	task.clear_ibuf [dreg:s6], $0x5FFFF;
	_ =	strace $0x90000049  }
0xb2: {  	s29 =	simm.s32 $0x9;
	_ =	strace $0x8000004B  }
0xb3: {  	_ =	swait.ge [sflag:s29], $0x1  }
0xb4: {  	[sflag:s29] =	ssyncadd.s32 $0xFFFFFFFF  }
0xb5: {  	_ =	strace $0x9000004B  }
0xb6: {  	_ =	sfence  }
0xb7: {  	s30 =	sld [smem:$0x0];
	_ =	sdelay $0x2  }
0xb8: {  	s31 =	sshll.u32 s1, $0xD;
	s1 =	sshrl.u32 s1, $0x2  }
0xb9: {  	s3 =	sand.u32 $0x4000, s31;
	s1 =	sadd.s32 s1, s30  }
0xba: {  	s0 =	sor.u32 s3, s0;
	s1 =	sshll.u32 s1, $0x11  }
0xbb: {  	s0 =	sor.u32 s1, s0  }
0xbc: {  	s0 =	sadd.s32 $0x8F2B, s0  }
0xbd: {  	[sflag:s0] =	ssyncadd.remote.s32 $0x1  }
0xbe: {  	_ =	sfence.sel $0xFFFF  }
0xbf: {  	[dreg:$0x0] =	wrdreg $0xFFFFFFFF;
	(pc) =	sbr.abs _section_cstart, $3  }
0xc0: {  	[dreg:$0x1] =	wrdreg $0xFFFFFFFF  }
0xc1: {  	_ =	task.clear_ibuf [dreg:s6], $0x2FFFF;
	_ =	strace $0x9FFFFFFF  }
0xc2: {  	(tm) =	ssettm $0x7FFFFFFF  }
0xc3: {  	_ =	shalt  }
tec
execute0_lowered:
.L_overlay_start_1:
0x0: {  	(tag) =	ssettag $0x1  }
0x1: {  	s0 =	rddreg [dreg:$0x0];
	s1 =	srdreg.scid  }
0x2: {  	s9 =	stileid.u32;
	s2 =	rddreg [dreg:$0x1]  }
0x3: {  	s3 =	simm.s32 $0x0;
	s18 =	simm.s32 $0x50;
	s30 =	simm.s32 $0x2  }
0x4: {  	s31 =	simm.s32 $0x1;
	s17 =	simm.s32 $0x78A0;
	s28 =	simm.s32 $0xDCA0  }
0x5: {  	s29 =	simm.s32 $0xF0A0;
	s1 =	sand.u32 $0x1, s1;
	s7 =	smul.u32 $0x28000, s9  }
0x6: {  	s4 =	sshll.u32 s9, $0x1;
	[smem:$0x7FF] =	sst s3;
	s26 =	smul.u32 $0x1400, s9  }
0x7: {  	s4 =	sor.u32 s1, s4;
	_ =	strace $0x8000004A;
	s6 =	smul.u32 $0x14000, s1  }
0x8: {  	s1 =	ssub.s32 $0x2, s1;
	s5 =	smul.u32 $0x4E2, s4;
	s4 =	sadd.s32 $0x8D200, s0  }
0x9: {  	s19 =	sshrl.u32 s1, $0x1;
	s21 =	sshrl.u32 s7, $0x2;
	s7 =	smul.u32 $0x280, s9  }
0xa: {  	s1 =	ssub.s32 s1, s19;
	s8 =	sadd.s32 s21, s2;
	s21 =	simm.s32 $0x8CA0  }
0xb: {  	s5 =	sadd.s32 s5, s0;
	s0 =	sadd.s32 s6, s0;
	s22 =	sadd.s32 $0x1400, s8  }
0xc: {  	s23 =	sadd.s32 $0x2800, s8;
	s24 =	sadd.s32 $0x3C00, s8;
	s25 =	sadd.s32 $0x5000, s8  }
0xd: {  	s13 =	sadd.s32 $0x6400, s8;
	s14 =	sadd.s32 $0x7800, s8;
	[dreg:$0x5] =	wrdreg s22  }
0xe: {  	s15 =	sadd.s32 $0x8C00, s8;
	s16 =	smax.u32 s1, $0x1;
	[dreg:$0x6] =	wrdreg s23  }
0xf: {  	s1 =	simm.s32 $0x64A0;
	s20 =	sadd.s32 $0x2600, s5;
	[dreg:$0x7] =	wrdreg s24  }
0x10: {  	s5 =	sadd.s32 $0xC240, s5;
	[dreg:$0x8] =	wrdreg s25;
	s0 =	sadd.s32 $0xA0C00, s0  }
0x11: {  	s23 =	simm.s32 $0xA0A0;
	s25 =	simm.s32 $0xB4A0;
	[dreg:$0x3] =	wrdreg s20  }
0x12: {  	s22 =	simm.s32 $0x0;
	[dreg:$0x4] =	wrdreg s5;
	s20 =	simm.s32 $0x50A0  }
0x13: {  	v0 =	vimm.f32 $0.0e+00;
	v1 =	vlaneseq.u32;
	s24 =	sadd.s32 s26, s0;
	s26 =	simm.s32 $0xC8A0;
	s0 =	simm.s32 $0x104A0  }
.LBB2_1:
0x14: {  	s5 =	rddreg [dreg:$0x3]  }
0x15: {  	[tilespmem:s3], [sflag:$0x1] =	stream.linear.gather [hbm4b:s5+s3], $0x2710, $0x38;
	[tilespmem:$0x1B8A0] =	vst v63  }
0x16: {  	s19 =	rddreg [dreg:$0x4];
	s6 =	simm.s32 $0x2710;
	s5 =	simm.s32 $0x0  }
0x17: {  	[tilespmem:s6], [sflag:$0x1] =	stream.linear.gather [hbm4b:s19+s3], $0x2710, $0x38;
	[tilespmem:$0x1B8A0] =	vst v63  }
.LBB2_2:
0x18: {  	p0 =	sne.s32 s5, $0x4F00  }
.Ltmp0:
0x19: {  	s6 =	sshra.s32 s5, $0x2;
	(pc) =	sbr.rel @p0 .LBB2_2-.Ltmp0, $4  }
0x1a: {  	[tilespmem:s6+$0x50A0] =	vst v0  }
0x1b: {  	[tilespmem:s6+$0x50B0] =	vst v0  }
0x1c: {  	[tilespmem:s6+$0x50C0] =	vst v0  }
0x1d: {  	s5 =	sadd.s32 $0x100, s5;
	[tilespmem:s6+$0x50D0] =	vst v0  }
0x1e: {  	s5 =	simm.s32 $0x0  }
0x1f: {  	s5 =	smul.u32 $0xCD, s5;
	_ =	sdelay $0x1  }
0x20: {  	s5 =	sshrl.u32 s5, $0xA  }
0x21: {  	s6 =	sand.u32 $0x3F, s5  }
0x22: {  	s5 =	simm.s32 $0x1;
	s9 =	smul.u32 $0x5, s6  }
0x23: {  	s10 =	smul.u32 $0xCD, s5  }
0x24: {  	s19 =	smul.u32 $0x140, s6;
	s9 =	ssub.s32 $0x0, s9  }
0x25: {  	s6 =	simm.s32 $0x2;
	s11 =	sshrl.u32 s10, $0xA;
	s12 =	sand.u32 $0xFF, s9  }
0x26: {  	s9 =	sshrl.u32 s19, $0x2;
	s19 =	smov.u32 s7;
	s10 =	sshll.u32 s12, $0x4  }
.LBB2_4:
0x27: {  	s12 =	smul.u32 $0xCD, s6;
	s11 =	sand.u32 $0x3F, s11  }
0x28: {  	v2 =	vor.u32 s19, v1;
	s9 =	sadd.s32 s10, s9;
	p0 =	sne.s32 s6, $0x27;
	s10 =	smul.u32 $0x5, s11  }
.Ltmp1:
0x29: {  	[tilespmem:s9+$0x4E20] =	vst v2;
	(pc) =	sbr.rel @p0 .LBB2_4-.Ltmp1, $4  }
0x2a: {  	s9 =	smul.u32 $0x140, s11;
	s11 =	smov.u32 s6  }
0x2b: {  	s6 =	sadd.s32 $0x1, s6;
	s5 =	ssub.s32 s5, s10  }
0x2c: {  	s19 =	sadd.s32 $0x10, s19;
	s10 =	sand.u32 $0xFF, s5;
	s5 =	smov.u32 s11  }
0x2d: {  	s9 =	sshrl.u32 s9, $0x2;
	s11 =	sshrl.u32 s12, $0xA;
	s10 =	sshll.u32 s10, $0x4  }
0x2e: {  	s6 =	sand.u32 $0x3F, s11  }
0x2f: {  	s11 =	smul.u32 $0x5, s6;
	_ =	sdelay $0x1  }
0x30: {  	s6 =	smul.u32 $0x140, s6;
	s5 =	ssub.s32 s5, s11  }
0x31: {  	s9 =	sadd.s32 s10, s9;
	s5 =	sand.u32 $0xFF, s5  }
0x32: {  	v2 =	vor.u32 s19, v1;
	s11 =	sadd.s32 $0x10, s19;
	s6 =	sshrl.u32 s6, $0x2;
	s5 =	sshll.u32 s5, $0x4  }
0x33: {  	[tilespmem:s9+$0x4E20] =	vst v2;
	v2 =	vor.u32 s11, v1;
	s5 =	sadd.s32 s5, s6  }
0x34: {  	s12 =	simm.s32 $0x4E20;
	[tilespmem:s5+$0x4E20] =	vst v2  }
0x35: {  	[spmem:s2] =	stream.indirect.scatter [tilespmem:s20], [sflag:$0x2], $0x40, s12, s18, $0xb8;
	[tilespmem:$0x1B8A0] =	vst v63  }
0x36: {  	s19 =	simm.s32 $0x4E70  }
0x37: {  	[spmem:s2] =	stream.indirect.scatter [tilespmem:s20], [sflag:$0x2], $0x40, s19, s18, $0xb8;
	[tilespmem:$0x1B8A0] =	vst v63  }
0x38: {  	s6 =	simm.s32 $0x4EC0  }
0x39: {  	[spmem:s2] =	stream.indirect.scatter [tilespmem:s20], [sflag:$0x2], $0x40, s6, s18, $0xb8;
	[tilespmem:$0x1B8A0] =	vst v63  }
0x3a: {  	s9 =	simm.s32 $0x4F10  }
0x3b: {  	[spmem:s2] =	stream.indirect.scatter [tilespmem:s20], [sflag:$0x2], $0x40, s9, s18, $0xb8;
	[tilespmem:$0x1B8A0] =	vst v63  }
0x3c: {  	s10 =	simm.s32 $0x4F60  }
0x3d: {  	[spmem:s2] =	stream.indirect.scatter [tilespmem:s20], [sflag:$0x2], $0x40, s10, s18, $0xb8;
	[tilespmem:$0x1B8A0] =	vst v63  }
0x3e: {  	s11 =	simm.s32 $0x4FB0  }
0x3f: {  	[spmem:s2] =	stream.indirect.scatter [tilespmem:s20], [sflag:$0x2], $0x40, s11, s18, $0xb8;
	[tilespmem:$0x1B8A0] =	vst v63  }
0x40: {  	s12 =	simm.s32 $0x5000  }
0x41: {  	[spmem:s2] =	stream.indirect.scatter [tilespmem:s20], [sflag:$0x2], $0x40, s12, s18, $0xb8;
	[tilespmem:$0x1B8A0] =	vst v63  }
0x42: {  	s19 =	simm.s32 $0x5050  }
0x43: {  	[spmem:s2] =	stream.indirect.scatter [tilespmem:s20], [sflag:$0x2], $0x40, s19, s18, $0xb8;
	[tilespmem:$0x1B8A0] =	vst v63  }
0x44: {  	_ =	swait.ge [sflag:s30], $0x1400  }
0x45: {  	[sflag:s30] =	ssyncset.done $0x0  }
0x46: {  	[sflag:s30] =	ssyncadd.s32 $0xFFFFEC00  }
0x47: {  	_ =	swait.ge [sflag:s30], $0x1400  }
0x48: {  	[sflag:s30] =	ssyncset.done $0x0  }
0x49: {  	[sflag:s30] =	ssyncadd.s32 $0xFFFFEC00  }
0x4a: {  	_ =	swait.ge [sflag:s30], $0x1400  }
0x4b: {  	[sflag:s30] =	ssyncset.done $0x0  }
0x4c: {  	[sflag:s30] =	ssyncadd.s32 $0xFFFFEC00  }
0x4d: {  	_ =	swait.ge [sflag:s30], $0x1400  }
0x4e: {  	[sflag:s30] =	ssyncset.done $0x0  }
0x4f: {  	[sflag:s30] =	ssyncadd.s32 $0xFFFFEC00  }
0x50: {  	_ =	swait.ge [sflag:s30], $0x1400  }
0x51: {  	[sflag:s30] =	ssyncset.done $0x0  }
0x52: {  	[sflag:s30] =	ssyncadd.s32 $0xFFFFEC00  }
0x53: {  	_ =	swait.ge [sflag:s30], $0x1400  }
0x54: {  	[sflag:s30] =	ssyncset.done $0x0  }
0x55: {  	[sflag:s30] =	ssyncadd.s32 $0xFFFFEC00  }
0x56: {  	_ =	swait.ge [sflag:s30], $0x1400  }
0x57: {  	[sflag:s30] =	ssyncset.done $0x0  }
0x58: {  	[sflag:s30] =	ssyncadd.s32 $0xFFFFEC00  }
0x59: {  	_ =	swait.ge [sflag:s30], $0x1400  }
0x5a: {  	[sflag:s30] =	ssyncset.done $0x0  }
0x5b: {  	[sflag:s30] =	ssyncadd.s32 $0xFFFFEC00  }
0x5c: {  	[bflag:$0x0] =	sbarrier.arrive $0xFFFF  }
0x5d: {  	_ =	swait.ge [sflag:s31], $0x2710  }
0x5e: {  	[sflag:s31] =	ssyncset.done $0x0  }
0x5f: {  	[sflag:s31] =	ssyncadd.s32 $0xFFFFD8F0  }
0x60: {  	_ =	swait.ge [sflag:s31], $0x2710  }
0x61: {  	[sflag:s31] =	ssyncset.done $0x0  }
0x62: {  	s6 =	simm.s32 $0x0;
	[sflag:s31] =	ssyncadd.s32 $0xFFFFD8F0  }
0x63: {  	[tilespmem:s20], [sflag:$0x1] =	stream.indirect.gather [hbm4b:s4+s18], $0x40, s6, s18, $0xb8;
	[tilespmem:$0x1B8A0] =	vst v63  }
0x64: {  	_ = 	snop  }
0x65: {  	[tilespmem:s1], [sflag:$0x1] =	stream.indirect.gather [hbm4b:s4+s18], $0x40, s18, s18, $0xb8;
	[tilespmem:$0x1B8A0] =	vst v63  }
0x66: {  	s9 =	simm.s32 $0xA0  }
0x67: {  	[tilespmem:s17], [sflag:$0x1] =	stream.indirect.gather [hbm4b:s4+s18], $0x40, s9, s18, $0xb8;
	[tilespmem:$0x1B8A0] =	vst v63  }
0x68: {  	s10 =	simm.s32 $0xF0  }
0x69: {  	[tilespmem:s21], [sflag:$0x1] =	stream.indirect.gather [hbm4b:s4+s18], $0x40, s10, s18, $0xb8;
	[tilespmem:$0x1B8A0] =	vst v63  }
0x6a: {  	s11 =	simm.s32 $0x140  }
0x6b: {  	[tilespmem:s23], [sflag:$0x1] =	stream.indirect.gather [hbm4b:s4+s18], $0x40, s11, s18, $0xb8;
	[tilespmem:$0x1B8A0] =	vst v63  }
0x6c: {  	_ =	swait.ge [sflag:s31], $0x1400  }
0x6d: {  	[sflag:s31] =	ssyncset.done $0x0  }
0x6e: {  	[sflag:s31] =	ssyncadd.s32 $0xFFFFEC00  }
0x6f: {  	_ =	swait.ge [sflag:s31], $0x1400  }
0x70: {  	[sflag:s31] =	ssyncset.done $0x0  }
0x71: {  	[sflag:s31] =	ssyncadd.s32 $0xFFFFEC00  }
0x72: {  	_ =	swait.ge [sflag:s31], $0x1400  }
0x73: {  	[sflag:s31] =	ssyncset.done $0x0  }
0x74: {  	[sflag:s31] =	ssyncadd.s32 $0xFFFFEC00  }
0x75: {  	_ =	swait.ge [sflag:s31], $0x1400  }
0x76: {  	[sflag:s31] =	ssyncset.done $0x0  }
0x77: {  	[sflag:s31] =	ssyncadd.s32 $0xFFFFEC00  }
0x78: {  	_ =	swait.ge [sflag:s31], $0x1400  }
0x79: {  	[sflag:s31] =	ssyncset.done $0x0  }
0x7a: {  	s12 =	simm.s32 $0x190;
	[sflag:s31] =	ssyncadd.s32 $0xFFFFEC00  }
0x7b: {  	[tilespmem:s25], [sflag:$0x1] =	stream.indirect.gather [hbm4b:s4+s18], $0x40, s12, s18, $0xb8;
	[tilespmem:$0x1B8A0] =	vst v63  }
0x7c: {  	s19 =	simm.s32 $0x1E0  }
0x7d: {  	[tilespmem:s26], [sflag:$0x1] =	stream.indirect.gather [hbm4b:s4+s18], $0x40, s19, s18, $0xb8;
	[tilespmem:$0x1B8A0] =	vst v63  }
0x7e: {  	s6 =	simm.s32 $0x230  }
0x7f: {  	[tilespmem:s28], [sflag:$0x1] =	stream.indirect.gather [hbm4b:s4+s18], $0x40, s6, s18, $0xb8;
	[tilespmem:$0x1B8A0] =	vst v63  }
0x80: {  	s9 =	simm.s32 $0x280  }
0x81: {  	[tilespmem:s29], [sflag:$0x1] =	stream.indirect.gather [hbm4b:s4+s18], $0x40, s9, s18, $0xb8;
	[tilespmem:$0x1B8A0] =	vst v63  }
0x82: {  	s10 =	simm.s32 $0x2D0  }
0x83: {  	[tilespmem:s0], [sflag:$0x1] =	stream.indirect.gather [hbm4b:s4+s18], $0x40, s10, s18, $0xb8;
	[tilespmem:$0x1B8A0] =	vst v63  }
0x84: {  	s11 =	simm.s32 $0x2710  }
0x85: {  	[spmem:s2] =	stream.indirect.scatter.add.f32 [tilespmem:s20], [sflag:$0x2], $0x40, s11, s18, $0xb8;
	[tilespmem:$0x1B8A0] =	vst v63  }
0x86: {  	s12 =	simm.s32 $0x2760  }
0x87: {  	[spmem:s2] =	stream.indirect.scatter.add.f32 [tilespmem:s1], [sflag:$0x2], $0x40, s12, s18, $0xb8;
	[tilespmem:$0x1B8A0] =	vst v63  }
0x88: {  	s19 =	simm.s32 $0x27B0  }
0x89: {  	[spmem:s2] =	stream.indirect.scatter.add.f32 [tilespmem:s17], [sflag:$0x2], $0x40, s19, s18, $0xb8;
	[tilespmem:$0x1B8A0] =	vst v63  }
0x8a: {  	s6 =	simm.s32 $0x2800  }
0x8b: {  	[spmem:s2] =	stream.indirect.scatter.add.f32 [tilespmem:s21], [sflag:$0x2], $0x40, s6, s18, $0xb8;
	[tilespmem:$0x1B8A0] =	vst v63  }
0x8c: {  	s9 =	simm.s32 $0x2850  }
0x8d: {  	[spmem:s2] =	stream.indirect.scatter.add.f32 [tilespmem:s23], [sflag:$0x2], $0x40, s9, s18, $0xb8;
	[tilespmem:$0x1B8A0] =	vst v63  }
0x8e: {  	_ =	swait.ge [sflag:s30], $0x1400  }
0x8f: {  	[sflag:s30] =	ssyncset.done $0x0  }
0x90: {  	[sflag:s30] =	ssyncadd.s32 $0xFFFFEC00  }
0x91: {  	_ =	swait.ge [sflag:s30], $0x1400  }
0x92: {  	[sflag:s30] =	ssyncset.done $0x0  }
0x93: {  	[sflag:s30] =	ssyncadd.s32 $0xFFFFEC00  }
0x94: {  	_ =	swait.ge [sflag:s30], $0x1400  }
0x95: {  	[sflag:s30] =	ssyncset.done $0x0  }
0x96: {  	[sflag:s30] =	ssyncadd.s32 $0xFFFFEC00  }
0x97: {  	_ =	swait.ge [sflag:s30], $0x1400  }
0x98: {  	[sflag:s30] =	ssyncset.done $0x0  }
0x99: {  	[sflag:s30] =	ssyncadd.s32 $0xFFFFEC00  }
0x9a: {  	_ =	swait.ge [sflag:s30], $0x1400  }
0x9b: {  	[sflag:s30] =	ssyncset.done $0x0  }
0x9c: {  	[sflag:s30] =	ssyncadd.s32 $0xFFFFEC00  }
0x9d: {  	_ =	swait.ge [sflag:s31], $0x1400  }
0x9e: {  	[sflag:s31] =	ssyncset.done $0x0  }
0x9f: {  	[sflag:s31] =	ssyncadd.s32 $0xFFFFEC00  }
0xa0: {  	_ =	swait.ge [sflag:s31], $0x1400  }
0xa1: {  	[sflag:s31] =	ssyncset.done $0x0  }
0xa2: {  	[sflag:s31] =	ssyncadd.s32 $0xFFFFEC00  }
0xa3: {  	_ =	swait.ge [sflag:s31], $0x1400  }
0xa4: {  	[sflag:s31] =	ssyncset.done $0x0  }
0xa5: {  	[sflag:s31] =	ssyncadd.s32 $0xFFFFEC00  }
0xa6: {  	_ =	swait.ge [sflag:s31], $0x1400  }
0xa7: {  	[sflag:s31] =	ssyncset.done $0x0  }
0xa8: {  	[sflag:s31] =	ssyncadd.s32 $0xFFFFEC00  }
0xa9: {  	_ =	swait.ge [sflag:s31], $0x1400  }
0xaa: {  	[sflag:s31] =	ssyncset.done $0x0  }
0xab: {  	s10 =	simm.s32 $0x320;
	[sflag:s31] =	ssyncadd.s32 $0xFFFFEC00  }
0xac: {  	[tilespmem:s20], [sflag:$0x1] =	stream.indirect.gather [hbm4b:s4+s18], $0x40, s10, s18, $0xb8;
	[tilespmem:$0x1B8A0] =	vst v63  }
0xad: {  	s11 =	simm.s32 $0x370  }
0xae: {  	[tilespmem:s1], [sflag:$0x1] =	stream.indirect.gather [hbm4b:s4+s18], $0x40, s11, s18, $0xb8;
	[tilespmem:$0x1B8A0] =	vst v63  }
0xaf: {  	s12 =	simm.s32 $0x3C0  }
0xb0: {  	[tilespmem:s17], [sflag:$0x1] =	stream.indirect.gather [hbm4b:s4+s18], $0x40, s12, s18, $0xb8;
	[tilespmem:$0x1B8A0] =	vst v63  }
0xb1: {  	s19 =	simm.s32 $0x410  }
0xb2: {  	[tilespmem:s21], [sflag:$0x1] =	stream.indirect.gather [hbm4b:s4+s18], $0x40, s19, s18, $0xb8;
	[tilespmem:$0x1B8A0] =	vst v63  }
0xb3: {  	s6 =	simm.s32 $0x460  }
0xb4: {  	[tilespmem:s23], [sflag:$0x1] =	stream.indirect.gather [hbm4b:s4+s18], $0x40, s6, s18, $0xb8;
	[tilespmem:$0x1B8A0] =	vst v63  }
0xb5: {  	s9 =	simm.s32 $0x28A0  }
0xb6: {  	[spmem:s2] =	stream.indirect.scatter.add.f32 [tilespmem:s25], [sflag:$0x2], $0x40, s9, s18, $0xb8;
	[tilespmem:$0x1B8A0] =	vst v63  }
0xb7: {  	s10 =	simm.s32 $0x28F0  }
0xb8: {  	[spmem:s2] =	stream.indirect.scatter.add.f32 [tilespmem:s26], [sflag:$0x2], $0x40, s10, s18, $0xb8;
	[tilespmem:$0x1B8A0] =	vst v63  }
0xb9: {  	s11 =	simm.s32 $0x2940  }
0xba: {  	[spmem:s2] =	stream.indirect.scatter.add.f32 [tilespmem:s28], [sflag:$0x2], $0x40, s11, s18, $0xb8;
	[tilespmem:$0x1B8A0] =	vst v63  }
0xbb: {  	s12 =	simm.s32 $0x2990  }
0xbc: {  	[spmem:s2] =	stream.indirect.scatter.add.f32 [tilespmem:s29], [sflag:$0x2], $0x40, s12, s18, $0xb8;
	[tilespmem:$0x1B8A0] =	vst v63  }
0xbd: {  	s19 =	simm.s32 $0x29E0  }
0xbe: {  	[spmem:s2] =	stream.indirect.scatter.add.f32 [tilespmem:s0], [sflag:$0x2], $0x40, s19, s18, $0xb8;
	[tilespmem:$0x1B8A0] =	vst v63  }
0xbf: {  	_ =	swait.ge [sflag:s30], $0x1400  }
0xc0: {  	[sflag:s30] =	ssyncset.done $0x0  }
0xc1: {  	[sflag:s30] =	ssyncadd.s32 $0xFFFFEC00  }
0xc2: {  	_ =	swait.ge [sflag:s30], $0x1400  }
0xc3: {  	[sflag:s30] =	ssyncset.done $0x0  }
0xc4: {  	[sflag:s30] =	ssyncadd.s32 $0xFFFFEC00  }
0xc5: {  	_ =	swait.ge [sflag:s30], $0x1400  }
0xc6: {  	[sflag:s30] =	ssyncset.done $0x0  }
0xc7: {  	[sflag:s30] =	ssyncadd.s32 $0xFFFFEC00  }
0xc8: {  	_ =	swait.ge [sflag:s30], $0x1400  }
0xc9: {  	[sflag:s30] =	ssyncset.done $0x0  }
0xca: {  	[sflag:s30] =	ssyncadd.s32 $0xFFFFEC00  }
0xcb: {  	_ =	swait.ge [sflag:s30], $0x1400  }
0xcc: {  	s19 =	simm.s32 $0xC80;
	[sflag:s30] =	ssyncset.done $0x0  }
.LBB2_6:
0xcd: {  	p0 =	sne.s32 s19, $0x8980  }
0xce: {  	[sflag:s30] =	ssyncadd.s32 $0xFFFFEC00;
	s5 =	smov.u32 s19;
	s19 =	sadd.s32 $0xC80, s19  }
0xcf: {  	_ =	swait.ge [sflag:s31], $0x1400  }
0xd0: {  	[sflag:s31] =	ssyncset.done $0x0  }
0xd1: {  	[sflag:s31] =	ssyncadd.s32 $0xFFFFEC00  }
0xd2: {  	_ =	swait.ge [sflag:s31], $0x1400  }
0xd3: {  	[sflag:s31] =	ssyncset.done $0x0  }
0xd4: {  	[sflag:s31] =	ssyncadd.s32 $0xFFFFEC00  }
0xd5: {  	_ =	swait.ge [sflag:s31], $0x1400  }
0xd6: {  	[sflag:s31] =	ssyncset.done $0x0  }
0xd7: {  	[sflag:s31] =	ssyncadd.s32 $0xFFFFEC00  }
0xd8: {  	_ =	swait.ge [sflag:s31], $0x1400  }
0xd9: {  	[sflag:s31] =	ssyncset.done $0x0  }
0xda: {  	[sflag:s31] =	ssyncadd.s32 $0xFFFFEC00  }
0xdb: {  	_ =	swait.ge [sflag:s31], $0x1400  }
0xdc: {  	s5 =	sshra.s32 s5, $0x2;
	[sflag:s31] =	ssyncset.done $0x0  }
0xdd: {  	s6 =	sadd.s32 $0x190, s5;
	[sflag:s31] =	ssyncadd.s32 $0xFFFFEC00  }
0xde: {  	[tilespmem:s25], [sflag:$0x1] =	stream.indirect.gather [hbm4b:s4+s18], $0x40, s6, s18, $0xb8;
	[tilespmem:$0x1B8A0] =	vst v63  }
0xdf: {  	s6 =	sadd.s32 $0x1E0, s5  }
0xe0: {  	[tilespmem:s26], [sflag:$0x1] =	stream.indirect.gather [hbm4b:s4+s18], $0x40, s6, s18, $0xb8;
	[tilespmem:$0x1B8A0] =	vst v63  }
0xe1: {  	s6 =	sadd.s32 $0x230, s5  }
0xe2: {  	[tilespmem:s28], [sflag:$0x1] =	stream.indirect.gather [hbm4b:s4+s18], $0x40, s6, s18, $0xb8;
	[tilespmem:$0x1B8A0] =	vst v63  }
0xe3: {  	s6 =	sadd.s32 $0x280, s5  }
0xe4: {  	[tilespmem:s29], [sflag:$0x1] =	stream.indirect.gather [hbm4b:s4+s18], $0x40, s6, s18, $0xb8;
	[tilespmem:$0x1B8A0] =	vst v63  }
0xe5: {  	s6 =	sadd.s32 $0x2D0, s5  }
0xe6: {  	[tilespmem:s0], [sflag:$0x1] =	stream.indirect.gather [hbm4b:s4+s18], $0x40, s6, s18, $0xb8;
	[tilespmem:$0x1B8A0] =	vst v63  }
0xe7: {  	s6 =	sadd.s32 $0x2710, s5  }
0xe8: {  	[spmem:s2] =	stream.indirect.scatter.add.f32 [tilespmem:s20], [sflag:$0x2], $0x40, s6, s18, $0xb8;
	[tilespmem:$0x1B8A0] =	vst v63  }
0xe9: {  	s6 =	sadd.s32 $0x2760, s5  }
0xea: {  	[spmem:s2] =	stream.indirect.scatter.add.f32 [tilespmem:s1], [sflag:$0x2], $0x40, s6, s18, $0xb8;
	[tilespmem:$0x1B8A0] =	vst v63  }
0xeb: {  	s6 =	sadd.s32 $0x27B0, s5  }
0xec: {  	[spmem:s2] =	stream.indirect.scatter.add.f32 [tilespmem:s17], [sflag:$0x2], $0x40, s6, s18, $0xb8;
	[tilespmem:$0x1B8A0] =	vst v63  }
0xed: {  	s6 =	sadd.s32 $0x2800, s5  }
0xee: {  	[spmem:s2] =	stream.indirect.scatter.add.f32 [tilespmem:s21], [sflag:$0x2], $0x40, s6, s18, $0xb8;
	[tilespmem:$0x1B8A0] =	vst v63  }
0xef: {  	s6 =	sadd.s32 $0x2850, s5  }
0xf0: {  	[spmem:s2] =	stream.indirect.scatter.add.f32 [tilespmem:s23], [sflag:$0x2], $0x40, s6, s18, $0xb8;
	[tilespmem:$0x1B8A0] =	vst v63  }
0xf1: {  	_ =	swait.ge [sflag:s30], $0x1400  }
0xf2: {  	[sflag:s30] =	ssyncset.done $0x0  }
0xf3: {  	[sflag:s30] =	ssyncadd.s32 $0xFFFFEC00  }
0xf4: {  	_ =	swait.ge [sflag:s30], $0x1400  }
0xf5: {  	[sflag:s30] =	ssyncset.done $0x0  }
0xf6: {  	[sflag:s30] =	ssyncadd.s32 $0xFFFFEC00  }
0xf7: {  	_ =	swait.ge [sflag:s30], $0x1400  }
0xf8: {  	[sflag:s30] =	ssyncset.done $0x0  }
0xf9: {  	[sflag:s30] =	ssyncadd.s32 $0xFFFFEC00  }
0xfa: {  	_ =	swait.ge [sflag:s30], $0x1400  }
0xfb: {  	[sflag:s30] =	ssyncset.done $0x0  }
0xfc: {  	[sflag:s30] =	ssyncadd.s32 $0xFFFFEC00  }
0xfd: {  	_ =	swait.ge [sflag:s30], $0x1400  }
0xfe: {  	[sflag:s30] =	ssyncset.done $0x0  }
0xff: {  	[sflag:s30] =	ssyncadd.s32 $0xFFFFEC00  }
0x100: {  	_ =	swait.ge [sflag:s31], $0x1400  }
0x101: {  	[sflag:s31] =	ssyncset.done $0x0  }
0x102: {  	[sflag:s31] =	ssyncadd.s32 $0xFFFFEC00  }
0x103: {  	_ =	swait.ge [sflag:s31], $0x1400  }
0x104: {  	[sflag:s31] =	ssyncset.done $0x0  }
0x105: {  	[sflag:s31] =	ssyncadd.s32 $0xFFFFEC00  }
0x106: {  	_ =	swait.ge [sflag:s31], $0x1400  }
0x107: {  	[sflag:s31] =	ssyncset.done $0x0  }
0x108: {  	[sflag:s31] =	ssyncadd.s32 $0xFFFFEC00  }
0x109: {  	_ =	swait.ge [sflag:s31], $0x1400  }
0x10a: {  	[sflag:s31] =	ssyncset.done $0x0  }
0x10b: {  	[sflag:s31] =	ssyncadd.s32 $0xFFFFEC00  }
0x10c: {  	_ =	swait.ge [sflag:s31], $0x1400  }
0x10d: {  	[sflag:s31] =	ssyncset.done $0x0  }
0x10e: {  	s6 =	sadd.s32 $0x320, s5;
	[sflag:s31] =	ssyncadd.s32 $0xFFFFEC00  }
0x10f: {  	[tilespmem:s20], [sflag:$0x1] =	stream.indirect.gather [hbm4b:s4+s18], $0x40, s6, s18, $0xb8;
	[tilespmem:$0x1B8A0] =	vst v63  }
0x110: {  	s6 =	sadd.s32 $0x370, s5  }
0x111: {  	[tilespmem:s1], [sflag:$0x1] =	stream.indirect.gather [hbm4b:s4+s18], $0x40, s6, s18, $0xb8;
	[tilespmem:$0x1B8A0] =	vst v63  }
0x112: {  	s6 =	sadd.s32 $0x3C0, s5  }
0x113: {  	[tilespmem:s17], [sflag:$0x1] =	stream.indirect.gather [hbm4b:s4+s18], $0x40, s6, s18, $0xb8;
	[tilespmem:$0x1B8A0] =	vst v63  }
0x114: {  	s6 =	sadd.s32 $0x410, s5  }
0x115: {  	[tilespmem:s21], [sflag:$0x1] =	stream.indirect.gather [hbm4b:s4+s18], $0x40, s6, s18, $0xb8;
	[tilespmem:$0x1B8A0] =	vst v63  }
0x116: {  	s6 =	sadd.s32 $0x460, s5  }
0x117: {  	[tilespmem:s23], [sflag:$0x1] =	stream.indirect.gather [hbm4b:s4+s18], $0x40, s6, s18, $0xb8;
	[tilespmem:$0x1B8A0] =	vst v63  }
0x118: {  	s6 =	sadd.s32 $0x28A0, s5  }
0x119: {  	[spmem:s2] =	stream.indirect.scatter.add.f32 [tilespmem:s25], [sflag:$0x2], $0x40, s6, s18, $0xb8;
	[tilespmem:$0x1B8A0] =	vst v63  }
0x11a: {  	s6 =	sadd.s32 $0x28F0, s5  }
0x11b: {  	[spmem:s2] =	stream.indirect.scatter.add.f32 [tilespmem:s26], [sflag:$0x2], $0x40, s6, s18, $0xb8;
	[tilespmem:$0x1B8A0] =	vst v63  }
0x11c: {  	s6 =	sadd.s32 $0x2940, s5  }
0x11d: {  	[spmem:s2] =	stream.indirect.scatter.add.f32 [tilespmem:s28], [sflag:$0x2], $0x40, s6, s18, $0xb8;
	[tilespmem:$0x1B8A0] =	vst v63  }
0x11e: {  	s6 =	sadd.s32 $0x2990, s5  }
0x11f: {  	[spmem:s2] =	stream.indirect.scatter.add.f32 [tilespmem:s29], [sflag:$0x2], $0x40, s6, s18, $0xb8;
	[tilespmem:$0x1B8A0] =	vst v63  }
0x120: {  	s5 =	sadd.s32 $0x29E0, s5  }
0x121: {  	[spmem:s2] =	stream.indirect.scatter.add.f32 [tilespmem:s0], [sflag:$0x2], $0x40, s5, s18, $0xb8;
	[tilespmem:$0x1B8A0] =	vst v63  }
0x122: {  	_ =	swait.ge [sflag:s30], $0x1400  }
0x123: {  	[sflag:s30] =	ssyncset.done $0x0  }
0x124: {  	[sflag:s30] =	ssyncadd.s32 $0xFFFFEC00  }
0x125: {  	_ =	swait.ge [sflag:s30], $0x1400  }
0x126: {  	[sflag:s30] =	ssyncset.done $0x0  }
0x127: {  	[sflag:s30] =	ssyncadd.s32 $0xFFFFEC00  }
0x128: {  	_ =	swait.ge [sflag:s30], $0x1400  }
0x129: {  	[sflag:s30] =	ssyncset.done $0x0  }
0x12a: {  	[sflag:s30] =	ssyncadd.s32 $0xFFFFEC00  }
.Ltmp2:
0x12b: {  	_ =	swait.ge [sflag:s30], $0x1400;
	(pc) =	sbr.rel @p0 .LBB2_6-.Ltmp2, $4  }
0x12c: {  	[sflag:s30] =	ssyncset.done $0x0  }
0x12d: {  	[sflag:s30] =	ssyncadd.s32 $0xFFFFEC00  }
0x12e: {  	_ =	swait.ge [sflag:s30], $0x1400  }
0x12f: {  	[sflag:s30] =	ssyncset.done $0x0  }
0x130: {  	[sflag:s30] =	ssyncadd.s32 $0xFFFFEC00  }
0x131: {  	_ =	swait.ge [sflag:s31], $0x1400  }
0x132: {  	[sflag:s31] =	ssyncset.done $0x0  }
0x133: {  	[sflag:s31] =	ssyncadd.s32 $0xFFFFEC00  }
0x134: {  	_ =	swait.ge [sflag:s31], $0x1400  }
0x135: {  	[sflag:s31] =	ssyncset.done $0x0  }
0x136: {  	[sflag:s31] =	ssyncadd.s32 $0xFFFFEC00  }
0x137: {  	_ =	swait.ge [sflag:s31], $0x1400  }
0x138: {  	[sflag:s31] =	ssyncset.done $0x0  }
0x139: {  	[sflag:s31] =	ssyncadd.s32 $0xFFFFEC00  }
0x13a: {  	_ =	swait.ge [sflag:s31], $0x1400  }
0x13b: {  	[sflag:s31] =	ssyncset.done $0x0  }
0x13c: {  	[sflag:s31] =	ssyncadd.s32 $0xFFFFEC00  }
0x13d: {  	_ =	swait.ge [sflag:s31], $0x1400  }
0x13e: {  	[sflag:s31] =	ssyncset.done $0x0  }
0x13f: {  	s5 =	simm.s32 $0x4C90;
	[sflag:s31] =	ssyncadd.s32 $0xFFFFEC00  }
0x140: {  	[spmem:s2] =	stream.indirect.scatter.add.f32 [tilespmem:s20], [sflag:$0x2], $0x40, s5, s18, $0xb8;
	[tilespmem:$0x1B8A0] =	vst v63  }
0x141: {  	s11 =	simm.s32 $0x4CE0  }
0x142: {  	[spmem:s2] =	stream.indirect.scatter.add.f32 [tilespmem:s1], [sflag:$0x2], $0x40, s11, s18, $0xb8;
	[tilespmem:$0x1B8A0] =	vst v63  }
0x143: {  	s12 =	simm.s32 $0x4D30  }
0x144: {  	[spmem:s2] =	stream.indirect.scatter.add.f32 [tilespmem:s17], [sflag:$0x2], $0x40, s12, s18, $0xb8;
	[tilespmem:$0x1B8A0] =	vst v63  }
0x145: {  	s19 =	simm.s32 $0x4D80  }
0x146: {  	[spmem:s2] =	stream.indirect.scatter.add.f32 [tilespmem:s21], [sflag:$0x2], $0x40, s19, s18, $0xb8;
	[tilespmem:$0x1B8A0] =	vst v63  }
0x147: {  	s6 =	simm.s32 $0x4DD0  }
0x148: {  	[spmem:s2] =	stream.indirect.scatter.add.f32 [tilespmem:s23], [sflag:$0x2], $0x40, s6, s18, $0xb8;
	[tilespmem:$0x1B8A0] =	vst v63  }
0x149: {  	_ =	swait.ge [sflag:s30], $0x1400  }
0x14a: {  	[sflag:s30] =	ssyncset.done $0x0  }
0x14b: {  	[sflag:s30] =	ssyncadd.s32 $0xFFFFEC00  }
0x14c: {  	_ =	swait.ge [sflag:s30], $0x1400  }
0x14d: {  	[sflag:s30] =	ssyncset.done $0x0  }
0x14e: {  	[sflag:s30] =	ssyncadd.s32 $0xFFFFEC00  }
0x14f: {  	_ =	swait.ge [sflag:s30], $0x1400  }
0x150: {  	[sflag:s30] =	ssyncset.done $0x0  }
0x151: {  	[sflag:s30] =	ssyncadd.s32 $0xFFFFEC00  }
0x152: {  	_ =	swait.ge [sflag:s30], $0x1400  }
0x153: {  	[sflag:s30] =	ssyncset.done $0x0  }
0x154: {  	[sflag:s30] =	ssyncadd.s32 $0xFFFFEC00  }
0x155: {  	_ =	swait.ge [sflag:s30], $0x1400  }
0x156: {  	[sflag:s30] =	ssyncset.done $0x0  }
0x157: {  	[sflag:s30] =	ssyncadd.s32 $0xFFFFEC00  }
0x158: {  	[bflag:$0x0] =	sbarrier.arrive $0xFFFF  }
0x159: {  	[tilespmem:s20], [sflag:$0x1] =	stream.linear.gather [spmem:s8], $0x1400, $0x38;
	[tilespmem:$0x1B8A0] =	vst v63  }
0x15a: {  	s9 =	rddreg [dreg:$0x5]  }
0x15b: {  	[tilespmem:s1], [sflag:$0x1] =	stream.linear.gather [spmem:s9], $0x1400, $0x38;
	[tilespmem:$0x1B8A0] =	vst v63  }
0x15c: {  	s10 =	rddreg [dreg:$0x6]  }
0x15d: {  	[tilespmem:s17], [sflag:$0x1] =	stream.linear.gather [spmem:s10], $0x1400, $0x38;
	[tilespmem:$0x1B8A0] =	vst v63  }
0x15e: {  	s11 =	rddreg [dreg:$0x7]  }
0x15f: {  	[tilespmem:s21], [sflag:$0x1] =	stream.linear.gather [spmem:s11], $0x1400, $0x38;
	[tilespmem:$0x1B8A0] =	vst v63  }
0x160: {  	s12 =	rddreg [dreg:$0x8]  }
0x161: {  	[tilespmem:s23], [sflag:$0x1] =	stream.linear.gather [spmem:s12], $0x1400, $0x38;
	[tilespmem:$0x1B8A0] =	vst v63  }
0x162: {  	_ = 	snop  }
0x163: {  	[tilespmem:s25], [sflag:$0x1] =	stream.linear.gather [spmem:s13], $0x1400, $0x38;
	[tilespmem:$0x1B8A0] =	vst v63  }
0x164: {  	_ = 	snop  }
0x165: {  	[tilespmem:s26], [sflag:$0x1] =	stream.linear.gather [spmem:s14], $0x1400, $0x38;
	[tilespmem:$0x1B8A0] =	vst v63  }
0x166: {  	_ = 	snop  }
0x167: {  	[tilespmem:s28], [sflag:$0x1] =	stream.linear.gather [spmem:s15], $0x1400, $0x38;
	[tilespmem:$0x1B8A0] =	vst v63  }
0x168: {  	_ =	swait.ge [sflag:s31], $0x1400  }
0x169: {  	[sflag:s31] =	ssyncset.done $0x0  }
0x16a: {  	[sflag:s31] =	ssyncadd.s32 $0xFFFFEC00  }
0x16b: {  	_ =	swait.ge [sflag:s31], $0x1400  }
0x16c: {  	[sflag:s31] =	ssyncset.done $0x0  }
0x16d: {  	[sflag:s31] =	ssyncadd.s32 $0xFFFFEC00  }
0x16e: {  	_ =	swait.ge [sflag:s31], $0x1400  }
0x16f: {  	[sflag:s31] =	ssyncset.done $0x0  }
0x170: {  	[sflag:s31] =	ssyncadd.s32 $0xFFFFEC00  }
0x171: {  	_ =	swait.ge [sflag:s31], $0x1400  }
0x172: {  	[sflag:s31] =	ssyncset.done $0x0  }
0x173: {  	[sflag:s31] =	ssyncadd.s32 $0xFFFFEC00  }
0x174: {  	_ =	swait.ge [sflag:s31], $0x1400  }
0x175: {  	[sflag:s31] =	ssyncset.done $0x0  }
0x176: {  	[sflag:s31] =	ssyncadd.s32 $0xFFFFEC00  }
0x177: {  	_ =	swait.ge [sflag:s31], $0x1400  }
0x178: {  	[sflag:s31] =	ssyncset.done $0x0  }
0x179: {  	[sflag:s31] =	ssyncadd.s32 $0xFFFFEC00  }
0x17a: {  	_ =	swait.ge [sflag:s31], $0x1400  }
0x17b: {  	[sflag:s31] =	ssyncset.done $0x0  }
0x17c: {  	[sflag:s31] =	ssyncadd.s32 $0xFFFFEC00  }
0x17d: {  	_ =	swait.ge [sflag:s31], $0x1400  }
0x17e: {  	[sflag:s31] =	ssyncset.done $0x0  }
0x17f: {  	[sflag:s31] =	ssyncadd.s32 $0xFFFFEC00  }
0x180: {  	[hbm4b:s24+s3] =	stream.linear.scatter [tilespmem:s20], [sflag:$0x2], $0x1400, $0x38;
	[tilespmem:$0x1B8A0] =	vst v63  }
0x181: {  	s19 =	sadd.s32 $0x280, s24  }
0x182: {  	[hbm4b:s19+s3] =	stream.linear.scatter [tilespmem:s1], [sflag:$0x2], $0x1400, $0x38;
	[tilespmem:$0x1B8A0] =	vst v63  }
0x183: {  	s6 =	sadd.s32 $0x500, s24  }
0x184: {  	[hbm4b:s6+s3] =	stream.linear.scatter [tilespmem:s17], [sflag:$0x2], $0x1400, $0x38;
	[tilespmem:$0x1B8A0] =	vst v63  }
0x185: {  	s9 =	sadd.s32 $0x780, s24  }
0x186: {  	[hbm4b:s9+s3] =	stream.linear.scatter [tilespmem:s21], [sflag:$0x2], $0x1400, $0x38;
	[tilespmem:$0x1B8A0] =	vst v63  }
0x187: {  	s10 =	sadd.s32 $0xA00, s24  }
0x188: {  	[hbm4b:s10+s3] =	stream.linear.scatter [tilespmem:s23], [sflag:$0x2], $0x1400, $0x38;
	[tilespmem:$0x1B8A0] =	vst v63  }
0x189: {  	s11 =	sadd.s32 $0xC80, s24  }
0x18a: {  	[hbm4b:s11+s3] =	stream.linear.scatter [tilespmem:s25], [sflag:$0x2], $0x1400, $0x38;
	[tilespmem:$0x1B8A0] =	vst v63  }
0x18b: {  	s12 =	sadd.s32 $0xF00, s24  }
0x18c: {  	[hbm4b:s12+s3] =	stream.linear.scatter [tilespmem:s26], [sflag:$0x2], $0x1400, $0x38;
	[tilespmem:$0x1B8A0] =	vst v63  }
0x18d: {  	s19 =	sadd.s32 $0x1180, s24  }
0x18e: {  	[hbm4b:s19+s3] =	stream.linear.scatter [tilespmem:s28], [sflag:$0x2], $0x1400, $0x38;
	[tilespmem:$0x1B8A0] =	vst v63  }
0x18f: {  	_ =	swait.ge [sflag:s30], $0x1400  }
0x190: {  	[sflag:s30] =	ssyncset.done $0x0  }
0x191: {  	[sflag:s30] =	ssyncadd.s32 $0xFFFFEC00  }
0x192: {  	_ =	swait.ge [sflag:s30], $0x1400  }
0x193: {  	[sflag:s30] =	ssyncset.done $0x0  }
0x194: {  	[sflag:s30] =	ssyncadd.s32 $0xFFFFEC00  }
0x195: {  	_ =	swait.ge [sflag:s30], $0x1400  }
0x196: {  	[sflag:s30] =	ssyncset.done $0x0  }
0x197: {  	[sflag:s30] =	ssyncadd.s32 $0xFFFFEC00  }
0x198: {  	_ =	swait.ge [sflag:s30], $0x1400  }
0x199: {  	[sflag:s30] =	ssyncset.done $0x0  }
0x19a: {  	[sflag:s30] =	ssyncadd.s32 $0xFFFFEC00  }
0x19b: {  	_ =	swait.ge [sflag:s30], $0x1400  }
0x19c: {  	[sflag:s30] =	ssyncset.done $0x0  }
0x19d: {  	[sflag:s30] =	ssyncadd.s32 $0xFFFFEC00  }
0x19e: {  	_ =	swait.ge [sflag:s30], $0x1400  }
0x19f: {  	[sflag:s30] =	ssyncset.done $0x0  }
0x1a0: {  	s22 =	sadd.s32 $0x1, s22;
	[sflag:s30] =	ssyncadd.s32 $0xFFFFEC00  }
0x1a1: {  	p0 =	sne.s32 s22, s16;
	_ =	swait.ge [sflag:s30], $0x1400  }
.Ltmp3:
0x1a2: {  	[sflag:s30] =	ssyncset.done $0x0;
	(pc) =	sbr.rel @p0 .LBB2_1-.Ltmp3, $4  }
0x1a3: {  	[sflag:s30] =	ssyncadd.s32 $0xFFFFEC00  }
0x1a4: {  	_ =	swait.ge [sflag:s30], $0x1400  }
0x1a5: {  	[sflag:s30] =	ssyncset.done $0x0  }
0x1a6: {  	[sflag:s30] =	ssyncadd.s32 $0xFFFFEC00  }
0x1a7: {  	_ =	sfence.sel $0x180000  }
0x1a8: {  	[bflag:$0x0] =	sbarrier.arrive $0xFFFF  }
0x1a9: {  	_ =	strace $0x9000004A  }
0x1aa: {  	s0 =	stileid.u32;
	[bflag:$0x2] =	sbarrier.arrive $0xFFFF  }
0x1ab: {  	p0 =	sne.s32 s0, $0x0;
	s0 =	rddreg [dreg:$0x2]  }
0x1ac: {  	s0 =	sadd.s32 @!p0 $0x100000, s0  }
0x1ad: {  	[sflag:s0] =	ssyncadd.tile.s32 @!p0 $0x1;
	_ =	shalt  }
.Lfunc_end2:
_tile_overlayer_lowered:
.L_overlay_start_2:
0x1ae: {  	(tag) =	ssettag $0x2  }
0x1af: {  	s0 =	rddreg [dreg:$0x0];
	s2 =	stileid.u32  }
0x1b0: {  	s1 =	rddreg [dreg:$0x1];
	p0 =	sne.s32 s2, $0x0  }
0x1b1: {  	s3 =	rddreg [dreg:$0x2];
	[bflag:$0x3] =	sbarrier.arrive $0xFFFF;
	s2 =	simm.s32 @!p0 $0x1C03  }
0x1b2: {  	[timem:s3], [sflag:s2] =	dma.local @!p0 [hbm:s0], s1  }
0x1b3: {  	s0 =	simm.s32 @!p0 $0x3  }
0x1b4: {  	_ =	swait.ge @!p0 [sflag:s0], s1  }
0x1b5: {  	s1 =	ssub.s32 @!p0 $0x0, s1;
	[sflag:s0] =	ssyncset.done @!p0 $0x0  }
0x1b6: {  	[sflag:s0] =	ssyncadd.s32 @!p0 s1  }
0x1b7: {  	[bflag:$0x3] =	sbarrier.arrive $0xFFFF  }
0x1b8: {  	_ =	shalt  }

// kernel: _run.14.cloned.1.call-start
scs
__scs_entry_jumppad:
0x0: {  	(pc) =	sbr.rel $0x88, $3  }
0x1: {  	(tag) =	ssettag $0x0;
	lr =	simm.s32 $0x1  }
0x2: {  	[smem:$0x3F99] =	sst lr;
	_ =	strace $0xD0000000  }
0x3: {  	_ = 	snop  }
0x4: {  	_ = 	snop  }
0x5: {  	_ = 	snop  }
0x6: {  	_ = 	snop  }
0x7: {  	_ = 	snop  }
__scs_overlays_trampoline_lowered:
0x8: {  	[smem:$0x3FA8] =	sst s0  }
0x9: {  	[smem:$0x3FA9] =	sst s1  }
0xa: {  	[smem:$0x3FAA] =	sst s2  }
0xb: {  	[smem:$0x3FAB] =	sst s3  }
0xc: {  	[smem:$0x3FAC] =	sst s4  }
0xd: {  	[smem:$0x3FAD] =	sst s5  }
0xe: {  	[smem:$0x3FAE] =	sst s6  }
0xf: {  	[smem:$0x3FAF] =	sst s7  }
0x10: {  	[smem:$0x3FB0] =	sst s8  }
0x11: {  	[smem:$0x3FB1] =	sst s9;
	s0 =	simm.s32 @!p0 $0x0  }
0x12: {  	s1 =	sld [smem:$0x3F97];
	s0 =	simm.s32 @p0 $0x1  }
0x13: {  	[smem:$0x3FB2] =	sst s0;
	s0 =	simm.s32 @!p1 $0x0  }
0x14: {  	s2 =	sld [smem:$0x3F96];
	s0 =	simm.s32 @p1 $0x1  }
0x15: {  	[smem:$0x3FB3] =	sst s0;
	s0 =	simm.s32 @!p2 $0x0  }
0x16: {  	s3 =	sld [smem:$0x3FDB];
	s0 =	simm.s32 @p2 $0x1  }
0x17: {  	s4 =	simm.s32 $0x1BF5;
	[smem:$0x3FB5] =	sst s0  }
0x18: {  	s0 =	sld [smem:$0x3F98];
	_ =	swait.ge [sflag:s4], $0x0  }
0x19: {  	s7 =	sld [smem:$0x3F99]  }
0x1a: {  	s8 =	sadd.s32 $0xFFFFE003, lr  }
0x1b: {  	s9 =	sadd.s32 $0xFFFFFEF7, lr;
	s5 =	simm.s32 $0xFFFFFFFF;
	p2 =	slt.u32 s8, $0xFFFFF086  }
0x1c: {  	p1 =	slt.u32 s9, $0xF7A;
	s5 =	simm.s32 @!p2 $0x0  }
0x1d: {  	s5 =	simm.s32 @p1 $0x1;
	p0 =	seq.s32 s7, s2  }
0x1e: {  	s7 =	smul.u32 @!p0 $0xF7A, s2;
	p2 =	seq.s32 @!p0 s5, $0x0  }
0x1f: {  	s9 =	smul.u32 $0xF7A, s1;
	s8 =	simm.s32 @!p0 $0x1BF5;
	p2 =	por !p2, p0  }
0x20: {  	[sflag:s8] =	ssyncset.s32 @!p0 $0xFFFFF086;
	s6 =	sadd.s32 @!p0 s3, s7;
	s7 =	simm.s32 @!p0 $0x108  }
0x21: {  	s3 =	sadd.s32 s3, s9;
	s6 =	sadd.s32 @!p0 $0x88, s6;
	s7 =	simm.s32 @p2 $0x1082  }
0x22: {  	[simem:s7], [sflag:s8] =	dma.local @!p0 [hbm:s6], $0xF7A  }
0x23: {  	s9 =	sor.u32 $0xD0000000, s2;
	s6 =	simm.s32 $0x108;
	_ =	swait.ge @!p0 [sflag:s8], $0x0  }
0x24: {  	s3 =	sadd.s32 $0x88, s3;
	s6 =	simm.s32 @!p1 $0x1082;
	[sflag:s4] =	ssyncset.s32 $0xFFFFF086  }
0x25: {  	[simem:s6], [sflag:s4] =	dma.local [hbm:s3], $0xF7A  }
0x26: {  	[smem:$0x3F99] =	sst s1;
	(tag) =	ssettag s2;
	_ =	strace s9  }
0x27: {  	s1 =	sld [smem:$0x3FA9]  }
0x28: {  	s2 =	sld [smem:$0x3FAA]  }
0x29: {  	s4 =	sld [smem:$0x3FAC]  }
0x2a: {  	p0 =	seq.s32 s5, $0x0;
	s5 =	sld [smem:$0x3FAD]  }
0x2b: {  	s6 =	sld [smem:$0x3FAE]  }
0x2c: {  	s7 =	sld [smem:$0x3FAF]  }
0x2d: {  	s3 =	simm.s32 $0x108;
	s8 =	sld [smem:$0x3FB0]  }
0x2e: {  	s3 =	simm.s32 @!p0 $0x1082;
	s9 =	sld [smem:$0x3FB1]  }
0x2f: {  	lr =	sadd.s32 s0, s3;
	s0 =	sld [smem:$0x3FA8]  }
0x30: {  	s3 =	sld [smem:$0x3FAB]  }
0x31: {  	[smem:$0x3FB4] =	sst s10  }
0x32: {  	s10 =	sld [smem:$0x3FB2];
	_ =	sdelay $0x3  }
0x33: {  	p0 =	seq.s32 s10, $0x1;
	s10 =	sld [smem:$0x3FB4];
	_ =	sdelay $0x3  }
0x34: {  	[smem:$0x3FB4] =	sst s10  }
0x35: {  	s10 =	sld [smem:$0x3FB3];
	_ =	sdelay $0x3  }
0x36: {  	p1 =	seq.s32 s10, $0x1;
	s10 =	sld [smem:$0x3FB4];
	_ =	sdelay $0x3  }
0x37: {  	[smem:$0x3FB4] =	sst s10  }
0x38: {  	s10 =	sld [smem:$0x3FB5]  }
0x39: {  	_ = 	snop;
	(pc) =	sbr.ind lr, $3  }
0x3a: {  	_ = 	snop  }
0x3b: {  	_ = 	snop  }
0x3c: {  	p2 =	seq.s32 s10, $0x1;
	s10 =	sld [smem:$0x3FB4]  }
0x3d: {  	_ =	shalt  }
0x3e: {  	_ =	shalt  }
0x3f: {  	_ =	shalt  }
0x40: {  	_ =	shalt  }
0x41: {  	_ =	shalt  }
0x42: {  	_ =	shalt  }
0x43: {  	_ =	shalt  }
0x44: {  	_ =	shalt  }
0x45: {  	_ =	shalt  }
0x46: {  	_ =	shalt  }
0x47: {  	_ =	shalt  }
0x48: {  	_ =	shalt  }
0x49: {  	_ =	shalt  }
0x4a: {  	_ =	shalt  }
0x4b: {  	_ =	shalt  }
0x4c: {  	_ =	shalt  }
0x4d: {  	_ =	shalt  }
0x4e: {  	_ =	shalt  }
0x4f: {  	_ =	shalt  }
0x50: {  	_ =	shalt  }
0x51: {  	_ =	shalt  }
0x52: {  	_ =	shalt  }
0x53: {  	_ =	shalt  }
0x54: {  	_ =	shalt  }
0x55: {  	_ =	shalt  }
0x56: {  	_ =	shalt  }
0x57: {  	_ =	shalt  }
0x58: {  	_ =	shalt  }
0x59: {  	_ =	shalt  }
0x5a: {  	_ =	shalt  }
0x5b: {  	_ =	shalt  }
0x5c: {  	_ =	shalt  }
0x5d: {  	_ =	shalt  }
0x5e: {  	_ =	shalt  }
0x5f: {  	_ =	shalt  }
0x60: {  	_ =	shalt  }
0x61: {  	_ =	shalt  }
0x62: {  	_ =	shalt  }
0x63: {  	_ =	shalt  }
0x64: {  	_ =	shalt  }
0x65: {  	_ =	shalt  }
0x66: {  	_ =	shalt  }
0x67: {  	_ =	shalt  }
0x68: {  	_ =	shalt  }
0x69: {  	_ =	shalt  }
0x6a: {  	_ =	shalt  }
0x6b: {  	_ =	shalt  }
0x6c: {  	_ =	shalt  }
0x6d: {  	_ =	shalt  }
0x6e: {  	_ =	shalt  }
0x6f: {  	_ =	shalt  }
0x70: {  	_ =	shalt  }
0x71: {  	_ =	shalt  }
0x72: {  	_ =	shalt  }
0x73: {  	_ =	shalt  }
0x74: {  	_ =	shalt  }
0x75: {  	_ =	shalt  }
0x76: {  	_ =	shalt  }
0x77: {  	_ =	shalt  }
0x78: {  	_ =	shalt  }
0x79: {  	_ =	shalt  }
0x7a: {  	_ =	shalt  }
0x7b: {  	_ =	shalt  }
0x7c: {  	_ =	shalt  }
0x7d: {  	_ =	shalt  }
0x7e: {  	_ =	shalt  }
0x7f: {  	_ =	shalt  }
0x80: {  	_ =	shalt  }
0x81: {  	_ =	shalt  }
0x82: {  	_ =	shalt  }
0x83: {  	_ =	shalt  }
0x84: {  	_ =	shalt  }
0x85: {  	_ =	shalt  }
0x86: {  	_ =	shalt  }
0x87: {  	_ =	shalt  }
.Lfunc_end0:
.L_simem_size_0:
called_computation.2_lowered:
.L_overlay_start_0:
0x88: {  	s2 =	sld [smem:$0x3FD9]  }
0x89: {  	s3 =	sld [smem:$0x3FFE];
	_ =	sdelay $0x1  }
0x8a: {  	s1 =	srdreg.scid  }
0x8b: {  	s0 =	sand.u32 $0x1, s1  }
0x8c: {  	s17 =	sshll.u32 s0, $0xA;
	s2 =	sadd.s32 s3, s2  }
0x8d: {  	s2 =	sadd.s32 s2, s17  }
0x8e: {  	[smem:$0x3FC0] =	sst s2  }
0x8f: {  	_ = 	snop  }
0x90: {  	s2 =	sld [smem:$0x3FD0];
	(tm) =	ssettm $0x1  }
0x91: {  	s18 =	sld [smem:$0x3FFB];
	_ =	sdelay $0x3  }
0x92: {  	_ =	strace s18  }
0x93: {  	s3 =	sld [smem:$0x3FFC];
	_ =	sdelay $0x3  }
0x94: {  	_ =	strace s3  }
0x95: {  	s3 =	sld [smem:$0x3FFD];
	_ =	sdelay $0x3  }
0x96: {  	_ =	strace s3  }
0x97: {  	_ =	strace $0x8FFFFFFF  }
0x98: {  	s19 =	sld [smem:$0x3FDB];
	_ =	sdelay $0x1  }
0x99: {  	s4 =	simm.s32 $_scs_section_size  }
0x9a: {  	s5 =	simm.s32 $_size__tile_overlayer_lowered;
	s6 =	simm.s32 $_tile_overlayer_lowered  }
0x9b: {  	s22 =	simm.s32 $0x1BFF;
	s21 =	sshll.u32 s6, $0x1;
	s3 =	sadd.s32 s4, s19  }
0x9c: {  	s7 =	simm.s32 $0x0;
	s20 =	sshll.u32 s5, $0x1;
	s5 =	sadd.s32 s21, s3  }
0x9d: {  	[timem:s7], [sflag:s22] =	dma.local [hbm:s5], s20  }
0x9e: {  	_ =	swait.ge [sflag:s22], s20  }
0x9f: {  	s4 =	ssub.s32 $0x0, s20;
	[sflag:s22] =	ssyncset.done $0x0  }
0xa0: {  	[sflag:s22] =	ssyncadd.s32 s4;
	_ =	sdelay $0x1  }
0xa1: {  	s23 =	simm.s32 $0x1B8B  }
0xa2: {  	_ =	swait.ge [sflag:s23], $0x1  }
0xa3: {  	[sflag:s23] =	ssyncset.done $0x0  }
0xa4: {  	s25 =	simm.s32 $0x1B8E;
	s24 =	sld [smem:$0x3FFE];
	[sflag:s23] =	ssyncadd.s32 $0xFFFFFFFF  }
0xa5: {  	s26 =	simm.s32 $execute0_lowered;
	[smem:$0x3FD2] =	sst s25  }
0xa6: {  	s5 =	sshll.u32 s26, $0x1;
	_ =	strace $0x8000004C;
	[dreg:$0x1] =	wrdreg $0xFFFFFFFF  }
0xa7: {  	s28 =	simm.s32 $_size_execute0_lowered;
	s3 =	sadd.s32 s3, s5;
	[dreg:$0x0] =	wrdreg $0x0  }
0xa8: {  	s5 =	sshll.u32 s28, $0x1;
	[dreg:$0x2] =	wrdreg s3  }
0xa9: {  	[dreg:$0x3] =	wrdreg s5  }
0xaa: {  	[dreg:$0x4] =	wrdreg $0xC0  }
0xab: {  	_ =	task [dreg:s7], $0x5FFFF  }
0xac: {  	[dreg:$0x1] =	wrdreg $0xFFFFFFFF  }
0xad: {  	[dreg:$0x0] =	wrdreg $0x60  }
0xae: {  	[dreg:$0x2] =	wrdreg s2  }
0xaf: {  	[dreg:$0x3] =	wrdreg s24  }
0xb0: {  	[dreg:$0x4] =	wrdreg $0xB4A00  }
0xb1: {  	[dreg:$0x5] =	wrdreg $0x9  }
0xb2: {  	_ =	task.clear_ibuf [dreg:s7], $0x6FFFF;
	_ =	strace $0x9000004C  }
0xb3: {  	s29 =	simm.s32 $0x9;
	_ =	strace $0x8000004E  }
0xb4: {  	_ =	swait.ge [sflag:s29], $0x1  }
0xb5: {  	[sflag:s29] =	ssyncadd.s32 $0xFFFFFFFF  }
0xb6: {  	_ =	strace $0x9000004E  }
0xb7: {  	_ =	sfence  }
0xb8: {  	s30 =	sld [smem:$0x0];
	_ =	sdelay $0x2  }
0xb9: {  	s31 =	sshll.u32 s1, $0xD;
	s1 =	sshrl.u32 s1, $0x2  }
0xba: {  	s3 =	sand.u32 $0x4000, s31;
	s1 =	sadd.s32 s1, s30  }
0xbb: {  	s0 =	sor.u32 s3, s0;
	s1 =	sshll.u32 s1, $0x11  }
0xbc: {  	s0 =	sor.u32 s1, s0  }
0xbd: {  	s0 =	sadd.s32 $0x8F2B, s0  }
0xbe: {  	[sflag:s0] =	ssyncadd.remote.s32 $0x1  }
0xbf: {  	_ =	sfence.sel $0xFFFF  }
0xc0: {  	[dreg:$0x0] =	wrdreg $0xFFFFFFFF;
	(pc) =	sbr.abs _section_cstart, $3  }
0xc1: {  	[dreg:$0x1] =	wrdreg $0xFFFFFFFF  }
0xc2: {  	_ =	task.clear_ibuf [dreg:s7], $0x2FFFF;
	_ =	strace $0x9FFFFFFF  }
0xc3: {  	(tm) =	ssettm $0x7FFFFFFF  }
tec
execute0_lowered:
.L_overlay_start_1:
0x0: {  	(tag) =	ssettag $0x1  }
0x1: {  	s1 =	rddreg [dreg:$0x0];
	s0 =	srdreg.scid  }
0x2: {  	s9 =	stileid.u32;
	s2 =	rddreg [dreg:$0x1]  }
0x3: {  	s3 =	rddreg [dreg:$0x2];
	s18 =	simm.s32 $0x50;
	s30 =	simm.s32 $0x2  }
0x4: {  	s31 =	simm.s32 $0x1;
	s17 =	simm.s32 $0x64A0;
	s28 =	simm.s32 $0x96A0  }
0x5: {  	s0 =	sand.u32 $0x1, s0;
	s4 =	sshll.u32 s9, $0x1;
	s7 =	smul.u32 $0x14000, s9  }
0x6: {  	s29 =	simm.s32 $0xA0A0;
	s26 =	smul.u32 $0xA00, s9;
	s5 =	sor.u32 s0, s4  }
0x7: {  	s4 =	simm.s32 $0x0;
	s6 =	smul.u32 $0xA000, s0;
	s0 =	ssub.s32 $0x2, s0  }
0x8: {  	s5 =	smul.u32 $0x4E2, s5;
	[smem:$0x7FF] =	sst s4;
	s19 =	sshrl.u32 s0, $0x1  }
0x9: {  	s21 =	sshrl.u32 s7, $0x2;
	s7 =	smul.u32 $0x280, s9;
	_ =	strace $0x8000004D  }
0xa: {  	s0 =	ssub.s32 s0, s19;
	s8 =	sadd.s32 s21, s3;
	s21 =	simm.s32 $0x6EA0  }
0xb: {  	s5 =	sadd.s32 s5, s2;
	s2 =	sadd.s32 s6, s2;
	s22 =	sadd.s32 $0xA00, s8  }
0xc: {  	s23 =	sadd.s32 $0x1400, s8;
	s24 =	sadd.s32 $0x1E00, s8;
	s25 =	sadd.s32 $0x2800, s8  }
0xd: {  	s13 =	sadd.s32 $0x3200, s8;
	s14 =	sadd.s32 $0x3C00, s8;
	[dreg:$0x6] =	wrdreg s22  }
0xe: {  	s15 =	sadd.s32 $0x4600, s8;
	s16 =	smax.u32 s0, $0x1;
	[dreg:$0x7] =	wrdreg s23  }
0xf: {  	s0 =	simm.s32 $0xAAA0;
	s20 =	sadd.s32 $0x2600, s5;
	[dreg:$0x8] =	wrdreg s24  }
0x10: {  	s5 =	sadd.s32 $0xC240, s5;
	[dreg:$0x9] =	wrdreg s25;
	s2 =	sadd.s32 $0x66000, s2  }
0x11: {  	s23 =	simm.s32 $0x78A0;
	s25 =	simm.s32 $0x82A0;
	[dreg:$0x4] =	wrdreg s20  }
0x12: {  	s22 =	simm.s32 $0x0;
	[dreg:$0x5] =	wrdreg s5;
	s20 =	simm.s32 $0x50A0  }
0x13: {  	v0 =	vimm.f32 $0.0e+00;
	v1 =	vlaneseq.u32;
	s24 =	sadd.s32 s26, s2;
	s2 =	simm.s32 $0x5AA0;
	s26 =	simm.s32 $0x8CA0  }
.LBB2_1:
0x14: {  	s5 =	rddreg [dreg:$0x4]  }
0x15: {  	[tilespmem:s4], [sflag:$0x1] =	stream.linear.gather [hbm4b:s5+s4], $0x2710, $0x38;
	[tilespmem:$0x104A0] =	vst v63  }
0x16: {  	s19 =	rddreg [dreg:$0x5];
	s6 =	simm.s32 $0x2710;
	s5 =	simm.s32 $0x0  }
0x17: {  	[tilespmem:s6], [sflag:$0x1] =	stream.linear.gather [hbm4b:s19+s4], $0x2710, $0x38;
	[tilespmem:$0x104A0] =	vst v63  }
.LBB2_2:
0x18: {  	p0 =	sne.s32 s5, $0x2780  }
.Ltmp0:
0x19: {  	_ = 	snop;
	(pc) =	sbr.rel @p0 .LBB2_2-.Ltmp0, $4  }
0x1a: {  	_ = 	snop  }
0x1b: {  	s6 =	sshra.s32 s5, $0x2  }
0x1c: {  	[tilespmem:s6+$0x50A0] =	vst v0  }
0x1d: {  	s5 =	sadd.s32 $0x80, s5;
	[tilespmem:s6+$0x50B0] =	vst v0  }
0x1e: {  	s5 =	simm.s32 $0x0  }
0x1f: {  	s5 =	smul.u32 $0xCD, s5;
	_ =	sdelay $0x1  }
0x20: {  	s5 =	sshrl.u32 s5, $0xA  }
0x21: {  	s6 =	sand.u32 $0x3F, s5  }
0x22: {  	s5 =	simm.s32 $0x1;
	s9 =	smul.u32 $0x5, s6  }
0x23: {  	s10 =	smul.u32 $0xCD, s5  }
0x24: {  	s19 =	smul.u32 $0x140, s6;
	s9 =	ssub.s32 $0x0, s9  }
0x25: {  	s6 =	simm.s32 $0x2;
	s11 =	sshrl.u32 s10, $0xA;
	s12 =	sand.u32 $0xFF, s9  }
0x26: {  	s9 =	sshrl.u32 s19, $0x2;
	s19 =	smov.u32 s7;
	s10 =	sshll.u32 s12, $0x4  }
.LBB2_4:
0x27: {  	s12 =	smul.u32 $0xCD, s6;
	s11 =	sand.u32 $0x3F, s11  }
0x28: {  	v2 =	vor.u32 s19, v1;
	s9 =	sadd.s32 s10, s9;
	p0 =	sne.s32 s6, $0x27;
	s10 =	smul.u32 $0x5, s11  }
.Ltmp1:
0x29: {  	[tilespmem:s9+$0x4E20] =	vst v2;
	(pc) =	sbr.rel @p0 .LBB2_4-.Ltmp1, $4  }
0x2a: {  	s9 =	smul.u32 $0x140, s11;
	s11 =	smov.u32 s6  }
0x2b: {  	s6 =	sadd.s32 $0x1, s6;
	s5 =	ssub.s32 s5, s10  }
0x2c: {  	s19 =	sadd.s32 $0x10, s19;
	s10 =	sand.u32 $0xFF, s5;
	s5 =	smov.u32 s11  }
0x2d: {  	s9 =	sshrl.u32 s9, $0x2;
	s11 =	sshrl.u32 s12, $0xA;
	s10 =	sshll.u32 s10, $0x4  }
0x2e: {  	s6 =	sand.u32 $0x3F, s11  }
0x2f: {  	s11 =	smul.u32 $0x5, s6;
	_ =	sdelay $0x1  }
0x30: {  	s6 =	smul.u32 $0x140, s6;
	s5 =	ssub.s32 s5, s11  }
0x31: {  	s9 =	sadd.s32 s10, s9;
	s5 =	sand.u32 $0xFF, s5  }
0x32: {  	v2 =	vor.u32 s19, v1;
	s11 =	sadd.s32 $0x10, s19;
	s6 =	sshrl.u32 s6, $0x2;
	s5 =	sshll.u32 s5, $0x4  }
0x33: {  	[tilespmem:s9+$0x4E20] =	vst v2;
	v2 =	vor.u32 s11, v1;
	s5 =	sadd.s32 s5, s6  }
0x34: {  	s12 =	simm.s32 $0x4E20;
	[tilespmem:s5+$0x4E20] =	vst v2  }
0x35: {  	[spmem:s3] =	stream.indirect.scatter [tilespmem:s20], [sflag:$0x2], $0x20, s12, s18, $0xb8;
	[tilespmem:$0x104A0] =	vst v63  }
0x36: {  	s19 =	simm.s32 $0x4E70  }
0x37: {  	[spmem:s3] =	stream.indirect.scatter [tilespmem:s20], [sflag:$0x2], $0x20, s19, s18, $0xb8;
	[tilespmem:$0x104A0] =	vst v63  }
0x38: {  	s6 =	simm.s32 $0x4EC0  }
0x39: {  	[spmem:s3] =	stream.indirect.scatter [tilespmem:s20], [sflag:$0x2], $0x20, s6, s18, $0xb8;
	[tilespmem:$0x104A0] =	vst v63  }
0x3a: {  	s9 =	simm.s32 $0x4F10  }
0x3b: {  	[spmem:s3] =	stream.indirect.scatter [tilespmem:s20], [sflag:$0x2], $0x20, s9, s18, $0xb8;
	[tilespmem:$0x104A0] =	vst v63  }
0x3c: {  	s10 =	simm.s32 $0x4F60  }
0x3d: {  	[spmem:s3] =	stream.indirect.scatter [tilespmem:s20], [sflag:$0x2], $0x20, s10, s18, $0xb8;
	[tilespmem:$0x104A0] =	vst v63  }
0x3e: {  	s11 =	simm.s32 $0x4FB0  }
0x3f: {  	[spmem:s3] =	stream.indirect.scatter [tilespmem:s20], [sflag:$0x2], $0x20, s11, s18, $0xb8;
	[tilespmem:$0x104A0] =	vst v63  }
0x40: {  	s12 =	simm.s32 $0x5000  }
0x41: {  	[spmem:s3] =	stream.indirect.scatter [tilespmem:s20], [sflag:$0x2], $0x20, s12, s18, $0xb8;
	[tilespmem:$0x104A0] =	vst v63  }
0x42: {  	s19 =	simm.s32 $0x5050  }
0x43: {  	[spmem:s3] =	stream.indirect.scatter [tilespmem:s20], [sflag:$0x2], $0x20, s19, s18, $0xb8;
	[tilespmem:$0x104A0] =	vst v63  }
0x44: {  	_ =	swait.ge [sflag:s30], $0xA00  }
0x45: {  	[sflag:s30] =	ssyncset.done $0x0  }
0x46: {  	[sflag:s30] =	ssyncadd.s32 $0xFFFFF600  }
0x47: {  	_ =	swait.ge [sflag:s30], $0xA00  }
0x48: {  	[sflag:s30] =	ssyncset.done $0x0  }
0x49: {  	[sflag:s30] =	ssyncadd.s32 $0xFFFFF600  }
0x4a: {  	_ =	swait.ge [sflag:s30], $0xA00  }
0x4b: {  	[sflag:s30] =	ssyncset.done $0x0  }
0x4c: {  	[sflag:s30] =	ssyncadd.s32 $0xFFFFF600  }
0x4d: {  	_ =	swait.ge [sflag:s30], $0xA00  }
0x4e: {  	[sflag:s30] =	ssyncset.done $0x0  }
0x4f: {  	[sflag:s30] =	ssyncadd.s32 $0xFFFFF600  }
0x50: {  	_ =	swait.ge [sflag:s30], $0xA00  }
0x51: {  	[sflag:s30] =	ssyncset.done $0x0  }
0x52: {  	[sflag:s30] =	ssyncadd.s32 $0xFFFFF600  }
0x53: {  	_ =	swait.ge [sflag:s30], $0xA00  }
0x54: {  	[sflag:s30] =	ssyncset.done $0x0  }
0x55: {  	[sflag:s30] =	ssyncadd.s32 $0xFFFFF600  }
0x56: {  	_ =	swait.ge [sflag:s30], $0xA00  }
0x57: {  	[sflag:s30] =	ssyncset.done $0x0  }
0x58: {  	[sflag:s30] =	ssyncadd.s32 $0xFFFFF600  }
0x59: {  	_ =	swait.ge [sflag:s30], $0xA00  }
0x5a: {  	[sflag:s30] =	ssyncset.done $0x0  }
0x5b: {  	[sflag:s30] =	ssyncadd.s32 $0xFFFFF600  }
0x5c: {  	[bflag:$0x0] =	sbarrier.arrive $0xFFFF  }
0x5d: {  	_ =	swait.ge [sflag:s31], $0x2710  }
0x5e: {  	[sflag:s31] =	ssyncset.done $0x0  }
0x5f: {  	[sflag:s31] =	ssyncadd.s32 $0xFFFFD8F0  }
0x60: {  	_ =	swait.ge [sflag:s31], $0x2710  }
0x61: {  	[sflag:s31] =	ssyncset.done $0x0  }
0x62: {  	s6 =	simm.s32 $0x0;
	[sflag:s31] =	ssyncadd.s32 $0xFFFFD8F0  }
0x63: {  	[tilespmem:s20], [sflag:$0x1] =	stream.indirect.gather [hbm4b:s1+s18], $0x20, s6, s18, $0xb8;
	[tilespmem:$0x104A0] =	vst v63  }
0x64: {  	_ = 	snop  }
0x65: {  	[tilespmem:s2], [sflag:$0x1] =	stream.indirect.gather [hbm4b:s1+s18], $0x20, s18, s18, $0xb8;
	[tilespmem:$0x104A0] =	vst v63  }
0x66: {  	s9 =	simm.s32 $0xA0  }
0x67: {  	[tilespmem:s17], [sflag:$0x1] =	stream.indirect.gather [hbm4b:s1+s18], $0x20, s9, s18, $0xb8;
	[tilespmem:$0x104A0] =	vst v63  }
0x68: {  	s10 =	simm.s32 $0xF0  }
0x69: {  	[tilespmem:s21], [sflag:$0x1] =	stream.indirect.gather [hbm4b:s1+s18], $0x20, s10, s18, $0xb8;
	[tilespmem:$0x104A0] =	vst v63  }
0x6a: {  	s11 =	simm.s32 $0x140  }
0x6b: {  	[tilespmem:s23], [sflag:$0x1] =	stream.indirect.gather [hbm4b:s1+s18], $0x20, s11, s18, $0xb8;
	[tilespmem:$0x104A0] =	vst v63  }
0x6c: {  	_ =	swait.ge [sflag:s31], $0xA00  }
0x6d: {  	[sflag:s31] =	ssyncset.done $0x0  }
0x6e: {  	[sflag:s31] =	ssyncadd.s32 $0xFFFFF600  }
0x6f: {  	_ =	swait.ge [sflag:s31], $0xA00  }
0x70: {  	[sflag:s31] =	ssyncset.done $0x0  }
0x71: {  	[sflag:s31] =	ssyncadd.s32 $0xFFFFF600  }
0x72: {  	_ =	swait.ge [sflag:s31], $0xA00  }
0x73: {  	[sflag:s31] =	ssyncset.done $0x0  }
0x74: {  	[sflag:s31] =	ssyncadd.s32 $0xFFFFF600  }
0x75: {  	_ =	swait.ge [sflag:s31], $0xA00  }
0x76: {  	[sflag:s31] =	ssyncset.done $0x0  }
0x77: {  	[sflag:s31] =	ssyncadd.s32 $0xFFFFF600  }
0x78: {  	_ =	swait.ge [sflag:s31], $0xA00  }
0x79: {  	[sflag:s31] =	ssyncset.done $0x0  }
0x7a: {  	s12 =	simm.s32 $0x190;
	[sflag:s31] =	ssyncadd.s32 $0xFFFFF600  }
0x7b: {  	[tilespmem:s25], [sflag:$0x1] =	stream.indirect.gather [hbm4b:s1+s18], $0x20, s12, s18, $0xb8;
	[tilespmem:$0x104A0] =	vst v63  }
0x7c: {  	s19 =	simm.s32 $0x1E0  }
0x7d: {  	[tilespmem:s26], [sflag:$0x1] =	stream.indirect.gather [hbm4b:s1+s18], $0x20, s19, s18, $0xb8;
	[tilespmem:$0x104A0] =	vst v63  }
0x7e: {  	s6 =	simm.s32 $0x230  }
0x7f: {  	[tilespmem:s28], [sflag:$0x1] =	stream.indirect.gather [hbm4b:s1+s18], $0x20, s6, s18, $0xb8;
	[tilespmem:$0x104A0] =	vst v63  }
0x80: {  	s9 =	simm.s32 $0x280  }
0x81: {  	[tilespmem:s29], [sflag:$0x1] =	stream.indirect.gather [hbm4b:s1+s18], $0x20, s9, s18, $0xb8;
	[tilespmem:$0x104A0] =	vst v63  }
0x82: {  	s10 =	simm.s32 $0x2D0  }
0x83: {  	[tilespmem:s0], [sflag:$0x1] =	stream.indirect.gather [hbm4b:s1+s18], $0x20, s10, s18, $0xb8;
	[tilespmem:$0x104A0] =	vst v63  }
0x84: {  	s11 =	simm.s32 $0x2710  }
0x85: {  	[spmem:s3] =	stream.indirect.scatter.add.f32 [tilespmem:s20], [sflag:$0x2], $0x20, s11, s18, $0xb8;
	[tilespmem:$0x104A0] =	vst v63  }
0x86: {  	s12 =	simm.s32 $0x2760  }
0x87: {  	[spmem:s3] =	stream.indirect.scatter.add.f32 [tilespmem:s2], [sflag:$0x2], $0x20, s12, s18, $0xb8;
	[tilespmem:$0x104A0] =	vst v63  }
0x88: {  	s19 =	simm.s32 $0x27B0  }
0x89: {  	[spmem:s3] =	stream.indirect.scatter.add.f32 [tilespmem:s17], [sflag:$0x2], $0x20, s19, s18, $0xb8;
	[tilespmem:$0x104A0] =	vst v63  }
0x8a: {  	s6 =	simm.s32 $0x2800  }
0x8b: {  	[spmem:s3] =	stream.indirect.scatter.add.f32 [tilespmem:s21], [sflag:$0x2], $0x20, s6, s18, $0xb8;
	[tilespmem:$0x104A0] =	vst v63  }
0x8c: {  	s9 =	simm.s32 $0x2850  }
0x8d: {  	[spmem:s3] =	stream.indirect.scatter.add.f32 [tilespmem:s23], [sflag:$0x2], $0x20, s9, s18, $0xb8;
	[tilespmem:$0x104A0] =	vst v63  }
0x8e: {  	_ =	swait.ge [sflag:s30], $0xA00  }
0x8f: {  	[sflag:s30] =	ssyncset.done $0x0  }
0x90: {  	[sflag:s30] =	ssyncadd.s32 $0xFFFFF600  }
0x91: {  	_ =	swait.ge [sflag:s30], $0xA00  }
0x92: {  	[sflag:s30] =	ssyncset.done $0x0  }
0x93: {  	[sflag:s30] =	ssyncadd.s32 $0xFFFFF600  }
0x94: {  	_ =	swait.ge [sflag:s30], $0xA00  }
0x95: {  	[sflag:s30] =	ssyncset.done $0x0  }
0x96: {  	[sflag:s30] =	ssyncadd.s32 $0xFFFFF600  }
0x97: {  	_ =	swait.ge [sflag:s30], $0xA00  }
0x98: {  	[sflag:s30] =	ssyncset.done $0x0  }
0x99: {  	[sflag:s30] =	ssyncadd.s32 $0xFFFFF600  }
0x9a: {  	_ =	swait.ge [sflag:s30], $0xA00  }
0x9b: {  	[sflag:s30] =	ssyncset.done $0x0  }
0x9c: {  	[sflag:s30] =	ssyncadd.s32 $0xFFFFF600  }
0x9d: {  	_ =	swait.ge [sflag:s31], $0xA00  }
0x9e: {  	[sflag:s31] =	ssyncset.done $0x0  }
0x9f: {  	[sflag:s31] =	ssyncadd.s32 $0xFFFFF600  }
0xa0: {  	_ =	swait.ge [sflag:s31], $0xA00  }
0xa1: {  	[sflag:s31] =	ssyncset.done $0x0  }
0xa2: {  	[sflag:s31] =	ssyncadd.s32 $0xFFFFF600  }
0xa3: {  	_ =	swait.ge [sflag:s31], $0xA00  }
0xa4: {  	[sflag:s31] =	ssyncset.done $0x0  }
0xa5: {  	[sflag:s31] =	ssyncadd.s32 $0xFFFFF600  }
0xa6: {  	_ =	swait.ge [sflag:s31], $0xA00  }
0xa7: {  	[sflag:s31] =	ssyncset.done $0x0  }
0xa8: {  	[sflag:s31] =	ssyncadd.s32 $0xFFFFF600  }
0xa9: {  	_ =	swait.ge [sflag:s31], $0xA00  }
0xaa: {  	[sflag:s31] =	ssyncset.done $0x0  }
0xab: {  	s10 =	simm.s32 $0x320;
	[sflag:s31] =	ssyncadd.s32 $0xFFFFF600  }
0xac: {  	[tilespmem:s20], [sflag:$0x1] =	stream.indirect.gather [hbm4b:s1+s18], $0x20, s10, s18, $0xb8;
	[tilespmem:$0x104A0] =	vst v63  }
0xad: {  	s11 =	simm.s32 $0x370  }
0xae: {  	[tilespmem:s2], [sflag:$0x1] =	stream.indirect.gather [hbm4b:s1+s18], $0x20, s11, s18, $0xb8;
	[tilespmem:$0x104A0] =	vst v63  }
0xaf: {  	s12 =	simm.s32 $0x3C0  }
0xb0: {  	[tilespmem:s17], [sflag:$0x1] =	stream.indirect.gather [hbm4b:s1+s18], $0x20, s12, s18, $0xb8;
	[tilespmem:$0x104A0] =	vst v63  }
0xb1: {  	s19 =	simm.s32 $0x410  }
0xb2: {  	[tilespmem:s21], [sflag:$0x1] =	stream.indirect.gather [hbm4b:s1+s18], $0x20, s19, s18, $0xb8;
	[tilespmem:$0x104A0] =	vst v63  }
0xb3: {  	s6 =	simm.s32 $0x460  }
0xb4: {  	[tilespmem:s23], [sflag:$0x1] =	stream.indirect.gather [hbm4b:s1+s18], $0x20, s6, s18, $0xb8;
	[tilespmem:$0x104A0] =	vst v63  }
0xb5: {  	s9 =	simm.s32 $0x28A0  }
0xb6: {  	[spmem:s3] =	stream.indirect.scatter.add.f32 [tilespmem:s25], [sflag:$0x2], $0x20, s9, s18, $0xb8;
	[tilespmem:$0x104A0] =	vst v63  }
0xb7: {  	s10 =	simm.s32 $0x28F0  }
0xb8: {  	[spmem:s3] =	stream.indirect.scatter.add.f32 [tilespmem:s26], [sflag:$0x2], $0x20, s10, s18, $0xb8;
	[tilespmem:$0x104A0] =	vst v63  }
0xb9: {  	s11 =	simm.s32 $0x2940  }
0xba: {  	[spmem:s3] =	stream.indirect.scatter.add.f32 [tilespmem:s28], [sflag:$0x2], $0x20, s11, s18, $0xb8;
	[tilespmem:$0x104A0] =	vst v63  }
0xbb: {  	s12 =	simm.s32 $0x2990  }
0xbc: {  	[spmem:s3] =	stream.indirect.scatter.add.f32 [tilespmem:s29], [sflag:$0x2], $0x20, s12, s18, $0xb8;
	[tilespmem:$0x104A0] =	vst v63  }
0xbd: {  	s19 =	simm.s32 $0x29E0  }
0xbe: {  	[spmem:s3] =	stream.indirect.scatter.add.f32 [tilespmem:s0], [sflag:$0x2], $0x20, s19, s18, $0xb8;
	[tilespmem:$0x104A0] =	vst v63  }
0xbf: {  	_ =	swait.ge [sflag:s30], $0xA00  }
0xc0: {  	[sflag:s30] =	ssyncset.done $0x0  }
0xc1: {  	[sflag:s30] =	ssyncadd.s32 $0xFFFFF600  }
0xc2: {  	_ =	swait.ge [sflag:s30], $0xA00  }
0xc3: {  	[sflag:s30] =	ssyncset.done $0x0  }
0xc4: {  	[sflag:s30] =	ssyncadd.s32 $0xFFFFF600  }
0xc5: {  	_ =	swait.ge [sflag:s30], $0xA00  }
0xc6: {  	[sflag:s30] =	ssyncset.done $0x0  }
0xc7: {  	[sflag:s30] =	ssyncadd.s32 $0xFFFFF600  }
0xc8: {  	_ =	swait.ge [sflag:s30], $0xA00  }
0xc9: {  	[sflag:s30] =	ssyncset.done $0x0  }
0xca: {  	[sflag:s30] =	ssyncadd.s32 $0xFFFFF600  }
0xcb: {  	_ =	swait.ge [sflag:s30], $0xA00  }
0xcc: {  	s19 =	simm.s32 $0xC80;
	[sflag:s30] =	ssyncset.done $0x0  }
.LBB2_6:
0xcd: {  	p0 =	sne.s32 s19, $0x8980  }
0xce: {  	[sflag:s30] =	ssyncadd.s32 $0xFFFFF600;
	s5 =	smov.u32 s19;
	s19 =	sadd.s32 $0xC80, s19  }
0xcf: {  	_ =	swait.ge [sflag:s31], $0xA00  }
0xd0: {  	[sflag:s31] =	ssyncset.done $0x0  }
0xd1: {  	[sflag:s31] =	ssyncadd.s32 $0xFFFFF600  }
0xd2: {  	_ =	swait.ge [sflag:s31], $0xA00  }
0xd3: {  	[sflag:s31] =	ssyncset.done $0x0  }
0xd4: {  	[sflag:s31] =	ssyncadd.s32 $0xFFFFF600  }
0xd5: {  	_ =	swait.ge [sflag:s31], $0xA00  }
0xd6: {  	[sflag:s31] =	ssyncset.done $0x0  }
0xd7: {  	[sflag:s31] =	ssyncadd.s32 $0xFFFFF600  }
0xd8: {  	_ =	swait.ge [sflag:s31], $0xA00  }
0xd9: {  	[sflag:s31] =	ssyncset.done $0x0  }
0xda: {  	[sflag:s31] =	ssyncadd.s32 $0xFFFFF600  }
0xdb: {  	_ =	swait.ge [sflag:s31], $0xA00  }
0xdc: {  	s5 =	sshra.s32 s5, $0x2;
	[sflag:s31] =	ssyncset.done $0x0  }
0xdd: {  	s6 =	sadd.s32 $0x190, s5;
	[sflag:s31] =	ssyncadd.s32 $0xFFFFF600  }
0xde: {  	[tilespmem:s25], [sflag:$0x1] =	stream.indirect.gather [hbm4b:s1+s18], $0x20, s6, s18, $0xb8;
	[tilespmem:$0x104A0] =	vst v63  }
0xdf: {  	s6 =	sadd.s32 $0x1E0, s5  }
0xe0: {  	[tilespmem:s26], [sflag:$0x1] =	stream.indirect.gather [hbm4b:s1+s18], $0x20, s6, s18, $0xb8;
	[tilespmem:$0x104A0] =	vst v63  }
0xe1: {  	s6 =	sadd.s32 $0x230, s5  }
0xe2: {  	[tilespmem:s28], [sflag:$0x1] =	stream.indirect.gather [hbm4b:s1+s18], $0x20, s6, s18, $0xb8;
	[tilespmem:$0x104A0] =	vst v63  }
0xe3: {  	s6 =	sadd.s32 $0x280, s5  }
0xe4: {  	[tilespmem:s29], [sflag:$0x1] =	stream.indirect.gather [hbm4b:s1+s18], $0x20, s6, s18, $0xb8;
	[tilespmem:$0x104A0] =	vst v63  }
0xe5: {  	s6 =	sadd.s32 $0x2D0, s5  }
0xe6: {  	[tilespmem:s0], [sflag:$0x1] =	stream.indirect.gather [hbm4b:s1+s18], $0x20, s6, s18, $0xb8;
	[tilespmem:$0x104A0] =	vst v63  }
0xe7: {  	s6 =	sadd.s32 $0x2710, s5  }
0xe8: {  	[spmem:s3] =	stream.indirect.scatter.add.f32 [tilespmem:s20], [sflag:$0x2], $0x20, s6, s18, $0xb8;
	[tilespmem:$0x104A0] =	vst v63  }
0xe9: {  	s6 =	sadd.s32 $0x2760, s5  }
0xea: {  	[spmem:s3] =	stream.indirect.scatter.add.f32 [tilespmem:s2], [sflag:$0x2], $0x20, s6, s18, $0xb8;
	[tilespmem:$0x104A0] =	vst v63  }
0xeb: {  	s6 =	sadd.s32 $0x27B0, s5  }
0xec: {  	[spmem:s3] =	stream.indirect.scatter.add.f32 [tilespmem:s17], [sflag:$0x2], $0x20, s6, s18, $0xb8;
	[tilespmem:$0x104A0] =	vst v63  }
0xed: {  	s6 =	sadd.s32 $0x2800, s5  }
0xee: {  	[spmem:s3] =	stream.indirect.scatter.add.f32 [tilespmem:s21], [sflag:$0x2], $0x20, s6, s18, $0xb8;
	[tilespmem:$0x104A0] =	vst v63  }
0xef: {  	s6 =	sadd.s32 $0x2850, s5  }
0xf0: {  	[spmem:s3] =	stream.indirect.scatter.add.f32 [tilespmem:s23], [sflag:$0x2], $0x20, s6, s18, $0xb8;
	[tilespmem:$0x104A0] =	vst v63  }
0xf1: {  	_ =	swait.ge [sflag:s30], $0xA00  }
0xf2: {  	[sflag:s30] =	ssyncset.done $0x0  }
0xf3: {  	[sflag:s30] =	ssyncadd.s32 $0xFFFFF600  }
0xf4: {  	_ =	swait.ge [sflag:s30], $0xA00  }
0xf5: {  	[sflag:s30] =	ssyncset.done $0x0  }
0xf6: {  	[sflag:s30] =	ssyncadd.s32 $0xFFFFF600  }
0xf7: {  	_ =	swait.ge [sflag:s30], $0xA00  }
0xf8: {  	[sflag:s30] =	ssyncset.done $0x0  }
0xf9: {  	[sflag:s30] =	ssyncadd.s32 $0xFFFFF600  }
0xfa: {  	_ =	swait.ge [sflag:s30], $0xA00  }
0xfb: {  	[sflag:s30] =	ssyncset.done $0x0  }
0xfc: {  	[sflag:s30] =	ssyncadd.s32 $0xFFFFF600  }
0xfd: {  	_ =	swait.ge [sflag:s30], $0xA00  }
0xfe: {  	[sflag:s30] =	ssyncset.done $0x0  }
0xff: {  	[sflag:s30] =	ssyncadd.s32 $0xFFFFF600  }
0x100: {  	_ =	swait.ge [sflag:s31], $0xA00  }
0x101: {  	[sflag:s31] =	ssyncset.done $0x0  }
0x102: {  	[sflag:s31] =	ssyncadd.s32 $0xFFFFF600  }
0x103: {  	_ =	swait.ge [sflag:s31], $0xA00  }
0x104: {  	[sflag:s31] =	ssyncset.done $0x0  }
0x105: {  	[sflag:s31] =	ssyncadd.s32 $0xFFFFF600  }
0x106: {  	_ =	swait.ge [sflag:s31], $0xA00  }
0x107: {  	[sflag:s31] =	ssyncset.done $0x0  }
0x108: {  	[sflag:s31] =	ssyncadd.s32 $0xFFFFF600  }
0x109: {  	_ =	swait.ge [sflag:s31], $0xA00  }
0x10a: {  	[sflag:s31] =	ssyncset.done $0x0  }
0x10b: {  	[sflag:s31] =	ssyncadd.s32 $0xFFFFF600  }
0x10c: {  	_ =	swait.ge [sflag:s31], $0xA00  }
0x10d: {  	[sflag:s31] =	ssyncset.done $0x0  }
0x10e: {  	s6 =	sadd.s32 $0x320, s5;
	[sflag:s31] =	ssyncadd.s32 $0xFFFFF600  }
0x10f: {  	[tilespmem:s20], [sflag:$0x1] =	stream.indirect.gather [hbm4b:s1+s18], $0x20, s6, s18, $0xb8;
	[tilespmem:$0x104A0] =	vst v63  }
0x110: {  	s6 =	sadd.s32 $0x370, s5  }
0x111: {  	[tilespmem:s2], [sflag:$0x1] =	stream.indirect.gather [hbm4b:s1+s18], $0x20, s6, s18, $0xb8;
	[tilespmem:$0x104A0] =	vst v63  }
0x112: {  	s6 =	sadd.s32 $0x3C0, s5  }
0x113: {  	[tilespmem:s17], [sflag:$0x1] =	stream.indirect.gather [hbm4b:s1+s18], $0x20, s6, s18, $0xb8;
	[tilespmem:$0x104A0] =	vst v63  }
0x114: {  	s6 =	sadd.s32 $0x410, s5  }
0x115: {  	[tilespmem:s21], [sflag:$0x1] =	stream.indirect.gather [hbm4b:s1+s18], $0x20, s6, s18, $0xb8;
	[tilespmem:$0x104A0] =	vst v63  }
0x116: {  	s6 =	sadd.s32 $0x460, s5  }
0x117: {  	[tilespmem:s23], [sflag:$0x1] =	stream.indirect.gather [hbm4b:s1+s18], $0x20, s6, s18, $0xb8;
	[tilespmem:$0x104A0] =	vst v63  }
0x118: {  	s6 =	sadd.s32 $0x28A0, s5  }
0x119: {  	[spmem:s3] =	stream.indirect.scatter.add.f32 [tilespmem:s25], [sflag:$0x2], $0x20, s6, s18, $0xb8;
	[tilespmem:$0x104A0] =	vst v63  }
0x11a: {  	s6 =	sadd.s32 $0x28F0, s5  }
0x11b: {  	[spmem:s3] =	stream.indirect.scatter.add.f32 [tilespmem:s26], [sflag:$0x2], $0x20, s6, s18, $0xb8;
	[tilespmem:$0x104A0] =	vst v63  }
0x11c: {  	s6 =	sadd.s32 $0x2940, s5  }
0x11d: {  	[spmem:s3] =	stream.indirect.scatter.add.f32 [tilespmem:s28], [sflag:$0x2], $0x20, s6, s18, $0xb8;
	[tilespmem:$0x104A0] =	vst v63  }
0x11e: {  	s6 =	sadd.s32 $0x2990, s5  }
0x11f: {  	[spmem:s3] =	stream.indirect.scatter.add.f32 [tilespmem:s29], [sflag:$0x2], $0x20, s6, s18, $0xb8;
	[tilespmem:$0x104A0] =	vst v63  }
0x120: {  	s5 =	sadd.s32 $0x29E0, s5  }
0x121: {  	[spmem:s3] =	stream.indirect.scatter.add.f32 [tilespmem:s0], [sflag:$0x2], $0x20, s5, s18, $0xb8;
	[tilespmem:$0x104A0] =	vst v63  }
0x122: {  	_ =	swait.ge [sflag:s30], $0xA00  }
0x123: {  	[sflag:s30] =	ssyncset.done $0x0  }
0x124: {  	[sflag:s30] =	ssyncadd.s32 $0xFFFFF600  }
0x125: {  	_ =	swait.ge [sflag:s30], $0xA00  }
0x126: {  	[sflag:s30] =	ssyncset.done $0x0  }
0x127: {  	[sflag:s30] =	ssyncadd.s32 $0xFFFFF600  }
0x128: {  	_ =	swait.ge [sflag:s30], $0xA00  }
0x129: {  	[sflag:s30] =	ssyncset.done $0x0  }
0x12a: {  	[sflag:s30] =	ssyncadd.s32 $0xFFFFF600  }
.Ltmp2:
0x12b: {  	_ =	swait.ge [sflag:s30], $0xA00;
	(pc) =	sbr.rel @p0 .LBB2_6-.Ltmp2, $4  }
0x12c: {  	[sflag:s30] =	ssyncset.done $0x0  }
0x12d: {  	[sflag:s30] =	ssyncadd.s32 $0xFFFFF600  }
0x12e: {  	_ =	swait.ge [sflag:s30], $0xA00  }
0x12f: {  	[sflag:s30] =	ssyncset.done $0x0  }
0x130: {  	[sflag:s30] =	ssyncadd.s32 $0xFFFFF600  }
0x131: {  	_ =	swait.ge [sflag:s31], $0xA00  }
0x132: {  	[sflag:s31] =	ssyncset.done $0x0  }
0x133: {  	[sflag:s31] =	ssyncadd.s32 $0xFFFFF600  }
0x134: {  	_ =	swait.ge [sflag:s31], $0xA00  }
0x135: {  	[sflag:s31] =	ssyncset.done $0x0  }
0x136: {  	[sflag:s31] =	ssyncadd.s32 $0xFFFFF600  }
0x137: {  	_ =	swait.ge [sflag:s31], $0xA00  }
0x138: {  	[sflag:s31] =	ssyncset.done $0x0  }
0x139: {  	[sflag:s31] =	ssyncadd.s32 $0xFFFFF600  }
0x13a: {  	_ =	swait.ge [sflag:s31], $0xA00  }
0x13b: {  	[sflag:s31] =	ssyncset.done $0x0  }
0x13c: {  	[sflag:s31] =	ssyncadd.s32 $0xFFFFF600  }
0x13d: {  	_ =	swait.ge [sflag:s31], $0xA00  }
0x13e: {  	[sflag:s31] =	ssyncset.done $0x0  }
0x13f: {  	s5 =	simm.s32 $0x4C90;
	[sflag:s31] =	ssyncadd.s32 $0xFFFFF600  }
0x140: {  	[spmem:s3] =	stream.indirect.scatter.add.f32 [tilespmem:s20], [sflag:$0x2], $0x20, s5, s18, $0xb8;
	[tilespmem:$0x104A0] =	vst v63  }
0x141: {  	s11 =	simm.s32 $0x4CE0  }
0x142: {  	[spmem:s3] =	stream.indirect.scatter.add.f32 [tilespmem:s2], [sflag:$0x2], $0x20, s11, s18, $0xb8;
	[tilespmem:$0x104A0] =	vst v63  }
0x143: {  	s12 =	simm.s32 $0x4D30  }
0x144: {  	[spmem:s3] =	stream.indirect.scatter.add.f32 [tilespmem:s17], [sflag:$0x2], $0x20, s12, s18, $0xb8;
	[tilespmem:$0x104A0] =	vst v63  }
0x145: {  	s19 =	simm.s32 $0x4D80  }
0x146: {  	[spmem:s3] =	stream.indirect.scatter.add.f32 [tilespmem:s21], [sflag:$0x2], $0x20, s19, s18, $0xb8;
	[tilespmem:$0x104A0] =	vst v63  }
0x147: {  	s6 =	simm.s32 $0x4DD0  }
0x148: {  	[spmem:s3] =	stream.indirect.scatter.add.f32 [tilespmem:s23], [sflag:$0x2], $0x20, s6, s18, $0xb8;
	[tilespmem:$0x104A0] =	vst v63  }
0x149: {  	_ =	swait.ge [sflag:s30], $0xA00  }
0x14a: {  	[sflag:s30] =	ssyncset.done $0x0  }
0x14b: {  	[sflag:s30] =	ssyncadd.s32 $0xFFFFF600  }
0x14c: {  	_ =	swait.ge [sflag:s30], $0xA00  }
0x14d: {  	[sflag:s30] =	ssyncset.done $0x0  }
0x14e: {  	[sflag:s30] =	ssyncadd.s32 $0xFFFFF600  }
0x14f: {  	_ =	swait.ge [sflag:s30], $0xA00  }
0x150: {  	[sflag:s30] =	ssyncset.done $0x0  }
0x151: {  	[sflag:s30] =	ssyncadd.s32 $0xFFFFF600  }
0x152: {  	_ =	swait.ge [sflag:s30], $0xA00  }
0x153: {  	[sflag:s30] =	ssyncset.done $0x0  }
0x154: {  	[sflag:s30] =	ssyncadd.s32 $0xFFFFF600  }
0x155: {  	_ =	swait.ge [sflag:s30], $0xA00  }
0x156: {  	[sflag:s30] =	ssyncset.done $0x0  }
0x157: {  	[sflag:s30] =	ssyncadd.s32 $0xFFFFF600  }
0x158: {  	[bflag:$0x0] =	sbarrier.arrive $0xFFFF  }
0x159: {  	[tilespmem:s20], [sflag:$0x1] =	stream.linear.gather [spmem:s8], $0xA00, $0x38;
	[tilespmem:$0x104A0] =	vst v63  }
0x15a: {  	s9 =	rddreg [dreg:$0x6]  }
0x15b: {  	[tilespmem:s2], [sflag:$0x1] =	stream.linear.gather [spmem:s9], $0xA00, $0x38;
	[tilespmem:$0x104A0] =	vst v63  }
0x15c: {  	s10 =	rddreg [dreg:$0x7]  }
0x15d: {  	[tilespmem:s17], [sflag:$0x1] =	stream.linear.gather [spmem:s10], $0xA00, $0x38;
	[tilespmem:$0x104A0] =	vst v63  }
0x15e: {  	s11 =	rddreg [dreg:$0x8]  }
0x15f: {  	[tilespmem:s21], [sflag:$0x1] =	stream.linear.gather [spmem:s11], $0xA00, $0x38;
	[tilespmem:$0x104A0] =	vst v63  }
0x160: {  	s12 =	rddreg [dreg:$0x9]  }
0x161: {  	[tilespmem:s23], [sflag:$0x1] =	stream.linear.gather [spmem:s12], $0xA00, $0x38;
	[tilespmem:$0x104A0] =	vst v63  }
0x162: {  	_ = 	snop  }
0x163: {  	[tilespmem:s25], [sflag:$0x1] =	stream.linear.gather [spmem:s13], $0xA00, $0x38;
	[tilespmem:$0x104A0] =	vst v63  }
0x164: {  	_ = 	snop  }
0x165: {  	[tilespmem:s26], [sflag:$0x1] =	stream.linear.gather [spmem:s14], $0xA00, $0x38;
	[tilespmem:$0x104A0] =	vst v63  }
0x166: {  	_ = 	snop  }
0x167: {  	[tilespmem:s28], [sflag:$0x1] =	stream.linear.gather [spmem:s15], $0xA00, $0x38;
	[tilespmem:$0x104A0] =	vst v63  }
0x168: {  	_ =	swait.ge [sflag:s31], $0xA00  }
0x169: {  	[sflag:s31] =	ssyncset.done $0x0  }
0x16a: {  	[sflag:s31] =	ssyncadd.s32 $0xFFFFF600  }
0x16b: {  	_ =	swait.ge [sflag:s31], $0xA00  }
0x16c: {  	[sflag:s31] =	ssyncset.done $0x0  }
0x16d: {  	[sflag:s31] =	ssyncadd.s32 $0xFFFFF600  }
0x16e: {  	_ =	swait.ge [sflag:s31], $0xA00  }
0x16f: {  	[sflag:s31] =	ssyncset.done $0x0  }
0x170: {  	[sflag:s31] =	ssyncadd.s32 $0xFFFFF600  }
0x171: {  	_ =	swait.ge [sflag:s31], $0xA00  }
0x172: {  	[sflag:s31] =	ssyncset.done $0x0  }
0x173: {  	[sflag:s31] =	ssyncadd.s32 $0xFFFFF600  }
0x174: {  	_ =	swait.ge [sflag:s31], $0xA00  }
0x175: {  	[sflag:s31] =	ssyncset.done $0x0  }
0x176: {  	[sflag:s31] =	ssyncadd.s32 $0xFFFFF600  }
0x177: {  	_ =	swait.ge [sflag:s31], $0xA00  }
0x178: {  	[sflag:s31] =	ssyncset.done $0x0  }
0x179: {  	[sflag:s31] =	ssyncadd.s32 $0xFFFFF600  }
0x17a: {  	_ =	swait.ge [sflag:s31], $0xA00  }
0x17b: {  	[sflag:s31] =	ssyncset.done $0x0  }
0x17c: {  	[sflag:s31] =	ssyncadd.s32 $0xFFFFF600  }
0x17d: {  	_ =	swait.ge [sflag:s31], $0xA00  }
0x17e: {  	[sflag:s31] =	ssyncset.done $0x0  }
0x17f: {  	[sflag:s31] =	ssyncadd.s32 $0xFFFFF600  }
0x180: {  	[hbm4b:s24+s4] =	stream.linear.scatter [tilespmem:s20], [sflag:$0x2], $0xA00, $0x38;
	[tilespmem:$0x104A0] =	vst v63  }
0x181: {  	s19 =	sadd.s32 $0x140, s24  }
0x182: {  	[hbm4b:s19+s4] =	stream.linear.scatter [tilespmem:s2], [sflag:$0x2], $0xA00, $0x38;
	[tilespmem:$0x104A0] =	vst v63  }
0x183: {  	s6 =	sadd.s32 $0x280, s24  }
0x184: {  	[hbm4b:s6+s4] =	stream.linear.scatter [tilespmem:s17], [sflag:$0x2], $0xA00, $0x38;
	[tilespmem:$0x104A0] =	vst v63  }
0x185: {  	s9 =	sadd.s32 $0x3C0, s24  }
0x186: {  	[hbm4b:s9+s4] =	stream.linear.scatter [tilespmem:s21], [sflag:$0x2], $0xA00, $0x38;
	[tilespmem:$0x104A0] =	vst v63  }
0x187: {  	s10 =	sadd.s32 $0x500, s24  }
0x188: {  	[hbm4b:s10+s4] =	stream.linear.scatter [tilespmem:s23], [sflag:$0x2], $0xA00, $0x38;
	[tilespmem:$0x104A0] =	vst v63  }
0x189: {  	s11 =	sadd.s32 $0x640, s24  }
0x18a: {  	[hbm4b:s11+s4] =	stream.linear.scatter [tilespmem:s25], [sflag:$0x2], $0xA00, $0x38;
	[tilespmem:$0x104A0] =	vst v63  }
0x18b: {  	s12 =	sadd.s32 $0x780, s24  }
0x18c: {  	[hbm4b:s12+s4] =	stream.linear.scatter [tilespmem:s26], [sflag:$0x2], $0xA00, $0x38;
	[tilespmem:$0x104A0] =	vst v63  }
0x18d: {  	s19 =	sadd.s32 $0x8C0, s24  }
0x18e: {  	[hbm4b:s19+s4] =	stream.linear.scatter [tilespmem:s28], [sflag:$0x2], $0xA00, $0x38;
	[tilespmem:$0x104A0] =	vst v63  }
0x18f: {  	_ =	swait.ge [sflag:s30], $0xA00  }
0x190: {  	[sflag:s30] =	ssyncset.done $0x0  }
0x191: {  	[sflag:s30] =	ssyncadd.s32 $0xFFFFF600  }
0x192: {  	_ =	swait.ge [sflag:s30], $0xA00  }
0x193: {  	[sflag:s30] =	ssyncset.done $0x0  }
0x194: {  	[sflag:s30] =	ssyncadd.s32 $0xFFFFF600  }
0x195: {  	_ =	swait.ge [sflag:s30], $0xA00  }
0x196: {  	[sflag:s30] =	ssyncset.done $0x0  }
0x197: {  	[sflag:s30] =	ssyncadd.s32 $0xFFFFF600  }
0x198: {  	_ =	swait.ge [sflag:s30], $0xA00  }
0x199: {  	[sflag:s30] =	ssyncset.done $0x0  }
0x19a: {  	[sflag:s30] =	ssyncadd.s32 $0xFFFFF600  }
0x19b: {  	_ =	swait.ge [sflag:s30], $0xA00  }
0x19c: {  	[sflag:s30] =	ssyncset.done $0x0  }
0x19d: {  	[sflag:s30] =	ssyncadd.s32 $0xFFFFF600  }
0x19e: {  	_ =	swait.ge [sflag:s30], $0xA00  }
0x19f: {  	[sflag:s30] =	ssyncset.done $0x0  }
0x1a0: {  	s22 =	sadd.s32 $0x1, s22;
	[sflag:s30] =	ssyncadd.s32 $0xFFFFF600  }
0x1a1: {  	p0 =	sne.s32 s22, s16;
	_ =	swait.ge [sflag:s30], $0xA00  }
.Ltmp3:
0x1a2: {  	[sflag:s30] =	ssyncset.done $0x0;
	(pc) =	sbr.rel @p0 .LBB2_1-.Ltmp3, $4  }
0x1a3: {  	[sflag:s30] =	ssyncadd.s32 $0xFFFFF600  }
0x1a4: {  	_ =	swait.ge [sflag:s30], $0xA00  }
0x1a5: {  	[sflag:s30] =	ssyncset.done $0x0  }
0x1a6: {  	[sflag:s30] =	ssyncadd.s32 $0xFFFFF600  }
0x1a7: {  	_ =	sfence.sel $0x180000  }
0x1a8: {  	[bflag:$0x0] =	sbarrier.arrive $0xFFFF  }
0x1a9: {  	_ =	strace $0x9000004D  }
0x1aa: {  	s0 =	stileid.u32;
	[bflag:$0x2] =	sbarrier.arrive $0xFFFF  }
0x1ab: {  	p0 =	sne.s32 s0, $0x0;
	s0 =	rddreg [dreg:$0x3]  }
0x1ac: {  	s0 =	sadd.s32 @!p0 $0x100000, s0  }
0x1ad: {  	[sflag:s0] =	ssyncadd.tile.s32 @!p0 $0x1;
	_ =	shalt  }
.Lfunc_end2:
_tile_overlayer_lowered:
.L_overlay_start_2:
0x1ae: {  	(tag) =	ssettag $0x2  }
0x1af: {  	s0 =	rddreg [dreg:$0x0];
	s2 =	stileid.u32  }
0x1b0: {  	s1 =	rddreg [dreg:$0x1];
	p0 =	sne.s32 s2, $0x0  }
0x1b1: {  	s3 =	rddreg [dreg:$0x2];
	[bflag:$0x3] =	sbarrier.arrive $0xFFFF;
	s2 =	simm.s32 @!p0 $0x1C03  }
0x1b2: {  	[timem:s3], [sflag:s2] =	dma.local @!p0 [hbm:s0], s1  }
0x1b3: {  	s0 =	simm.s32 @!p0 $0x3  }
0x1b4: {  	_ =	swait.ge @!p0 [sflag:s0], s1  }
0x1b5: {  	s1 =	ssub.s32 @!p0 $0x0, s1;
	[sflag:s0] =	ssyncset.done @!p0 $0x0  }
0x1b6: {  	[sflag:s0] =	ssyncadd.s32 @!p0 s1  }
0x1b7: {  	[bflag:$0x3] =	sbarrier.arrive $0xFFFF  }
0x1b8: {  	_ =	shalt  }

// kernel: _run.8.cloned.1.call-start
scs
__scs_entry_jumppad:
0x0: {  	(pc) =	sbr.rel $0x88, $3  }
0x1: {  	(tag) =	ssettag $0x0;
	lr =	simm.s32 $0x1  }
0x2: {  	[smem:$0x3F99] =	sst lr;
	_ =	strace $0xD0000000  }
0x3: {  	_ = 	snop  }
0x4: {  	_ = 	snop  }
0x5: {  	_ = 	snop  }
0x6: {  	_ = 	snop  }
0x7: {  	_ = 	snop  }
__scs_overlays_trampoline_lowered:
0x8: {  	[smem:$0x3FA8] =	sst s0  }
0x9: {  	[smem:$0x3FA9] =	sst s1  }
0xa: {  	[smem:$0x3FAA] =	sst s2  }
0xb: {  	[smem:$0x3FAB] =	sst s3  }
0xc: {  	[smem:$0x3FAC] =	sst s4  }
0xd: {  	[smem:$0x3FAD] =	sst s5  }
0xe: {  	[smem:$0x3FAE] =	sst s6  }
0xf: {  	[smem:$0x3FAF] =	sst s7  }
0x10: {  	[smem:$0x3FB0] =	sst s8  }
0x11: {  	[smem:$0x3FB1] =	sst s9;
	s0 =	simm.s32 @!p0 $0x0  }
0x12: {  	s1 =	sld [smem:$0x3F97];
	s0 =	simm.s32 @p0 $0x1  }
0x13: {  	[smem:$0x3FB2] =	sst s0;
	s0 =	simm.s32 @!p1 $0x0  }
0x14: {  	s2 =	sld [smem:$0x3F96];
	s0 =	simm.s32 @p1 $0x1  }
0x15: {  	[smem:$0x3FB3] =	sst s0;
	s0 =	simm.s32 @!p2 $0x0  }
0x16: {  	s3 =	sld [smem:$0x3FDB];
	s0 =	simm.s32 @p2 $0x1  }
0x17: {  	s4 =	simm.s32 $0x1BF5;
	[smem:$0x3FB5] =	sst s0  }
0x18: {  	s0 =	sld [smem:$0x3F98];
	_ =	swait.ge [sflag:s4], $0x0  }
0x19: {  	s7 =	sld [smem:$0x3F99]  }
0x1a: {  	s8 =	sadd.s32 $0xFFFFE003, lr  }
0x1b: {  	s9 =	sadd.s32 $0xFFFFFEF7, lr;
	s5 =	simm.s32 $0xFFFFFFFF;
	p2 =	slt.u32 s8, $0xFFFFF086  }
0x1c: {  	p1 =	slt.u32 s9, $0xF7A;
	s5 =	simm.s32 @!p2 $0x0  }
0x1d: {  	s5 =	simm.s32 @p1 $0x1;
	p0 =	seq.s32 s7, s2  }
0x1e: {  	s7 =	smul.u32 @!p0 $0xF7A, s2;
	p2 =	seq.s32 @!p0 s5, $0x0  }
0x1f: {  	s9 =	smul.u32 $0xF7A, s1;
	s8 =	simm.s32 @!p0 $0x1BF5;
	p2 =	por !p2, p0  }
0x20: {  	[sflag:s8] =	ssyncset.s32 @!p0 $0xFFFFF086;
	s6 =	sadd.s32 @!p0 s3, s7;
	s7 =	simm.s32 @!p0 $0x108  }
0x21: {  	s3 =	sadd.s32 s3, s9;
	s6 =	sadd.s32 @!p0 $0x88, s6;
	s7 =	simm.s32 @p2 $0x1082  }
0x22: {  	[simem:s7], [sflag:s8] =	dma.local @!p0 [hbm:s6], $0xF7A  }
0x23: {  	s9 =	sor.u32 $0xD0000000, s2;
	s6 =	simm.s32 $0x108;
	_ =	swait.ge @!p0 [sflag:s8], $0x0  }
0x24: {  	s3 =	sadd.s32 $0x88, s3;
	s6 =	simm.s32 @!p1 $0x1082;
	[sflag:s4] =	ssyncset.s32 $0xFFFFF086  }
0x25: {  	[simem:s6], [sflag:s4] =	dma.local [hbm:s3], $0xF7A  }
0x26: {  	[smem:$0x3F99] =	sst s1;
	(tag) =	ssettag s2;
	_ =	strace s9  }
0x27: {  	s1 =	sld [smem:$0x3FA9]  }
0x28: {  	s2 =	sld [smem:$0x3FAA]  }
0x29: {  	s4 =	sld [smem:$0x3FAC]  }
0x2a: {  	p0 =	seq.s32 s5, $0x0;
	s5 =	sld [smem:$0x3FAD]  }
0x2b: {  	s6 =	sld [smem:$0x3FAE]  }
0x2c: {  	s7 =	sld [smem:$0x3FAF]  }
0x2d: {  	s3 =	simm.s32 $0x108;
	s8 =	sld [smem:$0x3FB0]  }
0x2e: {  	s3 =	simm.s32 @!p0 $0x1082;
	s9 =	sld [smem:$0x3FB1]  }
0x2f: {  	lr =	sadd.s32 s0, s3;
	s0 =	sld [smem:$0x3FA8]  }
0x30: {  	s3 =	sld [smem:$0x3FAB]  }
0x31: {  	[smem:$0x3FB4] =	sst s10  }
0x32: {  	s10 =	sld [smem:$0x3FB2];
	_ =	sdelay $0x3  }
0x33: {  	p0 =	seq.s32 s10, $0x1;
	s10 =	sld [smem:$0x3FB4];
	_ =	sdelay $0x3  }
0x34: {  	[smem:$0x3FB4] =	sst s10  }
0x35: {  	s10 =	sld [smem:$0x3FB3];
	_ =	sdelay $0x3  }
0x36: {  	p1 =	seq.s32 s10, $0x1;
	s10 =	sld [smem:$0x3FB4];
	_ =	sdelay $0x3  }
0x37: {  	[smem:$0x3FB4] =	sst s10  }
0x38: {  	s10 =	sld [smem:$0x3FB5]  }
0x39: {  	_ = 	snop;
	(pc) =	sbr.ind lr, $3  }
0x3a: {  	_ = 	snop  }
0x3b: {  	_ = 	snop  }
0x3c: {  	p2 =	seq.s32 s10, $0x1;
	s10 =	sld [smem:$0x3FB4]  }
0x3d: {  	_ =	shalt  }
0x3e: {  	_ =	shalt  }
0x3f: {  	_ =	shalt  }
0x40: {  	_ =	shalt  }
0x41: {  	_ =	shalt  }
0x42: {  	_ =	shalt  }
0x43: {  	_ =	shalt  }
0x44: {  	_ =	shalt  }
0x45: {  	_ =	shalt  }
0x46: {  	_ =	shalt  }
0x47: {  	_ =	shalt  }
0x48: {  	_ =	shalt  }
0x49: {  	_ =	shalt  }
0x4a: {  	_ =	shalt  }
0x4b: {  	_ =	shalt  }
0x4c: {  	_ =	shalt  }
0x4d: {  	_ =	shalt  }
0x4e: {  	_ =	shalt  }
0x4f: {  	_ =	shalt  }
0x50: {  	_ =	shalt  }
0x51: {  	_ =	shalt  }
0x52: {  	_ =	shalt  }
0x53: {  	_ =	shalt  }
0x54: {  	_ =	shalt  }
0x55: {  	_ =	shalt  }
0x56: {  	_ =	shalt  }
0x57: {  	_ =	shalt  }
0x58: {  	_ =	shalt  }
0x59: {  	_ =	shalt  }
0x5a: {  	_ =	shalt  }
0x5b: {  	_ =	shalt  }
0x5c: {  	_ =	shalt  }
0x5d: {  	_ =	shalt  }
0x5e: {  	_ =	shalt  }
0x5f: {  	_ =	shalt  }
0x60: {  	_ =	shalt  }
0x61: {  	_ =	shalt  }
0x62: {  	_ =	shalt  }
0x63: {  	_ =	shalt  }
0x64: {  	_ =	shalt  }
0x65: {  	_ =	shalt  }
0x66: {  	_ =	shalt  }
0x67: {  	_ =	shalt  }
0x68: {  	_ =	shalt  }
0x69: {  	_ =	shalt  }
0x6a: {  	_ =	shalt  }
0x6b: {  	_ =	shalt  }
0x6c: {  	_ =	shalt  }
0x6d: {  	_ =	shalt  }
0x6e: {  	_ =	shalt  }
0x6f: {  	_ =	shalt  }
0x70: {  	_ =	shalt  }
0x71: {  	_ =	shalt  }
0x72: {  	_ =	shalt  }
0x73: {  	_ =	shalt  }
0x74: {  	_ =	shalt  }
0x75: {  	_ =	shalt  }
0x76: {  	_ =	shalt  }
0x77: {  	_ =	shalt  }
0x78: {  	_ =	shalt  }
0x79: {  	_ =	shalt  }
0x7a: {  	_ =	shalt  }
0x7b: {  	_ =	shalt  }
0x7c: {  	_ =	shalt  }
0x7d: {  	_ =	shalt  }
0x7e: {  	_ =	shalt  }
0x7f: {  	_ =	shalt  }
0x80: {  	_ =	shalt  }
0x81: {  	_ =	shalt  }
0x82: {  	_ =	shalt  }
0x83: {  	_ =	shalt  }
0x84: {  	_ =	shalt  }
0x85: {  	_ =	shalt  }
0x86: {  	_ =	shalt  }
0x87: {  	_ =	shalt  }
.Lfunc_end0:
.L_simem_size_0:
called_computation_lowered:
.L_overlay_start_0:
0x88: {  	s2 =	sld [smem:$0x3FD9]  }
0x89: {  	s3 =	sld [smem:$0x3FFE];
	_ =	sdelay $0x1  }
0x8a: {  	s1 =	srdreg.scid  }
0x8b: {  	s0 =	sand.u32 $0x1, s1  }
0x8c: {  	s16 =	sshll.u32 s0, $0xA;
	s2 =	sadd.s32 s3, s2  }
0x8d: {  	s2 =	sadd.s32 s2, s16  }
0x8e: {  	[smem:$0x3FC0] =	sst s2  }
0x8f: {  	_ = 	snop  }
0x90: {  	(tm) =	ssettm $0x1  }
0x91: {  	s17 =	sld [smem:$0x3FFB];
	_ =	sdelay $0x3  }
0x92: {  	_ =	strace s17  }
0x93: {  	s2 =	sld [smem:$0x3FFC];
	_ =	sdelay $0x3  }
0x94: {  	_ =	strace s2  }
0x95: {  	s2 =	sld [smem:$0x3FFD];
	_ =	sdelay $0x3  }
0x96: {  	_ =	strace s2  }
0x97: {  	_ =	strace $0x8FFFFFFF  }
0x98: {  	s18 =	sld [smem:$0x3FDB];
	_ =	sdelay $0x1  }
0x99: {  	s19 =	simm.s32 $_scs_section_size  }
0x9a: {  	s4 =	simm.s32 $_size__tile_overlayer_lowered;
	s5 =	simm.s32 $_tile_overlayer_lowered  }
0x9b: {  	s22 =	simm.s32 $0x1BFF;
	s21 =	sshll.u32 s5, $0x1;
	s2 =	sadd.s32 s19, s18  }
0x9c: {  	s6 =	simm.s32 $0x0;
	s20 =	sshll.u32 s4, $0x1;
	s4 =	sadd.s32 s21, s2  }
0x9d: {  	[timem:s6], [sflag:s22] =	dma.local [hbm:s4], s20  }
0x9e: {  	_ =	swait.ge [sflag:s22], s20  }
0x9f: {  	s3 =	ssub.s32 $0x0, s20;
	[sflag:s22] =	ssyncset.done $0x0  }
0xa0: {  	[sflag:s22] =	ssyncadd.s32 s3;
	_ =	sdelay $0x1  }
0xa1: {  	s23 =	simm.s32 $0x1B8B  }
0xa2: {  	_ =	swait.ge [sflag:s23], $0x1  }
0xa3: {  	[sflag:s23] =	ssyncset.done $0x0  }
0xa4: {  	s25 =	simm.s32 $0x1B8E;
	s24 =	sld [smem:$0x3FFE];
	[sflag:s23] =	ssyncadd.s32 $0xFFFFFFFF  }
0xa5: {  	s26 =	simm.s32 $execute0_lowered;
	[smem:$0x3FD2] =	sst s25  }
0xa6: {  	s4 =	sshll.u32 s26, $0x1;
	_ =	strace $0x80000046;
	[dreg:$0x1] =	wrdreg $0xFFFFFFFF  }
0xa7: {  	s28 =	simm.s32 $_size_execute0_lowered;
	s2 =	sadd.s32 s2, s4;
	[dreg:$0x0] =	wrdreg $0x0  }
0xa8: {  	s4 =	sshll.u32 s28, $0x1;
	[dreg:$0x2] =	wrdreg s2  }
0xa9: {  	[dreg:$0x3] =	wrdreg s4  }
0xaa: {  	[dreg:$0x4] =	wrdreg $0xC0  }
0xab: {  	_ =	task [dreg:s6], $0x5FFFF  }
0xac: {  	[dreg:$0x1] =	wrdreg $0xFFFFFFFF  }
0xad: {  	[dreg:$0x0] =	wrdreg $0x60  }
0xae: {  	[dreg:$0x2] =	wrdreg s24  }
0xaf: {  	[dreg:$0x3] =	wrdreg $0x5B900  }
0xb0: {  	[dreg:$0x4] =	wrdreg $0x9  }
0xb1: {  	_ =	task.clear_ibuf [dreg:s6], $0x5FFFF;
	_ =	strace $0x90000046  }
0xb2: {  	s29 =	simm.s32 $0x9;
	_ =	strace $0x80000048  }
0xb3: {  	_ =	swait.ge [sflag:s29], $0x1  }
0xb4: {  	[sflag:s29] =	ssyncadd.s32 $0xFFFFFFFF  }
0xb5: {  	_ =	strace $0x90000048  }
0xb6: {  	_ =	sfence  }
0xb7: {  	s30 =	sld [smem:$0x0];
	_ =	sdelay $0x2  }
0xb8: {  	s31 =	sshll.u32 s1, $0xD;
	s1 =	sshrl.u32 s1, $0x2  }
0xb9: {  	s3 =	sand.u32 $0x4000, s31;
	s1 =	sadd.s32 s1, s30  }
0xba: {  	s0 =	sor.u32 s3, s0;
	s1 =	sshll.u32 s1, $0x11  }
0xbb: {  	s0 =	sor.u32 s1, s0  }
0xbc: {  	s0 =	sadd.s32 $0x8F2B, s0  }
0xbd: {  	[sflag:s0] =	ssyncadd.remote.s32 $0x1  }
0xbe: {  	_ =	sfence.sel $0xFFFF  }
0xbf: {  	[dreg:$0x0] =	wrdreg $0xFFFFFFFF;
	(pc) =	sbr.abs _section_cstart, $3  }
0xc0: {  	[dreg:$0x1] =	wrdreg $0xFFFFFFFF  }
0xc1: {  	_ =	task.clear_ibuf [dreg:s6], $0x2FFFF;
	_ =	strace $0x9FFFFFFF  }
0xc2: {  	(tm) =	ssettm $0x7FFFFFFF  }
0xc3: {  	_ =	shalt  }
tec
execute0_lowered:
.L_overlay_start_1:
0x0: {  	(tag) =	ssettag $0x1  }
0x1: {  	s1 =	srdreg.scid  }
0x2: {  	s0 =	stileid.u32;
	s4 =	rddreg [dreg:$0x0]  }
0x3: {  	s2 =	rddreg [dreg:$0x1];
	s3 =	simm.s32 $0x0;
	s10 =	simm.s32 $0x2C10  }
0x4: {  	s11 =	simm.s32 $0x5960;
	s12 =	simm.s32 $0x59B0;
	s13 =	simm.s32 $0x5A00  }
0x5: {  	s14 =	simm.s32 $0x5A50;
	s15 =	simm.s32 $0x5AA0;
	s16 =	simm.s32 $0x5AF0  }
0x6: {  	s17 =	simm.s32 $0x5B40;
	s18 =	simm.s32 $0x1;
	s19 =	simm.s32 $0x2710  }
0x7: {  	s20 =	simm.s32 $0x3110;
	s21 =	simm.s32 $0x2;
	s5 =	sand.u32 $0x1, s1  }
0x8: {  	s29 =	sshll.u32 s0, $0x1;
	s1 =	rddreg [dreg:$0x2];
	s8 =	smul.u32 $0xA000, s0  }
0x9: {  	[smem:$0x7FF] =	sst s3;
	s23 =	smul.u32 $0x500, s0;
	s6 =	sor.u32 s5, s29  }
0xa: {  	s7 =	smul.u32 $0x5000, s5;
	_ =	strace $0x80000047;
	s5 =	ssub.s32 $0x2, s5  }
0xb: {  	s6 =	smul.u32 $0x4E2, s6;
	s30 =	sshrl.u32 s5, $0x1;
	s31 =	sshrl.u32 s8, $0x2  }
0xc: {  	s8 =	simm.s32 $0x50;
	s7 =	sadd.s32 s7, s4;
	s9 =	ssub.s32 s5, s30  }
0xd: {  	s5 =	smul.u32 $0x280, s0;
	s6 =	sadd.s32 s6, s4;
	s22 =	sadd.s32 $0x16000, s7  }
0xe: {  	s7 =	smax.u32 s9, $0x1;
	s9 =	simm.s32 $0x5910;
	s4 =	sadd.s32 $0xC240, s6  }
0xf: {  	v0 =	vimm.f32 $1.000000000e+00;
	v1 =	vimm.f32 $0.0e+00;
	v2 =	vlaneseq.u32;
	s6 =	sadd.s32 s31, s2;
	s22 =	sadd.s32 s23, s22;
	s23 =	simm.s32 $0x0  }
.LBB2_1:
0x10: {  	[tilespmem:s3], [sflag:$0x1] =	stream.linear.gather [hbm4b:s4+s3], $0x2710, $0x38;
	[tilespmem:$0x8390] =	vst v63  }
0x11: {  	s24 =	simm.s32 $0x0  }
.LBB2_2:
0x12: {  	p0 =	sne.s32 s24, $0x13C0  }
.Ltmp0:
0x13: {  	_ = 	snop;
	(pc) =	sbr.rel @p0 .LBB2_2-.Ltmp0, $4  }
0x14: {  	_ = 	snop  }
0x15: {  	s25 =	sshra.s32 s24, $0x2  }
0x16: {  	[tilespmem:s25+$0x2710] =	vst v0  }
0x17: {  	s24 =	sadd.s32 $0x40, s24;
	[tilespmem:s25+$0x2C10] =	vst v1  }
0x18: {  	s24 =	simm.s32 $0x0  }
0x19: {  	s24 =	smul.u32 $0xCD, s24;
	_ =	sdelay $0x1  }
0x1a: {  	s24 =	sshrl.u32 s24, $0xA  }
0x1b: {  	s25 =	sand.u32 $0x3F, s24  }
0x1c: {  	s24 =	simm.s32 $0x1;
	s26 =	smul.u32 $0x5, s25  }
0x1d: {  	s28 =	smul.u32 $0xCD, s24  }
0x1e: {  	s25 =	smul.u32 $0x140, s25;
	s29 =	ssub.s32 $0x0, s26  }
0x1f: {  	s26 =	simm.s32 $0x2;
	s30 =	sshrl.u32 s28, $0xA;
	s29 =	sand.u32 $0xFF, s29  }
0x20: {  	s28 =	sshrl.u32 s25, $0x2;
	s25 =	smov.u32 s5;
	s29 =	sshll.u32 s29, $0x4  }
.LBB2_4:
0x21: {  	s31 =	smul.u32 $0xCD, s26;
	s30 =	sand.u32 $0x3F, s30  }
0x22: {  	v3 =	vor.u32 s25, v2;
	s28 =	sadd.s32 s29, s28;
	p0 =	sne.s32 s26, $0x27;
	s29 =	smul.u32 $0x5, s30  }
.Ltmp1:
0x23: {  	[tilespmem:s28+$0x5910] =	vst v3;
	(pc) =	sbr.rel @p0 .LBB2_4-.Ltmp1, $4  }
0x24: {  	s28 =	smul.u32 $0x140, s30;
	s30 =	smov.u32 s26  }
0x25: {  	s26 =	sadd.s32 $0x1, s26;
	s24 =	ssub.s32 s24, s29  }
0x26: {  	s25 =	sadd.s32 $0x10, s25;
	s29 =	sand.u32 $0xFF, s24;
	s24 =	smov.u32 s30  }
0x27: {  	s28 =	sshrl.u32 s28, $0x2;
	s30 =	sshrl.u32 s31, $0xA;
	s29 =	sshll.u32 s29, $0x4  }
0x28: {  	s26 =	sand.u32 $0x3F, s30  }
0x29: {  	s30 =	smul.u32 $0x5, s26;
	_ =	sdelay $0x1  }
0x2a: {  	s26 =	smul.u32 $0x140, s26;
	s24 =	ssub.s32 s24, s30  }
0x2b: {  	s28 =	sadd.s32 s29, s28;
	s24 =	sand.u32 $0xFF, s24  }
0x2c: {  	v3 =	vor.u32 s25, v2;
	s31 =	sadd.s32 $0x10, s25;
	s26 =	sshrl.u32 s26, $0x2;
	s24 =	sshll.u32 s24, $0x4  }
0x2d: {  	[tilespmem:s28+$0x5910] =	vst v3;
	v3 =	vor.u32 s31, v2;
	s24 =	sadd.s32 s24, s26  }
0x2e: {  	[tilespmem:s24+$0x5910] =	vst v3  }
0x2f: {  	[spmem:s2] =	stream.indirect.scatter [tilespmem:s10], [sflag:$0x1], $0x10, s9, s8, $0xb8;
	[tilespmem:$0x8390] =	vst v63  }
0x30: {  	_ = 	snop  }
0x31: {  	[spmem:s2] =	stream.indirect.scatter [tilespmem:s10], [sflag:$0x1], $0x10, s11, s8, $0xb8;
	[tilespmem:$0x8390] =	vst v63  }
0x32: {  	_ = 	snop  }
0x33: {  	[spmem:s2] =	stream.indirect.scatter [tilespmem:s10], [sflag:$0x1], $0x10, s12, s8, $0xb8;
	[tilespmem:$0x8390] =	vst v63  }
0x34: {  	_ = 	snop  }
0x35: {  	[spmem:s2] =	stream.indirect.scatter [tilespmem:s10], [sflag:$0x1], $0x10, s13, s8, $0xb8;
	[tilespmem:$0x8390] =	vst v63  }
0x36: {  	_ = 	snop  }
0x37: {  	[spmem:s2] =	stream.indirect.scatter [tilespmem:s10], [sflag:$0x1], $0x10, s14, s8, $0xb8;
	[tilespmem:$0x8390] =	vst v63  }
0x38: {  	_ = 	snop  }
0x39: {  	[spmem:s2] =	stream.indirect.scatter [tilespmem:s10], [sflag:$0x1], $0x10, s15, s8, $0xb8;
	[tilespmem:$0x8390] =	vst v63  }
0x3a: {  	_ = 	snop  }
0x3b: {  	[spmem:s2] =	stream.indirect.scatter [tilespmem:s10], [sflag:$0x1], $0x10, s16, s8, $0xb8;
	[tilespmem:$0x8390] =	vst v63  }
0x3c: {  	_ = 	snop  }
0x3d: {  	[spmem:s2] =	stream.indirect.scatter [tilespmem:s10], [sflag:$0x1], $0x10, s17, s8, $0xb8;
	[tilespmem:$0x8390] =	vst v63  }
0x3e: {  	_ =	swait.ge [sflag:s18], $0x500  }
0x3f: {  	[sflag:s18] =	ssyncset.done $0x0  }
0x40: {  	[sflag:s18] =	ssyncadd.s32 $0xFFFFFB00  }
0x41: {  	_ =	swait.ge [sflag:s18], $0x500  }
0x42: {  	[sflag:s18] =	ssyncset.done $0x0  }
0x43: {  	[sflag:s18] =	ssyncadd.s32 $0xFFFFFB00  }
0x44: {  	_ =	swait.ge [sflag:s18], $0x500  }
0x45: {  	[sflag:s18] =	ssyncset.done $0x0  }
0x46: {  	[sflag:s18] =	ssyncadd.s32 $0xFFFFFB00  }
0x47: {  	_ =	swait.ge [sflag:s18], $0x500  }
0x48: {  	[sflag:s18] =	ssyncset.done $0x0  }
0x49: {  	[sflag:s18] =	ssyncadd.s32 $0xFFFFFB00  }
0x4a: {  	_ =	swait.ge [sflag:s18], $0x500  }
0x4b: {  	[sflag:s18] =	ssyncset.done $0x0  }
0x4c: {  	[sflag:s18] =	ssyncadd.s32 $0xFFFFFB00  }
0x4d: {  	_ =	swait.ge [sflag:s18], $0x500  }
0x4e: {  	[sflag:s18] =	ssyncset.done $0x0  }
0x4f: {  	[sflag:s18] =	ssyncadd.s32 $0xFFFFFB00  }
0x50: {  	_ =	swait.ge [sflag:s18], $0x500  }
0x51: {  	[sflag:s18] =	ssyncset.done $0x0  }
0x52: {  	[sflag:s18] =	ssyncadd.s32 $0xFFFFFB00  }
0x53: {  	_ =	swait.ge [sflag:s18], $0x500  }
0x54: {  	[sflag:s18] =	ssyncset.done $0x0  }
0x55: {  	[sflag:s18] =	ssyncadd.s32 $0xFFFFFB00  }
0x56: {  	_ =	swait.ge [sflag:s18], $0x2710  }
0x57: {  	[sflag:s18] =	ssyncset.done $0x0  }
0x58: {  	[sflag:s18] =	ssyncadd.s32 $0xFFFFD8F0  }
0x59: {  	s26 =	simm.s32 $0x0;
	[bflag:$0x0] =	sbarrier.arrive $0xFFFF  }
0x5a: {  	[spmem:s2] =	stream.indirect.scatter.add.f32 [tilespmem:s19], [sflag:$0x1], $0x10, s26, s8, $0xb8;
	[tilespmem:$0x8390] =	vst v63  }
0x5b: {  	s28 =	simm.s32 $0x50  }
0x5c: {  	[spmem:s2] =	stream.indirect.scatter.add.f32 [tilespmem:s19], [sflag:$0x1], $0x10, s28, s8, $0xb8;
	[tilespmem:$0x8390] =	vst v63  }
0x5d: {  	s29 =	simm.s32 $0xA0  }
0x5e: {  	[spmem:s2] =	stream.indirect.scatter.add.f32 [tilespmem:s19], [sflag:$0x1], $0x10, s29, s8, $0xb8;
	[tilespmem:$0x8390] =	vst v63  }
0x5f: {  	s30 =	simm.s32 $0xF0  }
0x60: {  	[spmem:s2] =	stream.indirect.scatter.add.f32 [tilespmem:s19], [sflag:$0x1], $0x10, s30, s8, $0xb8;
	[tilespmem:$0x8390] =	vst v63  }
0x61: {  	s31 =	simm.s32 $0x140  }
0x62: {  	[spmem:s2] =	stream.indirect.scatter.add.f32 [tilespmem:s19], [sflag:$0x1], $0x10, s31, s8, $0xb8;
	[tilespmem:$0x8390] =	vst v63  }
0x63: {  	_ =	swait.ge [sflag:s18], $0x500  }
0x64: {  	[sflag:s18] =	ssyncset.done $0x0  }
0x65: {  	[sflag:s18] =	ssyncadd.s32 $0xFFFFFB00  }
0x66: {  	_ =	swait.ge [sflag:s18], $0x500  }
0x67: {  	[sflag:s18] =	ssyncset.done $0x0  }
0x68: {  	[sflag:s18] =	ssyncadd.s32 $0xFFFFFB00  }
0x69: {  	_ =	swait.ge [sflag:s18], $0x500  }
0x6a: {  	[sflag:s18] =	ssyncset.done $0x0  }
0x6b: {  	[sflag:s18] =	ssyncadd.s32 $0xFFFFFB00  }
0x6c: {  	_ =	swait.ge [sflag:s18], $0x500  }
0x6d: {  	[sflag:s18] =	ssyncset.done $0x0  }
0x6e: {  	[sflag:s18] =	ssyncadd.s32 $0xFFFFFB00  }
0x6f: {  	_ =	swait.ge [sflag:s18], $0x500  }
0x70: {  	s25 =	simm.s32 $0xC80;
	s24 =	simm.s32 $0x640;
	[sflag:s18] =	ssyncset.done $0x0  }
.LBB2_6:
0x71: {  	s26 =	sshra.s32 s24, $0x2  }
0x72: {  	[sflag:s18] =	ssyncadd.s32 $0xFFFFFB00;
	s24 =	smov.u32 s25;
	s28 =	sadd.s32 $0x640, s25  }
0x73: {  	[spmem:s2] =	stream.indirect.scatter.add.f32 [tilespmem:s19], [sflag:$0x1], $0x10, s26, s8, $0xb8;
	[tilespmem:$0x8390] =	vst v63  }
0x74: {  	p0 =	sne.s32 s25, $0x9600;
	s25 =	sadd.s32 $0x50, s26  }
0x75: {  	[spmem:s2] =	stream.indirect.scatter.add.f32 [tilespmem:s19], [sflag:$0x1], $0x10, s25, s8, $0xb8;
	[tilespmem:$0x8390] =	vst v63  }
0x76: {  	s25 =	sadd.s32 $0xA0, s26  }
0x77: {  	[spmem:s2] =	stream.indirect.scatter.add.f32 [tilespmem:s19], [sflag:$0x1], $0x10, s25, s8, $0xb8;
	[tilespmem:$0x8390] =	vst v63  }
0x78: {  	s25 =	sadd.s32 $0xF0, s26  }
0x79: {  	[spmem:s2] =	stream.indirect.scatter.add.f32 [tilespmem:s19], [sflag:$0x1], $0x10, s25, s8, $0xb8;
	[tilespmem:$0x8390] =	vst v63  }
0x7a: {  	s25 =	sadd.s32 $0x140, s26  }
0x7b: {  	[spmem:s2] =	stream.indirect.scatter.add.f32 [tilespmem:s19], [sflag:$0x1], $0x10, s25, s8, $0xb8;
	[tilespmem:$0x8390] =	vst v63  }
0x7c: {  	_ =	swait.ge [sflag:s18], $0x500  }
0x7d: {  	[sflag:s18] =	ssyncset.done $0x0  }
0x7e: {  	[sflag:s18] =	ssyncadd.s32 $0xFFFFFB00  }
0x7f: {  	_ =	swait.ge [sflag:s18], $0x500  }
0x80: {  	[sflag:s18] =	ssyncset.done $0x0  }
0x81: {  	[sflag:s18] =	ssyncadd.s32 $0xFFFFFB00  }
0x82: {  	_ =	swait.ge [sflag:s18], $0x500  }
0x83: {  	[sflag:s18] =	ssyncset.done $0x0  }
0x84: {  	[sflag:s18] =	ssyncadd.s32 $0xFFFFFB00  }
.Ltmp2:
0x85: {  	_ =	swait.ge [sflag:s18], $0x500;
	(pc) =	sbr.rel @p0 .LBB2_6-.Ltmp2, $4  }
0x86: {  	[sflag:s18] =	ssyncset.done $0x0  }
0x87: {  	[sflag:s18] =	ssyncadd.s32 $0xFFFFFB00  }
0x88: {  	_ =	swait.ge [sflag:s18], $0x500  }
0x89: {  	s25 =	smov.u32 s28;
	[sflag:s18] =	ssyncset.done $0x0  }
0x8a: {  	s24 =	sshra.s32 s24, $0x2;
	[sflag:s18] =	ssyncadd.s32 $0xFFFFFB00  }
0x8b: {  	[spmem:s2] =	stream.indirect.scatter.add.f32 [tilespmem:s19], [sflag:$0x1], $0x10, s24, s8, $0xb8;
	[tilespmem:$0x8390] =	vst v63  }
0x8c: {  	s25 =	sadd.s32 $0x50, s24  }
0x8d: {  	[spmem:s2] =	stream.indirect.scatter.add.f32 [tilespmem:s19], [sflag:$0x1], $0x10, s25, s8, $0xb8;
	[tilespmem:$0x8390] =	vst v63  }
0x8e: {  	s30 =	sadd.s32 $0xA0, s24  }
0x8f: {  	[spmem:s2] =	stream.indirect.scatter.add.f32 [tilespmem:s19], [sflag:$0x1], $0x10, s30, s8, $0xb8;
	[tilespmem:$0x8390] =	vst v63  }
0x90: {  	s31 =	sadd.s32 $0xF0, s24  }
0x91: {  	[spmem:s2] =	stream.indirect.scatter.add.f32 [tilespmem:s19], [sflag:$0x1], $0x10, s31, s8, $0xb8;
	[tilespmem:$0x8390] =	vst v63  }
0x92: {  	s24 =	sadd.s32 $0x140, s24  }
0x93: {  	[spmem:s2] =	stream.indirect.scatter.add.f32 [tilespmem:s19], [sflag:$0x1], $0x10, s24, s8, $0xb8;
	[tilespmem:$0x8390] =	vst v63  }
0x94: {  	_ =	swait.ge [sflag:s18], $0x500  }
0x95: {  	[sflag:s18] =	ssyncset.done $0x0  }
0x96: {  	[sflag:s18] =	ssyncadd.s32 $0xFFFFFB00  }
0x97: {  	_ =	swait.ge [sflag:s18], $0x500  }
0x98: {  	[sflag:s18] =	ssyncset.done $0x0  }
0x99: {  	[sflag:s18] =	ssyncadd.s32 $0xFFFFFB00  }
0x9a: {  	_ =	swait.ge [sflag:s18], $0x500  }
0x9b: {  	[sflag:s18] =	ssyncset.done $0x0  }
0x9c: {  	[sflag:s18] =	ssyncadd.s32 $0xFFFFFB00  }
0x9d: {  	_ =	swait.ge [sflag:s18], $0x500  }
0x9e: {  	[sflag:s18] =	ssyncset.done $0x0  }
0x9f: {  	[sflag:s18] =	ssyncadd.s32 $0xFFFFFB00  }
0xa0: {  	_ =	swait.ge [sflag:s18], $0x500  }
0xa1: {  	[sflag:s18] =	ssyncset.done $0x0  }
0xa2: {  	[sflag:s18] =	ssyncadd.s32 $0xFFFFFB00  }
0xa3: {  	[bflag:$0x0] =	sbarrier.arrive $0xFFFF  }
0xa4: {  	[tilespmem:s20], [sflag:$0x2] =	stream.linear.gather [spmem:s6], $0x2800, $0x38;
	[tilespmem:$0x8390] =	vst v63  }
0xa5: {  	s23 =	sadd.s32 $0x1, s23;
	_ =	swait.ge [sflag:s21], $0x2800  }
0xa6: {  	p0 =	sne.s32 s23, s7;
	[sflag:s21] =	ssyncset.done $0x0  }
.Ltmp3:
0xa7: {  	[sflag:s21] =	ssyncadd.s32 $0xFFFFD800;
	(pc) =	sbr.rel @p0 .LBB2_1-.Ltmp3, $4  }
0xa8: {  	[hbm4b:s22+s3] =	stream.linear.scatter [tilespmem:s20], [sflag:$0x2], $0x2800, $0x38;
	[tilespmem:$0x8390] =	vst v63  }
0xa9: {  	_ =	swait.ge [sflag:s21], $0x2800  }
0xaa: {  	[sflag:s21] =	ssyncset.done $0x0  }
0xab: {  	[sflag:s21] =	ssyncadd.s32 $0xFFFFD800  }
0xac: {  	_ =	sfence.sel $0x180000  }
0xad: {  	[bflag:$0x0] =	sbarrier.arrive $0xFFFF  }
0xae: {  	p0 =	sne.s32 s0, $0x0;
	_ =	strace $0x90000047  }
0xaf: {  	s0 =	sadd.s32 @!p0 $0x100000, s1;
	[bflag:$0x2] =	sbarrier.arrive $0xFFFF  }
0xb0: {  	[sflag:s0] =	ssyncadd.tile.s32 @!p0 $0x1;
	_ =	shalt  }
.Lfunc_end2:
_tile_overlayer_lowered:
.L_overlay_start_2:
0xb1: {  	(tag) =	ssettag $0x2  }
0xb2: {  	s0 =	rddreg [dreg:$0x0];
	s2 =	stileid.u32  }
0xb3: {  	s1 =	rddreg [dreg:$0x1];
	p0 =	sne.s32 s2, $0x0  }
0xb4: {  	s3 =	rddreg [dreg:$0x2];
	[bflag:$0x3] =	sbarrier.arrive $0xFFFF;
	s2 =	simm.s32 @!p0 $0x1C02  }
0xb5: {  	[timem:s3], [sflag:s2] =	dma.local @!p0 [hbm:s0], s1  }
0xb6: {  	s0 =	simm.s32 @!p0 $0x2  }
0xb7: {  	_ =	swait.ge @!p0 [sflag:s0], s1  }
0xb8: {  	s1 =	ssub.s32 @!p0 $0x0, s1;
	[sflag:s0] =	ssyncset.done @!p0 $0x0  }
0xb9: {  	[sflag:s0] =	ssyncadd.s32 @!p0 s1  }
0xba: {  	[bflag:$0x3] =	sbarrier.arrive $0xFFFF  }
0xbb: {  	_ =	shalt  }

</sc_bundles>
